<compile_context>
chip_gen: v7x
topology: tpu7x:2x2x1
jax: 0.10.2.dev20260603
libtpu: 0.0.44.dev20260713+nightly
codegen_flags: <defaults>
</compile_context>

<pallas_src>
import functools

import jax
import jax.numpy as jnp
from jax import lax
from jax.experimental import pallas as pl
from jax.experimental.pallas import tpu as pltpu
from jax.experimental.pallas import tpu_sc as plsc

PLACEHOLDER = -1
VOCAB = 100000
SPEC = 4
BATCH = 32
NROW = BATCH * SPEC
L = 16
INT_MAX = 2**31 - 1

V_TC = 76800
TC_B0 = 2560
TC_NG = V_TC // TC_B0
SC_ROWS = 24576
S0 = VOCAB - SC_ROWS
W_ROWS = SC_ROWS // 32
CROWS = 128
SC_NCH = W_ROWS // CROWS


def _sc_body(t_hbm, d_hbm, q_hbm, ids_hbm,
             oval, oidx, opp,
             tb0, tb1, db0, db1, qb0, qb1,
             ids_v, tmpf_v, obuf_v, obi_v, idxg_v, gt_v, gd_v,
             sem0, sem1, gsem):
    c = lax.axis_index("c")
    s = lax.axis_index("s")
    w = c * 16 + s
    rs = S0 + w * W_ROWS
    iota = lax.iota(jnp.int32, L)

    pltpu.sync_copy(ids_hbm, ids_v)

    tbufs = (tb0, tb1)
    dbufs = (db0, db1)
    qbufs = (qb0, qb1)
    sems = (sem0, sem1)

    def copies(ci, k):
        r0 = pl.multiple_of(rs + ci * CROWS, 8)
        return (
            pltpu.make_async_copy(
                t_hbm.at[pl.ds(r0, CROWS)], tbufs[k], sems[k]),
            pltpu.make_async_copy(
                d_hbm.at[pl.ds(r0, CROWS)], dbufs[k], sems[k]),
            pltpu.make_async_copy(
                q_hbm.at[pl.ds(r0, CROWS)], qbufs[k], sems[k]),
        )

    def issue(ci, k):
        for cp in copies(ci, k):
            cp.start()

    def drain(ci, k):
        for cp in copies(ci, k):
            cp.wait()

    accs = []
    for _ in range(8):
        accs += [jnp.full((L,), -1.0, jnp.float32),
                 jnp.ones((L,), jnp.float32),
                 jnp.zeros((L,), jnp.int32)]

    issue(0, 0)
    issue(1, 1)

    def do_chunk(ci, k, carry):
        drain(ci, k)
        tb, db, qb = tbufs[k], dbufs[k], qbufs[k]
        base = rs + ci * CROWS

        def tbody(kt, pc):
            pc = list(pc)
            for r in range(8):
                row = kt * 8 + r
                vrow = jnp.full((L,), base + row, jnp.int32)
                for p in range(8):
                    t = tb[row, pl.ds(p * L, L)]
                    d = db[row, pl.ds(p * L, L)]
                    qv = qb[row, pl.ds(p * L, L)]
                    diff = jnp.maximum(t - d, 0.0)
                    bd, bq, bi = pc[3 * p], pc[3 * p + 1], pc[3 * p + 2]
                    better = diff * bq > bd * qv
                    pc[3 * p] = jnp.where(better, diff, bd)
                    pc[3 * p + 1] = jnp.where(better, qv, bq)
                    pc[3 * p + 2] = jnp.where(better, vrow, bi)
            return tuple(pc)

        return list(lax.fori_loop(0, CROWS // 8, tbody, tuple(carry)))

    def two_chunks(i, carry):
        carry = do_chunk(2 * i, 0, carry)

        @pl.when(2 * i + 2 < SC_NCH)
        def _():
            issue(2 * i + 2, 0)

        carry = do_chunk(2 * i + 1, 1, carry)

        @pl.when(2 * i + 3 < SC_NCH)
        def _():
            issue(2 * i + 3, 1)
        return tuple(carry)

    accs = list(lax.fori_loop(0, SC_NCH // 2, two_chunks, tuple(accs)))

    for p in range(8):
        bd, bq, bi = accs[3 * p], accs[3 * p + 1], accs[3 * p + 2]
        obuf_v[pl.ds(p * L, L)] = bd / bq
        obi_v[pl.ds(p * L, L)] = bi
    pltpu.sync_copy(obuf_v, oval.at[pl.ds(w * NROW, NROW)])
    pltpu.sync_copy(obi_v, oidx.at[pl.ds(w * NROW, NROW)])

    k4 = jnp.minimum(iota & 7, SPEC - 1)
    toks = w * SPEC + k4
    idxg_v[...] = plsc.load_gather(ids_v, [toks])
    pltpu.async_copy(t_hbm.at[idxg_v], gt_v, gsem).wait()
    pltpu.async_copy(d_hbm.at[idxg_v], gd_v, gsem).wait()
    gd = plsc.load_gather(gd_v, [iota, toks])
    gt = plsc.load_gather(gt_v, [iota, toks])
    pp = jnp.where(iota < 8, gd, gt)
    tmpf_v[...] = pp
    pltpu.sync_copy(tmpf_v, opp.at[pl.ds(w * L, L)])


@functools.lru_cache(maxsize=1)
def _build_sc():
    mesh = plsc.VectorSubcoreMesh(core_axis_name="c", subcore_axis_name="s")
    return pl.kernel(
        _sc_body,
        out_type=(
            jax.ShapeDtypeStruct((32 * NROW,), jnp.float32),
            jax.ShapeDtypeStruct((32 * NROW,), jnp.int32),
            jax.ShapeDtypeStruct((32 * L,), jnp.float32),
        ),
        mesh=mesh,
        compiler_params=pltpu.CompilerParams(needs_layout_passes=False),
        scratch_types=[
            pltpu.VMEM((CROWS, 128), jnp.float32),
            pltpu.VMEM((CROWS, 128), jnp.float32),
            pltpu.VMEM((CROWS, 128), jnp.float32),
            pltpu.VMEM((CROWS, 128), jnp.float32),
            pltpu.VMEM((CROWS, 128), jnp.float32),
            pltpu.VMEM((CROWS, 128), jnp.float32),
            pltpu.VMEM((NROW,), jnp.int32),
            pltpu.VMEM((L,), jnp.float32),
            pltpu.VMEM((NROW,), jnp.float32),
            pltpu.VMEM((NROW,), jnp.int32),
            pltpu.VMEM((L,), jnp.int32),
            pltpu.VMEM((L, 128), jnp.float32),
            pltpu.VMEM((L, 128), jnp.float32),
            pltpu.SemaphoreType.DMA,
            pltpu.SemaphoreType.DMA,
            pltpu.SemaphoreType.DMA,
        ],
    )


def _tc_scan_body(t_ref, d_ref, q_ref, m_ref, i_ref):
    g = pl.program_id(0)
    base = g * TC_B0
    val = jnp.maximum(t_ref[...] - d_ref[...], 0.0) / q_ref[...]
    cm = jnp.max(val, axis=0, keepdims=True)
    ri = lax.broadcasted_iota(jnp.int32, (TC_B0, NROW), 0)
    ca = jnp.min(jnp.where(val == cm, ri, INT_MAX), axis=0,
                 keepdims=True) + base

    first = g == 0
    m_prev = jnp.where(first, -1.0, m_ref[...])
    i_prev = jnp.where(first, 0, i_ref[...])
    better = cm > m_prev
    m_ref[...] = jnp.where(better, cm, m_prev)
    i_ref[...] = jnp.where(better, ca, i_prev)


def _tc_scan(t, d, q):
    blk = pl.BlockSpec((TC_B0, NROW), lambda i: (i, 0))
    vec = pl.BlockSpec((1, NROW), lambda i: (0, 0))
    return pl.pallas_call(
        _tc_scan_body,
        grid=(TC_NG,),
        in_specs=[blk, blk, blk],
        out_specs=[vec, vec],
        out_shape=[
            jax.ShapeDtypeStruct((1, NROW), jnp.float32),
            jax.ShapeDtypeStruct((1, NROW), jnp.int32),
        ],
        compiler_params=pltpu.CompilerParams(
            dimension_semantics=("arbitrary",)),
    )(t, d, q)


def _m1_body(tcm, tci, scv, sci, rec_ref):
    vm = jnp.max(scv[...], axis=0, keepdims=True)
    im = jnp.min(jnp.where(scv[...] == vm, sci[...], INT_MAX), axis=0,
                 keepdims=True)
    best_tc = tcm[...] >= vm
    rec_ref[...] = jnp.where(best_tc, tci[...], im)


def _merge1(tcm, tci, scv, sci):
    vec = pl.BlockSpec((1, NROW), lambda i: (0, 0))
    m32 = pl.BlockSpec((32, NROW), lambda i: (0, 0))
    return pl.pallas_call(
        _m1_body,
        grid=(1,),
        in_specs=[vec, vec, m32, m32],
        out_specs=vec,
        out_shape=jax.ShapeDtypeStruct((1, NROW), jnp.int32),
    )(tcm, tci, scv, sci)


def _m2_body(rec, dp, tp, ids, uni, bon, gre, out_ref):
    accm = (dp[...] > 0.0) & ((tp[...] / jnp.maximum(dp[...], 1e-30))
                              >= uni[...])
    token = jnp.where(accm, ids[...], rec[...])
    cols = []
    cum = jnp.ones((BATCH, 1), jnp.bool_)
    for k in range(SPEC):
        cols.append(jnp.where(cum, token[:, k:k + 1], PLACEHOLDER))
        cum = cum & accm[:, k:k + 1]
    cols.append(jnp.where(cum, bon[...], PLACEHOLDER))
    out = jnp.concatenate(cols, axis=1)
    out_ref[...] = jnp.where(gre[...] > 0, PLACEHOLDER, out)


def _merge2(*args):
    m4 = pl.BlockSpec((BATCH, SPEC), lambda i: (0, 0))
    m1 = pl.BlockSpec((BATCH, 1), lambda i: (0, 0))
    return pl.pallas_call(
        _m2_body,
        grid=(1,),
        in_specs=[m4, m4, m4, m4, m4, m1, m1],
        out_specs=pl.BlockSpec((BATCH, SPEC + 1), lambda i: (0, 0)),
        out_shape=jax.ShapeDtypeStruct((BATCH, SPEC + 1), jnp.int32),
    )(*args)


def kernel(draft_token_ids, draft_probs, target_probs, bonus_token_ids,
           uniform_probs, q, cu_num_draft_tokens, is_greedy):
    del cu_num_draft_tokens
    ids = draft_token_ids.astype(jnp.int32)
    bon = bonus_token_ids.reshape(-1).astype(jnp.int32)
    gre = is_greedy.astype(jnp.int32)

    tT = target_probs.T
    dT = draft_probs.T
    qT = q.T

    oval, oidx, opp = _build_sc()(tT, dT, qT, ids)
    scv = oval.reshape(32, NROW)
    sci = oidx.reshape(32, NROW)
    pp = opp.reshape(32, L)

    tcm, tci = _tc_scan(tT, dT, qT)
    rec = _merge1(tcm, tci, scv, sci)
    out = _merge2(rec.reshape(BATCH, SPEC), pp[:, :SPEC], pp[:, 8:8 + SPEC],
                  ids.reshape(BATCH, SPEC), uniform_probs.reshape(BATCH, SPEC),
                  bon.reshape(BATCH, 1), gre.reshape(BATCH, 1))
    return out.astype(draft_token_ids.dtype)

# --- scband reference (transcript-rebuilt; emitter-appended) ---
"""Pipeline reference for scband-ascend-rejection-sampler-6055903888049 (READ-ONLY COPY).

The authoritative reference and input builder live on the scoring server;
editing this copy changes nothing except your own understanding.
"""

import jax, jax.numpy as jnp
import numpy as np

PLACEHOLDER_TOKEN_ID = -1
BATCH = 32
MAX_SPEC_LEN = 4
VOCAB = 100000


def setup_inputs(seed: int = 0) -> dict:
    key = jax.random.key(seed)
    ks = jax.random.split(key, 6)
    num_tokens = BATCH * MAX_SPEC_LEN
    draft_probs = jax.random.uniform(ks[0], (num_tokens, VOCAB), dtype=jnp.float32)
    draft_probs = draft_probs / jnp.sum(draft_probs, axis=-1, keepdims=True)
    target_probs = jax.random.uniform(ks[1], (num_tokens, VOCAB), dtype=jnp.float32)
    target_probs = target_probs / jnp.sum(target_probs, axis=-1, keepdims=True)
    q = jax.random.exponential(ks[2], (num_tokens, VOCAB), dtype=jnp.float32) + 1e-9
    draft_token_ids = jax.random.randint(ks[3], (num_tokens,), 0, VOCAB)
    bonus_token_ids = jax.random.randint(ks[4], (BATCH, 1), 0, VOCAB)
    uniform_probs = jax.random.uniform(ks[5], (num_tokens,), dtype=jnp.float32)
    cu_num_draft_tokens = (jnp.arange(BATCH, dtype=jnp.int32) + 1) * MAX_SPEC_LEN
    is_greedy = jnp.zeros((BATCH,), dtype=bool)
    return {
        'draft_token_ids': draft_token_ids,
        'draft_probs': draft_probs,
        'target_probs': target_probs,
        'bonus_token_ids': bonus_token_ids,
        'uniform_probs': uniform_probs,
        'q': q,
        'cu_num_draft_tokens': cu_num_draft_tokens,
        'is_greedy': is_greedy,
    }


def reference(draft_token_ids, draft_probs, target_probs, bonus_token_ids,
              uniform_probs, q, cu_num_draft_tokens, is_greedy):
    # Rejection sampling for speculative decoding (random-sampling path).
    B = bonus_token_ids.shape[0]
    num_tokens = draft_token_ids.shape[0]
    spec = num_tokens // B  # uniform num_draft_tokens per request

    # 1) Recovered token sampling: argmax of max(p_target - p_draft, 0) / q
    #    (exponential-race / Gumbel trick used by the kernel).
    diff = jnp.maximum(target_probs - draft_probs, 0.0)
    recovered = jnp.argmax(diff / q, axis=-1)

    # 2) Gather draft/target probability of each drafted token.
    idx = draft_token_ids[:, None]
    dprob = jnp.take_along_axis(draft_probs, idx, axis=1)[:, 0]
    tprob = jnp.take_along_axis(target_probs, idx, axis=1)[:, 0]

    # 3) Accept iff draft_prob > 0 and target/draft >= uniform.
    accept = (dprob > 0) & ((tprob / jnp.maximum(dprob, 1e-30)) >= uniform_probs)
    accept = accept.reshape(B, spec)
    draft_m = draft_token_ids.reshape(B, spec)
    rec_m = recovered.reshape(B, spec).astype(draft_m.dtype)

    # 4) Sequential accept/reject semantics, vectorized via cumprod:
    #    a position is written iff all previous positions were accepted;
    #    first rejected position gets the recovered token; rest stay PLACEHOLDER.
    acc_cum = jnp.cumprod(accept.astype(jnp.int32), axis=1).astype(bool)
    prev_acc = jnp.concatenate([jnp.ones((B, 1), dtype=bool), acc_cum[:, :-1]], axis=1)
    token = jnp.where(accept, draft_m, rec_m)
    out_tokens = jnp.where(prev_acc, token, PLACEHOLDER_TOKEN_ID)

    # 5) Bonus token appended iff every draft token was accepted.
    all_acc = acc_cum[:, -1]
    bonus_col = jnp.where(all_acc, bonus_token_ids[:, 0], PLACEHOLDER_TOKEN_ID)
    output = jnp.concatenate([out_tokens, bonus_col[:, None]], axis=1)

    # Greedy requests are handled by a separate kernel; leave them as PLACEHOLDER.
    output = jnp.where(is_greedy[:, None], PLACEHOLDER_TOKEN_ID, output)
    return output

if __name__ == "__main__":
    import jax
    _d = setup_inputs()
    print(jax.jit(kernel)(*tuple(_d.values())))

</pallas_src>

<mosaic_0001>
#map = affine_map<(d0, d1) -> (0, 0)>
#map1 = affine_map<(d0, d1) -> (0)>
module attributes {stable_mosaic.version = 14 : i64} {
  func.func @_sc_body(%arg0: i32, %arg1: i32, %arg2: memref<100000x128xf32, #tpu.memory_space<hbm>>, %arg3: memref<100000x128xf32, #tpu.memory_space<hbm>>, %arg4: memref<100000x128xf32, #tpu.memory_space<hbm>>, %arg5: memref<128xi32, #tpu.memory_space<hbm>>, %arg6: memref<4096xf32, #tpu.memory_space<hbm>>, %arg7: memref<4096xi32, #tpu.memory_space<hbm>>, %arg8: memref<512xf32, #tpu.memory_space<hbm>>, %arg9: memref<128x128xf32, #tpu.memory_space<vmem>>, %arg10: memref<128x128xf32, #tpu.memory_space<vmem>>, %arg11: memref<128x128xf32, #tpu.memory_space<vmem>>, %arg12: memref<128x128xf32, #tpu.memory_space<vmem>>, %arg13: memref<128x128xf32, #tpu.memory_space<vmem>>, %arg14: memref<128x128xf32, #tpu.memory_space<vmem>>, %arg15: memref<128xi32, #tpu.memory_space<vmem>>, %arg16: memref<16xf32, #tpu.memory_space<vmem>>, %arg17: memref<128xf32, #tpu.memory_space<vmem>>, %arg18: memref<128xi32, #tpu.memory_space<vmem>>, %arg19: memref<16xi32, #tpu.memory_space<vmem>>, %arg20: memref<16x128xf32, #tpu.memory_space<vmem>>, %arg21: memref<16x128xf32, #tpu.memory_space<vmem>>, %arg22: memref<!tpu.dma_semaphore, #tpu.memory_space<semaphore_mem>>, %arg23: memref<!tpu.dma_semaphore, #tpu.memory_space<semaphore_mem>>, %arg24: memref<!tpu.dma_semaphore, #tpu.memory_space<semaphore_mem>>) attributes {dimension_semantics = [#tpu.dimension_semantics<core_parallel>, #tpu.dimension_semantics<subcore_parallel>], iteration_bounds = array<i64: 2, 16>, scalar_prefetch = 0 : i64, scratch_operands = 16 : i64, tpu.core_type = #tpu.core_type<sc_vector_subcore>, window_params = [{transform_indices = #map}, {transform_indices = #map}, {transform_indices = #map}, {transform_indices = #map1}, {transform_indices = #map1}, {transform_indices = #map1}, {transform_indices = #map1}]} {
    %mul3A = arith.constant 16 : i32
    %mul3A_0 = arith.muli %arg0, %mul3A : i32
    %add3A = arith.addi %mul3A_0, %arg1 : i32
    %mul3A_1 = arith.constant 768 : i32
    %mul3A_2 = arith.muli %add3A, %mul3A_1 : i32
    %add3A_3 = arith.constant 75424 : i32
    %add3A_4 = arith.addi %add3A_3, %mul3A_2 : i32
    %iota3A = tpu.iota {dimensions = array<i32: 0>} : vector<16xi32>
    "tpu.region"() ({
      %run_scoped3A = tpu.sem_alloc : memref<!tpu.dma_semaphore, #tpu.memory_space<semaphore_mem>>
      tpu.enqueue_dma source(%arg5 : memref<128xi32, #tpu.memory_space<hbm>>) target(%arg15 : memref<128xi32, #tpu.memory_space<vmem>>) target_semaphore(%run_scoped3A : memref<!tpu.dma_semaphore, #tpu.memory_space<semaphore_mem>>)
      tpu.wait_dma2 semaphore(%run_scoped3A : memref<!tpu.dma_semaphore, #tpu.memory_space<semaphore_mem>>) src(%arg5 : memref<128xi32, #tpu.memory_space<hbm>>) dst(%arg15 : memref<128xi32, #tpu.memory_space<vmem>>)
      tpu.yield
    }) : () -> ()
    %broadcast_in_dim3A = arith.constant -1.000000e+00 : f32
    %broadcast_in_dim3A_5 = vector.broadcast %broadcast_in_dim3A : f32 to vector<16xf32>
    %broadcast_in_dim3A_6 = arith.constant 1.000000e+00 : f32
    %broadcast_in_dim3A_7 = vector.broadcast %broadcast_in_dim3A_6 : f32 to vector<16xf32>
    %broadcast_in_dim3A_8 = arith.constant 0 : i32
    %broadcast_in_dim3A_9 = vector.broadcast %broadcast_in_dim3A_8 : i32 to vector<16xi32>
    %broadcast_in_dim3A_10 = arith.constant -1.000000e+00 : f32
    %broadcast_in_dim3A_11 = vector.broadcast %broadcast_in_dim3A_10 : f32 to vector<16xf32>
    %broadcast_in_dim3A_12 = arith.constant 1.000000e+00 : f32
    %broadcast_in_dim3A_13 = vector.broadcast %broadcast_in_dim3A_12 : f32 to vector<16xf32>
    %broadcast_in_dim3A_14 = arith.constant 0 : i32
    %broadcast_in_dim3A_15 = vector.broadcast %broadcast_in_dim3A_14 : i32 to vector<16xi32>
    %broadcast_in_dim3A_16 = arith.constant -1.000000e+00 : f32
    %broadcast_in_dim3A_17 = vector.broadcast %broadcast_in_dim3A_16 : f32 to vector<16xf32>
    %broadcast_in_dim3A_18 = arith.constant 1.000000e+00 : f32
    %broadcast_in_dim3A_19 = vector.broadcast %broadcast_in_dim3A_18 : f32 to vector<16xf32>
    %broadcast_in_dim3A_20 = arith.constant 0 : i32
    %broadcast_in_dim3A_21 = vector.broadcast %broadcast_in_dim3A_20 : i32 to vector<16xi32>
    %broadcast_in_dim3A_22 = arith.constant -1.000000e+00 : f32
    %broadcast_in_dim3A_23 = vector.broadcast %broadcast_in_dim3A_22 : f32 to vector<16xf32>
    %broadcast_in_dim3A_24 = arith.constant 1.000000e+00 : f32
    %broadcast_in_dim3A_25 = vector.broadcast %broadcast_in_dim3A_24 : f32 to vector<16xf32>
    %broadcast_in_dim3A_26 = arith.constant 0 : i32
    %broadcast_in_dim3A_27 = vector.broadcast %broadcast_in_dim3A_26 : i32 to vector<16xi32>
    %broadcast_in_dim3A_28 = arith.constant -1.000000e+00 : f32
    %broadcast_in_dim3A_29 = vector.broadcast %broadcast_in_dim3A_28 : f32 to vector<16xf32>
    %broadcast_in_dim3A_30 = arith.constant 1.000000e+00 : f32
    %broadcast_in_dim3A_31 = vector.broadcast %broadcast_in_dim3A_30 : f32 to vector<16xf32>
    %broadcast_in_dim3A_32 = arith.constant 0 : i32
    %broadcast_in_dim3A_33 = vector.broadcast %broadcast_in_dim3A_32 : i32 to vector<16xi32>
    %broadcast_in_dim3A_34 = arith.constant -1.000000e+00 : f32
    %broadcast_in_dim3A_35 = vector.broadcast %broadcast_in_dim3A_34 : f32 to vector<16xf32>
    %broadcast_in_dim3A_36 = arith.constant 1.000000e+00 : f32
    %broadcast_in_dim3A_37 = vector.broadcast %broadcast_in_dim3A_36 : f32 to vector<16xf32>
    %broadcast_in_dim3A_38 = arith.constant 0 : i32
    %broadcast_in_dim3A_39 = vector.broadcast %broadcast_in_dim3A_38 : i32 to vector<16xi32>
    %broadcast_in_dim3A_40 = arith.constant -1.000000e+00 : f32
    %broadcast_in_dim3A_41 = vector.broadcast %broadcast_in_dim3A_40 : f32 to vector<16xf32>
    %broadcast_in_dim3A_42 = arith.constant 1.000000e+00 : f32
    %broadcast_in_dim3A_43 = vector.broadcast %broadcast_in_dim3A_42 : f32 to vector<16xf32>
    %broadcast_in_dim3A_44 = arith.constant 0 : i32
    %broadcast_in_dim3A_45 = vector.broadcast %broadcast_in_dim3A_44 : i32 to vector<16xi32>
    %broadcast_in_dim3A_46 = arith.constant -1.000000e+00 : f32
    %broadcast_in_dim3A_47 = vector.broadcast %broadcast_in_dim3A_46 : f32 to vector<16xf32>
    %broadcast_in_dim3A_48 = arith.constant 1.000000e+00 : f32
    %broadcast_in_dim3A_49 = vector.broadcast %broadcast_in_dim3A_48 : f32 to vector<16xf32>
    %broadcast_in_dim3A_50 = arith.constant 0 : i32
    %broadcast_in_dim3A_51 = vector.broadcast %broadcast_in_dim3A_50 : i32 to vector<16xi32>
    %add3A_52 = arith.constant 0 : i32
    %add3A_53 = arith.addi %add3A_4, %add3A_52 : i32
    %multiple_of3A = tpu.assume_multiple %add3A_53, 8 : i32
    %dma_start3A = arith.constant 0 : i32
    %dma_start3A_54 = tpu.memref_slice %arg2[%multiple_of3A, %dma_start3A] : memref<100000x128xf32, #tpu.memory_space<hbm>> -> memref<128x128xf32, #tpu.memory_space<hbm>>
    %dma_start3A_55 = arith.constant 0 : i32
    %dma_start3A_56 = tpu.memref_slice %arg2[%multiple_of3A, %dma_start3A_55] : memref<100000x128xf32, #tpu.memory_space<hbm>> -> memref<128x128xf32, #tpu.memory_space<hbm>>
    tpu.enqueue_dma source(%dma_start3A_56 : memref<128x128xf32, #tpu.memory_space<hbm>>) target(%arg9 : memref<128x128xf32, #tpu.memory_space<vmem>>) target_semaphore(%arg22 : memref<!tpu.dma_semaphore, #tpu.memory_space<semaphore_mem>>)
    %dma_start3A_57 = arith.constant 0 : i32
    %dma_start3A_58 = tpu.memref_slice %arg3[%multiple_of3A, %dma_start3A_57] : memref<100000x128xf32, #tpu.memory_space<hbm>> -> memref<128x128xf32, #tpu.memory_space<hbm>>
    %dma_start3A_59 = arith.constant 0 : i32
    %dma_start3A_60 = tpu.memref_slice %arg3[%multiple_of3A, %dma_start3A_59] : memref<100000x128xf32, #tpu.memory_space<hbm>> -> memref<128x128xf32, #tpu.memory_space<hbm>>
    tpu.enqueue_dma source(%dma_start3A_60 : memref<128x128xf32, #tpu.memory_space<hbm>>) target(%arg11 : memref<128x128xf32, #tpu.memory_space<vmem>>) target_semaphore(%arg22 : memref<!tpu.dma_semaphore, #tpu.memory_space<semaphore_mem>>)
    %dma_start3A_61 = arith.constant 0 : i32
    %dma_start3A_62 = tpu.memref_slice %arg4[%multiple_of3A, %dma_start3A_61] : memref<100000x128xf32, #tpu.memory_space<hbm>> -> memref<128x128xf32, #tpu.memory_space<hbm>>
    %dma_start3A_63 = arith.constant 0 : i32
    %dma_start3A_64 = tpu.memref_slice %arg4[%multiple_of3A, %dma_start3A_63] : memref<100000x128xf32, #tpu.memory_space<hbm>> -> memref<128x128xf32, #tpu.memory_space<hbm>>
    tpu.enqueue_dma source(%dma_start3A_64 : memref<128x128xf32, #tpu.memory_space<hbm>>) target(%arg13 : memref<128x128xf32, #tpu.memory_space<vmem>>) target_semaphore(%arg22 : memref<!tpu.dma_semaphore, #tpu.memory_space<semaphore_mem>>)
    %add3A_65 = arith.constant 128 : i32
    %add3A_66 = arith.addi %add3A_4, %add3A_65 : i32
    %multiple_of3A_67 = tpu.assume_multiple %add3A_66, 8 : i32
    %dma_start3A_68 = arith.constant 0 : i32
    %dma_start3A_69 = tpu.memref_slice %arg2[%multiple_of3A_67, %dma_start3A_68] : memref<100000x128xf32, #tpu.memory_space<hbm>> -> memref<128x128xf32, #tpu.memory_space<hbm>>
    %dma_start3A_70 = arith.constant 0 : i32
    %dma_start3A_71 = tpu.memref_slice %arg2[%multiple_of3A_67, %dma_start3A_70] : memref<100000x128xf32, #tpu.memory_space<hbm>> -> memref<128x128xf32, #tpu.memory_space<hbm>>
    tpu.enqueue_dma source(%dma_start3A_71 : memref<128x128xf32, #tpu.memory_space<hbm>>) target(%arg10 : memref<128x128xf32, #tpu.memory_space<vmem>>) target_semaphore(%arg23 : memref<!tpu.dma_semaphore, #tpu.memory_space<semaphore_mem>>)
    %dma_start3A_72 = arith.constant 0 : i32
    %dma_start3A_73 = tpu.memref_slice %arg3[%multiple_of3A_67, %dma_start3A_72] : memref<100000x128xf32, #tpu.memory_space<hbm>> -> memref<128x128xf32, #tpu.memory_space<hbm>>
    %dma_start3A_74 = arith.constant 0 : i32
    %dma_start3A_75 = tpu.memref_slice %arg3[%multiple_of3A_67, %dma_start3A_74] : memref<100000x128xf32, #tpu.memory_space<hbm>> -> memref<128x128xf32, #tpu.memory_space<hbm>>
    tpu.enqueue_dma source(%dma_start3A_75 : memref<128x128xf32, #tpu.memory_space<hbm>>) target(%arg12 : memref<128x128xf32, #tpu.memory_space<vmem>>) target_semaphore(%arg23 : memref<!tpu.dma_semaphore, #tpu.memory_space<semaphore_mem>>)
    %dma_start3A_76 = arith.constant 0 : i32
    %dma_start3A_77 = tpu.memref_slice %arg4[%multiple_of3A_67, %dma_start3A_76] : memref<100000x128xf32, #tpu.memory_space<hbm>> -> memref<128x128xf32, #tpu.memory_space<hbm>>
    %dma_start3A_78 = arith.constant 0 : i32
    %dma_start3A_79 = tpu.memref_slice %arg4[%multiple_of3A_67, %dma_start3A_78] : memref<100000x128xf32, #tpu.memory_space<hbm>> -> memref<128x128xf32, #tpu.memory_space<hbm>>
    tpu.enqueue_dma source(%dma_start3A_79 : memref<128x128xf32, #tpu.memory_space<hbm>>) target(%arg14 : memref<128x128xf32, #tpu.memory_space<vmem>>) target_semaphore(%arg23 : memref<!tpu.dma_semaphore, #tpu.memory_space<semaphore_mem>>)
    %scan3A = arith.constant 0 : i32
    %scan3A_80 = arith.constant 3 : i32
    %scan3A_81 = arith.addi %scan3A, %scan3A_80 : i32
    %scan3A_82 = arith.constant 1 : i32
    %scan3A_83:24 = scf.for %scan3A_156 = %scan3A to %scan3A_81 step %scan3A_82 iter_args(%scan3A_157 = %broadcast_in_dim3A_5, %scan3A_158 = %broadcast_in_dim3A_7, %scan3A_159 = %broadcast_in_dim3A_9, %scan3A_160 = %broadcast_in_dim3A_11, %scan3A_161 = %broadcast_in_dim3A_13, %scan3A_162 = %broadcast_in_dim3A_15, %scan3A_163 = %broadcast_in_dim3A_17, %scan3A_164 = %broadcast_in_dim3A_19, %scan3A_165 = %broadcast_in_dim3A_21, %scan3A_166 = %broadcast_in_dim3A_23, %scan3A_167 = %broadcast_in_dim3A_25, %scan3A_168 = %broadcast_in_dim3A_27, %scan3A_169 = %broadcast_in_dim3A_29, %scan3A_170 = %broadcast_in_dim3A_31, %scan3A_171 = %broadcast_in_dim3A_33, %scan3A_172 = %broadcast_in_dim3A_35, %scan3A_173 = %broadcast_in_dim3A_37, %scan3A_174 = %broadcast_in_dim3A_39, %scan3A_175 = %broadcast_in_dim3A_41, %scan3A_176 = %broadcast_in_dim3A_43, %scan3A_177 = %broadcast_in_dim3A_45, %scan3A_178 = %broadcast_in_dim3A_47, %scan3A_179 = %broadcast_in_dim3A_49, %scan3A_180 = %broadcast_in_dim3A_51) -> (vector<16xf32>, vector<16xf32>, vector<16xi32>, vector<16xf32>, vector<16xf32>, vector<16xi32>, vector<16xf32>, vector<16xf32>, vector<16xi32>, vector<16xf32>, vector<16xf32>, vector<16xi32>, vector<16xf32>, vector<16xf32>, vector<16xi32>, vector<16xf32>, vector<16xf32>, vector<16xi32>, vector<16xf32>, vector<16xf32>, vector<16xi32>, vector<16xf32>, vector<16xf32>, vector<16xi32>)  : i32 {
      %mul3A_181 = arith.constant 2 : i32
      %mul3A_182 = arith.muli %mul3A_181, %scan3A_156 : i32
      %mul3A_183 = arith.constant 128 : i32
      %mul3A_184 = arith.muli %mul3A_182, %mul3A_183 : i32
      %add3A_185 = arith.addi %add3A_4, %mul3A_184 : i32
      %multiple_of3A_186 = tpu.assume_multiple %add3A_185, 8 : i32
      %dma_wait3A_187 = arith.constant 0 : i32
      %dma_wait3A_188 = tpu.memref_slice %arg2[%multiple_of3A_186, %dma_wait3A_187] : memref<100000x128xf32, #tpu.memory_space<hbm>> -> memref<128x128xf32, #tpu.memory_space<hbm>>
      %dma_wait3A_189 = arith.constant 0 : i32
      %dma_wait3A_190 = tpu.memref_slice %arg2[%multiple_of3A_186, %dma_wait3A_189] : memref<100000x128xf32, #tpu.memory_space<hbm>> -> memref<128x128xf32, #tpu.memory_space<hbm>>
      tpu.wait_dma2 semaphore(%arg22 : memref<!tpu.dma_semaphore, #tpu.memory_space<semaphore_mem>>) src(%dma_wait3A_190 : memref<128x128xf32, #tpu.memory_space<hbm>>) dst(%arg9 : memref<128x128xf32, #tpu.memory_space<vmem>>)
      %dma_wait3A_191 = arith.constant 0 : i32
      %dma_wait3A_192 = tpu.memref_slice %arg3[%multiple_of3A_186, %dma_wait3A_191] : memref<100000x128xf32, #tpu.memory_space<hbm>> -> memref<128x128xf32, #tpu.memory_space<hbm>>
      %dma_wait3A_193 = arith.constant 0 : i32
      %dma_wait3A_194 = tpu.memref_slice %arg3[%multiple_of3A_186, %dma_wait3A_193] : memref<100000x128xf32, #tpu.memory_space<hbm>> -> memref<128x128xf32, #tpu.memory_space<hbm>>
      tpu.wait_dma2 semaphore(%arg22 : memref<!tpu.dma_semaphore, #tpu.memory_space<semaphore_mem>>) src(%dma_wait3A_194 : memref<128x128xf32, #tpu.memory_space<hbm>>) dst(%arg11 : memref<128x128xf32, #tpu.memory_space<vmem>>)
      %dma_wait3A_195 = arith.constant 0 : i32
      %dma_wait3A_196 = tpu.memref_slice %arg4[%multiple_of3A_186, %dma_wait3A_195] : memref<100000x128xf32, #tpu.memory_space<hbm>> -> memref<128x128xf32, #tpu.memory_space<hbm>>
      %dma_wait3A_197 = arith.constant 0 : i32
      %dma_wait3A_198 = tpu.memref_slice %arg4[%multiple_of3A_186, %dma_wait3A_197] : memref<100000x128xf32, #tpu.memory_space<hbm>> -> memref<128x128xf32, #tpu.memory_space<hbm>>
      tpu.wait_dma2 semaphore(%arg22 : memref<!tpu.dma_semaphore, #tpu.memory_space<semaphore_mem>>) src(%dma_wait3A_198 : memref<128x128xf32, #tpu.memory_space<hbm>>) dst(%arg13 : memref<128x128xf32, #tpu.memory_space<vmem>>)
      %mul3A_199 = arith.constant 128 : i32
      %mul3A_200 = arith.muli %mul3A_182, %mul3A_199 : i32
      %add3A_201 = arith.addi %add3A_4, %mul3A_200 : i32
      %scan3A_202 = arith.constant 0 : i32
      %scan3A_203 = arith.constant 16 : i32
      %scan3A_204 = arith.addi %scan3A_202, %scan3A_203 : i32
      %scan3A_205 = arith.constant 1 : i32
      %scan3A_206:24 = scf.for %scan3A_253 = %scan3A_202 to %scan3A_204 step %scan3A_205 iter_args(%scan3A_254 = %scan3A_157, %scan3A_255 = %scan3A_158, %scan3A_256 = %scan3A_159, %scan3A_257 = %scan3A_160, %scan3A_258 = %scan3A_161, %scan3A_259 = %scan3A_162, %scan3A_260 = %scan3A_163, %scan3A_261 = %scan3A_164, %scan3A_262 = %scan3A_165, %scan3A_263 = %scan3A_166, %scan3A_264 = %scan3A_167, %scan3A_265 = %scan3A_168, %scan3A_266 = %scan3A_169, %scan3A_267 = %scan3A_170, %scan3A_268 = %scan3A_171, %scan3A_269 = %scan3A_172, %scan3A_270 = %scan3A_173, %scan3A_271 = %scan3A_174, %scan3A_272 = %scan3A_175, %scan3A_273 = %scan3A_176, %scan3A_274 = %scan3A_177, %scan3A_275 = %scan3A_178, %scan3A_276 = %scan3A_179, %scan3A_277 = %scan3A_180) -> (vector<16xf32>, vector<16xf32>, vector<16xi32>, vector<16xf32>, vector<16xf32>, vector<16xi32>, vector<16xf32>, vector<16xf32>, vector<16xi32>, vector<16xf32>, vector<16xf32>, vector<16xi32>, vector<16xf32>, vector<16xf32>, vector<16xi32>, vector<16xf32>, vector<16xf32>, vector<16xi32>, vector<16xf32>, vector<16xf32>, vector<16xi32>, vector<16xf32>, vector<16xf32>, vector<16xi32>)  : i32 {
        %mul3A_278 = arith.constant 8 : i32
        %mul3A_279 = arith.muli %scan3A_253, %mul3A_278 : i32
        %add3A_280 = arith.constant 0 : i32
        %add3A_281 = arith.addi %mul3A_279, %add3A_280 : i32
        %add3A_282 = arith.addi %add3A_201, %add3A_281 : i32
        %broadcast_in_dim3A_283 = vector.broadcast %add3A_282 : i32 to vector<16xi32>
        %get3A = arith.index_cast %add3A_281 : i32 to index
        %get3A_284 = arith.constant 0 : index
        %get3A_285 = tpu.vector_load %arg9[%get3A, %get3A_284] {strides = array<i32>} : memref<128x128xf32, #tpu.memory_space<vmem>>, vector<16xf32>,
        %get3A_286 = arith.index_cast %add3A_281 : i32 to index
        %get3A_287 = arith.constant 0 : index
        %get3A_288 = tpu.vector_load %arg11[%get3A_286, %get3A_287] {strides = array<i32>} : memref<128x128xf32, #tpu.memory_space<vmem>>, vector<16xf32>,
        %get3A_289 = arith.index_cast %add3A_281 : i32 to index
        %get3A_290 = arith.constant 0 : index
        %get3A_291 = tpu.vector_load %arg13[%get3A_289, %get3A_290] {strides = array<i32>} : memref<128x128xf32, #tpu.memory_space<vmem>>, vector<16xf32>,
        %sub3A = arith.subf %get3A_285, %get3A_288 : vector<16xf32>
        %max3A = arith.constant 0.000000e+00 : f32
        %max3A_292 = vector.broadcast %max3A : f32 to vector<16xf32>
        %max3A_293 = arith.maximumf %sub3A, %max3A_292 : vector<16xf32>
        %mul3A_294 = arith.mulf %max3A_293, %scan3A_255 : vector<16xf32>
        %mul3A_295 = arith.mulf %scan3A_254, %get3A_291 : vector<16xf32>
        %gt3A = arith.cmpf ogt, %mul3A_294, %mul3A_295 : vector<16xf32>
        %select_n3A_296 = arith.select %gt3A, %max3A_293, %scan3A_254 : vector<16xi1>, vector<16xf32>
        %select_n3A_297 = arith.select %gt3A, %get3A_291, %scan3A_255 : vector<16xi1>, vector<16xf32>
        %select_n3A_298 = arith.select %gt3A, %broadcast_in_dim3A_283, %scan3A_256 : vector<16xi1>, vector<16xi32>
        %get3A_299 = arith.index_cast %add3A_281 : i32 to index
        %get3A_300 = arith.constant 16 : index
        %get3A_301 = tpu.vector_load %arg9[%get3A_299, %get3A_300] {strides = array<i32>} : memref<128x128xf32, #tpu.memory_space<vmem>>, vector<16xf32>,
        %get3A_302 = arith.index_cast %add3A_281 : i32 to index
        %get3A_303 = arith.constant 16 : index
        %get3A_304 = tpu.vector_load %arg11[%get3A_302, %get3A_303] {strides = array<i32>} : memref<128x128xf32, #tpu.memory_space<vmem>>, vector<16xf32>,
        %get3A_305 = arith.index_cast %add3A_281 : i32 to index
        %get3A_306 = arith.constant 16 : index
        %get3A_307 = tpu.vector_load %arg13[%get3A_305, %get3A_306] {strides = array<i32>} : memref<128x128xf32, #tpu.memory_space<vmem>>, vector<16xf32>,
        %sub3A_308 = arith.subf %get3A_301, %get3A_304 : vector<16xf32>
        %max3A_309 = arith.constant 0.000000e+00 : f32
        %max3A_310 = vector.broadcast %max3A_309 : f32 to vector<16xf32>
        %max3A_311 = arith.maximumf %sub3A_308, %max3A_310 : vector<16xf32>
        %mul3A_312 = arith.mulf %max3A_311, %scan3A_258 : vector<16xf32>
        %mul3A_313 = arith.mulf %scan3A_257, %get3A_307 : vector<16xf32>
        %gt3A_314 = arith.cmpf ogt, %mul3A_312, %mul3A_313 : vector<16xf32>
        %select_n3A_315 = arith.select %gt3A_314, %max3A_311, %scan3A_257 : vector<16xi1>, vector<16xf32>
        %select_n3A_316 = arith.select %gt3A_314, %get3A_307, %scan3A_258 : vector<16xi1>, vector<16xf32>
        %select_n3A_317 = arith.select %gt3A_314, %broadcast_in_dim3A_283, %scan3A_259 : vector<16xi1>, vector<16xi32>
        %get3A_318 = arith.index_cast %add3A_281 : i32 to index
        %get3A_319 = arith.constant 32 : index
        %get3A_320 = tpu.vector_load %arg9[%get3A_318, %get3A_319] {strides = array<i32>} : memref<128x128xf32, #tpu.memory_space<vmem>>, vector<16xf32>,
        %get3A_321 = arith.index_cast %add3A_281 : i32 to index
        %get3A_322 = arith.constant 32 : index
        %get3A_323 = tpu.vector_load %arg11[%get3A_321, %get3A_322] {strides = array<i32>} : memref<128x128xf32, #tpu.memory_space<vmem>>, vector<16xf32>,
        %get3A_324 = arith.index_cast %add3A_281 : i32 to index
        %get3A_325 = arith.constant 32 : index
        %get3A_326 = tpu.vector_load %arg13[%get3A_324, %get3A_325] {strides = array<i32>} : memref<128x128xf32, #tpu.memory_space<vmem>>, vector<16xf32>,
        %sub3A_327 = arith.subf %get3A_320, %get3A_323 : vector<16xf32>
        %max3A_328 = arith.constant 0.000000e+00 : f32
        %max3A_329 = vector.broadcast %max3A_328 : f32 to vector<16xf32>
        %max3A_330 = arith.maximumf %sub3A_327, %max3A_329 : vector<16xf32>
        %mul3A_331 = arith.mulf %max3A_330, %scan3A_261 : vector<16xf32>
        %mul3A_332 = arith.mulf %scan3A_260, %get3A_326 : vector<16xf32>
        %gt3A_333 = arith.cmpf ogt, %mul3A_331, %mul3A_332 : vector<16xf32>
        %select_n3A_334 = arith.select %gt3A_333, %max3A_330, %scan3A_260 : vector<16xi1>, vector<16xf32>
        %select_n3A_335 = arith.select %gt3A_333, %get3A_326, %scan3A_261 : vector<16xi1>, vector<16xf32>
        %select_n3A_336 = arith.select %gt3A_333, %broadcast_in_dim3A_283, %scan3A_262 : vector<16xi1>, vector<16xi32>
        %get3A_337 = arith.index_cast %add3A_281 : i32 to index
        %get3A_338 = arith.constant 48 : index
        %get3A_339 = tpu.vector_load %arg9[%get3A_337, %get3A_338] {strides = array<i32>} : memref<128x128xf32, #tpu.memory_space<vmem>>, vector<16xf32>,
        %get3A_340 = arith.index_cast %add3A_281 : i32 to index
        %get3A_341 = arith.constant 48 : index
        %get3A_342 = tpu.vector_load %arg11[%get3A_340, %get3A_341] {strides = array<i32>} : memref<128x128xf32, #tpu.memory_space<vmem>>, vector<16xf32>,
        %get3A_343 = arith.index_cast %add3A_281 : i32 to index
        %get3A_344 = arith.constant 48 : index
        %get3A_345 = tpu.vector_load %arg13[%get3A_343, %get3A_344] {strides = array<i32>} : memref<128x128xf32, #tpu.memory_space<vmem>>, vector<16xf32>,
        %sub3A_346 = arith.subf %get3A_339, %get3A_342 : vector<16xf32>
        %max3A_347 = arith.constant 0.000000e+00 : f32
        %max3A_348 = vector.broadcast %max3A_347 : f32 to vector<16xf32>
        %max3A_349 = arith.maximumf %sub3A_346, %max3A_348 : vector<16xf32>
        %mul3A_350 = arith.mulf %max3A_349, %scan3A_264 : vector<16xf32>
        %mul3A_351 = arith.mulf %scan3A_263, %get3A_345 : vector<16xf32>
        %gt3A_352 = arith.cmpf ogt, %mul3A_350, %mul3A_351 : vector<16xf32>
        %select_n3A_353 = arith.select %gt3A_352, %max3A_349, %scan3A_263 : vector<16xi1>, vector<16xf32>
        %select_n3A_354 = arith.select %gt3A_352, %get3A_345, %scan3A_264 : vector<16xi1>, vector<16xf32>
        %select_n3A_355 = arith.select %gt3A_352, %broadcast_in_dim3A_283, %scan3A_265 : vector<16xi1>, vector<16xi32>
        %get3A_356 = arith.index_cast %add3A_281 : i32 to index
        %get3A_357 = arith.constant 64 : index
        %get3A_358 = tpu.vector_load %arg9[%get3A_356, %get3A_357] {strides = array<i32>} : memref<128x128xf32, #tpu.memory_space<vmem>>, vector<16xf32>,
        %get3A_359 = arith.index_cast %add3A_281 : i32 to index
        %get3A_360 = arith.constant 64 : index
        %get3A_361 = tpu.vector_load %arg11[%get3A_359, %get3A_360] {strides = array<i32>} : memref<128x128xf32, #tpu.memory_space<vmem>>, vector<16xf32>,
        %get3A_362 = arith.index_cast %add3A_281 : i32 to index
        %get3A_363 = arith.constant 64 : index
        %get3A_364 = tpu.vector_load %arg13[%get3A_362, %get3A_363] {strides = array<i32>} : memref<128x128xf32, #tpu.memory_space<vmem>>, vector<16xf32>,
        %sub3A_365 = arith.subf %get3A_358, %get3A_361 : vector<16xf32>
        %max3A_366 = arith.constant 0.000000e+00 : f32
        %max3A_367 = vector.broadcast %max3A_366 : f32 to vector<16xf32>
        %max3A_368 = arith.maximumf %sub3A_365, %max3A_367 : vector<16xf32>
        %mul3A_369 = arith.mulf %max3A_368, %scan3A_267 : vector<16xf32>
        %mul3A_370 = arith.mulf %scan3A_266, %get3A_364 : vector<16xf32>
        %gt3A_371 = arith.cmpf ogt, %mul3A_369, %mul3A_370 : vector<16xf32>
        %select_n3A_372 = arith.select %gt3A_371, %max3A_368, %scan3A_266 : vector<16xi1>, vector<16xf32>
        %select_n3A_373 = arith.select %gt3A_371, %get3A_364, %scan3A_267 : vector<16xi1>, vector<16xf32>
        %select_n3A_374 = arith.select %gt3A_371, %broadcast_in_dim3A_283, %scan3A_268 : vector<16xi1>, vector<16xi32>
        %get3A_375 = arith.index_cast %add3A_281 : i32 to index
        %get3A_376 = arith.constant 80 : index
        %get3A_377 = tpu.vector_load %arg9[%get3A_375, %get3A_376] {strides = array<i32>} : memref<128x128xf32, #tpu.memory_space<vmem>>, vector<16xf32>,
        %get3A_378 = arith.index_cast %add3A_281 : i32 to index
        %get3A_379 = arith.constant 80 : index
        %get3A_380 = tpu.vector_load %arg11[%get3A_378, %get3A_379] {strides = array<i32>} : memref<128x128xf32, #tpu.memory_space<vmem>>, vector<16xf32>,
        %get3A_381 = arith.index_cast %add3A_281 : i32 to index
        %get3A_382 = arith.constant 80 : index
        %get3A_383 = tpu.vector_load %arg13[%get3A_381, %get3A_382] {strides = array<i32>} : memref<128x128xf32, #tpu.memory_space<vmem>>, vector<16xf32>,
        %sub3A_384 = arith.subf %get3A_377, %get3A_380 : vector<16xf32>
        %max3A_385 = arith.constant 0.000000e+00 : f32
        %max3A_386 = vector.broadcast %max3A_385 : f32 to vector<16xf32>
        %max3A_387 = arith.maximumf %sub3A_384, %max3A_386 : vector<16xf32>
        %mul3A_388 = arith.mulf %max3A_387, %scan3A_270 : vector<16xf32>
        %mul3A_389 = arith.mulf %scan3A_269, %get3A_383 : vector<16xf32>
        %gt3A_390 = arith.cmpf ogt, %mul3A_388, %mul3A_389 : vector<16xf32>
        %select_n3A_391 = arith.select %gt3A_390, %max3A_387, %scan3A_269 : vector<16xi1>, vector<16xf32>
        %select_n3A_392 = arith.select %gt3A_390, %get3A_383, %scan3A_270 : vector<16xi1>, vector<16xf32>
        %select_n3A_393 = arith.select %gt3A_390, %broadcast_in_dim3A_283, %scan3A_271 : vector<16xi1>, vector<16xi32>
        %get3A_394 = arith.index_cast %add3A_281 : i32 to index
        %get3A_395 = arith.constant 96 : index
        %get3A_396 = tpu.vector_load %arg9[%get3A_394, %get3A_395] {strides = array<i32>} : memref<128x128xf32, #tpu.memory_space<vmem>>, vector<16xf32>,
        %get3A_397 = arith.index_cast %add3A_281 : i32 to index
        %get3A_398 = arith.constant 96 : index
        %get3A_399 = tpu.vector_load %arg11[%get3A_397, %get3A_398] {strides = array<i32>} : memref<128x128xf32, #tpu.memory_space<vmem>>, vector<16xf32>,
        %get3A_400 = arith.index_cast %add3A_281 : i32 to index
        %get3A_401 = arith.constant 96 : index
        %get3A_402 = tpu.vector_load %arg13[%get3A_400, %get3A_401] {strides = array<i32>} : memref<128x128xf32, #tpu.memory_space<vmem>>, vector<16xf32>,
        %sub3A_403 = arith.subf %get3A_396, %get3A_399 : vector<16xf32>
        %max3A_404 = arith.constant 0.000000e+00 : f32
        %max3A_405 = vector.broadcast %max3A_404 : f32 to vector<16xf32>
        %max3A_406 = arith.maximumf %sub3A_403, %max3A_405 : vector<16xf32>
        %mul3A_407 = arith.mulf %max3A_406, %scan3A_273 : vector<16xf32>
        %mul3A_408 = arith.mulf %scan3A_272, %get3A_402 : vector<16xf32>
        %gt3A_409 = arith.cmpf ogt, %mul3A_407, %mul3A_408 : vector<16xf32>
        %select_n3A_410 = arith.select %gt3A_409, %max3A_406, %scan3A_272 : vector<16xi1>, vector<16xf32>
        %select_n3A_411 = arith.select %gt3A_409, %get3A_402, %scan3A_273 : vector<16xi1>, vector<16xf32>
        %select_n3A_412 = arith.select %gt3A_409, %broadcast_in_dim3A_283, %scan3A_274 : vector<16xi1>, vector<16xi32>
        %get3A_413 = arith.index_cast %add3A_281 : i32 to index
        %get3A_414 = arith.constant 112 : index
        %get3A_415 = tpu.vector_load %arg9[%get3A_413, %get3A_414] {strides = array<i32>} : memref<128x128xf32, #tpu.memory_space<vmem>>, vector<16xf32>,
        %get3A_416 = arith.index_cast %add3A_281 : i32 to index
        %get3A_417 = arith.constant 112 : index
        %get3A_418 = tpu.vector_load %arg11[%get3A_416, %get3A_417] {strides = array<i32>} : memref<128x128xf32, #tpu.memory_space<vmem>>, vector<16xf32>,
        %get3A_419 = arith.index_cast %add3A_281 : i32 to index
        %get3A_420 = arith.constant 112 : index
        %get3A_421 = tpu.vector_load %arg13[%get3A_419, %get3A_420] {strides = array<i32>} : memref<128x128xf32, #tpu.memory_space<vmem>>, vector<16xf32>,
        %sub3A_422 = arith.subf %get3A_415, %get3A_418 : vector<16xf32>
        %max3A_423 = arith.constant 0.000000e+00 : f32
        %max3A_424 = vector.broadcast %max3A_423 : f32 to vector<16xf32>
        %max3A_425 = arith.maximumf %sub3A_422, %max3A_424 : vector<16xf32>
        %mul3A_426 = arith.mulf %max3A_425, %scan3A_276 : vector<16xf32>
        %mul3A_427 = arith.mulf %scan3A_275, %get3A_421 : vector<16xf32>
        %gt3A_428 = arith.cmpf ogt, %mul3A_426, %mul3A_427 : vector<16xf32>
        %select_n3A_429 = arith.select %gt3A_428, %max3A_425, %scan3A_275 : vector<16xi1>, vector<16xf32>
        %select_n3A_430 = arith.select %gt3A_428, %get3A_421, %scan3A_276 : vector<16xi1>, vector<16xf32>
        %select_n3A_431 = arith.select %gt3A_428, %broadcast_in_dim3A_283, %scan3A_277 : vector<16xi1>, vector<16xi32>
        %mul3A_432 = arith.constant 8 : i32
        %mul3A_433 = arith.muli %scan3A_253, %mul3A_432 : i32
        %add3A_434 = arith.constant 1 : i32
        %add3A_435 = arith.addi %mul3A_433, %add3A_434 : i32
        %add3A_436 = arith.addi %add3A_201, %add3A_435 : i32
        %broadcast_in_dim3A_437 = vector.broadcast %add3A_436 : i32 to vector<16xi32>
        %get3A_438 = arith.index_cast %add3A_435 : i32 to index
        %get3A_439 = arith.constant 0 : index
        %get3A_440 = tpu.vector_load %arg9[%get3A_438, %get3A_439] {strides = array<i32>} : memref<128x128xf32, #tpu.memory_space<vmem>>, vector<16xf32>,
        %get3A_441 = arith.index_cast %add3A_435 : i32 to index
        %get3A_442 = arith.constant 0 : index
        %get3A_443 = tpu.vector_load %arg11[%get3A_441, %get3A_442] {strides = array<i32>} : memref<128x128xf32, #tpu.memory_space<vmem>>, vector<16xf32>,
        %get3A_444 = arith.index_cast %add3A_435 : i32 to index
        %get3A_445 = arith.constant 0 : index
        %get3A_446 = tpu.vector_load %arg13[%get3A_444, %get3A_445] {strides = array<i32>} : memref<128x128xf32, #tpu.memory_space<vmem>>, vector<16xf32>,
        %sub3A_447 = arith.subf %get3A_440, %get3A_443 : vector<16xf32>
        %max3A_448 = arith.constant 0.000000e+00 : f32
        %max3A_449 = vector.broadcast %max3A_448 : f32 to vector<16xf32>
        %max3A_450 = arith.maximumf %sub3A_447, %max3A_449 : vector<16xf32>
        %mul3A_451 = arith.mulf %max3A_450, %select_n3A_297 : vector<16xf32>
        %mul3A_452 = arith.mulf %select_n3A_296, %get3A_446 : vector<16xf32>
        %gt3A_453 = arith.cmpf ogt, %mul3A_451, %mul3A_452 : vector<16xf32>
        %select_n3A_454 = arith.select %gt3A_453, %max3A_450, %select_n3A_296 : vector<16xi1>, vector<16xf32>
        %select_n3A_455 = arith.select %gt3A_453, %get3A_446, %select_n3A_297 : vector<16xi1>, vector<16xf32>
        %select_n3A_456 = arith.select %gt3A_453, %broadcast_in_dim3A_437, %select_n3A_298 : vector<16xi1>, vector<16xi32>
        %get3A_457 = arith.index_cast %add3A_435 : i32 to index
        %get3A_458 = arith.constant 16 : index
        %get3A_459 = tpu.vector_load %arg9[%get3A_457, %get3A_458] {strides = array<i32>} : memref<128x128xf32, #tpu.memory_space<vmem>>, vector<16xf32>,
        %get3A_460 = arith.index_cast %add3A_435 : i32 to index
        %get3A_461 = arith.constant 16 : index
        %get3A_462 = tpu.vector_load %arg11[%get3A_460, %get3A_461] {strides = array<i32>} : memref<128x128xf32, #tpu.memory_space<vmem>>, vector<16xf32>,
        %get3A_463 = arith.index_cast %add3A_435 : i32 to index
        %get3A_464 = arith.constant 16 : index
        %get3A_465 = tpu.vector_load %arg13[%get3A_463, %get3A_464] {strides = array<i32>} : memref<128x128xf32, #tpu.memory_space<vmem>>, vector<16xf32>,
        %sub3A_466 = arith.subf %get3A_459, %get3A_462 : vector<16xf32>
        %max3A_467 = arith.constant 0.000000e+00 : f32
        %max3A_468 = vector.broadcast %max3A_467 : f32 to vector<16xf32>
        %max3A_469 = arith.maximumf %sub3A_466, %max3A_468 : vector<16xf32>
        %mul3A_470 = arith.mulf %max3A_469, %select_n3A_316 : vector<16xf32>
        %mul3A_471 = arith.mulf %select_n3A_315, %get3A_465 : vector<16xf32>
        %gt3A_472 = arith.cmpf ogt, %mul3A_470, %mul3A_471 : vector<16xf32>
        %select_n3A_473 = arith.select %gt3A_472, %max3A_469, %select_n3A_315 : vector<16xi1>, vector<16xf32>
        %select_n3A_474 = arith.select %gt3A_472, %get3A_465, %select_n3A_316 : vector<16xi1>, vector<16xf32>
        %select_n3A_475 = arith.select %gt3A_472, %broadcast_in_dim3A_437, %select_n3A_317 : vector<16xi1>, vector<16xi32>
        %get3A_476 = arith.index_cast %add3A_435 : i32 to index
        %get3A_477 = arith.constant 32 : index
        %get3A_478 = tpu.vector_load %arg9[%get3A_476, %get3A_477] {strides = array<i32>} : memref<128x128xf32, #tpu.memory_space<vmem>>, vector<16xf32>,
        %get3A_479 = arith.index_cast %add3A_435 : i32 to index
        %get3A_480 = arith.constant 32 : index
        %get3A_481 = tpu.vector_load %arg11[%get3A_479, %get3A_480] {strides = array<i32>} : memref<128x128xf32, #tpu.memory_space<vmem>>, vector<16xf32>,
        %get3A_482 = arith.index_cast %add3A_435 : i32 to index
        %get3A_483 = arith.constant 32 : index
        %get3A_484 = tpu.vector_load %arg13[%get3A_482, %get3A_483] {strides = array<i32>} : memref<128x128xf32, #tpu.memory_space<vmem>>, vector<16xf32>,
        %sub3A_485 = arith.subf %get3A_478, %get3A_481 : vector<16xf32>
        %max3A_486 = arith.constant 0.000000e+00 : f32
        %max3A_487 = vector.broadcast %max3A_486 : f32 to vector<16xf32>
        %max3A_488 = arith.maximumf %sub3A_485, %max3A_487 : vector<16xf32>
        %mul3A_489 = arith.mulf %max3A_488, %select_n3A_335 : vector<16xf32>
        %mul3A_490 = arith.mulf %select_n3A_334, %get3A_484 : vector<16xf32>
        %gt3A_491 = arith.cmpf ogt, %mul3A_489, %mul3A_490 : vector<16xf32>
        %select_n3A_492 = arith.select %gt3A_491, %max3A_488, %select_n3A_334 : vector<16xi1>, vector<16xf32>
        %select_n3A_493 = arith.select %gt3A_491, %get3A_484, %select_n3A_335 : vector<16xi1>, vector<16xf32>
        %select_n3A_494 = arith.select %gt3A_491, %broadcast_in_dim3A_437, %select_n3A_336 : vector<16xi1>, vector<16xi32>
        %get3A_495 = arith.index_cast %add3A_435 : i32 to index
        %get3A_496 = arith.constant 48 : index
        %get3A_497 = tpu.vector_load %arg9[%get3A_495, %get3A_496] {strides = array<i32>} : memref<128x128xf32, #tpu.memory_space<vmem>>, vector<16xf32>,
        %get3A_498 = arith.index_cast %add3A_435 : i32 to index
        %get3A_499 = arith.constant 48 : index
        %get3A_500 = tpu.vector_load %arg11[%get3A_498, %get3A_499] {strides = array<i32>} : memref<128x128xf32, #tpu.memory_space<vmem>>, vector<16xf32>,
        %get3A_501 = arith.index_cast %add3A_435 : i32 to index
        %get3A_502 = arith.constant 48 : index
        %get3A_503 = tpu.vector_load %arg13[%get3A_501, %get3A_502] {strides = array<i32>} : memref<128x128xf32, #tpu.memory_space<vmem>>, vector<16xf32>,
        %sub3A_504 = arith.subf %get3A_497, %get3A_500 : vector<16xf32>
        %max3A_505 = arith.constant 0.000000e+00 : f32
        %max3A_506 = vector.broadcast %max3A_505 : f32 to vector<16xf32>
        %max3A_507 = arith.maximumf %sub3A_504, %max3A_506 : vector<16xf32>
        %mul3A_508 = arith.mulf %max3A_507, %select_n3A_354 : vector<16xf32>
        %mul3A_509 = arith.mulf %select_n3A_353, %get3A_503 : vector<16xf32>
        %gt3A_510 = arith.cmpf ogt, %mul3A_508, %mul3A_509 : vector<16xf32>
        %select_n3A_511 = arith.select %gt3A_510, %max3A_507, %select_n3A_353 : vector<16xi1>, vector<16xf32>
        %select_n3A_512 = arith.select %gt3A_510, %get3A_503, %select_n3A_354 : vector<16xi1>, vector<16xf32>
        %select_n3A_513 = arith.select %gt3A_510, %broadcast_in_dim3A_437, %select_n3A_355 : vector<16xi1>, vector<16xi32>
        %get3A_514 = arith.index_cast %add3A_435 : i32 to index
        %get3A_515 = arith.constant 64 : index
        %get3A_516 = tpu.vector_load %arg9[%get3A_514, %get3A_515] {strides = array<i32>} : memref<128x128xf32, #tpu.memory_space<vmem>>, vector<16xf32>,
        %get3A_517 = arith.index_cast %add3A_435 : i32 to index
        %get3A_518 = arith.constant 64 : index
        %get3A_519 = tpu.vector_load %arg11[%get3A_517, %get3A_518] {strides = array<i32>} : memref<128x128xf32, #tpu.memory_space<vmem>>, vector<16xf32>,
        %get3A_520 = arith.index_cast %add3A_435 : i32 to index
        %get3A_521 = arith.constant 64 : index
        %get3A_522 = tpu.vector_load %arg13[%get3A_520, %get3A_521] {strides = array<i32>} : memref<128x128xf32, #tpu.memory_space<vmem>>, vector<16xf32>,
        %sub3A_523 = arith.subf %get3A_516, %get3A_519 : vector<16xf32>
        %max3A_524 = arith.constant 0.000000e+00 : f32
        %max3A_525 = vector.broadcast %max3A_524 : f32 to vector<16xf32>
        %max3A_526 = arith.maximumf %sub3A_523, %max3A_525 : vector<16xf32>
        %mul3A_527 = arith.mulf %max3A_526, %select_n3A_373 : vector<16xf32>
        %mul3A_528 = arith.mulf %select_n3A_372, %get3A_522 : vector<16xf32>
        %gt3A_529 = arith.cmpf ogt, %mul3A_527, %mul3A_528 : vector<16xf32>
        %select_n3A_530 = arith.select %gt3A_529, %max3A_526, %select_n3A_372 : vector<16xi1>, vector<16xf32>
        %select_n3A_531 = arith.select %gt3A_529, %get3A_522, %select_n3A_373 : vector<16xi1>, vector<16xf32>
        %select_n3A_532 = arith.select %gt3A_529, %broadcast_in_dim3A_437, %select_n3A_374 : vector<16xi1>, vector<16xi32>
        %get3A_533 = arith.index_cast %add3A_435 : i32 to index
        %get3A_534 = arith.constant 80 : index
        %get3A_535 = tpu.vector_load %arg9[%get3A_533, %get3A_534] {strides = array<i32>} : memref<128x128xf32, #tpu.memory_space<vmem>>, vector<16xf32>,
        %get3A_536 = arith.index_cast %add3A_435 : i32 to index
        %get3A_537 = arith.constant 80 : index
        %get3A_538 = tpu.vector_load %arg11[%get3A_536, %get3A_537] {strides = array<i32>} : memref<128x128xf32, #tpu.memory_space<vmem>>, vector<16xf32>,
        %get3A_539 = arith.index_cast %add3A_435 : i32 to index
        %get3A_540 = arith.constant 80 : index
        %get3A_541 = tpu.vector_load %arg13[%get3A_539, %get3A_540] {strides = array<i32>} : memref<128x128xf32, #tpu.memory_space<vmem>>, vector<16xf32>,
        %sub3A_542 = arith.subf %get3A_535, %get3A_538 : vector<16xf32>
        %max3A_543 = arith.constant 0.000000e+00 : f32
        %max3A_544 = vector.broadcast %max3A_543 : f32 to vector<16xf32>
        %max3A_545 = arith.maximumf %sub3A_542, %max3A_544 : vector<16xf32>
        %mul3A_546 = arith.mulf %max3A_545, %select_n3A_392 : vector<16xf32>
        %mul3A_547 = arith.mulf %select_n3A_391, %get3A_541 : vector<16xf32>
        %gt3A_548 = arith.cmpf ogt, %mul3A_546, %mul3A_547 : vector<16xf32>
        %select_n3A_549 = arith.select %gt3A_548, %max3A_545, %select_n3A_391 : vector<16xi1>, vector<16xf32>
        %select_n3A_550 = arith.select %gt3A_548, %get3A_541, %select_n3A_392 : vector<16xi1>, vector<16xf32>
        %select_n3A_551 = arith.select %gt3A_548, %broadcast_in_dim3A_437, %select_n3A_393 : vector<16xi1>, vector<16xi32>
        %get3A_552 = arith.index_cast %add3A_435 : i32 to index
        %get3A_553 = arith.constant 96 : index
        %get3A_554 = tpu.vector_load %arg9[%get3A_552, %get3A_553] {strides = array<i32>} : memref<128x128xf32, #tpu.memory_space<vmem>>, vector<16xf32>,
        %get3A_555 = arith.index_cast %add3A_435 : i32 to index
        %get3A_556 = arith.constant 96 : index
        %get3A_557 = tpu.vector_load %arg11[%get3A_555, %get3A_556] {strides = array<i32>} : memref<128x128xf32, #tpu.memory_space<vmem>>, vector<16xf32>,
        %get3A_558 = arith.index_cast %add3A_435 : i32 to index
        %get3A_559 = arith.constant 96 : index
        %get3A_560 = tpu.vector_load %arg13[%get3A_558, %get3A_559] {strides = array<i32>} : memref<128x128xf32, #tpu.memory_space<vmem>>, vector<16xf32>,
        %sub3A_561 = arith.subf %get3A_554, %get3A_557 : vector<16xf32>
        %max3A_562 = arith.constant 0.000000e+00 : f32
        %max3A_563 = vector.broadcast %max3A_562 : f32 to vector<16xf32>
        %max3A_564 = arith.maximumf %sub3A_561, %max3A_563 : vector<16xf32>
        %mul3A_565 = arith.mulf %max3A_564, %select_n3A_411 : vector<16xf32>
        %mul3A_566 = arith.mulf %select_n3A_410, %get3A_560 : vector<16xf32>
        %gt3A_567 = arith.cmpf ogt, %mul3A_565, %mul3A_566 : vector<16xf32>
        %select_n3A_568 = arith.select %gt3A_567, %max3A_564, %select_n3A_410 : vector<16xi1>, vector<16xf32>
        %select_n3A_569 = arith.select %gt3A_567, %get3A_560, %select_n3A_411 : vector<16xi1>, vector<16xf32>
        %select_n3A_570 = arith.select %gt3A_567, %broadcast_in_dim3A_437, %select_n3A_412 : vector<16xi1>, vector<16xi32>
        %get3A_571 = arith.index_cast %add3A_435 : i32 to index
        %get3A_572 = arith.constant 112 : index
        %get3A_573 = tpu.vector_load %arg9[%get3A_571, %get3A_572] {strides = array<i32>} : memref<128x128xf32, #tpu.memory_space<vmem>>, vector<16xf32>,
        %get3A_574 = arith.index_cast %add3A_435 : i32 to index
        %get3A_575 = arith.constant 112 : index
        %get3A_576 = tpu.vector_load %arg11[%get3A_574, %get3A_575] {strides = array<i32>} : memref<128x128xf32, #tpu.memory_space<vmem>>, vector<16xf32>,
        %get3A_577 = arith.index_cast %add3A_435 : i32 to index
        %get3A_578 = arith.constant 112 : index
        %get3A_579 = tpu.vector_load %arg13[%get3A_577, %get3A_578] {strides = array<i32>} : memref<128x128xf32, #tpu.memory_space<vmem>>, vector<16xf32>,
        %sub3A_580 = arith.subf %get3A_573, %get3A_576 : vector<16xf32>
        %max3A_581 = arith.constant 0.000000e+00 : f32
        %max3A_582 = vector.broadcast %max3A_581 : f32 to vector<16xf32>
        %max3A_583 = arith.maximumf %sub3A_580, %max3A_582 : vector<16xf32>
        %mul3A_584 = arith.mulf %max3A_583, %select_n3A_430 : vector<16xf32>
        %mul3A_585 = arith.mulf %select_n3A_429, %get3A_579 : vector<16xf32>
        %gt3A_586 = arith.cmpf ogt, %mul3A_584, %mul3A_585 : vector<16xf32>
        %select_n3A_587 = arith.select %gt3A_586, %max3A_583, %select_n3A_429 : vector<16xi1>, vector<16xf32>
        %select_n3A_588 = arith.select %gt3A_586, %get3A_579, %select_n3A_430 : vector<16xi1>, vector<16xf32>
        %select_n3A_589 = arith.select %gt3A_586, %broadcast_in_dim3A_437, %select_n3A_431 : vector<16xi1>, vector<16xi32>
        %mul3A_590 = arith.constant 8 : i32
        %mul3A_591 = arith.muli %scan3A_253, %mul3A_590 : i32
        %add3A_592 = arith.constant 2 : i32
        %add3A_593 = arith.addi %mul3A_591, %add3A_592 : i32
        %add3A_594 = arith.addi %add3A_201, %add3A_593 : i32
        %broadcast_in_dim3A_595 = vector.broadcast %add3A_594 : i32 to vector<16xi32>
        %get3A_596 = arith.index_cast %add3A_593 : i32 to index
        %get3A_597 = arith.constant 0 : index
        %get3A_598 = tpu.vector_load %arg9[%get3A_596, %get3A_597] {strides = array<i32>} : memref<128x128xf32, #tpu.memory_space<vmem>>, vector<16xf32>,
        %get3A_599 = arith.index_cast %add3A_593 : i32 to index
        %get3A_600 = arith.constant 0 : index
        %get3A_601 = tpu.vector_load %arg11[%get3A_599, %get3A_600] {strides = array<i32>} : memref<128x128xf32, #tpu.memory_space<vmem>>, vector<16xf32>,
        %get3A_602 = arith.index_cast %add3A_593 : i32 to index
        %get3A_603 = arith.constant 0 : index
        %get3A_604 = tpu.vector_load %arg13[%get3A_602, %get3A_603] {strides = array<i32>} : memref<128x128xf32, #tpu.memory_space<vmem>>, vector<16xf32>,
        %sub3A_605 = arith.subf %get3A_598, %get3A_601 : vector<16xf32>
        %max3A_606 = arith.constant 0.000000e+00 : f32
        %max3A_607 = vector.broadcast %max3A_606 : f32 to vector<16xf32>
        %max3A_608 = arith.maximumf %sub3A_605, %max3A_607 : vector<16xf32>
        %mul3A_609 = arith.mulf %max3A_608, %select_n3A_455 : vector<16xf32>
        %mul3A_610 = arith.mulf %select_n3A_454, %get3A_604 : vector<16xf32>
        %gt3A_611 = arith.cmpf ogt, %mul3A_609, %mul3A_610 : vector<16xf32>
        %select_n3A_612 = arith.select %gt3A_611, %max3A_608, %select_n3A_454 : vector<16xi1>, vector<16xf32>
        %select_n3A_613 = arith.select %gt3A_611, %get3A_604, %select_n3A_455 : vector<16xi1>, vector<16xf32>
        %select_n3A_614 = arith.select %gt3A_611, %broadcast_in_dim3A_595, %select_n3A_456 : vector<16xi1>, vector<16xi32>
        %get3A_615 = arith.index_cast %add3A_593 : i32 to index
        %get3A_616 = arith.constant 16 : index
        %get3A_617 = tpu.vector_load %arg9[%get3A_615, %get3A_616] {strides = array<i32>} : memref<128x128xf32, #tpu.memory_space<vmem>>, vector<16xf32>,
        %get3A_618 = arith.index_cast %add3A_593 : i32 to index
        %get3A_619 = arith.constant 16 : index
        %get3A_620 = tpu.vector_load %arg11[%get3A_618, %get3A_619] {strides = array<i32>} : memref<128x128xf32, #tpu.memory_space<vmem>>, vector<16xf32>,
        %get3A_621 = arith.index_cast %add3A_593 : i32 to index
        %get3A_622 = arith.constant 16 : index
        %get3A_623 = tpu.vector_load %arg13[%get3A_621, %get3A_622] {strides = array<i32>} : memref<128x128xf32, #tpu.memory_space<vmem>>, vector<16xf32>,
        %sub3A_624 = arith.subf %get3A_617, %get3A_620 : vector<16xf32>
        %max3A_625 = arith.constant 0.000000e+00 : f32
        %max3A_626 = vector.broadcast %max3A_625 : f32 to vector<16xf32>
        %max3A_627 = arith.maximumf %sub3A_624, %max3A_626 : vector<16xf32>
        %mul3A_628 = arith.mulf %max3A_627, %select_n3A_474 : vector<16xf32>
        %mul3A_629 = arith.mulf %select_n3A_473, %get3A_623 : vector<16xf32>
        %gt3A_630 = arith.cmpf ogt, %mul3A_628, %mul3A_629 : vector<16xf32>
        %select_n3A_631 = arith.select %gt3A_630, %max3A_627, %select_n3A_473 : vector<16xi1>, vector<16xf32>
        %select_n3A_632 = arith.select %gt3A_630, %get3A_623, %select_n3A_474 : vector<16xi1>, vector<16xf32>
        %select_n3A_633 = arith.select %gt3A_630, %broadcast_in_dim3A_595, %select_n3A_475 : vector<16xi1>, vector<16xi32>
        %get3A_634 = arith.index_cast %add3A_593 : i32 to index
        %get3A_635 = arith.constant 32 : index
        %get3A_636 = tpu.vector_load %arg9[%get3A_634, %get3A_635] {strides = array<i32>} : memref<128x128xf32, #tpu.memory_space<vmem>>, vector<16xf32>,
        %get3A_637 = arith.index_cast %add3A_593 : i32 to index
        %get3A_638 = arith.constant 32 : index
        %get3A_639 = tpu.vector_load %arg11[%get3A_637, %get3A_638] {strides = array<i32>} : memref<128x128xf32, #tpu.memory_space<vmem>>, vector<16xf32>,
        %get3A_640 = arith.index_cast %add3A_593 : i32 to index
        %get3A_641 = arith.constant 32 : index
        %get3A_642 = tpu.vector_load %arg13[%get3A_640, %get3A_641] {strides = array<i32>} : memref<128x128xf32, #tpu.memory_space<vmem>>, vector<16xf32>,
        %sub3A_643 = arith.subf %get3A_636, %get3A_639 : vector<16xf32>
        %max3A_644 = arith.constant 0.000000e+00 : f32
        %max3A_645 = vector.broadcast %max3A_644 : f32 to vector<16xf32>
        %max3A_646 = arith.maximumf %sub3A_643, %max3A_645 : vector<16xf32>
        %mul3A_647 = arith.mulf %max3A_646, %select_n3A_493 : vector<16xf32>
        %mul3A_648 = arith.mulf %select_n3A_492, %get3A_642 : vector<16xf32>
        %gt3A_649 = arith.cmpf ogt, %mul3A_647, %mul3A_648 : vector<16xf32>
        %select_n3A_650 = arith.select %gt3A_649, %max3A_646, %select_n3A_492 : vector<16xi1>, vector<16xf32>
        %select_n3A_651 = arith.select %gt3A_649, %get3A_642, %select_n3A_493 : vector<16xi1>, vector<16xf32>
        %select_n3A_652 = arith.select %gt3A_649, %broadcast_in_dim3A_595, %select_n3A_494 : vector<16xi1>, vector<16xi32>
        %get3A_653 = arith.index_cast %add3A_593 : i32 to index
        %get3A_654 = arith.constant 48 : index
        %get3A_655 = tpu.vector_load %arg9[%get3A_653, %get3A_654] {strides = array<i32>} : memref<128x128xf32, #tpu.memory_space<vmem>>, vector<16xf32>,
        %get3A_656 = arith.index_cast %add3A_593 : i32 to index
        %get3A_657 = arith.constant 48 : index
        %get3A_658 = tpu.vector_load %arg11[%get3A_656, %get3A_657] {strides = array<i32>} : memref<128x128xf32, #tpu.memory_space<vmem>>, vector<16xf32>,
        %get3A_659 = arith.index_cast %add3A_593 : i32 to index
        %get3A_660 = arith.constant 48 : index
        %get3A_661 = tpu.vector_load %arg13[%get3A_659, %get3A_660] {strides = array<i32>} : memref<128x128xf32, #tpu.memory_space<vmem>>, vector<16xf32>,
        %sub3A_662 = arith.subf %get3A_655, %get3A_658 : vector<16xf32>
        %max3A_663 = arith.constant 0.000000e+00 : f32
        %max3A_664 = vector.broadcast %max3A_663 : f32 to vector<16xf32>
        %max3A_665 = arith.maximumf %sub3A_662, %max3A_664 : vector<16xf32>
        %mul3A_666 = arith.mulf %max3A_665, %select_n3A_512 : vector<16xf32>
        %mul3A_667 = arith.mulf %select_n3A_511, %get3A_661 : vector<16xf32>
        %gt3A_668 = arith.cmpf ogt, %mul3A_666, %mul3A_667 : vector<16xf32>
        %select_n3A_669 = arith.select %gt3A_668, %max3A_665, %select_n3A_511 : vector<16xi1>, vector<16xf32>
        %select_n3A_670 = arith.select %gt3A_668, %get3A_661, %select_n3A_512 : vector<16xi1>, vector<16xf32>
        %select_n3A_671 = arith.select %gt3A_668, %broadcast_in_dim3A_595, %select_n3A_513 : vector<16xi1>, vector<16xi32>
        %get3A_672 = arith.index_cast %add3A_593 : i32 to index
        %get3A_673 = arith.constant 64 : index
        %get3A_674 = tpu.vector_load %arg9[%get3A_672, %get3A_673] {strides = array<i32>} : memref<128x128xf32, #tpu.memory_space<vmem>>, vector<16xf32>,
        %get3A_675 = arith.index_cast %add3A_593 : i32 to index
        %get3A_676 = arith.constant 64 : index
        %get3A_677 = tpu.vector_load %arg11[%get3A_675, %get3A_676] {strides = array<i32>} : memref<128x128xf32, #tpu.memory_space<vmem>>, vector<16xf32>,
        %get3A_678 = arith.index_cast %add3A_593 : i32 to index
        %get3A_679 = arith.constant 64 : index
        %get3A_680 = tpu.vector_load %arg13[%get3A_678, %get3A_679] {strides = array<i32>} : memref<128x128xf32, #tpu.memory_space<vmem>>, vector<16xf32>,
        %sub3A_681 = arith.subf %get3A_674, %get3A_677 : vector<16xf32>
        %max3A_682 = arith.constant 0.000000e+00 : f32
        %max3A_683 = vector.broadcast %max3A_682 : f32 to vector<16xf32>
        %max3A_684 = arith.maximumf %sub3A_681, %max3A_683 : vector<16xf32>
        %mul3A_685 = arith.mulf %max3A_684, %select_n3A_531 : vector<16xf32>
        %mul3A_686 = arith.mulf %select_n3A_530, %get3A_680 : vector<16xf32>
        %gt3A_687 = arith.cmpf ogt, %mul3A_685, %mul3A_686 : vector<16xf32>
        %select_n3A_688 = arith.select %gt3A_687, %max3A_684, %select_n3A_530 : vector<16xi1>, vector<16xf32>
        %select_n3A_689 = arith.select %gt3A_687, %get3A_680, %select_n3A_531 : vector<16xi1>, vector<16xf32>
        %select_n3A_690 = arith.select %gt3A_687, %broadcast_in_dim3A_595, %select_n3A_532 : vector<16xi1>, vector<16xi32>
        %get3A_691 = arith.index_cast %add3A_593 : i32 to index
        %get3A_692 = arith.constant 80 : index
        %get3A_693 = tpu.vector_load %arg9[%get3A_691, %get3A_692] {strides = array<i32>} : memref<128x128xf32, #tpu.memory_space<vmem>>, vector<16xf32>,
        %get3A_694 = arith.index_cast %add3A_593 : i32 to index
        %get3A_695 = arith.constant 80 : index
        %get3A_696 = tpu.vector_load %arg11[%get3A_694, %get3A_695] {strides = array<i32>} : memref<128x128xf32, #tpu.memory_space<vmem>>, vector<16xf32>,
        %get3A_697 = arith.index_cast %add3A_593 : i32 to index
        %get3A_698 = arith.constant 80 : index
        %get3A_699 = tpu.vector_load %arg13[%get3A_697, %get3A_698] {strides = array<i32>} : memref<128x128xf32, #tpu.memory_space<vmem>>, vector<16xf32>,
        %sub3A_700 = arith.subf %get3A_693, %get3A_696 : vector<16xf32>
        %max3A_701 = arith.constant 0.000000e+00 : f32
        %max3A_702 = vector.broadcast %max3A_701 : f32 to vector<16xf32>
        %max3A_703 = arith.maximumf %sub3A_700, %max3A_702 : vector<16xf32>
        %mul3A_704 = arith.mulf %max3A_703, %select_n3A_550 : vector<16xf32>
        %mul3A_705 = arith.mulf %select_n3A_549, %get3A_699 : vector<16xf32>
        %gt3A_706 = arith.cmpf ogt, %mul3A_704, %mul3A_705 : vector<16xf32>
        %select_n3A_707 = arith.select %gt3A_706, %max3A_703, %select_n3A_549 : vector<16xi1>, vector<16xf32>
        %select_n3A_708 = arith.select %gt3A_706, %get3A_699, %select_n3A_550 : vector<16xi1>, vector<16xf32>
        %select_n3A_709 = arith.select %gt3A_706, %broadcast_in_dim3A_595, %select_n3A_551 : vector<16xi1>, vector<16xi32>
        %get3A_710 = arith.index_cast %add3A_593 : i32 to index
        %get3A_711 = arith.constant 96 : index
        %get3A_712 = tpu.vector_load %arg9[%get3A_710, %get3A_711] {strides = array<i32>} : memref<128x128xf32, #tpu.memory_space<vmem>>, vector<16xf32>,
        %get3A_713 = arith.index_cast %add3A_593 : i32 to index
        %get3A_714 = arith.constant 96 : index
        %get3A_715 = tpu.vector_load %arg11[%get3A_713, %get3A_714] {strides = array<i32>} : memref<128x128xf32, #tpu.memory_space<vmem>>, vector<16xf32>,
        %get3A_716 = arith.index_cast %add3A_593 : i32 to index
        %get3A_717 = arith.constant 96 : index
        %get3A_718 = tpu.vector_load %arg13[%get3A_716, %get3A_717] {strides = array<i32>} : memref<128x128xf32, #tpu.memory_space<vmem>>, vector<16xf32>,
        %sub3A_719 = arith.subf %get3A_712, %get3A_715 : vector<16xf32>
        %max3A_720 = arith.constant 0.000000e+00 : f32
        %max3A_721 = vector.broadcast %max3A_720 : f32 to vector<16xf32>
        %max3A_722 = arith.maximumf %sub3A_719, %max3A_721 : vector<16xf32>
        %mul3A_723 = arith.mulf %max3A_722, %select_n3A_569 : vector<16xf32>
        %mul3A_724 = arith.mulf %select_n3A_568, %get3A_718 : vector<16xf32>
        %gt3A_725 = arith.cmpf ogt, %mul3A_723, %mul3A_724 : vector<16xf32>
        %select_n3A_726 = arith.select %gt3A_725, %max3A_722, %select_n3A_568 : vector<16xi1>, vector<16xf32>
        %select_n3A_727 = arith.select %gt3A_725, %get3A_718, %select_n3A_569 : vector<16xi1>, vector<16xf32>
        %select_n3A_728 = arith.select %gt3A_725, %broadcast_in_dim3A_595, %select_n3A_570 : vector<16xi1>, vector<16xi32>
        %get3A_729 = arith.index_cast %add3A_593 : i32 to index
        %get3A_730 = arith.constant 112 : index
        %get3A_731 = tpu.vector_load %arg9[%get3A_729, %get3A_730] {strides = array<i32>} : memref<128x128xf32, #tpu.memory_space<vmem>>, vector<16xf32>,
        %get3A_732 = arith.index_cast %add3A_593 : i32 to index
        %get3A_733 = arith.constant 112 : index
        %get3A_734 = tpu.vector_load %arg11[%get3A_732, %get3A_733] {strides = array<i32>} : memref<128x128xf32, #tpu.memory_space<vmem>>, vector<16xf32>,
        %get3A_735 = arith.index_cast %add3A_593 : i32 to index
        %get3A_736 = arith.constant 112 : index
        %get3A_737 = tpu.vector_load %arg13[%get3A_735, %get3A_736] {strides = array<i32>} : memref<128x128xf32, #tpu.memory_space<vmem>>, vector<16xf32>,
        %sub3A_738 = arith.subf %get3A_731, %get3A_734 : vector<16xf32>
        %max3A_739 = arith.constant 0.000000e+00 : f32
        %max3A_740 = vector.broadcast %max3A_739 : f32 to vector<16xf32>
        %max3A_741 = arith.maximumf %sub3A_738, %max3A_740 : vector<16xf32>
        %mul3A_742 = arith.mulf %max3A_741, %select_n3A_588 : vector<16xf32>
        %mul3A_743 = arith.mulf %select_n3A_587, %get3A_737 : vector<16xf32>
        %gt3A_744 = arith.cmpf ogt, %mul3A_742, %mul3A_743 : vector<16xf32>
        %select_n3A_745 = arith.select %gt3A_744, %max3A_741, %select_n3A_587 : vector<16xi1>, vector<16xf32>
        %select_n3A_746 = arith.select %gt3A_744, %get3A_737, %select_n3A_588 : vector<16xi1>, vector<16xf32>
        %select_n3A_747 = arith.select %gt3A_744, %broadcast_in_dim3A_595, %select_n3A_589 : vector<16xi1>, vector<16xi32>
        %mul3A_748 = arith.constant 8 : i32
        %mul3A_749 = arith.muli %scan3A_253, %mul3A_748 : i32
        %add3A_750 = arith.constant 3 : i32
        %add3A_751 = arith.addi %mul3A_749, %add3A_750 : i32
        %add3A_752 = arith.addi %add3A_201, %add3A_751 : i32
        %broadcast_in_dim3A_753 = vector.broadcast %add3A_752 : i32 to vector<16xi32>
        %get3A_754 = arith.index_cast %add3A_751 : i32 to index
        %get3A_755 = arith.constant 0 : index
        %get3A_756 = tpu.vector_load %arg9[%get3A_754, %get3A_755] {strides = array<i32>} : memref<128x128xf32, #tpu.memory_space<vmem>>, vector<16xf32>,
        %get3A_757 = arith.index_cast %add3A_751 : i32 to index
        %get3A_758 = arith.constant 0 : index
        %get3A_759 = tpu.vector_load %arg11[%get3A_757, %get3A_758] {strides = array<i32>} : memref<128x128xf32, #tpu.memory_space<vmem>>, vector<16xf32>,
        %get3A_760 = arith.index_cast %add3A_751 : i32 to index
        %get3A_761 = arith.constant 0 : index
        %get3A_762 = tpu.vector_load %arg13[%get3A_760, %get3A_761] {strides = array<i32>} : memref<128x128xf32, #tpu.memory_space<vmem>>, vector<16xf32>,
        %sub3A_763 = arith.subf %get3A_756, %get3A_759 : vector<16xf32>
        %max3A_764 = arith.constant 0.000000e+00 : f32
        %max3A_765 = vector.broadcast %max3A_764 : f32 to vector<16xf32>
        %max3A_766 = arith.maximumf %sub3A_763, %max3A_765 : vector<16xf32>
        %mul3A_767 = arith.mulf %max3A_766, %select_n3A_613 : vector<16xf32>
        %mul3A_768 = arith.mulf %select_n3A_612, %get3A_762 : vector<16xf32>
        %gt3A_769 = arith.cmpf ogt, %mul3A_767, %mul3A_768 : vector<16xf32>
        %select_n3A_770 = arith.select %gt3A_769, %max3A_766, %select_n3A_612 : vector<16xi1>, vector<16xf32>
        %select_n3A_771 = arith.select %gt3A_769, %get3A_762, %select_n3A_613 : vector<16xi1>, vector<16xf32>
        %select_n3A_772 = arith.select %gt3A_769, %broadcast_in_dim3A_753, %select_n3A_614 : vector<16xi1>, vector<16xi32>
        %get3A_773 = arith.index_cast %add3A_751 : i32 to index
        %get3A_774 = arith.constant 16 : index
        %get3A_775 = tpu.vector_load %arg9[%get3A_773, %get3A_774] {strides = array<i32>} : memref<128x128xf32, #tpu.memory_space<vmem>>, vector<16xf32>,
        %get3A_776 = arith.index_cast %add3A_751 : i32 to index
        %get3A_777 = arith.constant 16 : index
        %get3A_778 = tpu.vector_load %arg11[%get3A_776, %get3A_777] {strides = array<i32>} : memref<128x128xf32, #tpu.memory_space<vmem>>, vector<16xf32>,
        %get3A_779 = arith.index_cast %add3A_751 : i32 to index
        %get3A_780 = arith.constant 16 : index
        %get3A_781 = tpu.vector_load %arg13[%get3A_779, %get3A_780] {strides = array<i32>} : memref<128x128xf32, #tpu.memory_space<vmem>>, vector<16xf32>,
        %sub3A_782 = arith.subf %get3A_775, %get3A_778 : vector<16xf32>
        %max3A_783 = arith.constant 0.000000e+00 : f32
        %max3A_784 = vector.broadcast %max3A_783 : f32 to vector<16xf32>
        %max3A_785 = arith.maximumf %sub3A_782, %max3A_784 : vector<16xf32>
        %mul3A_786 = arith.mulf %max3A_785, %select_n3A_632 : vector<16xf32>
        %mul3A_787 = arith.mulf %select_n3A_631, %get3A_781 : vector<16xf32>
        %gt3A_788 = arith.cmpf ogt, %mul3A_786, %mul3A_787 : vector<16xf32>
        %select_n3A_789 = arith.select %gt3A_788, %max3A_785, %select_n3A_631 : vector<16xi1>, vector<16xf32>
        %select_n3A_790 = arith.select %gt3A_788, %get3A_781, %select_n3A_632 : vector<16xi1>, vector<16xf32>
        %select_n3A_791 = arith.select %gt3A_788, %broadcast_in_dim3A_753, %select_n3A_633 : vector<16xi1>, vector<16xi32>
        %get3A_792 = arith.index_cast %add3A_751 : i32 to index
        %get3A_793 = arith.constant 32 : index
        %get3A_794 = tpu.vector_load %arg9[%get3A_792, %get3A_793] {strides = array<i32>} : memref<128x128xf32, #tpu.memory_space<vmem>>, vector<16xf32>,
        %get3A_795 = arith.index_cast %add3A_751 : i32 to index
        %get3A_796 = arith.constant 32 : index
        %get3A_797 = tpu.vector_load %arg11[%get3A_795, %get3A_796] {strides = array<i32>} : memref<128x128xf32, #tpu.memory_space<vmem>>, vector<16xf32>,
        %get3A_798 = arith.index_cast %add3A_751 : i32 to index
        %get3A_799 = arith.constant 32 : index
        %get3A_800 = tpu.vector_load %arg13[%get3A_798, %get3A_799] {strides = array<i32>} : memref<128x128xf32, #tpu.memory_space<vmem>>, vector<16xf32>,
        %sub3A_801 = arith.subf %get3A_794, %get3A_797 : vector<16xf32>
        %max3A_802 = arith.constant 0.000000e+00 : f32
        %max3A_803 = vector.broadcast %max3A_802 : f32 to vector<16xf32>
        %max3A_804 = arith.maximumf %sub3A_801, %max3A_803 : vector<16xf32>
        %mul3A_805 = arith.mulf %max3A_804, %select_n3A_651 : vector<16xf32>
        %mul3A_806 = arith.mulf %select_n3A_650, %get3A_800 : vector<16xf32>
        %gt3A_807 = arith.cmpf ogt, %mul3A_805, %mul3A_806 : vector<16xf32>
        %select_n3A_808 = arith.select %gt3A_807, %max3A_804, %select_n3A_650 : vector<16xi1>, vector<16xf32>
        %select_n3A_809 = arith.select %gt3A_807, %get3A_800, %select_n3A_651 : vector<16xi1>, vector<16xf32>
        %select_n3A_810 = arith.select %gt3A_807, %broadcast_in_dim3A_753, %select_n3A_652 : vector<16xi1>, vector<16xi32>
        %get3A_811 = arith.index_cast %add3A_751 : i32 to index
        %get3A_812 = arith.constant 48 : index
        %get3A_813 = tpu.vector_load %arg9[%get3A_811, %get3A_812] {strides = array<i32>} : memref<128x128xf32, #tpu.memory_space<vmem>>, vector<16xf32>,
        %get3A_814 = arith.index_cast %add3A_751 : i32 to index
        %get3A_815 = arith.constant 48 : index
        %get3A_816 = tpu.vector_load %arg11[%get3A_814, %get3A_815] {strides = array<i32>} : memref<128x128xf32, #tpu.memory_space<vmem>>, vector<16xf32>,
        %get3A_817 = arith.index_cast %add3A_751 : i32 to index
        %get3A_818 = arith.constant 48 : index
        %get3A_819 = tpu.vector_load %arg13[%get3A_817, %get3A_818] {strides = array<i32>} : memref<128x128xf32, #tpu.memory_space<vmem>>, vector<16xf32>,
        %sub3A_820 = arith.subf %get3A_813, %get3A_816 : vector<16xf32>
        %max3A_821 = arith.constant 0.000000e+00 : f32
        %max3A_822 = vector.broadcast %max3A_821 : f32 to vector<16xf32>
        %max3A_823 = arith.maximumf %sub3A_820, %max3A_822 : vector<16xf32>
        %mul3A_824 = arith.mulf %max3A_823, %select_n3A_670 : vector<16xf32>
        %mul3A_825 = arith.mulf %select_n3A_669, %get3A_819 : vector<16xf32>
        %gt3A_826 = arith.cmpf ogt, %mul3A_824, %mul3A_825 : vector<16xf32>
        %select_n3A_827 = arith.select %gt3A_826, %max3A_823, %select_n3A_669 : vector<16xi1>, vector<16xf32>
        %select_n3A_828 = arith.select %gt3A_826, %get3A_819, %select_n3A_670 : vector<16xi1>, vector<16xf32>
        %select_n3A_829 = arith.select %gt3A_826, %broadcast_in_dim3A_753, %select_n3A_671 : vector<16xi1>, vector<16xi32>
        %get3A_830 = arith.index_cast %add3A_751 : i32 to index
        %get3A_831 = arith.constant 64 : index
        %get3A_832 = tpu.vector_load %arg9[%get3A_830, %get3A_831] {strides = array<i32>} : memref<128x128xf32, #tpu.memory_space<vmem>>, vector<16xf32>,
        %get3A_833 = arith.index_cast %add3A_751 : i32 to index
        %get3A_834 = arith.constant 64 : index
        %get3A_835 = tpu.vector_load %arg11[%get3A_833, %get3A_834] {strides = array<i32>} : memref<128x128xf32, #tpu.memory_space<vmem>>, vector<16xf32>,
        %get3A_836 = arith.index_cast %add3A_751 : i32 to index
        %get3A_837 = arith.constant 64 : index
        %get3A_838 = tpu.vector_load %arg13[%get3A_836, %get3A_837] {strides = array<i32>} : memref<128x128xf32, #tpu.memory_space<vmem>>, vector<16xf32>,
        %sub3A_839 = arith.subf %get3A_832, %get3A_835 : vector<16xf32>
        %max3A_840 = arith.constant 0.000000e+00 : f32
        %max3A_841 = vector.broadcast %max3A_840 : f32 to vector<16xf32>
        %max3A_842 = arith.maximumf %sub3A_839, %max3A_841 : vector<16xf32>
        %mul3A_843 = arith.mulf %max3A_842, %select_n3A_689 : vector<16xf32>
        %mul3A_844 = arith.mulf %select_n3A_688, %get3A_838 : vector<16xf32>
        %gt3A_845 = arith.cmpf ogt, %mul3A_843, %mul3A_844 : vector<16xf32>
        %select_n3A_846 = arith.select %gt3A_845, %max3A_842, %select_n3A_688 : vector<16xi1>, vector<16xf32>
        %select_n3A_847 = arith.select %gt3A_845, %get3A_838, %select_n3A_689 : vector<16xi1>, vector<16xf32>
        %select_n3A_848 = arith.select %gt3A_845, %broadcast_in_dim3A_753, %select_n3A_690 : vector<16xi1>, vector<16xi32>
        %get3A_849 = arith.index_cast %add3A_751 : i32 to index
        %get3A_850 = arith.constant 80 : index
        %get3A_851 = tpu.vector_load %arg9[%get3A_849, %get3A_850] {strides = array<i32>} : memref<128x128xf32, #tpu.memory_space<vmem>>, vector<16xf32>,
        %get3A_852 = arith.index_cast %add3A_751 : i32 to index
        %get3A_853 = arith.constant 80 : index
        %get3A_854 = tpu.vector_load %arg11[%get3A_852, %get3A_853] {strides = array<i32>} : memref<128x128xf32, #tpu.memory_space<vmem>>, vector<16xf32>,
        %get3A_855 = arith.index_cast %add3A_751 : i32 to index
        %get3A_856 = arith.constant 80 : index
        %get3A_857 = tpu.vector_load %arg13[%get3A_855, %get3A_856] {strides = array<i32>} : memref<128x128xf32, #tpu.memory_space<vmem>>, vector<16xf32>,
        %sub3A_858 = arith.subf %get3A_851, %get3A_854 : vector<16xf32>
        %max3A_859 = arith.constant 0.000000e+00 : f32
        %max3A_860 = vector.broadcast %max3A_859 : f32 to vector<16xf32>
        %max3A_861 = arith.maximumf %sub3A_858, %max3A_860 : vector<16xf32>
        %mul3A_862 = arith.mulf %max3A_861, %select_n3A_708 : vector<16xf32>
        %mul3A_863 = arith.mulf %select_n3A_707, %get3A_857 : vector<16xf32>
        %gt3A_864 = arith.cmpf ogt, %mul3A_862, %mul3A_863 : vector<16xf32>
        %select_n3A_865 = arith.select %gt3A_864, %max3A_861, %select_n3A_707 : vector<16xi1>, vector<16xf32>
        %select_n3A_866 = arith.select %gt3A_864, %get3A_857, %select_n3A_708 : vector<16xi1>, vector<16xf32>
        %select_n3A_867 = arith.select %gt3A_864, %broadcast_in_dim3A_753, %select_n3A_709 : vector<16xi1>, vector<16xi32>
        %get3A_868 = arith.index_cast %add3A_751 : i32 to index
        %get3A_869 = arith.constant 96 : index
        %get3A_870 = tpu.vector_load %arg9[%get3A_868, %get3A_869] {strides = array<i32>} : memref<128x128xf32, #tpu.memory_space<vmem>>, vector<16xf32>,
        %get3A_871 = arith.index_cast %add3A_751 : i32 to index
        %get3A_872 = arith.constant 96 : index
        %get3A_873 = tpu.vector_load %arg11[%get3A_871, %get3A_872] {strides = array<i32>} : memref<128x128xf32, #tpu.memory_space<vmem>>, vector<16xf32>,
        %get3A_874 = arith.index_cast %add3A_751 : i32 to index
        %get3A_875 = arith.constant 96 : index
        %get3A_876 = tpu.vector_load %arg13[%get3A_874, %get3A_875] {strides = array<i32>} : memref<128x128xf32, #tpu.memory_space<vmem>>, vector<16xf32>,
        %sub3A_877 = arith.subf %get3A_870, %get3A_873 : vector<16xf32>
        %max3A_878 = arith.constant 0.000000e+00 : f32
        %max3A_879 = vector.broadcast %max3A_878 : f32 to vector<16xf32>
        %max3A_880 = arith.maximumf %sub3A_877, %max3A_879 : vector<16xf32>
        %mul3A_881 = arith.mulf %max3A_880, %select_n3A_727 : vector<16xf32>
        %mul3A_882 = arith.mulf %select_n3A_726, %get3A_876 : vector<16xf32>
        %gt3A_883 = arith.cmpf ogt, %mul3A_881, %mul3A_882 : vector<16xf32>
        %select_n3A_884 = arith.select %gt3A_883, %max3A_880, %select_n3A_726 : vector<16xi1>, vector<16xf32>
        %select_n3A_885 = arith.select %gt3A_883, %get3A_876, %select_n3A_727 : vector<16xi1>, vector<16xf32>
        %select_n3A_886 = arith.select %gt3A_883, %broadcast_in_dim3A_753, %select_n3A_728 : vector<16xi1>, vector<16xi32>
        %get3A_887 = arith.index_cast %add3A_751 : i32 to index
        %get3A_888 = arith.constant 112 : index
        %get3A_889 = tpu.vector_load %arg9[%get3A_887, %get3A_888] {strides = array<i32>} : memref<128x128xf32, #tpu.memory_space<vmem>>, vector<16xf32>,
        %get3A_890 = arith.index_cast %add3A_751 : i32 to index
        %get3A_891 = arith.constant 112 : index
        %get3A_892 = tpu.vector_load %arg11[%get3A_890, %get3A_891] {strides = array<i32>} : memref<128x128xf32, #tpu.memory_space<vmem>>, vector<16xf32>,
        %get3A_893 = arith.index_cast %add3A_751 : i32 to index
        %get3A_894 = arith.constant 112 : index
        %get3A_895 = tpu.vector_load %arg13[%get3A_893, %get3A_894] {strides = array<i32>} : memref<128x128xf32, #tpu.memory_space<vmem>>, vector<16xf32>,
        %sub3A_896 = arith.subf %get3A_889, %get3A_892 : vector<16xf32>
        %max3A_897 = arith.constant 0.000000e+00 : f32
        %max3A_898 = vector.broadcast %max3A_897 : f32 to vector<16xf32>
        %max3A_899 = arith.maximumf %sub3A_896, %max3A_898 : vector<16xf32>
        %mul3A_900 = arith.mulf %max3A_899, %select_n3A_746 : vector<16xf32>
        %mul3A_901 = arith.mulf %select_n3A_745, %get3A_895 : vector<16xf32>
        %gt3A_902 = arith.cmpf ogt, %mul3A_900, %mul3A_901 : vector<16xf32>
        %select_n3A_903 = arith.select %gt3A_902, %max3A_899, %select_n3A_745 : vector<16xi1>, vector<16xf32>
        %select_n3A_904 = arith.select %gt3A_902, %get3A_895, %select_n3A_746 : vector<16xi1>, vector<16xf32>
        %select_n3A_905 = arith.select %gt3A_902, %broadcast_in_dim3A_753, %select_n3A_747 : vector<16xi1>, vector<16xi32>
        %mul3A_906 = arith.constant 8 : i32
        %mul3A_907 = arith.muli %scan3A_253, %mul3A_906 : i32
        %add3A_908 = arith.constant 4 : i32
        %add3A_909 = arith.addi %mul3A_907, %add3A_908 : i32
        %add3A_910 = arith.addi %add3A_201, %add3A_909 : i32
        %broadcast_in_dim3A_911 = vector.broadcast %add3A_910 : i32 to vector<16xi32>
        %get3A_912 = arith.index_cast %add3A_909 : i32 to index
        %get3A_913 = arith.constant 0 : index
        %get3A_914 = tpu.vector_load %arg9[%get3A_912, %get3A_913] {strides = array<i32>} : memref<128x128xf32, #tpu.memory_space<vmem>>, vector<16xf32>,
        %get3A_915 = arith.index_cast %add3A_909 : i32 to index
        %get3A_916 = arith.constant 0 : index
        %get3A_917 = tpu.vector_load %arg11[%get3A_915, %get3A_916] {strides = array<i32>} : memref<128x128xf32, #tpu.memory_space<vmem>>, vector<16xf32>,
        %get3A_918 = arith.index_cast %add3A_909 : i32 to index
        %get3A_919 = arith.constant 0 : index
        %get3A_920 = tpu.vector_load %arg13[%get3A_918, %get3A_919] {strides = array<i32>} : memref<128x128xf32, #tpu.memory_space<vmem>>, vector<16xf32>,
        %sub3A_921 = arith.subf %get3A_914, %get3A_917 : vector<16xf32>
        %max3A_922 = arith.constant 0.000000e+00 : f32
        %max3A_923 = vector.broadcast %max3A_922 : f32 to vector<16xf32>
        %max3A_924 = arith.maximumf %sub3A_921, %max3A_923 : vector<16xf32>
        %mul3A_925 = arith.mulf %max3A_924, %select_n3A_771 : vector<16xf32>
        %mul3A_926 = arith.mulf %select_n3A_770, %get3A_920 : vector<16xf32>
        %gt3A_927 = arith.cmpf ogt, %mul3A_925, %mul3A_926 : vector<16xf32>
        %select_n3A_928 = arith.select %gt3A_927, %max3A_924, %select_n3A_770 : vector<16xi1>, vector<16xf32>
        %select_n3A_929 = arith.select %gt3A_927, %get3A_920, %select_n3A_771 : vector<16xi1>, vector<16xf32>
        %select_n3A_930 = arith.select %gt3A_927, %broadcast_in_dim3A_911, %select_n3A_772 : vector<16xi1>, vector<16xi32>
        %get3A_931 = arith.index_cast %add3A_909 : i32 to index
        %get3A_932 = arith.constant 16 : index
        %get3A_933 = tpu.vector_load %arg9[%get3A_931, %get3A_932] {strides = array<i32>} : memref<128x128xf32, #tpu.memory_space<vmem>>, vector<16xf32>,
        %get3A_934 = arith.index_cast %add3A_909 : i32 to index
        %get3A_935 = arith.constant 16 : index
        %get3A_936 = tpu.vector_load %arg11[%get3A_934, %get3A_935] {strides = array<i32>} : memref<128x128xf32, #tpu.memory_space<vmem>>, vector<16xf32>,
        %get3A_937 = arith.index_cast %add3A_909 : i32 to index
        %get3A_938 = arith.constant 16 : index
        %get3A_939 = tpu.vector_load %arg13[%get3A_937, %get3A_938] {strides = array<i32>} : memref<128x128xf32, #tpu.memory_space<vmem>>, vector<16xf32>,
        %sub3A_940 = arith.subf %get3A_933, %get3A_936 : vector<16xf32>
        %max3A_941 = arith.constant 0.000000e+00 : f32
        %max3A_942 = vector.broadcast %max3A_941 : f32 to vector<16xf32>
        %max3A_943 = arith.maximumf %sub3A_940, %max3A_942 : vector<16xf32>
        %mul3A_944 = arith.mulf %max3A_943, %select_n3A_790 : vector<16xf32>
        %mul3A_945 = arith.mulf %select_n3A_789, %get3A_939 : vector<16xf32>
        %gt3A_946 = arith.cmpf ogt, %mul3A_944, %mul3A_945 : vector<16xf32>
        %select_n3A_947 = arith.select %gt3A_946, %max3A_943, %select_n3A_789 : vector<16xi1>, vector<16xf32>
        %select_n3A_948 = arith.select %gt3A_946, %get3A_939, %select_n3A_790 : vector<16xi1>, vector<16xf32>
        %select_n3A_949 = arith.select %gt3A_946, %broadcast_in_dim3A_911, %select_n3A_791 : vector<16xi1>, vector<16xi32>
        %get3A_950 = arith.index_cast %add3A_909 : i32 to index
        %get3A_951 = arith.constant 32 : index
        %get3A_952 = tpu.vector_load %arg9[%get3A_950, %get3A_951] {strides = array<i32>} : memref<128x128xf32, #tpu.memory_space<vmem>>, vector<16xf32>,
        %get3A_953 = arith.index_cast %add3A_909 : i32 to index
        %get3A_954 = arith.constant 32 : index
        %get3A_955 = tpu.vector_load %arg11[%get3A_953, %get3A_954] {strides = array<i32>} : memref<128x128xf32, #tpu.memory_space<vmem>>, vector<16xf32>,
        %get3A_956 = arith.index_cast %add3A_909 : i32 to index
        %get3A_957 = arith.constant 32 : index
        %get3A_958 = tpu.vector_load %arg13[%get3A_956, %get3A_957] {strides = array<i32>} : memref<128x128xf32, #tpu.memory_space<vmem>>, vector<16xf32>,
        %sub3A_959 = arith.subf %get3A_952, %get3A_955 : vector<16xf32>
        %max3A_960 = arith.constant 0.000000e+00 : f32
        %max3A_961 = vector.broadcast %max3A_960 : f32 to vector<16xf32>
        %max3A_962 = arith.maximumf %sub3A_959, %max3A_961 : vector<16xf32>
        %mul3A_963 = arith.mulf %max3A_962, %select_n3A_809 : vector<16xf32>
        %mul3A_964 = arith.mulf %select_n3A_808, %get3A_958 : vector<16xf32>
        %gt3A_965 = arith.cmpf ogt, %mul3A_963, %mul3A_964 : vector<16xf32>
        %select_n3A_966 = arith.select %gt3A_965, %max3A_962, %select_n3A_808 : vector<16xi1>, vector<16xf32>
        %select_n3A_967 = arith.select %gt3A_965, %get3A_958, %select_n3A_809 : vector<16xi1>, vector<16xf32>
        %select_n3A_968 = arith.select %gt3A_965, %broadcast_in_dim3A_911, %select_n3A_810 : vector<16xi1>, vector<16xi32>
        %get3A_969 = arith.index_cast %add3A_909 : i32 to index
        %get3A_970 = arith.constant 48 : index
        %get3A_971 = tpu.vector_load %arg9[%get3A_969, %get3A_970] {strides = array<i32>} : memref<128x128xf32, #tpu.memory_space<vmem>>, vector<16xf32>,
        %get3A_972 = arith.index_cast %add3A_909 : i32 to index
        %get3A_973 = arith.constant 48 : index
        %get3A_974 = tpu.vector_load %arg11[%get3A_972, %get3A_973] {strides = array<i32>} : memref<128x128xf32, #tpu.memory_space<vmem>>, vector<16xf32>,
        %get3A_975 = arith.index_cast %add3A_909 : i32 to index
        %get3A_976 = arith.constant 48 : index
        %get3A_977 = tpu.vector_load %arg13[%get3A_975, %get3A_976] {strides = array<i32>} : memref<128x128xf32, #tpu.memory_space<vmem>>, vector<16xf32>,
        %sub3A_978 = arith.subf %get3A_971, %get3A_974 : vector<16xf32>
        %max3A_979 = arith.constant 0.000000e+00 : f32
        %max3A_980 = vector.broadcast %max3A_979 : f32 to vector<16xf32>
        %max3A_981 = arith.maximumf %sub3A_978, %max3A_980 : vector<16xf32>
        %mul3A_982 = arith.mulf %max3A_981, %select_n3A_828 : vector<16xf32>
        %mul3A_983 = arith.mulf %select_n3A_827, %get3A_977 : vector<16xf32>
        %gt3A_984 = arith.cmpf ogt, %mul3A_982, %mul3A_983 : vector<16xf32>
        %select_n3A_985 = arith.select %gt3A_984, %max3A_981, %select_n3A_827 : vector<16xi1>, vector<16xf32>
        %select_n3A_986 = arith.select %gt3A_984, %get3A_977, %select_n3A_828 : vector<16xi1>, vector<16xf32>
        %select_n3A_987 = arith.select %gt3A_984, %broadcast_in_dim3A_911, %select_n3A_829 : vector<16xi1>, vector<16xi32>
        %get3A_988 = arith.index_cast %add3A_909 : i32 to index
        %get3A_989 = arith.constant 64 : index
        %get3A_990 = tpu.vector_load %arg9[%get3A_988, %get3A_989] {strides = array<i32>} : memref<128x128xf32, #tpu.memory_space<vmem>>, vector<16xf32>,
        %get3A_991 = arith.index_cast %add3A_909 : i32 to index
        %get3A_992 = arith.constant 64 : index
        %get3A_993 = tpu.vector_load %arg11[%get3A_991, %get3A_992] {strides = array<i32>} : memref<128x128xf32, #tpu.memory_space<vmem>>, vector<16xf32>,
        %get3A_994 = arith.index_cast %add3A_909 : i32 to index
        %get3A_995 = arith.constant 64 : index
        %get3A_996 = tpu.vector_load %arg13[%get3A_994, %get3A_995] {strides = array<i32>} : memref<128x128xf32, #tpu.memory_space<vmem>>, vector<16xf32>,
        %sub3A_997 = arith.subf %get3A_990, %get3A_993 : vector<16xf32>
        %max3A_998 = arith.constant 0.000000e+00 : f32
        %max3A_999 = vector.broadcast %max3A_998 : f32 to vector<16xf32>
        %max3A_1000 = arith.maximumf %sub3A_997, %max3A_999 : vector<16xf32>
        %mul3A_1001 = arith.mulf %max3A_1000, %select_n3A_847 : vector<16xf32>
        %mul3A_1002 = arith.mulf %select_n3A_846, %get3A_996 : vector<16xf32>
        %gt3A_1003 = arith.cmpf ogt, %mul3A_1001, %mul3A_1002 : vector<16xf32>
        %select_n3A_1004 = arith.select %gt3A_1003, %max3A_1000, %select_n3A_846 : vector<16xi1>, vector<16xf32>
        %select_n3A_1005 = arith.select %gt3A_1003, %get3A_996, %select_n3A_847 : vector<16xi1>, vector<16xf32>
        %select_n3A_1006 = arith.select %gt3A_1003, %broadcast_in_dim3A_911, %select_n3A_848 : vector<16xi1>, vector<16xi32>
        %get3A_1007 = arith.index_cast %add3A_909 : i32 to index
        %get3A_1008 = arith.constant 80 : index
        %get3A_1009 = tpu.vector_load %arg9[%get3A_1007, %get3A_1008] {strides = array<i32>} : memref<128x128xf32, #tpu.memory_space<vmem>>, vector<16xf32>,
        %get3A_1010 = arith.index_cast %add3A_909 : i32 to index
        %get3A_1011 = arith.constant 80 : index
        %get3A_1012 = tpu.vector_load %arg11[%get3A_1010, %get3A_1011] {strides = array<i32>} : memref<128x128xf32, #tpu.memory_space<vmem>>, vector<16xf32>,
        %get3A_1013 = arith.index_cast %add3A_909 : i32 to index
        %get3A_1014 = arith.constant 80 : index
        %get3A_1015 = tpu.vector_load %arg13[%get3A_1013, %get3A_1014] {strides = array<i32>} : memref<128x128xf32, #tpu.memory_space<vmem>>, vector<16xf32>,
        %sub3A_1016 = arith.subf %get3A_1009, %get3A_1012 : vector<16xf32>
        %max3A_1017 = arith.constant 0.000000e+00 : f32
        %max3A_1018 = vector.broadcast %max3A_1017 : f32 to vector<16xf32>
        %max3A_1019 = arith.maximumf %sub3A_1016, %max3A_1018 : vector<16xf32>
        %mul3A_1020 = arith.mulf %max3A_1019, %select_n3A_866 : vector<16xf32>
        %mul3A_1021 = arith.mulf %select_n3A_865, %get3A_1015 : vector<16xf32>
        %gt3A_1022 = arith.cmpf ogt, %mul3A_1020, %mul3A_1021 : vector<16xf32>
        %select_n3A_1023 = arith.select %gt3A_1022, %max3A_1019, %select_n3A_865 : vector<16xi1>, vector<16xf32>
        %select_n3A_1024 = arith.select %gt3A_1022, %get3A_1015, %select_n3A_866 : vector<16xi1>, vector<16xf32>
        %select_n3A_1025 = arith.select %gt3A_1022, %broadcast_in_dim3A_911, %select_n3A_867 : vector<16xi1>, vector<16xi32>
        %get3A_1026 = arith.index_cast %add3A_909 : i32 to index
        %get3A_1027 = arith.constant 96 : index
        %get3A_1028 = tpu.vector_load %arg9[%get3A_1026, %get3A_1027] {strides = array<i32>} : memref<128x128xf32, #tpu.memory_space<vmem>>, vector<16xf32>,
        %get3A_1029 = arith.index_cast %add3A_909 : i32 to index
        %get3A_1030 = arith.constant 96 : index
        %get3A_1031 = tpu.vector_load %arg11[%get3A_1029, %get3A_1030] {strides = array<i32>} : memref<128x128xf32, #tpu.memory_space<vmem>>, vector<16xf32>,
        %get3A_1032 = arith.index_cast %add3A_909 : i32 to index
        %get3A_1033 = arith.constant 96 : index
        %get3A_1034 = tpu.vector_load %arg13[%get3A_1032, %get3A_1033] {strides = array<i32>} : memref<128x128xf32, #tpu.memory_space<vmem>>, vector<16xf32>,
        %sub3A_1035 = arith.subf %get3A_1028, %get3A_1031 : vector<16xf32>
        %max3A_1036 = arith.constant 0.000000e+00 : f32
        %max3A_1037 = vector.broadcast %max3A_1036 : f32 to vector<16xf32>
        %max3A_1038 = arith.maximumf %sub3A_1035, %max3A_1037 : vector<16xf32>
        %mul3A_1039 = arith.mulf %max3A_1038, %select_n3A_885 : vector<16xf32>
        %mul3A_1040 = arith.mulf %select_n3A_884, %get3A_1034 : vector<16xf32>
        %gt3A_1041 = arith.cmpf ogt, %mul3A_1039, %mul3A_1040 : vector<16xf32>
        %select_n3A_1042 = arith.select %gt3A_1041, %max3A_1038, %select_n3A_884 : vector<16xi1>, vector<16xf32>
        %select_n3A_1043 = arith.select %gt3A_1041, %get3A_1034, %select_n3A_885 : vector<16xi1>, vector<16xf32>
        %select_n3A_1044 = arith.select %gt3A_1041, %broadcast_in_dim3A_911, %select_n3A_886 : vector<16xi1>, vector<16xi32>
        %get3A_1045 = arith.index_cast %add3A_909 : i32 to index
        %get3A_1046 = arith.constant 112 : index
        %get3A_1047 = tpu.vector_load %arg9[%get3A_1045, %get3A_1046] {strides = array<i32>} : memref<128x128xf32, #tpu.memory_space<vmem>>, vector<16xf32>,
        %get3A_1048 = arith.index_cast %add3A_909 : i32 to index
        %get3A_1049 = arith.constant 112 : index
        %get3A_1050 = tpu.vector_load %arg11[%get3A_1048, %get3A_1049] {strides = array<i32>} : memref<128x128xf32, #tpu.memory_space<vmem>>, vector<16xf32>,
        %get3A_1051 = arith.index_cast %add3A_909 : i32 to index
        %get3A_1052 = arith.constant 112 : index
        %get3A_1053 = tpu.vector_load %arg13[%get3A_1051, %get3A_1052] {strides = array<i32>} : memref<128x128xf32, #tpu.memory_space<vmem>>, vector<16xf32>,
        %sub3A_1054 = arith.subf %get3A_1047, %get3A_1050 : vector<16xf32>
        %max3A_1055 = arith.constant 0.000000e+00 : f32
        %max3A_1056 = vector.broadcast %max3A_1055 : f32 to vector<16xf32>
        %max3A_1057 = arith.maximumf %sub3A_1054, %max3A_1056 : vector<16xf32>
        %mul3A_1058 = arith.mulf %max3A_1057, %select_n3A_904 : vector<16xf32>
        %mul3A_1059 = arith.mulf %select_n3A_903, %get3A_1053 : vector<16xf32>
        %gt3A_1060 = arith.cmpf ogt, %mul3A_1058, %mul3A_1059 : vector<16xf32>
        %select_n3A_1061 = arith.select %gt3A_1060, %max3A_1057, %select_n3A_903 : vector<16xi1>, vector<16xf32>
        %select_n3A_1062 = arith.select %gt3A_1060, %get3A_1053, %select_n3A_904 : vector<16xi1>, vector<16xf32>
        %select_n3A_1063 = arith.select %gt3A_1060, %broadcast_in_dim3A_911, %select_n3A_905 : vector<16xi1>, vector<16xi32>
        %mul3A_1064 = arith.constant 8 : i32
        %mul3A_1065 = arith.muli %scan3A_253, %mul3A_1064 : i32
        %add3A_1066 = arith.constant 5 : i32
        %add3A_1067 = arith.addi %mul3A_1065, %add3A_1066 : i32
        %add3A_1068 = arith.addi %add3A_201, %add3A_1067 : i32
        %broadcast_in_dim3A_1069 = vector.broadcast %add3A_1068 : i32 to vector<16xi32>
        %get3A_1070 = arith.index_cast %add3A_1067 : i32 to index
        %get3A_1071 = arith.constant 0 : index
        %get3A_1072 = tpu.vector_load %arg9[%get3A_1070, %get3A_1071] {strides = array<i32>} : memref<128x128xf32, #tpu.memory_space<vmem>>, vector<16xf32>,
        %get3A_1073 = arith.index_cast %add3A_1067 : i32 to index
        %get3A_1074 = arith.constant 0 : index
        %get3A_1075 = tpu.vector_load %arg11[%get3A_1073, %get3A_1074] {strides = array<i32>} : memref<128x128xf32, #tpu.memory_space<vmem>>, vector<16xf32>,
        %get3A_1076 = arith.index_cast %add3A_1067 : i32 to index
        %get3A_1077 = arith.constant 0 : index
        %get3A_1078 = tpu.vector_load %arg13[%get3A_1076, %get3A_1077] {strides = array<i32>} : memref<128x128xf32, #tpu.memory_space<vmem>>, vector<16xf32>,
        %sub3A_1079 = arith.subf %get3A_1072, %get3A_1075 : vector<16xf32>
        %max3A_1080 = arith.constant 0.000000e+00 : f32
        %max3A_1081 = vector.broadcast %max3A_1080 : f32 to vector<16xf32>
        %max3A_1082 = arith.maximumf %sub3A_1079, %max3A_1081 : vector<16xf32>
        %mul3A_1083 = arith.mulf %max3A_1082, %select_n3A_929 : vector<16xf32>
        %mul3A_1084 = arith.mulf %select_n3A_928, %get3A_1078 : vector<16xf32>
        %gt3A_1085 = arith.cmpf ogt, %mul3A_1083, %mul3A_1084 : vector<16xf32>
        %select_n3A_1086 = arith.select %gt3A_1085, %max3A_1082, %select_n3A_928 : vector<16xi1>, vector<16xf32>
        %select_n3A_1087 = arith.select %gt3A_1085, %get3A_1078, %select_n3A_929 : vector<16xi1>, vector<16xf32>
        %select_n3A_1088 = arith.select %gt3A_1085, %broadcast_in_dim3A_1069, %select_n3A_930 : vector<16xi1>, vector<16xi32>
        %get3A_1089 = arith.index_cast %add3A_1067 : i32 to index
        %get3A_1090 = arith.constant 16 : index
        %get3A_1091 = tpu.vector_load %arg9[%get3A_1089, %get3A_1090] {strides = array<i32>} : memref<128x128xf32, #tpu.memory_space<vmem>>, vector<16xf32>,
        %get3A_1092 = arith.index_cast %add3A_1067 : i32 to index
        %get3A_1093 = arith.constant 16 : index
        %get3A_1094 = tpu.vector_load %arg11[%get3A_1092, %get3A_1093] {strides = array<i32>} : memref<128x128xf32, #tpu.memory_space<vmem>>, vector<16xf32>,
        %get3A_1095 = arith.index_cast %add3A_1067 : i32 to index
        %get3A_1096 = arith.constant 16 : index
        %get3A_1097 = tpu.vector_load %arg13[%get3A_1095, %get3A_1096] {strides = array<i32>} : memref<128x128xf32, #tpu.memory_space<vmem>>, vector<16xf32>,
        %sub3A_1098 = arith.subf %get3A_1091, %get3A_1094 : vector<16xf32>
        %max3A_1099 = arith.constant 0.000000e+00 : f32
        %max3A_1100 = vector.broadcast %max3A_1099 : f32 to vector<16xf32>
        %max3A_1101 = arith.maximumf %sub3A_1098, %max3A_1100 : vector<16xf32>
        %mul3A_1102 = arith.mulf %max3A_1101, %select_n3A_948 : vector<16xf32>
        %mul3A_1103 = arith.mulf %select_n3A_947, %get3A_1097 : vector<16xf32>
        %gt3A_1104 = arith.cmpf ogt, %mul3A_1102, %mul3A_1103 : vector<16xf32>
        %select_n3A_1105 = arith.select %gt3A_1104, %max3A_1101, %select_n3A_947 : vector<16xi1>, vector<16xf32>
        %select_n3A_1106 = arith.select %gt3A_1104, %get3A_1097, %select_n3A_948 : vector<16xi1>, vector<16xf32>
        %select_n3A_1107 = arith.select %gt3A_1104, %broadcast_in_dim3A_1069, %select_n3A_949 : vector<16xi1>, vector<16xi32>
        %get3A_1108 = arith.index_cast %add3A_1067 : i32 to index
        %get3A_1109 = arith.constant 32 : index
        %get3A_1110 = tpu.vector_load %arg9[%get3A_1108, %get3A_1109] {strides = array<i32>} : memref<128x128xf32, #tpu.memory_space<vmem>>, vector<16xf32>,
        %get3A_1111 = arith.index_cast %add3A_1067 : i32 to index
        %get3A_1112 = arith.constant 32 : index
        %get3A_1113 = tpu.vector_load %arg11[%get3A_1111, %get3A_1112] {strides = array<i32>} : memref<128x128xf32, #tpu.memory_space<vmem>>, vector<16xf32>,
        %get3A_1114 = arith.index_cast %add3A_1067 : i32 to index
        %get3A_1115 = arith.constant 32 : index
        %get3A_1116 = tpu.vector_load %arg13[%get3A_1114, %get3A_1115] {strides = array<i32>} : memref<128x128xf32, #tpu.memory_space<vmem>>, vector<16xf32>,
        %sub3A_1117 = arith.subf %get3A_1110, %get3A_1113 : vector<16xf32>
        %max3A_1118 = arith.constant 0.000000e+00 : f32
        %max3A_1119 = vector.broadcast %max3A_1118 : f32 to vector<16xf32>
        %max3A_1120 = arith.maximumf %sub3A_1117, %max3A_1119 : vector<16xf32>
        %mul3A_1121 = arith.mulf %max3A_1120, %select_n3A_967 : vector<16xf32>
        %mul3A_1122 = arith.mulf %select_n3A_966, %get3A_1116 : vector<16xf32>
        %gt3A_1123 = arith.cmpf ogt, %mul3A_1121, %mul3A_1122 : vector<16xf32>
        %select_n3A_1124 = arith.select %gt3A_1123, %max3A_1120, %select_n3A_966 : vector<16xi1>, vector<16xf32>
        %select_n3A_1125 = arith.select %gt3A_1123, %get3A_1116, %select_n3A_967 : vector<16xi1>, vector<16xf32>
        %select_n3A_1126 = arith.select %gt3A_1123, %broadcast_in_dim3A_1069, %select_n3A_968 : vector<16xi1>, vector<16xi32>
        %get3A_1127 = arith.index_cast %add3A_1067 : i32 to index
        %get3A_1128 = arith.constant 48 : index
        %get3A_1129 = tpu.vector_load %arg9[%get3A_1127, %get3A_1128] {strides = array<i32>} : memref<128x128xf32, #tpu.memory_space<vmem>>, vector<16xf32>,
        %get3A_1130 = arith.index_cast %add3A_1067 : i32 to index
        %get3A_1131 = arith.constant 48 : index
        %get3A_1132 = tpu.vector_load %arg11[%get3A_1130, %get3A_1131] {strides = array<i32>} : memref<128x128xf32, #tpu.memory_space<vmem>>, vector<16xf32>,
        %get3A_1133 = arith.index_cast %add3A_1067 : i32 to index
        %get3A_1134 = arith.constant 48 : index
        %get3A_1135 = tpu.vector_load %arg13[%get3A_1133, %get3A_1134] {strides = array<i32>} : memref<128x128xf32, #tpu.memory_space<vmem>>, vector<16xf32>,
        %sub3A_1136 = arith.subf %get3A_1129, %get3A_1132 : vector<16xf32>
        %max3A_1137 = arith.constant 0.000000e+00 : f32
        %max3A_1138 = vector.broadcast %max3A_1137 : f32 to vector<16xf32>
        %max3A_1139 = arith.maximumf %sub3A_1136, %max3A_1138 : vector<16xf32>
        %mul3A_1140 = arith.mulf %max3A_1139, %select_n3A_986 : vector<16xf32>
        %mul3A_1141 = arith.mulf %select_n3A_985, %get3A_1135 : vector<16xf32>
        %gt3A_1142 = arith.cmpf ogt, %mul3A_1140, %mul3A_1141 : vector<16xf32>
        %select_n3A_1143 = arith.select %gt3A_1142, %max3A_1139, %select_n3A_985 : vector<16xi1>, vector<16xf32>
        %select_n3A_1144 = arith.select %gt3A_1142, %get3A_1135, %select_n3A_986 : vector<16xi1>, vector<16xf32>
        %select_n3A_1145 = arith.select %gt3A_1142, %broadcast_in_dim3A_1069, %select_n3A_987 : vector<16xi1>, vector<16xi32>
        %get3A_1146 = arith.index_cast %add3A_1067 : i32 to index
        %get3A_1147 = arith.constant 64 : index
        %get3A_1148 = tpu.vector_load %arg9[%get3A_1146, %get3A_1147] {strides = array<i32>} : memref<128x128xf32, #tpu.memory_space<vmem>>, vector<16xf32>,
        %get3A_1149 = arith.index_cast %add3A_1067 : i32 to index
        %get3A_1150 = arith.constant 64 : index
        %get3A_1151 = tpu.vector_load %arg11[%get3A_1149, %get3A_1150] {strides = array<i32>} : memref<128x128xf32, #tpu.memory_space<vmem>>, vector<16xf32>,
        %get3A_1152 = arith.index_cast %add3A_1067 : i32 to index
        %get3A_1153 = arith.constant 64 : index
        %get3A_1154 = tpu.vector_load %arg13[%get3A_1152, %get3A_1153] {strides = array<i32>} : memref<128x128xf32, #tpu.memory_space<vmem>>, vector<16xf32>,
        %sub3A_1155 = arith.subf %get3A_1148, %get3A_1151 : vector<16xf32>
        %max3A_1156 = arith.constant 0.000000e+00 : f32
        %max3A_1157 = vector.broadcast %max3A_1156 : f32 to vector<16xf32>
        %max3A_1158 = arith.maximumf %sub3A_1155, %max3A_1157 : vector<16xf32>
        %mul3A_1159 = arith.mulf %max3A_1158, %select_n3A_1005 : vector<16xf32>
        %mul3A_1160 = arith.mulf %select_n3A_1004, %get3A_1154 : vector<16xf32>
        %gt3A_1161 = arith.cmpf ogt, %mul3A_1159, %mul3A_1160 : vector<16xf32>
        %select_n3A_1162 = arith.select %gt3A_1161, %max3A_1158, %select_n3A_1004 : vector<16xi1>, vector<16xf32>
        %select_n3A_1163 = arith.select %gt3A_1161, %get3A_1154, %select_n3A_1005 : vector<16xi1>, vector<16xf32>
        %select_n3A_1164 = arith.select %gt3A_1161, %broadcast_in_dim3A_1069, %select_n3A_1006 : vector<16xi1>, vector<16xi32>
        %get3A_1165 = arith.index_cast %add3A_1067 : i32 to index
        %get3A_1166 = arith.constant 80 : index
        %get3A_1167 = tpu.vector_load %arg9[%get3A_1165, %get3A_1166] {strides = array<i32>} : memref<128x128xf32, #tpu.memory_space<vmem>>, vector<16xf32>,
        %get3A_1168 = arith.index_cast %add3A_1067 : i32 to index
        %get3A_1169 = arith.constant 80 : index
        %get3A_1170 = tpu.vector_load %arg11[%get3A_1168, %get3A_1169] {strides = array<i32>} : memref<128x128xf32, #tpu.memory_space<vmem>>, vector<16xf32>,
        %get3A_1171 = arith.index_cast %add3A_1067 : i32 to index
        %get3A_1172 = arith.constant 80 : index
        %get3A_1173 = tpu.vector_load %arg13[%get3A_1171, %get3A_1172] {strides = array<i32>} : memref<128x128xf32, #tpu.memory_space<vmem>>, vector<16xf32>,
        %sub3A_1174 = arith.subf %get3A_1167, %get3A_1170 : vector<16xf32>
        %max3A_1175 = arith.constant 0.000000e+00 : f32
        %max3A_1176 = vector.broadcast %max3A_1175 : f32 to vector<16xf32>
        %max3A_1177 = arith.maximumf %sub3A_1174, %max3A_1176 : vector<16xf32>
        %mul3A_1178 = arith.mulf %max3A_1177, %select_n3A_1024 : vector<16xf32>
        %mul3A_1179 = arith.mulf %select_n3A_1023, %get3A_1173 : vector<16xf32>
        %gt3A_1180 = arith.cmpf ogt, %mul3A_1178, %mul3A_1179 : vector<16xf32>
        %select_n3A_1181 = arith.select %gt3A_1180, %max3A_1177, %select_n3A_1023 : vector<16xi1>, vector<16xf32>
        %select_n3A_1182 = arith.select %gt3A_1180, %get3A_1173, %select_n3A_1024 : vector<16xi1>, vector<16xf32>
        %select_n3A_1183 = arith.select %gt3A_1180, %broadcast_in_dim3A_1069, %select_n3A_1025 : vector<16xi1>, vector<16xi32>
        %get3A_1184 = arith.index_cast %add3A_1067 : i32 to index
        %get3A_1185 = arith.constant 96 : index
        %get3A_1186 = tpu.vector_load %arg9[%get3A_1184, %get3A_1185] {strides = array<i32>} : memref<128x128xf32, #tpu.memory_space<vmem>>, vector<16xf32>,
        %get3A_1187 = arith.index_cast %add3A_1067 : i32 to index
        %get3A_1188 = arith.constant 96 : index
        %get3A_1189 = tpu.vector_load %arg11[%get3A_1187, %get3A_1188] {strides = array<i32>} : memref<128x128xf32, #tpu.memory_space<vmem>>, vector<16xf32>,
        %get3A_1190 = arith.index_cast %add3A_1067 : i32 to index
        %get3A_1191 = arith.constant 96 : index
        %get3A_1192 = tpu.vector_load %arg13[%get3A_1190, %get3A_1191] {strides = array<i32>} : memref<128x128xf32, #tpu.memory_space<vmem>>, vector<16xf32>,
        %sub3A_1193 = arith.subf %get3A_1186, %get3A_1189 : vector<16xf32>
        %max3A_1194 = arith.constant 0.000000e+00 : f32
        %max3A_1195 = vector.broadcast %max3A_1194 : f32 to vector<16xf32>
        %max3A_1196 = arith.maximumf %sub3A_1193, %max3A_1195 : vector<16xf32>
        %mul3A_1197 = arith.mulf %max3A_1196, %select_n3A_1043 : vector<16xf32>
        %mul3A_1198 = arith.mulf %select_n3A_1042, %get3A_1192 : vector<16xf32>
        %gt3A_1199 = arith.cmpf ogt, %mul3A_1197, %mul3A_1198 : vector<16xf32>
        %select_n3A_1200 = arith.select %gt3A_1199, %max3A_1196, %select_n3A_1042 : vector<16xi1>, vector<16xf32>
        %select_n3A_1201 = arith.select %gt3A_1199, %get3A_1192, %select_n3A_1043 : vector<16xi1>, vector<16xf32>
        %select_n3A_1202 = arith.select %gt3A_1199, %broadcast_in_dim3A_1069, %select_n3A_1044 : vector<16xi1>, vector<16xi32>
        %get3A_1203 = arith.index_cast %add3A_1067 : i32 to index
        %get3A_1204 = arith.constant 112 : index
        %get3A_1205 = tpu.vector_load %arg9[%get3A_1203, %get3A_1204] {strides = array<i32>} : memref<128x128xf32, #tpu.memory_space<vmem>>, vector<16xf32>,
        %get3A_1206 = arith.index_cast %add3A_1067 : i32 to index
        %get3A_1207 = arith.constant 112 : index
        %get3A_1208 = tpu.vector_load %arg11[%get3A_1206, %get3A_1207] {strides = array<i32>} : memref<128x128xf32, #tpu.memory_space<vmem>>, vector<16xf32>,
        %get3A_1209 = arith.index_cast %add3A_1067 : i32 to index
        %get3A_1210 = arith.constant 112 : index
        %get3A_1211 = tpu.vector_load %arg13[%get3A_1209, %get3A_1210] {strides = array<i32>} : memref<128x128xf32, #tpu.memory_space<vmem>>, vector<16xf32>,
        %sub3A_1212 = arith.subf %get3A_1205, %get3A_1208 : vector<16xf32>
        %max3A_1213 = arith.constant 0.000000e+00 : f32
        %max3A_1214 = vector.broadcast %max3A_1213 : f32 to vector<16xf32>
        %max3A_1215 = arith.maximumf %sub3A_1212, %max3A_1214 : vector<16xf32>
        %mul3A_1216 = arith.mulf %max3A_1215, %select_n3A_1062 : vector<16xf32>
        %mul3A_1217 = arith.mulf %select_n3A_1061, %get3A_1211 : vector<16xf32>
        %gt3A_1218 = arith.cmpf ogt, %mul3A_1216, %mul3A_1217 : vector<16xf32>
        %select_n3A_1219 = arith.select %gt3A_1218, %max3A_1215, %select_n3A_1061 : vector<16xi1>, vector<16xf32>
        %select_n3A_1220 = arith.select %gt3A_1218, %get3A_1211, %select_n3A_1062 : vector<16xi1>, vector<16xf32>
        %select_n3A_1221 = arith.select %gt3A_1218, %broadcast_in_dim3A_1069, %select_n3A_1063 : vector<16xi1>, vector<16xi32>
        %mul3A_1222 = arith.constant 8 : i32
        %mul3A_1223 = arith.muli %scan3A_253, %mul3A_1222 : i32
        %add3A_1224 = arith.constant 6 : i32
        %add3A_1225 = arith.addi %mul3A_1223, %add3A_1224 : i32
        %add3A_1226 = arith.addi %add3A_201, %add3A_1225 : i32
        %broadcast_in_dim3A_1227 = vector.broadcast %add3A_1226 : i32 to vector<16xi32>
        %get3A_1228 = arith.index_cast %add3A_1225 : i32 to index
        %get3A_1229 = arith.constant 0 : index
        %get3A_1230 = tpu.vector_load %arg9[%get3A_1228, %get3A_1229] {strides = array<i32>} : memref<128x128xf32, #tpu.memory_space<vmem>>, vector<16xf32>,
        %get3A_1231 = arith.index_cast %add3A_1225 : i32 to index
        %get3A_1232 = arith.constant 0 : index
        %get3A_1233 = tpu.vector_load %arg11[%get3A_1231, %get3A_1232] {strides = array<i32>} : memref<128x128xf32, #tpu.memory_space<vmem>>, vector<16xf32>,
        %get3A_1234 = arith.index_cast %add3A_1225 : i32 to index
        %get3A_1235 = arith.constant 0 : index
        %get3A_1236 = tpu.vector_load %arg13[%get3A_1234, %get3A_1235] {strides = array<i32>} : memref<128x128xf32, #tpu.memory_space<vmem>>, vector<16xf32>,
        %sub3A_1237 = arith.subf %get3A_1230, %get3A_1233 : vector<16xf32>
        %max3A_1238 = arith.constant 0.000000e+00 : f32
        %max3A_1239 = vector.broadcast %max3A_1238 : f32 to vector<16xf32>
        %max3A_1240 = arith.maximumf %sub3A_1237, %max3A_1239 : vector<16xf32>
        %mul3A_1241 = arith.mulf %max3A_1240, %select_n3A_1087 : vector<16xf32>
        %mul3A_1242 = arith.mulf %select_n3A_1086, %get3A_1236 : vector<16xf32>
        %gt3A_1243 = arith.cmpf ogt, %mul3A_1241, %mul3A_1242 : vector<16xf32>
        %select_n3A_1244 = arith.select %gt3A_1243, %max3A_1240, %select_n3A_1086 : vector<16xi1>, vector<16xf32>
        %select_n3A_1245 = arith.select %gt3A_1243, %get3A_1236, %select_n3A_1087 : vector<16xi1>, vector<16xf32>
        %select_n3A_1246 = arith.select %gt3A_1243, %broadcast_in_dim3A_1227, %select_n3A_1088 : vector<16xi1>, vector<16xi32>
        %get3A_1247 = arith.index_cast %add3A_1225 : i32 to index
        %get3A_1248 = arith.constant 16 : index
        %get3A_1249 = tpu.vector_load %arg9[%get3A_1247, %get3A_1248] {strides = array<i32>} : memref<128x128xf32, #tpu.memory_space<vmem>>, vector<16xf32>,
        %get3A_1250 = arith.index_cast %add3A_1225 : i32 to index
        %get3A_1251 = arith.constant 16 : index
        %get3A_1252 = tpu.vector_load %arg11[%get3A_1250, %get3A_1251] {strides = array<i32>} : memref<128x128xf32, #tpu.memory_space<vmem>>, vector<16xf32>,
        %get3A_1253 = arith.index_cast %add3A_1225 : i32 to index
        %get3A_1254 = arith.constant 16 : index
        %get3A_1255 = tpu.vector_load %arg13[%get3A_1253, %get3A_1254] {strides = array<i32>} : memref<128x128xf32, #tpu.memory_space<vmem>>, vector<16xf32>,
        %sub3A_1256 = arith.subf %get3A_1249, %get3A_1252 : vector<16xf32>
        %max3A_1257 = arith.constant 0.000000e+00 : f32
        %max3A_1258 = vector.broadcast %max3A_1257 : f32 to vector<16xf32>
        %max3A_1259 = arith.maximumf %sub3A_1256, %max3A_1258 : vector<16xf32>
        %mul3A_1260 = arith.mulf %max3A_1259, %select_n3A_1106 : vector<16xf32>
        %mul3A_1261 = arith.mulf %select_n3A_1105, %get3A_1255 : vector<16xf32>
        %gt3A_1262 = arith.cmpf ogt, %mul3A_1260, %mul3A_1261 : vector<16xf32>
        %select_n3A_1263 = arith.select %gt3A_1262, %max3A_1259, %select_n3A_1105 : vector<16xi1>, vector<16xf32>
        %select_n3A_1264 = arith.select %gt3A_1262, %get3A_1255, %select_n3A_1106 : vector<16xi1>, vector<16xf32>
        %select_n3A_1265 = arith.select %gt3A_1262, %broadcast_in_dim3A_1227, %select_n3A_1107 : vector<16xi1>, vector<16xi32>
        %get3A_1266 = arith.index_cast %add3A_1225 : i32 to index
        %get3A_1267 = arith.constant 32 : index
        %get3A_1268 = tpu.vector_load %arg9[%get3A_1266, %get3A_1267] {strides = array<i32>} : memref<128x128xf32, #tpu.memory_space<vmem>>, vector<16xf32>,
        %get3A_1269 = arith.index_cast %add3A_1225 : i32 to index
        %get3A_1270 = arith.constant 32 : index
        %get3A_1271 = tpu.vector_load %arg11[%get3A_1269, %get3A_1270] {strides = array<i32>} : memref<128x128xf32, #tpu.memory_space<vmem>>, vector<16xf32>,
        %get3A_1272 = arith.index_cast %add3A_1225 : i32 to index
        %get3A_1273 = arith.constant 32 : index
        %get3A_1274 = tpu.vector_load %arg13[%get3A_1272, %get3A_1273] {strides = array<i32>} : memref<128x128xf32, #tpu.memory_space<vmem>>, vector<16xf32>,
        %sub3A_1275 = arith.subf %get3A_1268, %get3A_1271 : vector<16xf32>
        %max3A_1276 = arith.constant 0.000000e+00 : f32
        %max3A_1277 = vector.broadcast %max3A_1276 : f32 to vector<16xf32>
        %max3A_1278 = arith.maximumf %sub3A_1275, %max3A_1277 : vector<16xf32>
        %mul3A_1279 = arith.mulf %max3A_1278, %select_n3A_1125 : vector<16xf32>
        %mul3A_1280 = arith.mulf %select_n3A_1124, %get3A_1274 : vector<16xf32>
        %gt3A_1281 = arith.cmpf ogt, %mul3A_1279, %mul3A_1280 : vector<16xf32>
        %select_n3A_1282 = arith.select %gt3A_1281, %max3A_1278, %select_n3A_1124 : vector<16xi1>, vector<16xf32>
        %select_n3A_1283 = arith.select %gt3A_1281, %get3A_1274, %select_n3A_1125 : vector<16xi1>, vector<16xf32>
        %select_n3A_1284 = arith.select %gt3A_1281, %broadcast_in_dim3A_1227, %select_n3A_1126 : vector<16xi1>, vector<16xi32>
        %get3A_1285 = arith.index_cast %add3A_1225 : i32 to index
        %get3A_1286 = arith.constant 48 : index
        %get3A_1287 = tpu.vector_load %arg9[%get3A_1285, %get3A_1286] {strides = array<i32>} : memref<128x128xf32, #tpu.memory_space<vmem>>, vector<16xf32>,
        %get3A_1288 = arith.index_cast %add3A_1225 : i32 to index
        %get3A_1289 = arith.constant 48 : index
        %get3A_1290 = tpu.vector_load %arg11[%get3A_1288, %get3A_1289] {strides = array<i32>} : memref<128x128xf32, #tpu.memory_space<vmem>>, vector<16xf32>,
        %get3A_1291 = arith.index_cast %add3A_1225 : i32 to index
        %get3A_1292 = arith.constant 48 : index
        %get3A_1293 = tpu.vector_load %arg13[%get3A_1291, %get3A_1292] {strides = array<i32>} : memref<128x128xf32, #tpu.memory_space<vmem>>, vector<16xf32>,
        %sub3A_1294 = arith.subf %get3A_1287, %get3A_1290 : vector<16xf32>
        %max3A_1295 = arith.constant 0.000000e+00 : f32
        %max3A_1296 = vector.broadcast %max3A_1295 : f32 to vector<16xf32>
        %max3A_1297 = arith.maximumf %sub3A_1294, %max3A_1296 : vector<16xf32>
        %mul3A_1298 = arith.mulf %max3A_1297, %select_n3A_1144 : vector<16xf32>
        %mul3A_1299 = arith.mulf %select_n3A_1143, %get3A_1293 : vector<16xf32>
        %gt3A_1300 = arith.cmpf ogt, %mul3A_1298, %mul3A_1299 : vector<16xf32>
        %select_n3A_1301 = arith.select %gt3A_1300, %max3A_1297, %select_n3A_1143 : vector<16xi1>, vector<16xf32>
        %select_n3A_1302 = arith.select %gt3A_1300, %get3A_1293, %select_n3A_1144 : vector<16xi1>, vector<16xf32>
        %select_n3A_1303 = arith.select %gt3A_1300, %broadcast_in_dim3A_1227, %select_n3A_1145 : vector<16xi1>, vector<16xi32>
        %get3A_1304 = arith.index_cast %add3A_1225 : i32 to index
        %get3A_1305 = arith.constant 64 : index
        %get3A_1306 = tpu.vector_load %arg9[%get3A_1304, %get3A_1305] {strides = array<i32>} : memref<128x128xf32, #tpu.memory_space<vmem>>, vector<16xf32>,
        %get3A_1307 = arith.index_cast %add3A_1225 : i32 to index
        %get3A_1308 = arith.constant 64 : index
        %get3A_1309 = tpu.vector_load %arg11[%get3A_1307, %get3A_1308] {strides = array<i32>} : memref<128x128xf32, #tpu.memory_space<vmem>>, vector<16xf32>,
        %get3A_1310 = arith.index_cast %add3A_1225 : i32 to index
        %get3A_1311 = arith.constant 64 : index
        %get3A_1312 = tpu.vector_load %arg13[%get3A_1310, %get3A_1311] {strides = array<i32>} : memref<128x128xf32, #tpu.memory_space<vmem>>, vector<16xf32>,
        %sub3A_1313 = arith.subf %get3A_1306, %get3A_1309 : vector<16xf32>
        %max3A_1314 = arith.constant 0.000000e+00 : f32
        %max3A_1315 = vector.broadcast %max3A_1314 : f32 to vector<16xf32>
        %max3A_1316 = arith.maximumf %sub3A_1313, %max3A_1315 : vector<16xf32>
        %mul3A_1317 = arith.mulf %max3A_1316, %select_n3A_1163 : vector<16xf32>
        %mul3A_1318 = arith.mulf %select_n3A_1162, %get3A_1312 : vector<16xf32>
        %gt3A_1319 = arith.cmpf ogt, %mul3A_1317, %mul3A_1318 : vector<16xf32>
        %select_n3A_1320 = arith.select %gt3A_1319, %max3A_1316, %select_n3A_1162 : vector<16xi1>, vector<16xf32>
        %select_n3A_1321 = arith.select %gt3A_1319, %get3A_1312, %select_n3A_1163 : vector<16xi1>, vector<16xf32>
        %select_n3A_1322 = arith.select %gt3A_1319, %broadcast_in_dim3A_1227, %select_n3A_1164 : vector<16xi1>, vector<16xi32>
        %get3A_1323 = arith.index_cast %add3A_1225 : i32 to index
        %get3A_1324 = arith.constant 80 : index
        %get3A_1325 = tpu.vector_load %arg9[%get3A_1323, %get3A_1324] {strides = array<i32>} : memref<128x128xf32, #tpu.memory_space<vmem>>, vector<16xf32>,
        %get3A_1326 = arith.index_cast %add3A_1225 : i32 to index
        %get3A_1327 = arith.constant 80 : index
        %get3A_1328 = tpu.vector_load %arg11[%get3A_1326, %get3A_1327] {strides = array<i32>} : memref<128x128xf32, #tpu.memory_space<vmem>>, vector<16xf32>,
        %get3A_1329 = arith.index_cast %add3A_1225 : i32 to index
        %get3A_1330 = arith.constant 80 : index
        %get3A_1331 = tpu.vector_load %arg13[%get3A_1329, %get3A_1330] {strides = array<i32>} : memref<128x128xf32, #tpu.memory_space<vmem>>, vector<16xf32>,
        %sub3A_1332 = arith.subf %get3A_1325, %get3A_1328 : vector<16xf32>
        %max3A_1333 = arith.constant 0.000000e+00 : f32
        %max3A_1334 = vector.broadcast %max3A_1333 : f32 to vector<16xf32>
        %max3A_1335 = arith.maximumf %sub3A_1332, %max3A_1334 : vector<16xf32>
        %mul3A_1336 = arith.mulf %max3A_1335, %select_n3A_1182 : vector<16xf32>
        %mul3A_1337 = arith.mulf %select_n3A_1181, %get3A_1331 : vector<16xf32>
        %gt3A_1338 = arith.cmpf ogt, %mul3A_1336, %mul3A_1337 : vector<16xf32>
        %select_n3A_1339 = arith.select %gt3A_1338, %max3A_1335, %select_n3A_1181 : vector<16xi1>, vector<16xf32>
        %select_n3A_1340 = arith.select %gt3A_1338, %get3A_1331, %select_n3A_1182 : vector<16xi1>, vector<16xf32>
        %select_n3A_1341 = arith.select %gt3A_1338, %broadcast_in_dim3A_1227, %select_n3A_1183 : vector<16xi1>, vector<16xi32>
        %get3A_1342 = arith.index_cast %add3A_1225 : i32 to index
        %get3A_1343 = arith.constant 96 : index
        %get3A_1344 = tpu.vector_load %arg9[%get3A_1342, %get3A_1343] {strides = array<i32>} : memref<128x128xf32, #tpu.memory_space<vmem>>, vector<16xf32>,
        %get3A_1345 = arith.index_cast %add3A_1225 : i32 to index
        %get3A_1346 = arith.constant 96 : index
        %get3A_1347 = tpu.vector_load %arg11[%get3A_1345, %get3A_1346] {strides = array<i32>} : memref<128x128xf32, #tpu.memory_space<vmem>>, vector<16xf32>,
        %get3A_1348 = arith.index_cast %add3A_1225 : i32 to index
        %get3A_1349 = arith.constant 96 : index
        %get3A_1350 = tpu.vector_load %arg13[%get3A_1348, %get3A_1349] {strides = array<i32>} : memref<128x128xf32, #tpu.memory_space<vmem>>, vector<16xf32>,
        %sub3A_1351 = arith.subf %get3A_1344, %get3A_1347 : vector<16xf32>
        %max3A_1352 = arith.constant 0.000000e+00 : f32
        %max3A_1353 = vector.broadcast %max3A_1352 : f32 to vector<16xf32>
        %max3A_1354 = arith.maximumf %sub3A_1351, %max3A_1353 : vector<16xf32>
        %mul3A_1355 = arith.mulf %max3A_1354, %select_n3A_1201 : vector<16xf32>
        %mul3A_1356 = arith.mulf %select_n3A_1200, %get3A_1350 : vector<16xf32>
        %gt3A_1357 = arith.cmpf ogt, %mul3A_1355, %mul3A_1356 : vector<16xf32>
        %select_n3A_1358 = arith.select %gt3A_1357, %max3A_1354, %select_n3A_1200 : vector<16xi1>, vector<16xf32>
        %select_n3A_1359 = arith.select %gt3A_1357, %get3A_1350, %select_n3A_1201 : vector<16xi1>, vector<16xf32>
        %select_n3A_1360 = arith.select %gt3A_1357, %broadcast_in_dim3A_1227, %select_n3A_1202 : vector<16xi1>, vector<16xi32>
        %get3A_1361 = arith.index_cast %add3A_1225 : i32 to index
        %get3A_1362 = arith.constant 112 : index
        %get3A_1363 = tpu.vector_load %arg9[%get3A_1361, %get3A_1362] {strides = array<i32>} : memref<128x128xf32, #tpu.memory_space<vmem>>, vector<16xf32>,
        %get3A_1364 = arith.index_cast %add3A_1225 : i32 to index
        %get3A_1365 = arith.constant 112 : index
        %get3A_1366 = tpu.vector_load %arg11[%get3A_1364, %get3A_1365] {strides = array<i32>} : memref<128x128xf32, #tpu.memory_space<vmem>>, vector<16xf32>,
        %get3A_1367 = arith.index_cast %add3A_1225 : i32 to index
        %get3A_1368 = arith.constant 112 : index
        %get3A_1369 = tpu.vector_load %arg13[%get3A_1367, %get3A_1368] {strides = array<i32>} : memref<128x128xf32, #tpu.memory_space<vmem>>, vector<16xf32>,
        %sub3A_1370 = arith.subf %get3A_1363, %get3A_1366 : vector<16xf32>
        %max3A_1371 = arith.constant 0.000000e+00 : f32
        %max3A_1372 = vector.broadcast %max3A_1371 : f32 to vector<16xf32>
        %max3A_1373 = arith.maximumf %sub3A_1370, %max3A_1372 : vector<16xf32>
        %mul3A_1374 = arith.mulf %max3A_1373, %select_n3A_1220 : vector<16xf32>
        %mul3A_1375 = arith.mulf %select_n3A_1219, %get3A_1369 : vector<16xf32>
        %gt3A_1376 = arith.cmpf ogt, %mul3A_1374, %mul3A_1375 : vector<16xf32>
        %select_n3A_1377 = arith.select %gt3A_1376, %max3A_1373, %select_n3A_1219 : vector<16xi1>, vector<16xf32>
        %select_n3A_1378 = arith.select %gt3A_1376, %get3A_1369, %select_n3A_1220 : vector<16xi1>, vector<16xf32>
        %select_n3A_1379 = arith.select %gt3A_1376, %broadcast_in_dim3A_1227, %select_n3A_1221 : vector<16xi1>, vector<16xi32>
        %mul3A_1380 = arith.constant 8 : i32
        %mul3A_1381 = arith.muli %scan3A_253, %mul3A_1380 : i32
        %add3A_1382 = arith.constant 7 : i32
        %add3A_1383 = arith.addi %mul3A_1381, %add3A_1382 : i32
        %add3A_1384 = arith.addi %add3A_201, %add3A_1383 : i32
        %broadcast_in_dim3A_1385 = vector.broadcast %add3A_1384 : i32 to vector<16xi32>
        %get3A_1386 = arith.index_cast %add3A_1383 : i32 to index
        %get3A_1387 = arith.constant 0 : index
        %get3A_1388 = tpu.vector_load %arg9[%get3A_1386, %get3A_1387] {strides = array<i32>} : memref<128x128xf32, #tpu.memory_space<vmem>>, vector<16xf32>,
        %get3A_1389 = arith.index_cast %add3A_1383 : i32 to index
        %get3A_1390 = arith.constant 0 : index
        %get3A_1391 = tpu.vector_load %arg11[%get3A_1389, %get3A_1390] {strides = array<i32>} : memref<128x128xf32, #tpu.memory_space<vmem>>, vector<16xf32>,
        %get3A_1392 = arith.index_cast %add3A_1383 : i32 to index
        %get3A_1393 = arith.constant 0 : index
        %get3A_1394 = tpu.vector_load %arg13[%get3A_1392, %get3A_1393] {strides = array<i32>} : memref<128x128xf32, #tpu.memory_space<vmem>>, vector<16xf32>,
        %sub3A_1395 = arith.subf %get3A_1388, %get3A_1391 : vector<16xf32>
        %max3A_1396 = arith.constant 0.000000e+00 : f32
        %max3A_1397 = vector.broadcast %max3A_1396 : f32 to vector<16xf32>
        %max3A_1398 = arith.maximumf %sub3A_1395, %max3A_1397 : vector<16xf32>
        %mul3A_1399 = arith.mulf %max3A_1398, %select_n3A_1245 : vector<16xf32>
        %mul3A_1400 = arith.mulf %select_n3A_1244, %get3A_1394 : vector<16xf32>
        %gt3A_1401 = arith.cmpf ogt, %mul3A_1399, %mul3A_1400 : vector<16xf32>
        %select_n3A_1402 = arith.select %gt3A_1401, %max3A_1398, %select_n3A_1244 : vector<16xi1>, vector<16xf32>
        %select_n3A_1403 = arith.select %gt3A_1401, %get3A_1394, %select_n3A_1245 : vector<16xi1>, vector<16xf32>
        %select_n3A_1404 = arith.select %gt3A_1401, %broadcast_in_dim3A_1385, %select_n3A_1246 : vector<16xi1>, vector<16xi32>
        %get3A_1405 = arith.index_cast %add3A_1383 : i32 to index
        %get3A_1406 = arith.constant 16 : index
        %get3A_1407 = tpu.vector_load %arg9[%get3A_1405, %get3A_1406] {strides = array<i32>} : memref<128x128xf32, #tpu.memory_space<vmem>>, vector<16xf32>,
        %get3A_1408 = arith.index_cast %add3A_1383 : i32 to index
        %get3A_1409 = arith.constant 16 : index
        %get3A_1410 = tpu.vector_load %arg11[%get3A_1408, %get3A_1409] {strides = array<i32>} : memref<128x128xf32, #tpu.memory_space<vmem>>, vector<16xf32>,
        %get3A_1411 = arith.index_cast %add3A_1383 : i32 to index
        %get3A_1412 = arith.constant 16 : index
        %get3A_1413 = tpu.vector_load %arg13[%get3A_1411, %get3A_1412] {strides = array<i32>} : memref<128x128xf32, #tpu.memory_space<vmem>>, vector<16xf32>,
        %sub3A_1414 = arith.subf %get3A_1407, %get3A_1410 : vector<16xf32>
        %max3A_1415 = arith.constant 0.000000e+00 : f32
        %max3A_1416 = vector.broadcast %max3A_1415 : f32 to vector<16xf32>
        %max3A_1417 = arith.maximumf %sub3A_1414, %max3A_1416 : vector<16xf32>
        %mul3A_1418 = arith.mulf %max3A_1417, %select_n3A_1264 : vector<16xf32>
        %mul3A_1419 = arith.mulf %select_n3A_1263, %get3A_1413 : vector<16xf32>
        %gt3A_1420 = arith.cmpf ogt, %mul3A_1418, %mul3A_1419 : vector<16xf32>
        %select_n3A_1421 = arith.select %gt3A_1420, %max3A_1417, %select_n3A_1263 : vector<16xi1>, vector<16xf32>
        %select_n3A_1422 = arith.select %gt3A_1420, %get3A_1413, %select_n3A_1264 : vector<16xi1>, vector<16xf32>
        %select_n3A_1423 = arith.select %gt3A_1420, %broadcast_in_dim3A_1385, %select_n3A_1265 : vector<16xi1>, vector<16xi32>
        %get3A_1424 = arith.index_cast %add3A_1383 : i32 to index
        %get3A_1425 = arith.constant 32 : index
        %get3A_1426 = tpu.vector_load %arg9[%get3A_1424, %get3A_1425] {strides = array<i32>} : memref<128x128xf32, #tpu.memory_space<vmem>>, vector<16xf32>,
        %get3A_1427 = arith.index_cast %add3A_1383 : i32 to index
        %get3A_1428 = arith.constant 32 : index
        %get3A_1429 = tpu.vector_load %arg11[%get3A_1427, %get3A_1428] {strides = array<i32>} : memref<128x128xf32, #tpu.memory_space<vmem>>, vector<16xf32>,
        %get3A_1430 = arith.index_cast %add3A_1383 : i32 to index
        %get3A_1431 = arith.constant 32 : index
        %get3A_1432 = tpu.vector_load %arg13[%get3A_1430, %get3A_1431] {strides = array<i32>} : memref<128x128xf32, #tpu.memory_space<vmem>>, vector<16xf32>,
        %sub3A_1433 = arith.subf %get3A_1426, %get3A_1429 : vector<16xf32>
        %max3A_1434 = arith.constant 0.000000e+00 : f32
        %max3A_1435 = vector.broadcast %max3A_1434 : f32 to vector<16xf32>
        %max3A_1436 = arith.maximumf %sub3A_1433, %max3A_1435 : vector<16xf32>
        %mul3A_1437 = arith.mulf %max3A_1436, %select_n3A_1283 : vector<16xf32>
        %mul3A_1438 = arith.mulf %select_n3A_1282, %get3A_1432 : vector<16xf32>
        %gt3A_1439 = arith.cmpf ogt, %mul3A_1437, %mul3A_1438 : vector<16xf32>
        %select_n3A_1440 = arith.select %gt3A_1439, %max3A_1436, %select_n3A_1282 : vector<16xi1>, vector<16xf32>
        %select_n3A_1441 = arith.select %gt3A_1439, %get3A_1432, %select_n3A_1283 : vector<16xi1>, vector<16xf32>
        %select_n3A_1442 = arith.select %gt3A_1439, %broadcast_in_dim3A_1385, %select_n3A_1284 : vector<16xi1>, vector<16xi32>
        %get3A_1443 = arith.index_cast %add3A_1383 : i32 to index
        %get3A_1444 = arith.constant 48 : index
        %get3A_1445 = tpu.vector_load %arg9[%get3A_1443, %get3A_1444] {strides = array<i32>} : memref<128x128xf32, #tpu.memory_space<vmem>>, vector<16xf32>,
        %get3A_1446 = arith.index_cast %add3A_1383 : i32 to index
        %get3A_1447 = arith.constant 48 : index
        %get3A_1448 = tpu.vector_load %arg11[%get3A_1446, %get3A_1447] {strides = array<i32>} : memref<128x128xf32, #tpu.memory_space<vmem>>, vector<16xf32>,
        %get3A_1449 = arith.index_cast %add3A_1383 : i32 to index
        %get3A_1450 = arith.constant 48 : index
        %get3A_1451 = tpu.vector_load %arg13[%get3A_1449, %get3A_1450] {strides = array<i32>} : memref<128x128xf32, #tpu.memory_space<vmem>>, vector<16xf32>,
        %sub3A_1452 = arith.subf %get3A_1445, %get3A_1448 : vector<16xf32>
        %max3A_1453 = arith.constant 0.000000e+00 : f32
        %max3A_1454 = vector.broadcast %max3A_1453 : f32 to vector<16xf32>
        %max3A_1455 = arith.maximumf %sub3A_1452, %max3A_1454 : vector<16xf32>
        %mul3A_1456 = arith.mulf %max3A_1455, %select_n3A_1302 : vector<16xf32>
        %mul3A_1457 = arith.mulf %select_n3A_1301, %get3A_1451 : vector<16xf32>
        %gt3A_1458 = arith.cmpf ogt, %mul3A_1456, %mul3A_1457 : vector<16xf32>
        %select_n3A_1459 = arith.select %gt3A_1458, %max3A_1455, %select_n3A_1301 : vector<16xi1>, vector<16xf32>
        %select_n3A_1460 = arith.select %gt3A_1458, %get3A_1451, %select_n3A_1302 : vector<16xi1>, vector<16xf32>
        %select_n3A_1461 = arith.select %gt3A_1458, %broadcast_in_dim3A_1385, %select_n3A_1303 : vector<16xi1>, vector<16xi32>
        %get3A_1462 = arith.index_cast %add3A_1383 : i32 to index
        %get3A_1463 = arith.constant 64 : index
        %get3A_1464 = tpu.vector_load %arg9[%get3A_1462, %get3A_1463] {strides = array<i32>} : memref<128x128xf32, #tpu.memory_space<vmem>>, vector<16xf32>,
        %get3A_1465 = arith.index_cast %add3A_1383 : i32 to index
        %get3A_1466 = arith.constant 64 : index
        %get3A_1467 = tpu.vector_load %arg11[%get3A_1465, %get3A_1466] {strides = array<i32>} : memref<128x128xf32, #tpu.memory_space<vmem>>, vector<16xf32>,
        %get3A_1468 = arith.index_cast %add3A_1383 : i32 to index
        %get3A_1469 = arith.constant 64 : index
        %get3A_1470 = tpu.vector_load %arg13[%get3A_1468, %get3A_1469] {strides = array<i32>} : memref<128x128xf32, #tpu.memory_space<vmem>>, vector<16xf32>,
        %sub3A_1471 = arith.subf %get3A_1464, %get3A_1467 : vector<16xf32>
        %max3A_1472 = arith.constant 0.000000e+00 : f32
        %max3A_1473 = vector.broadcast %max3A_1472 : f32 to vector<16xf32>
        %max3A_1474 = arith.maximumf %sub3A_1471, %max3A_1473 : vector<16xf32>
        %mul3A_1475 = arith.mulf %max3A_1474, %select_n3A_1321 : vector<16xf32>
        %mul3A_1476 = arith.mulf %select_n3A_1320, %get3A_1470 : vector<16xf32>
        %gt3A_1477 = arith.cmpf ogt, %mul3A_1475, %mul3A_1476 : vector<16xf32>
        %select_n3A_1478 = arith.select %gt3A_1477, %max3A_1474, %select_n3A_1320 : vector<16xi1>, vector<16xf32>
        %select_n3A_1479 = arith.select %gt3A_1477, %get3A_1470, %select_n3A_1321 : vector<16xi1>, vector<16xf32>
        %select_n3A_1480 = arith.select %gt3A_1477, %broadcast_in_dim3A_1385, %select_n3A_1322 : vector<16xi1>, vector<16xi32>
        %get3A_1481 = arith.index_cast %add3A_1383 : i32 to index
        %get3A_1482 = arith.constant 80 : index
        %get3A_1483 = tpu.vector_load %arg9[%get3A_1481, %get3A_1482] {strides = array<i32>} : memref<128x128xf32, #tpu.memory_space<vmem>>, vector<16xf32>,
        %get3A_1484 = arith.index_cast %add3A_1383 : i32 to index
        %get3A_1485 = arith.constant 80 : index
        %get3A_1486 = tpu.vector_load %arg11[%get3A_1484, %get3A_1485] {strides = array<i32>} : memref<128x128xf32, #tpu.memory_space<vmem>>, vector<16xf32>,
        %get3A_1487 = arith.index_cast %add3A_1383 : i32 to index
        %get3A_1488 = arith.constant 80 : index
        %get3A_1489 = tpu.vector_load %arg13[%get3A_1487, %get3A_1488] {strides = array<i32>} : memref<128x128xf32, #tpu.memory_space<vmem>>, vector<16xf32>,
        %sub3A_1490 = arith.subf %get3A_1483, %get3A_1486 : vector<16xf32>
        %max3A_1491 = arith.constant 0.000000e+00 : f32
        %max3A_1492 = vector.broadcast %max3A_1491 : f32 to vector<16xf32>
        %max3A_1493 = arith.maximumf %sub3A_1490, %max3A_1492 : vector<16xf32>
        %mul3A_1494 = arith.mulf %max3A_1493, %select_n3A_1340 : vector<16xf32>
        %mul3A_1495 = arith.mulf %select_n3A_1339, %get3A_1489 : vector<16xf32>
        %gt3A_1496 = arith.cmpf ogt, %mul3A_1494, %mul3A_1495 : vector<16xf32>
        %select_n3A_1497 = arith.select %gt3A_1496, %max3A_1493, %select_n3A_1339 : vector<16xi1>, vector<16xf32>
        %select_n3A_1498 = arith.select %gt3A_1496, %get3A_1489, %select_n3A_1340 : vector<16xi1>, vector<16xf32>
        %select_n3A_1499 = arith.select %gt3A_1496, %broadcast_in_dim3A_1385, %select_n3A_1341 : vector<16xi1>, vector<16xi32>
        %get3A_1500 = arith.index_cast %add3A_1383 : i32 to index
        %get3A_1501 = arith.constant 96 : index
        %get3A_1502 = tpu.vector_load %arg9[%get3A_1500, %get3A_1501] {strides = array<i32>} : memref<128x128xf32, #tpu.memory_space<vmem>>, vector<16xf32>,
        %get3A_1503 = arith.index_cast %add3A_1383 : i32 to index
        %get3A_1504 = arith.constant 96 : index
        %get3A_1505 = tpu.vector_load %arg11[%get3A_1503, %get3A_1504] {strides = array<i32>} : memref<128x128xf32, #tpu.memory_space<vmem>>, vector<16xf32>,
        %get3A_1506 = arith.index_cast %add3A_1383 : i32 to index
        %get3A_1507 = arith.constant 96 : index
        %get3A_1508 = tpu.vector_load %arg13[%get3A_1506, %get3A_1507] {strides = array<i32>} : memref<128x128xf32, #tpu.memory_space<vmem>>, vector<16xf32>,
        %sub3A_1509 = arith.subf %get3A_1502, %get3A_1505 : vector<16xf32>
        %max3A_1510 = arith.constant 0.000000e+00 : f32
        %max3A_1511 = vector.broadcast %max3A_1510 : f32 to vector<16xf32>
        %max3A_1512 = arith.maximumf %sub3A_1509, %max3A_1511 : vector<16xf32>
        %mul3A_1513 = arith.mulf %max3A_1512, %select_n3A_1359 : vector<16xf32>
        %mul3A_1514 = arith.mulf %select_n3A_1358, %get3A_1508 : vector<16xf32>
        %gt3A_1515 = arith.cmpf ogt, %mul3A_1513, %mul3A_1514 : vector<16xf32>
        %select_n3A_1516 = arith.select %gt3A_1515, %max3A_1512, %select_n3A_1358 : vector<16xi1>, vector<16xf32>
        %select_n3A_1517 = arith.select %gt3A_1515, %get3A_1508, %select_n3A_1359 : vector<16xi1>, vector<16xf32>
        %select_n3A_1518 = arith.select %gt3A_1515, %broadcast_in_dim3A_1385, %select_n3A_1360 : vector<16xi1>, vector<16xi32>
        %get3A_1519 = arith.index_cast %add3A_1383 : i32 to index
        %get3A_1520 = arith.constant 112 : index
        %get3A_1521 = tpu.vector_load %arg9[%get3A_1519, %get3A_1520] {strides = array<i32>} : memref<128x128xf32, #tpu.memory_space<vmem>>, vector<16xf32>,
        %get3A_1522 = arith.index_cast %add3A_1383 : i32 to index
        %get3A_1523 = arith.constant 112 : index
        %get3A_1524 = tpu.vector_load %arg11[%get3A_1522, %get3A_1523] {strides = array<i32>} : memref<128x128xf32, #tpu.memory_space<vmem>>, vector<16xf32>,
        %get3A_1525 = arith.index_cast %add3A_1383 : i32 to index
        %get3A_1526 = arith.constant 112 : index
        %get3A_1527 = tpu.vector_load %arg13[%get3A_1525, %get3A_1526] {strides = array<i32>} : memref<128x128xf32, #tpu.memory_space<vmem>>, vector<16xf32>,
        %sub3A_1528 = arith.subf %get3A_1521, %get3A_1524 : vector<16xf32>
        %max3A_1529 = arith.constant 0.000000e+00 : f32
        %max3A_1530 = vector.broadcast %max3A_1529 : f32 to vector<16xf32>
        %max3A_1531 = arith.maximumf %sub3A_1528, %max3A_1530 : vector<16xf32>
        %mul3A_1532 = arith.mulf %max3A_1531, %select_n3A_1378 : vector<16xf32>
        %mul3A_1533 = arith.mulf %select_n3A_1377, %get3A_1527 : vector<16xf32>
        %gt3A_1534 = arith.cmpf ogt, %mul3A_1532, %mul3A_1533 : vector<16xf32>
        %select_n3A_1535 = arith.select %gt3A_1534, %max3A_1531, %select_n3A_1377 : vector<16xi1>, vector<16xf32>
        %select_n3A_1536 = arith.select %gt3A_1534, %get3A_1527, %select_n3A_1378 : vector<16xi1>, vector<16xf32>
        %select_n3A_1537 = arith.select %gt3A_1534, %broadcast_in_dim3A_1385, %select_n3A_1379 : vector<16xi1>, vector<16xi32>
        scf.yield %select_n3A_1402, %select_n3A_1403, %select_n3A_1404, %select_n3A_1421, %select_n3A_1422, %select_n3A_1423, %select_n3A_1440, %select_n3A_1441, %select_n3A_1442, %select_n3A_1459, %select_n3A_1460, %select_n3A_1461, %select_n3A_1478, %select_n3A_1479, %select_n3A_1480, %select_n3A_1497, %select_n3A_1498, %select_n3A_1499, %select_n3A_1516, %select_n3A_1517, %select_n3A_1518, %select_n3A_1535, %select_n3A_1536, %select_n3A_1537 : vector<16xf32>, vector<16xf32>, vector<16xi32>, vector<16xf32>, vector<16xf32>, vector<16xi32>, vector<16xf32>, vector<16xf32>, vector<16xi32>, vector<16xf32>, vector<16xf32>, vector<16xi32>, vector<16xf32>, vector<16xf32>, vector<16xi32>, vector<16xf32>, vector<16xf32>, vector<16xi32>, vector<16xf32>, vector<16xf32>, vector<16xi32>, vector<16xf32>, vector<16xf32>, vector<16xi32>
      }
      %scan3A_207 = arith.constant 16 : i32
      %mul3A_208 = arith.constant 2 : i32
      %mul3A_209 = arith.muli %mul3A_208, %scan3A_156 : i32
      %add3A_210 = arith.constant 2 : i32
      %add3A_211 = arith.addi %mul3A_209, %add3A_210 : i32
      %lt3A_212 = arith.constant 6 : i32
      %lt3A_213 = arith.cmpi slt, %add3A_211, %lt3A_212 : i32
      %convert_element_type3A = arith.extui %lt3A_213 : i1 to i32
      %cond3A = arith.constant 0 : i32
      %cond3A_214 = arith.cmpi ne, %convert_element_type3A, %cond3A : i32
      scf.if %cond3A_214 {
        %mul3A_253 = arith.constant 2 : i32
        %mul3A_254 = arith.muli %mul3A_253, %scan3A_156 : i32
        %add3A_255 = arith.constant 2 : i32
        %add3A_256 = arith.addi %mul3A_254, %add3A_255 : i32
        %mul3A_257 = arith.constant 128 : i32
        %mul3A_258 = arith.muli %add3A_256, %mul3A_257 : i32
        %add3A_259 = arith.addi %add3A_4, %mul3A_258 : i32
        %multiple_of3A_260 = tpu.assume_multiple %add3A_259, 8 : i32
        %dma_start3A_261 = arith.constant 0 : i32
        %dma_start3A_262 = tpu.memref_slice %arg2[%multiple_of3A_260, %dma_start3A_261] : memref<100000x128xf32, #tpu.memory_space<hbm>> -> memref<128x128xf32, #tpu.memory_space<hbm>>
        %dma_start3A_263 = arith.constant 0 : i32
        %dma_start3A_264 = tpu.memref_slice %arg2[%multiple_of3A_260, %dma_start3A_263] : memref<100000x128xf32, #tpu.memory_space<hbm>> -> memref<128x128xf32, #tpu.memory_space<hbm>>
        tpu.enqueue_dma source(%dma_start3A_264 : memref<128x128xf32, #tpu.memory_space<hbm>>) target(%arg9 : memref<128x128xf32, #tpu.memory_space<vmem>>) target_semaphore(%arg22 : memref<!tpu.dma_semaphore, #tpu.memory_space<semaphore_mem>>)
        %dma_start3A_265 = arith.constant 0 : i32
        %dma_start3A_266 = tpu.memref_slice %arg3[%multiple_of3A_260, %dma_start3A_265] : memref<100000x128xf32, #tpu.memory_space<hbm>> -> memref<128x128xf32, #tpu.memory_space<hbm>>
        %dma_start3A_267 = arith.constant 0 : i32
        %dma_start3A_268 = tpu.memref_slice %arg3[%multiple_of3A_260, %dma_start3A_267] : memref<100000x128xf32, #tpu.memory_space<hbm>> -> memref<128x128xf32, #tpu.memory_space<hbm>>
        tpu.enqueue_dma source(%dma_start3A_268 : memref<128x128xf32, #tpu.memory_space<hbm>>) target(%arg11 : memref<128x128xf32, #tpu.memory_space<vmem>>) target_semaphore(%arg22 : memref<!tpu.dma_semaphore, #tpu.memory_space<semaphore_mem>>)
        %dma_start3A_269 = arith.constant 0 : i32
        %dma_start3A_270 = tpu.memref_slice %arg4[%multiple_of3A_260, %dma_start3A_269] : memref<100000x128xf32, #tpu.memory_space<hbm>> -> memref<128x128xf32, #tpu.memory_space<hbm>>
        %dma_start3A_271 = arith.constant 0 : i32
        %dma_start3A_272 = tpu.memref_slice %arg4[%multiple_of3A_260, %dma_start3A_271] : memref<100000x128xf32, #tpu.memory_space<hbm>> -> memref<128x128xf32, #tpu.memory_space<hbm>>
        tpu.enqueue_dma source(%dma_start3A_272 : memref<128x128xf32, #tpu.memory_space<hbm>>) target(%arg13 : memref<128x128xf32, #tpu.memory_space<vmem>>) target_semaphore(%arg22 : memref<!tpu.dma_semaphore, #tpu.memory_space<semaphore_mem>>)
      } else {
      }
      %mul3A_215 = arith.constant 2 : i32
      %mul3A_216 = arith.muli %mul3A_215, %scan3A_156 : i32
      %add3A_217 = arith.constant 1 : i32
      %add3A_218 = arith.addi %mul3A_216, %add3A_217 : i32
      %mul3A_219 = arith.constant 128 : i32
      %mul3A_220 = arith.muli %add3A_218, %mul3A_219 : i32
      %add3A_221 = arith.addi %add3A_4, %mul3A_220 : i32
      %multiple_of3A_222 = tpu.assume_multiple %add3A_221, 8 : i32
      %dma_wait3A_223 = arith.constant 0 : i32
      %dma_wait3A_224 = tpu.memref_slice %arg2[%multiple_of3A_222, %dma_wait3A_223] : memref<100000x128xf32, #tpu.memory_space<hbm>> -> memref<128x128xf32, #tpu.memory_space<hbm>>
      %dma_wait3A_225 = arith.constant 0 : i32
      %dma_wait3A_226 = tpu.memref_slice %arg2[%multiple_of3A_222, %dma_wait3A_225] : memref<100000x128xf32, #tpu.memory_space<hbm>> -> memref<128x128xf32, #tpu.memory_space<hbm>>
      tpu.wait_dma2 semaphore(%arg23 : memref<!tpu.dma_semaphore, #tpu.memory_space<semaphore_mem>>) src(%dma_wait3A_226 : memref<128x128xf32, #tpu.memory_space<hbm>>) dst(%arg10 : memref<128x128xf32, #tpu.memory_space<vmem>>)
      %dma_wait3A_227 = arith.constant 0 : i32
      %dma_wait3A_228 = tpu.memref_slice %arg3[%multiple_of3A_222, %dma_wait3A_227] : memref<100000x128xf32, #tpu.memory_space<hbm>> -> memref<128x128xf32, #tpu.memory_space<hbm>>
      %dma_wait3A_229 = arith.constant 0 : i32
      %dma_wait3A_230 = tpu.memref_slice %arg3[%multiple_of3A_222, %dma_wait3A_229] : memref<100000x128xf32, #tpu.memory_space<hbm>> -> memref<128x128xf32, #tpu.memory_space<hbm>>
      tpu.wait_dma2 semaphore(%arg23 : memref<!tpu.dma_semaphore, #tpu.memory_space<semaphore_mem>>) src(%dma_wait3A_230 : memref<128x128xf32, #tpu.memory_space<hbm>>) dst(%arg12 : memref<128x128xf32, #tpu.memory_space<vmem>>)
      %dma_wait3A_231 = arith.constant 0 : i32
      %dma_wait3A_232 = tpu.memref_slice %arg4[%multiple_of3A_222, %dma_wait3A_231] : memref<100000x128xf32, #tpu.memory_space<hbm>> -> memref<128x128xf32, #tpu.memory_space<hbm>>
      %dma_wait3A_233 = arith.constant 0 : i32
      %dma_wait3A_234 = tpu.memref_slice %arg4[%multiple_of3A_222, %dma_wait3A_233] : memref<100000x128xf32, #tpu.memory_space<hbm>> -> memref<128x128xf32, #tpu.memory_space<hbm>>
      tpu.wait_dma2 semaphore(%arg23 : memref<!tpu.dma_semaphore, #tpu.memory_space<semaphore_mem>>) src(%dma_wait3A_234 : memref<128x128xf32, #tpu.memory_space<hbm>>) dst(%arg14 : memref<128x128xf32, #tpu.memory_space<vmem>>)
      %mul3A_235 = arith.constant 128 : i32
      %mul3A_236 = arith.muli %add3A_218, %mul3A_235 : i32
      %add3A_237 = arith.addi %add3A_4, %mul3A_236 : i32
      %scan3A_238 = arith.constant 0 : i32
      %scan3A_239 = arith.constant 16 : i32
      %scan3A_240 = arith.addi %scan3A_238, %scan3A_239 : i32
      %scan3A_241 = arith.constant 1 : i32
      %scan3A_242:24 = scf.for %scan3A_253 = %scan3A_238 to %scan3A_240 step %scan3A_241 iter_args(%scan3A_254 = %scan3A_206#0, %scan3A_255 = %scan3A_206#1, %scan3A_256 = %scan3A_206#2, %scan3A_257 = %scan3A_206#3, %scan3A_258 = %scan3A_206#4, %scan3A_259 = %scan3A_206#5, %scan3A_260 = %scan3A_206#6, %scan3A_261 = %scan3A_206#7, %scan3A_262 = %scan3A_206#8, %scan3A_263 = %scan3A_206#9, %scan3A_264 = %scan3A_206#10, %scan3A_265 = %scan3A_206#11, %scan3A_266 = %scan3A_206#12, %scan3A_267 = %scan3A_206#13, %scan3A_268 = %scan3A_206#14, %scan3A_269 = %scan3A_206#15, %scan3A_270 = %scan3A_206#16, %scan3A_271 = %scan3A_206#17, %scan3A_272 = %scan3A_206#18, %scan3A_273 = %scan3A_206#19, %scan3A_274 = %scan3A_206#20, %scan3A_275 = %scan3A_206#21, %scan3A_276 = %scan3A_206#22, %scan3A_277 = %scan3A_206#23) -> (vector<16xf32>, vector<16xf32>, vector<16xi32>, vector<16xf32>, vector<16xf32>, vector<16xi32>, vector<16xf32>, vector<16xf32>, vector<16xi32>, vector<16xf32>, vector<16xf32>, vector<16xi32>, vector<16xf32>, vector<16xf32>, vector<16xi32>, vector<16xf32>, vector<16xf32>, vector<16xi32>, vector<16xf32>, vector<16xf32>, vector<16xi32>, vector<16xf32>, vector<16xf32>, vector<16xi32>)  : i32 {
        %mul3A_278 = arith.constant 8 : i32
        %mul3A_279 = arith.muli %scan3A_253, %mul3A_278 : i32
        %add3A_280 = arith.constant 0 : i32
        %add3A_281 = arith.addi %mul3A_279, %add3A_280 : i32
        %add3A_282 = arith.addi %add3A_237, %add3A_281 : i32
        %broadcast_in_dim3A_283 = vector.broadcast %add3A_282 : i32 to vector<16xi32>
        %get3A = arith.index_cast %add3A_281 : i32 to index
        %get3A_284 = arith.constant 0 : index
        %get3A_285 = tpu.vector_load %arg10[%get3A, %get3A_284] {strides = array<i32>} : memref<128x128xf32, #tpu.memory_space<vmem>>, vector<16xf32>,
        %get3A_286 = arith.index_cast %add3A_281 : i32 to index
        %get3A_287 = arith.constant 0 : index
        %get3A_288 = tpu.vector_load %arg12[%get3A_286, %get3A_287] {strides = array<i32>} : memref<128x128xf32, #tpu.memory_space<vmem>>, vector<16xf32>,
        %get3A_289 = arith.index_cast %add3A_281 : i32 to index
        %get3A_290 = arith.constant 0 : index
        %get3A_291 = tpu.vector_load %arg14[%get3A_289, %get3A_290] {strides = array<i32>} : memref<128x128xf32, #tpu.memory_space<vmem>>, vector<16xf32>,
        %sub3A = arith.subf %get3A_285, %get3A_288 : vector<16xf32>
        %max3A = arith.constant 0.000000e+00 : f32
        %max3A_292 = vector.broadcast %max3A : f32 to vector<16xf32>
        %max3A_293 = arith.maximumf %sub3A, %max3A_292 : vector<16xf32>
        %mul3A_294 = arith.mulf %max3A_293, %scan3A_255 : vector<16xf32>
        %mul3A_295 = arith.mulf %scan3A_254, %get3A_291 : vector<16xf32>
        %gt3A = arith.cmpf ogt, %mul3A_294, %mul3A_295 : vector<16xf32>
        %select_n3A_296 = arith.select %gt3A, %max3A_293, %scan3A_254 : vector<16xi1>, vector<16xf32>
        %select_n3A_297 = arith.select %gt3A, %get3A_291, %scan3A_255 : vector<16xi1>, vector<16xf32>
        %select_n3A_298 = arith.select %gt3A, %broadcast_in_dim3A_283, %scan3A_256 : vector<16xi1>, vector<16xi32>
        %get3A_299 = arith.index_cast %add3A_281 : i32 to index
        %get3A_300 = arith.constant 16 : index
        %get3A_301 = tpu.vector_load %arg10[%get3A_299, %get3A_300] {strides = array<i32>} : memref<128x128xf32, #tpu.memory_space<vmem>>, vector<16xf32>,
        %get3A_302 = arith.index_cast %add3A_281 : i32 to index
        %get3A_303 = arith.constant 16 : index
        %get3A_304 = tpu.vector_load %arg12[%get3A_302, %get3A_303] {strides = array<i32>} : memref<128x128xf32, #tpu.memory_space<vmem>>, vector<16xf32>,
        %get3A_305 = arith.index_cast %add3A_281 : i32 to index
        %get3A_306 = arith.constant 16 : index
        %get3A_307 = tpu.vector_load %arg14[%get3A_305, %get3A_306] {strides = array<i32>} : memref<128x128xf32, #tpu.memory_space<vmem>>, vector<16xf32>,
        %sub3A_308 = arith.subf %get3A_301, %get3A_304 : vector<16xf32>
        %max3A_309 = arith.constant 0.000000e+00 : f32
        %max3A_310 = vector.broadcast %max3A_309 : f32 to vector<16xf32>
        %max3A_311 = arith.maximumf %sub3A_308, %max3A_310 : vector<16xf32>
        %mul3A_312 = arith.mulf %max3A_311, %scan3A_258 : vector<16xf32>
        %mul3A_313 = arith.mulf %scan3A_257, %get3A_307 : vector<16xf32>
        %gt3A_314 = arith.cmpf ogt, %mul3A_312, %mul3A_313 : vector<16xf32>
        %select_n3A_315 = arith.select %gt3A_314, %max3A_311, %scan3A_257 : vector<16xi1>, vector<16xf32>
        %select_n3A_316 = arith.select %gt3A_314, %get3A_307, %scan3A_258 : vector<16xi1>, vector<16xf32>
        %select_n3A_317 = arith.select %gt3A_314, %broadcast_in_dim3A_283, %scan3A_259 : vector<16xi1>, vector<16xi32>
        %get3A_318 = arith.index_cast %add3A_281 : i32 to index
        %get3A_319 = arith.constant 32 : index
        %get3A_320 = tpu.vector_load %arg10[%get3A_318, %get3A_319] {strides = array<i32>} : memref<128x128xf32, #tpu.memory_space<vmem>>, vector<16xf32>,
        %get3A_321 = arith.index_cast %add3A_281 : i32 to index
        %get3A_322 = arith.constant 32 : index
        %get3A_323 = tpu.vector_load %arg12[%get3A_321, %get3A_322] {strides = array<i32>} : memref<128x128xf32, #tpu.memory_space<vmem>>, vector<16xf32>,
        %get3A_324 = arith.index_cast %add3A_281 : i32 to index
        %get3A_325 = arith.constant 32 : index
        %get3A_326 = tpu.vector_load %arg14[%get3A_324, %get3A_325] {strides = array<i32>} : memref<128x128xf32, #tpu.memory_space<vmem>>, vector<16xf32>,
        %sub3A_327 = arith.subf %get3A_320, %get3A_323 : vector<16xf32>
        %max3A_328 = arith.constant 0.000000e+00 : f32
        %max3A_329 = vector.broadcast %max3A_328 : f32 to vector<16xf32>
        %max3A_330 = arith.maximumf %sub3A_327, %max3A_329 : vector<16xf32>
        %mul3A_331 = arith.mulf %max3A_330, %scan3A_261 : vector<16xf32>
        %mul3A_332 = arith.mulf %scan3A_260, %get3A_326 : vector<16xf32>
        %gt3A_333 = arith.cmpf ogt, %mul3A_331, %mul3A_332 : vector<16xf32>
        %select_n3A_334 = arith.select %gt3A_333, %max3A_330, %scan3A_260 : vector<16xi1>, vector<16xf32>
        %select_n3A_335 = arith.select %gt3A_333, %get3A_326, %scan3A_261 : vector<16xi1>, vector<16xf32>
        %select_n3A_336 = arith.select %gt3A_333, %broadcast_in_dim3A_283, %scan3A_262 : vector<16xi1>, vector<16xi32>
        %get3A_337 = arith.index_cast %add3A_281 : i32 to index
        %get3A_338 = arith.constant 48 : index
        %get3A_339 = tpu.vector_load %arg10[%get3A_337, %get3A_338] {strides = array<i32>} : memref<128x128xf32, #tpu.memory_space<vmem>>, vector<16xf32>,
        %get3A_340 = arith.index_cast %add3A_281 : i32 to index
        %get3A_341 = arith.constant 48 : index
        %get3A_342 = tpu.vector_load %arg12[%get3A_340, %get3A_341] {strides = array<i32>} : memref<128x128xf32, #tpu.memory_space<vmem>>, vector<16xf32>,
        %get3A_343 = arith.index_cast %add3A_281 : i32 to index
        %get3A_344 = arith.constant 48 : index
        %get3A_345 = tpu.vector_load %arg14[%get3A_343, %get3A_344] {strides = array<i32>} : memref<128x128xf32, #tpu.memory_space<vmem>>, vector<16xf32>,
        %sub3A_346 = arith.subf %get3A_339, %get3A_342 : vector<16xf32>
        %max3A_347 = arith.constant 0.000000e+00 : f32
        %max3A_348 = vector.broadcast %max3A_347 : f32 to vector<16xf32>
        %max3A_349 = arith.maximumf %sub3A_346, %max3A_348 : vector<16xf32>
        %mul3A_350 = arith.mulf %max3A_349, %scan3A_264 : vector<16xf32>
        %mul3A_351 = arith.mulf %scan3A_263, %get3A_345 : vector<16xf32>
        %gt3A_352 = arith.cmpf ogt, %mul3A_350, %mul3A_351 : vector<16xf32>
        %select_n3A_353 = arith.select %gt3A_352, %max3A_349, %scan3A_263 : vector<16xi1>, vector<16xf32>
        %select_n3A_354 = arith.select %gt3A_352, %get3A_345, %scan3A_264 : vector<16xi1>, vector<16xf32>
        %select_n3A_355 = arith.select %gt3A_352, %broadcast_in_dim3A_283, %scan3A_265 : vector<16xi1>, vector<16xi32>
        %get3A_356 = arith.index_cast %add3A_281 : i32 to index
        %get3A_357 = arith.constant 64 : index
        %get3A_358 = tpu.vector_load %arg10[%get3A_356, %get3A_357] {strides = array<i32>} : memref<128x128xf32, #tpu.memory_space<vmem>>, vector<16xf32>,
        %get3A_359 = arith.index_cast %add3A_281 : i32 to index
        %get3A_360 = arith.constant 64 : index
        %get3A_361 = tpu.vector_load %arg12[%get3A_359, %get3A_360] {strides = array<i32>} : memref<128x128xf32, #tpu.memory_space<vmem>>, vector<16xf32>,
        %get3A_362 = arith.index_cast %add3A_281 : i32 to index
        %get3A_363 = arith.constant 64 : index
        %get3A_364 = tpu.vector_load %arg14[%get3A_362, %get3A_363] {strides = array<i32>} : memref<128x128xf32, #tpu.memory_space<vmem>>, vector<16xf32>,
        %sub3A_365 = arith.subf %get3A_358, %get3A_361 : vector<16xf32>
        %max3A_366 = arith.constant 0.000000e+00 : f32
        %max3A_367 = vector.broadcast %max3A_366 : f32 to vector<16xf32>
        %max3A_368 = arith.maximumf %sub3A_365, %max3A_367 : vector<16xf32>
        %mul3A_369 = arith.mulf %max3A_368, %scan3A_267 : vector<16xf32>
        %mul3A_370 = arith.mulf %scan3A_266, %get3A_364 : vector<16xf32>
        %gt3A_371 = arith.cmpf ogt, %mul3A_369, %mul3A_370 : vector<16xf32>
        %select_n3A_372 = arith.select %gt3A_371, %max3A_368, %scan3A_266 : vector<16xi1>, vector<16xf32>
        %select_n3A_373 = arith.select %gt3A_371, %get3A_364, %scan3A_267 : vector<16xi1>, vector<16xf32>
        %select_n3A_374 = arith.select %gt3A_371, %broadcast_in_dim3A_283, %scan3A_268 : vector<16xi1>, vector<16xi32>
        %get3A_375 = arith.index_cast %add3A_281 : i32 to index
        %get3A_376 = arith.constant 80 : index
        %get3A_377 = tpu.vector_load %arg10[%get3A_375, %get3A_376] {strides = array<i32>} : memref<128x128xf32, #tpu.memory_space<vmem>>, vector<16xf32>,
        %get3A_378 = arith.index_cast %add3A_281 : i32 to index
        %get3A_379 = arith.constant 80 : index
        %get3A_380 = tpu.vector_load %arg12[%get3A_378, %get3A_379] {strides = array<i32>} : memref<128x128xf32, #tpu.memory_space<vmem>>, vector<16xf32>,
        %get3A_381 = arith.index_cast %add3A_281 : i32 to index
        %get3A_382 = arith.constant 80 : index
        %get3A_383 = tpu.vector_load %arg14[%get3A_381, %get3A_382] {strides = array<i32>} : memref<128x128xf32, #tpu.memory_space<vmem>>, vector<16xf32>,
        %sub3A_384 = arith.subf %get3A_377, %get3A_380 : vector<16xf32>
        %max3A_385 = arith.constant 0.000000e+00 : f32
        %max3A_386 = vector.broadcast %max3A_385 : f32 to vector<16xf32>
        %max3A_387 = arith.maximumf %sub3A_384, %max3A_386 : vector<16xf32>
        %mul3A_388 = arith.mulf %max3A_387, %scan3A_270 : vector<16xf32>
        %mul3A_389 = arith.mulf %scan3A_269, %get3A_383 : vector<16xf32>
        %gt3A_390 = arith.cmpf ogt, %mul3A_388, %mul3A_389 : vector<16xf32>
        %select_n3A_391 = arith.select %gt3A_390, %max3A_387, %scan3A_269 : vector<16xi1>, vector<16xf32>
        %select_n3A_392 = arith.select %gt3A_390, %get3A_383, %scan3A_270 : vector<16xi1>, vector<16xf32>
        %select_n3A_393 = arith.select %gt3A_390, %broadcast_in_dim3A_283, %scan3A_271 : vector<16xi1>, vector<16xi32>
        %get3A_394 = arith.index_cast %add3A_281 : i32 to index
        %get3A_395 = arith.constant 96 : index
        %get3A_396 = tpu.vector_load %arg10[%get3A_394, %get3A_395] {strides = array<i32>} : memref<128x128xf32, #tpu.memory_space<vmem>>, vector<16xf32>,
        %get3A_397 = arith.index_cast %add3A_281 : i32 to index
        %get3A_398 = arith.constant 96 : index
        %get3A_399 = tpu.vector_load %arg12[%get3A_397, %get3A_398] {strides = array<i32>} : memref<128x128xf32, #tpu.memory_space<vmem>>, vector<16xf32>,
        %get3A_400 = arith.index_cast %add3A_281 : i32 to index
        %get3A_401 = arith.constant 96 : index
        %get3A_402 = tpu.vector_load %arg14[%get3A_400, %get3A_401] {strides = array<i32>} : memref<128x128xf32, #tpu.memory_space<vmem>>, vector<16xf32>,
        %sub3A_403 = arith.subf %get3A_396, %get3A_399 : vector<16xf32>
        %max3A_404 = arith.constant 0.000000e+00 : f32
        %max3A_405 = vector.broadcast %max3A_404 : f32 to vector<16xf32>
        %max3A_406 = arith.maximumf %sub3A_403, %max3A_405 : vector<16xf32>
        %mul3A_407 = arith.mulf %max3A_406, %scan3A_273 : vector<16xf32>
        %mul3A_408 = arith.mulf %scan3A_272, %get3A_402 : vector<16xf32>
        %gt3A_409 = arith.cmpf ogt, %mul3A_407, %mul3A_408 : vector<16xf32>
        %select_n3A_410 = arith.select %gt3A_409, %max3A_406, %scan3A_272 : vector<16xi1>, vector<16xf32>
        %select_n3A_411 = arith.select %gt3A_409, %get3A_402, %scan3A_273 : vector<16xi1>, vector<16xf32>
        %select_n3A_412 = arith.select %gt3A_409, %broadcast_in_dim3A_283, %scan3A_274 : vector<16xi1>, vector<16xi32>
        %get3A_413 = arith.index_cast %add3A_281 : i32 to index
        %get3A_414 = arith.constant 112 : index
        %get3A_415 = tpu.vector_load %arg10[%get3A_413, %get3A_414] {strides = array<i32>} : memref<128x128xf32, #tpu.memory_space<vmem>>, vector<16xf32>,
        %get3A_416 = arith.index_cast %add3A_281 : i32 to index
        %get3A_417 = arith.constant 112 : index
        %get3A_418 = tpu.vector_load %arg12[%get3A_416, %get3A_417] {strides = array<i32>} : memref<128x128xf32, #tpu.memory_space<vmem>>, vector<16xf32>,
        %get3A_419 = arith.index_cast %add3A_281 : i32 to index
        %get3A_420 = arith.constant 112 : index
        %get3A_421 = tpu.vector_load %arg14[%get3A_419, %get3A_420] {strides = array<i32>} : memref<128x128xf32, #tpu.memory_space<vmem>>, vector<16xf32>,
        %sub3A_422 = arith.subf %get3A_415, %get3A_418 : vector<16xf32>
        %max3A_423 = arith.constant 0.000000e+00 : f32
        %max3A_424 = vector.broadcast %max3A_423 : f32 to vector<16xf32>
        %max3A_425 = arith.maximumf %sub3A_422, %max3A_424 : vector<16xf32>
        %mul3A_426 = arith.mulf %max3A_425, %scan3A_276 : vector<16xf32>
        %mul3A_427 = arith.mulf %scan3A_275, %get3A_421 : vector<16xf32>
        %gt3A_428 = arith.cmpf ogt, %mul3A_426, %mul3A_427 : vector<16xf32>
        %select_n3A_429 = arith.select %gt3A_428, %max3A_425, %scan3A_275 : vector<16xi1>, vector<16xf32>
        %select_n3A_430 = arith.select %gt3A_428, %get3A_421, %scan3A_276 : vector<16xi1>, vector<16xf32>
        %select_n3A_431 = arith.select %gt3A_428, %broadcast_in_dim3A_283, %scan3A_277 : vector<16xi1>, vector<16xi32>
        %mul3A_432 = arith.constant 8 : i32
        %mul3A_433 = arith.muli %scan3A_253, %mul3A_432 : i32
        %add3A_434 = arith.constant 1 : i32
        %add3A_435 = arith.addi %mul3A_433, %add3A_434 : i32
        %add3A_436 = arith.addi %add3A_237, %add3A_435 : i32
        %broadcast_in_dim3A_437 = vector.broadcast %add3A_436 : i32 to vector<16xi32>
        %get3A_438 = arith.index_cast %add3A_435 : i32 to index
        %get3A_439 = arith.constant 0 : index
        %get3A_440 = tpu.vector_load %arg10[%get3A_438, %get3A_439] {strides = array<i32>} : memref<128x128xf32, #tpu.memory_space<vmem>>, vector<16xf32>,
        %get3A_441 = arith.index_cast %add3A_435 : i32 to index
        %get3A_442 = arith.constant 0 : index
        %get3A_443 = tpu.vector_load %arg12[%get3A_441, %get3A_442] {strides = array<i32>} : memref<128x128xf32, #tpu.memory_space<vmem>>, vector<16xf32>,
        %get3A_444 = arith.index_cast %add3A_435 : i32 to index
        %get3A_445 = arith.constant 0 : index
        %get3A_446 = tpu.vector_load %arg14[%get3A_444, %get3A_445] {strides = array<i32>} : memref<128x128xf32, #tpu.memory_space<vmem>>, vector<16xf32>,
        %sub3A_447 = arith.subf %get3A_440, %get3A_443 : vector<16xf32>
        %max3A_448 = arith.constant 0.000000e+00 : f32
        %max3A_449 = vector.broadcast %max3A_448 : f32 to vector<16xf32>
        %max3A_450 = arith.maximumf %sub3A_447, %max3A_449 : vector<16xf32>
        %mul3A_451 = arith.mulf %max3A_450, %select_n3A_297 : vector<16xf32>
        %mul3A_452 = arith.mulf %select_n3A_296, %get3A_446 : vector<16xf32>
        %gt3A_453 = arith.cmpf ogt, %mul3A_451, %mul3A_452 : vector<16xf32>
        %select_n3A_454 = arith.select %gt3A_453, %max3A_450, %select_n3A_296 : vector<16xi1>, vector<16xf32>
        %select_n3A_455 = arith.select %gt3A_453, %get3A_446, %select_n3A_297 : vector<16xi1>, vector<16xf32>
        %select_n3A_456 = arith.select %gt3A_453, %broadcast_in_dim3A_437, %select_n3A_298 : vector<16xi1>, vector<16xi32>
        %get3A_457 = arith.index_cast %add3A_435 : i32 to index
        %get3A_458 = arith.constant 16 : index
        %get3A_459 = tpu.vector_load %arg10[%get3A_457, %get3A_458] {strides = array<i32>} : memref<128x128xf32, #tpu.memory_space<vmem>>, vector<16xf32>,
        %get3A_460 = arith.index_cast %add3A_435 : i32 to index
        %get3A_461 = arith.constant 16 : index
        %get3A_462 = tpu.vector_load %arg12[%get3A_460, %get3A_461] {strides = array<i32>} : memref<128x128xf32, #tpu.memory_space<vmem>>, vector<16xf32>,
        %get3A_463 = arith.index_cast %add3A_435 : i32 to index
        %get3A_464 = arith.constant 16 : index
        %get3A_465 = tpu.vector_load %arg14[%get3A_463, %get3A_464] {strides = array<i32>} : memref<128x128xf32, #tpu.memory_space<vmem>>, vector<16xf32>,
        %sub3A_466 = arith.subf %get3A_459, %get3A_462 : vector<16xf32>
        %max3A_467 = arith.constant 0.000000e+00 : f32
        %max3A_468 = vector.broadcast %max3A_467 : f32 to vector<16xf32>
        %max3A_469 = arith.maximumf %sub3A_466, %max3A_468 : vector<16xf32>
        %mul3A_470 = arith.mulf %max3A_469, %select_n3A_316 : vector<16xf32>
        %mul3A_471 = arith.mulf %select_n3A_315, %get3A_465 : vector<16xf32>
        %gt3A_472 = arith.cmpf ogt, %mul3A_470, %mul3A_471 : vector<16xf32>
        %select_n3A_473 = arith.select %gt3A_472, %max3A_469, %select_n3A_315 : vector<16xi1>, vector<16xf32>
        %select_n3A_474 = arith.select %gt3A_472, %get3A_465, %select_n3A_316 : vector<16xi1>, vector<16xf32>
        %select_n3A_475 = arith.select %gt3A_472, %broadcast_in_dim3A_437, %select_n3A_317 : vector<16xi1>, vector<16xi32>
        %get3A_476 = arith.index_cast %add3A_435 : i32 to index
        %get3A_477 = arith.constant 32 : index
        %get3A_478 = tpu.vector_load %arg10[%get3A_476, %get3A_477] {strides = array<i32>} : memref<128x128xf32, #tpu.memory_space<vmem>>, vector<16xf32>,
        %get3A_479 = arith.index_cast %add3A_435 : i32 to index
        %get3A_480 = arith.constant 32 : index
        %get3A_481 = tpu.vector_load %arg12[%get3A_479, %get3A_480] {strides = array<i32>} : memref<128x128xf32, #tpu.memory_space<vmem>>, vector<16xf32>,
        %get3A_482 = arith.index_cast %add3A_435 : i32 to index
        %get3A_483 = arith.constant 32 : index
        %get3A_484 = tpu.vector_load %arg14[%get3A_482, %get3A_483] {strides = array<i32>} : memref<128x128xf32, #tpu.memory_space<vmem>>, vector<16xf32>,
        %sub3A_485 = arith.subf %get3A_478, %get3A_481 : vector<16xf32>
        %max3A_486 = arith.constant 0.000000e+00 : f32
        %max3A_487 = vector.broadcast %max3A_486 : f32 to vector<16xf32>
        %max3A_488 = arith.maximumf %sub3A_485, %max3A_487 : vector<16xf32>
        %mul3A_489 = arith.mulf %max3A_488, %select_n3A_335 : vector<16xf32>
        %mul3A_490 = arith.mulf %select_n3A_334, %get3A_484 : vector<16xf32>
        %gt3A_491 = arith.cmpf ogt, %mul3A_489, %mul3A_490 : vector<16xf32>
        %select_n3A_492 = arith.select %gt3A_491, %max3A_488, %select_n3A_334 : vector<16xi1>, vector<16xf32>
        %select_n3A_493 = arith.select %gt3A_491, %get3A_484, %select_n3A_335 : vector<16xi1>, vector<16xf32>
        %select_n3A_494 = arith.select %gt3A_491, %broadcast_in_dim3A_437, %select_n3A_336 : vector<16xi1>, vector<16xi32>
        %get3A_495 = arith.index_cast %add3A_435 : i32 to index
        %get3A_496 = arith.constant 48 : index
        %get3A_497 = tpu.vector_load %arg10[%get3A_495, %get3A_496] {strides = array<i32>} : memref<128x128xf32, #tpu.memory_space<vmem>>, vector<16xf32>,
        %get3A_498 = arith.index_cast %add3A_435 : i32 to index
        %get3A_499 = arith.constant 48 : index
        %get3A_500 = tpu.vector_load %arg12[%get3A_498, %get3A_499] {strides = array<i32>} : memref<128x128xf32, #tpu.memory_space<vmem>>, vector<16xf32>,
        %get3A_501 = arith.index_cast %add3A_435 : i32 to index
        %get3A_502 = arith.constant 48 : index
        %get3A_503 = tpu.vector_load %arg14[%get3A_501, %get3A_502] {strides = array<i32>} : memref<128x128xf32, #tpu.memory_space<vmem>>, vector<16xf32>,
        %sub3A_504 = arith.subf %get3A_497, %get3A_500 : vector<16xf32>
        %max3A_505 = arith.constant 0.000000e+00 : f32
        %max3A_506 = vector.broadcast %max3A_505 : f32 to vector<16xf32>
        %max3A_507 = arith.maximumf %sub3A_504, %max3A_506 : vector<16xf32>
        %mul3A_508 = arith.mulf %max3A_507, %select_n3A_354 : vector<16xf32>
        %mul3A_509 = arith.mulf %select_n3A_353, %get3A_503 : vector<16xf32>
        %gt3A_510 = arith.cmpf ogt, %mul3A_508, %mul3A_509 : vector<16xf32>
        %select_n3A_511 = arith.select %gt3A_510, %max3A_507, %select_n3A_353 : vector<16xi1>, vector<16xf32>
        %select_n3A_512 = arith.select %gt3A_510, %get3A_503, %select_n3A_354 : vector<16xi1>, vector<16xf32>
        %select_n3A_513 = arith.select %gt3A_510, %broadcast_in_dim3A_437, %select_n3A_355 : vector<16xi1>, vector<16xi32>
        %get3A_514 = arith.index_cast %add3A_435 : i32 to index
        %get3A_515 = arith.constant 64 : index
        %get3A_516 = tpu.vector_load %arg10[%get3A_514, %get3A_515] {strides = array<i32>} : memref<128x128xf32, #tpu.memory_space<vmem>>, vector<16xf32>,
        %get3A_517 = arith.index_cast %add3A_435 : i32 to index
        %get3A_518 = arith.constant 64 : index
        %get3A_519 = tpu.vector_load %arg12[%get3A_517, %get3A_518] {strides = array<i32>} : memref<128x128xf32, #tpu.memory_space<vmem>>, vector<16xf32>,
        %get3A_520 = arith.index_cast %add3A_435 : i32 to index
        %get3A_521 = arith.constant 64 : index
        %get3A_522 = tpu.vector_load %arg14[%get3A_520, %get3A_521] {strides = array<i32>} : memref<128x128xf32, #tpu.memory_space<vmem>>, vector<16xf32>,
        %sub3A_523 = arith.subf %get3A_516, %get3A_519 : vector<16xf32>
        %max3A_524 = arith.constant 0.000000e+00 : f32
        %max3A_525 = vector.broadcast %max3A_524 : f32 to vector<16xf32>
        %max3A_526 = arith.maximumf %sub3A_523, %max3A_525 : vector<16xf32>
        %mul3A_527 = arith.mulf %max3A_526, %select_n3A_373 : vector<16xf32>
        %mul3A_528 = arith.mulf %select_n3A_372, %get3A_522 : vector<16xf32>
        %gt3A_529 = arith.cmpf ogt, %mul3A_527, %mul3A_528 : vector<16xf32>
        %select_n3A_530 = arith.select %gt3A_529, %max3A_526, %select_n3A_372 : vector<16xi1>, vector<16xf32>
        %select_n3A_531 = arith.select %gt3A_529, %get3A_522, %select_n3A_373 : vector<16xi1>, vector<16xf32>
        %select_n3A_532 = arith.select %gt3A_529, %broadcast_in_dim3A_437, %select_n3A_374 : vector<16xi1>, vector<16xi32>
        %get3A_533 = arith.index_cast %add3A_435 : i32 to index
        %get3A_534 = arith.constant 80 : index
        %get3A_535 = tpu.vector_load %arg10[%get3A_533, %get3A_534] {strides = array<i32>} : memref<128x128xf32, #tpu.memory_space<vmem>>, vector<16xf32>,
        %get3A_536 = arith.index_cast %add3A_435 : i32 to index
        %get3A_537 = arith.constant 80 : index
        %get3A_538 = tpu.vector_load %arg12[%get3A_536, %get3A_537] {strides = array<i32>} : memref<128x128xf32, #tpu.memory_space<vmem>>, vector<16xf32>,
        %get3A_539 = arith.index_cast %add3A_435 : i32 to index
        %get3A_540 = arith.constant 80 : index
        %get3A_541 = tpu.vector_load %arg14[%get3A_539, %get3A_540] {strides = array<i32>} : memref<128x128xf32, #tpu.memory_space<vmem>>, vector<16xf32>,
        %sub3A_542 = arith.subf %get3A_535, %get3A_538 : vector<16xf32>
        %max3A_543 = arith.constant 0.000000e+00 : f32
        %max3A_544 = vector.broadcast %max3A_543 : f32 to vector<16xf32>
        %max3A_545 = arith.maximumf %sub3A_542, %max3A_544 : vector<16xf32>
        %mul3A_546 = arith.mulf %max3A_545, %select_n3A_392 : vector<16xf32>
        %mul3A_547 = arith.mulf %select_n3A_391, %get3A_541 : vector<16xf32>
        %gt3A_548 = arith.cmpf ogt, %mul3A_546, %mul3A_547 : vector<16xf32>
        %select_n3A_549 = arith.select %gt3A_548, %max3A_545, %select_n3A_391 : vector<16xi1>, vector<16xf32>
        %select_n3A_550 = arith.select %gt3A_548, %get3A_541, %select_n3A_392 : vector<16xi1>, vector<16xf32>
        %select_n3A_551 = arith.select %gt3A_548, %broadcast_in_dim3A_437, %select_n3A_393 : vector<16xi1>, vector<16xi32>
        %get3A_552 = arith.index_cast %add3A_435 : i32 to index
        %get3A_553 = arith.constant 96 : index
        %get3A_554 = tpu.vector_load %arg10[%get3A_552, %get3A_553] {strides = array<i32>} : memref<128x128xf32, #tpu.memory_space<vmem>>, vector<16xf32>,
        %get3A_555 = arith.index_cast %add3A_435 : i32 to index
        %get3A_556 = arith.constant 96 : index
        %get3A_557 = tpu.vector_load %arg12[%get3A_555, %get3A_556] {strides = array<i32>} : memref<128x128xf32, #tpu.memory_space<vmem>>, vector<16xf32>,
        %get3A_558 = arith.index_cast %add3A_435 : i32 to index
        %get3A_559 = arith.constant 96 : index
        %get3A_560 = tpu.vector_load %arg14[%get3A_558, %get3A_559] {strides = array<i32>} : memref<128x128xf32, #tpu.memory_space<vmem>>, vector<16xf32>,
        %sub3A_561 = arith.subf %get3A_554, %get3A_557 : vector<16xf32>
        %max3A_562 = arith.constant 0.000000e+00 : f32
        %max3A_563 = vector.broadcast %max3A_562 : f32 to vector<16xf32>
        %max3A_564 = arith.maximumf %sub3A_561, %max3A_563 : vector<16xf32>
        %mul3A_565 = arith.mulf %max3A_564, %select_n3A_411 : vector<16xf32>
        %mul3A_566 = arith.mulf %select_n3A_410, %get3A_560 : vector<16xf32>
        %gt3A_567 = arith.cmpf ogt, %mul3A_565, %mul3A_566 : vector<16xf32>
        %select_n3A_568 = arith.select %gt3A_567, %max3A_564, %select_n3A_410 : vector<16xi1>, vector<16xf32>
        %select_n3A_569 = arith.select %gt3A_567, %get3A_560, %select_n3A_411 : vector<16xi1>, vector<16xf32>
        %select_n3A_570 = arith.select %gt3A_567, %broadcast_in_dim3A_437, %select_n3A_412 : vector<16xi1>, vector<16xi32>
        %get3A_571 = arith.index_cast %add3A_435 : i32 to index
        %get3A_572 = arith.constant 112 : index
        %get3A_573 = tpu.vector_load %arg10[%get3A_571, %get3A_572] {strides = array<i32>} : memref<128x128xf32, #tpu.memory_space<vmem>>, vector<16xf32>,
        %get3A_574 = arith.index_cast %add3A_435 : i32 to index
        %get3A_575 = arith.constant 112 : index
        %get3A_576 = tpu.vector_load %arg12[%get3A_574, %get3A_575] {strides = array<i32>} : memref<128x128xf32, #tpu.memory_space<vmem>>, vector<16xf32>,
        %get3A_577 = arith.index_cast %add3A_435 : i32 to index
        %get3A_578 = arith.constant 112 : index
        %get3A_579 = tpu.vector_load %arg14[%get3A_577, %get3A_578] {strides = array<i32>} : memref<128x128xf32, #tpu.memory_space<vmem>>, vector<16xf32>,
        %sub3A_580 = arith.subf %get3A_573, %get3A_576 : vector<16xf32>
        %max3A_581 = arith.constant 0.000000e+00 : f32
        %max3A_582 = vector.broadcast %max3A_581 : f32 to vector<16xf32>
        %max3A_583 = arith.maximumf %sub3A_580, %max3A_582 : vector<16xf32>
        %mul3A_584 = arith.mulf %max3A_583, %select_n3A_430 : vector<16xf32>
        %mul3A_585 = arith.mulf %select_n3A_429, %get3A_579 : vector<16xf32>
        %gt3A_586 = arith.cmpf ogt, %mul3A_584, %mul3A_585 : vector<16xf32>
        %select_n3A_587 = arith.select %gt3A_586, %max3A_583, %select_n3A_429 : vector<16xi1>, vector<16xf32>
        %select_n3A_588 = arith.select %gt3A_586, %get3A_579, %select_n3A_430 : vector<16xi1>, vector<16xf32>
        %select_n3A_589 = arith.select %gt3A_586, %broadcast_in_dim3A_437, %select_n3A_431 : vector<16xi1>, vector<16xi32>
        %mul3A_590 = arith.constant 8 : i32
        %mul3A_591 = arith.muli %scan3A_253, %mul3A_590 : i32
        %add3A_592 = arith.constant 2 : i32
        %add3A_593 = arith.addi %mul3A_591, %add3A_592 : i32
        %add3A_594 = arith.addi %add3A_237, %add3A_593 : i32
        %broadcast_in_dim3A_595 = vector.broadcast %add3A_594 : i32 to vector<16xi32>
        %get3A_596 = arith.index_cast %add3A_593 : i32 to index
        %get3A_597 = arith.constant 0 : index
        %get3A_598 = tpu.vector_load %arg10[%get3A_596, %get3A_597] {strides = array<i32>} : memref<128x128xf32, #tpu.memory_space<vmem>>, vector<16xf32>,
        %get3A_599 = arith.index_cast %add3A_593 : i32 to index
        %get3A_600 = arith.constant 0 : index
        %get3A_601 = tpu.vector_load %arg12[%get3A_599, %get3A_600] {strides = array<i32>} : memref<128x128xf32, #tpu.memory_space<vmem>>, vector<16xf32>,
        %get3A_602 = arith.index_cast %add3A_593 : i32 to index
        %get3A_603 = arith.constant 0 : index
        %get3A_604 = tpu.vector_load %arg14[%get3A_602, %get3A_603] {strides = array<i32>} : memref<128x128xf32, #tpu.memory_space<vmem>>, vector<16xf32>,
        %sub3A_605 = arith.subf %get3A_598, %get3A_601 : vector<16xf32>
        %max3A_606 = arith.constant 0.000000e+00 : f32
        %max3A_607 = vector.broadcast %max3A_606 : f32 to vector<16xf32>
        %max3A_608 = arith.maximumf %sub3A_605, %max3A_607 : vector<16xf32>
        %mul3A_609 = arith.mulf %max3A_608, %select_n3A_455 : vector<16xf32>
        %mul3A_610 = arith.mulf %select_n3A_454, %get3A_604 : vector<16xf32>
        %gt3A_611 = arith.cmpf ogt, %mul3A_609, %mul3A_610 : vector<16xf32>
        %select_n3A_612 = arith.select %gt3A_611, %max3A_608, %select_n3A_454 : vector<16xi1>, vector<16xf32>
        %select_n3A_613 = arith.select %gt3A_611, %get3A_604, %select_n3A_455 : vector<16xi1>, vector<16xf32>
        %select_n3A_614 = arith.select %gt3A_611, %broadcast_in_dim3A_595, %select_n3A_456 : vector<16xi1>, vector<16xi32>
        %get3A_615 = arith.index_cast %add3A_593 : i32 to index
        %get3A_616 = arith.constant 16 : index
        %get3A_617 = tpu.vector_load %arg10[%get3A_615, %get3A_616] {strides = array<i32>} : memref<128x128xf32, #tpu.memory_space<vmem>>, vector<16xf32>,
        %get3A_618 = arith.index_cast %add3A_593 : i32 to index
        %get3A_619 = arith.constant 16 : index
        %get3A_620 = tpu.vector_load %arg12[%get3A_618, %get3A_619] {strides = array<i32>} : memref<128x128xf32, #tpu.memory_space<vmem>>, vector<16xf32>,
        %get3A_621 = arith.index_cast %add3A_593 : i32 to index
        %get3A_622 = arith.constant 16 : index
        %get3A_623 = tpu.vector_load %arg14[%get3A_621, %get3A_622] {strides = array<i32>} : memref<128x128xf32, #tpu.memory_space<vmem>>, vector<16xf32>,
        %sub3A_624 = arith.subf %get3A_617, %get3A_620 : vector<16xf32>
        %max3A_625 = arith.constant 0.000000e+00 : f32
        %max3A_626 = vector.broadcast %max3A_625 : f32 to vector<16xf32>
        %max3A_627 = arith.maximumf %sub3A_624, %max3A_626 : vector<16xf32>
        %mul3A_628 = arith.mulf %max3A_627, %select_n3A_474 : vector<16xf32>
        %mul3A_629 = arith.mulf %select_n3A_473, %get3A_623 : vector<16xf32>
        %gt3A_630 = arith.cmpf ogt, %mul3A_628, %mul3A_629 : vector<16xf32>
        %select_n3A_631 = arith.select %gt3A_630, %max3A_627, %select_n3A_473 : vector<16xi1>, vector<16xf32>
        %select_n3A_632 = arith.select %gt3A_630, %get3A_623, %select_n3A_474 : vector<16xi1>, vector<16xf32>
        %select_n3A_633 = arith.select %gt3A_630, %broadcast_in_dim3A_595, %select_n3A_475 : vector<16xi1>, vector<16xi32>
        %get3A_634 = arith.index_cast %add3A_593 : i32 to index
        %get3A_635 = arith.constant 32 : index
        %get3A_636 = tpu.vector_load %arg10[%get3A_634, %get3A_635] {strides = array<i32>} : memref<128x128xf32, #tpu.memory_space<vmem>>, vector<16xf32>,
        %get3A_637 = arith.index_cast %add3A_593 : i32 to index
        %get3A_638 = arith.constant 32 : index
        %get3A_639 = tpu.vector_load %arg12[%get3A_637, %get3A_638] {strides = array<i32>} : memref<128x128xf32, #tpu.memory_space<vmem>>, vector<16xf32>,
        %get3A_640 = arith.index_cast %add3A_593 : i32 to index
        %get3A_641 = arith.constant 32 : index
        %get3A_642 = tpu.vector_load %arg14[%get3A_640, %get3A_641] {strides = array<i32>} : memref<128x128xf32, #tpu.memory_space<vmem>>, vector<16xf32>,
        %sub3A_643 = arith.subf %get3A_636, %get3A_639 : vector<16xf32>
        %max3A_644 = arith.constant 0.000000e+00 : f32
        %max3A_645 = vector.broadcast %max3A_644 : f32 to vector<16xf32>
        %max3A_646 = arith.maximumf %sub3A_643, %max3A_645 : vector<16xf32>
        %mul3A_647 = arith.mulf %max3A_646, %select_n3A_493 : vector<16xf32>
        %mul3A_648 = arith.mulf %select_n3A_492, %get3A_642 : vector<16xf32>
        %gt3A_649 = arith.cmpf ogt, %mul3A_647, %mul3A_648 : vector<16xf32>
        %select_n3A_650 = arith.select %gt3A_649, %max3A_646, %select_n3A_492 : vector<16xi1>, vector<16xf32>
        %select_n3A_651 = arith.select %gt3A_649, %get3A_642, %select_n3A_493 : vector<16xi1>, vector<16xf32>
        %select_n3A_652 = arith.select %gt3A_649, %broadcast_in_dim3A_595, %select_n3A_494 : vector<16xi1>, vector<16xi32>
        %get3A_653 = arith.index_cast %add3A_593 : i32 to index
        %get3A_654 = arith.constant 48 : index
        %get3A_655 = tpu.vector_load %arg10[%get3A_653, %get3A_654] {strides = array<i32>} : memref<128x128xf32, #tpu.memory_space<vmem>>, vector<16xf32>,
        %get3A_656 = arith.index_cast %add3A_593 : i32 to index
        %get3A_657 = arith.constant 48 : index
        %get3A_658 = tpu.vector_load %arg12[%get3A_656, %get3A_657] {strides = array<i32>} : memref<128x128xf32, #tpu.memory_space<vmem>>, vector<16xf32>,
        %get3A_659 = arith.index_cast %add3A_593 : i32 to index
        %get3A_660 = arith.constant 48 : index
        %get3A_661 = tpu.vector_load %arg14[%get3A_659, %get3A_660] {strides = array<i32>} : memref<128x128xf32, #tpu.memory_space<vmem>>, vector<16xf32>,
        %sub3A_662 = arith.subf %get3A_655, %get3A_658 : vector<16xf32>
        %max3A_663 = arith.constant 0.000000e+00 : f32
        %max3A_664 = vector.broadcast %max3A_663 : f32 to vector<16xf32>
        %max3A_665 = arith.maximumf %sub3A_662, %max3A_664 : vector<16xf32>
        %mul3A_666 = arith.mulf %max3A_665, %select_n3A_512 : vector<16xf32>
        %mul3A_667 = arith.mulf %select_n3A_511, %get3A_661 : vector<16xf32>
        %gt3A_668 = arith.cmpf ogt, %mul3A_666, %mul3A_667 : vector<16xf32>
        %select_n3A_669 = arith.select %gt3A_668, %max3A_665, %select_n3A_511 : vector<16xi1>, vector<16xf32>
        %select_n3A_670 = arith.select %gt3A_668, %get3A_661, %select_n3A_512 : vector<16xi1>, vector<16xf32>
        %select_n3A_671 = arith.select %gt3A_668, %broadcast_in_dim3A_595, %select_n3A_513 : vector<16xi1>, vector<16xi32>
        %get3A_672 = arith.index_cast %add3A_593 : i32 to index
        %get3A_673 = arith.constant 64 : index
        %get3A_674 = tpu.vector_load %arg10[%get3A_672, %get3A_673] {strides = array<i32>} : memref<128x128xf32, #tpu.memory_space<vmem>>, vector<16xf32>,
        %get3A_675 = arith.index_cast %add3A_593 : i32 to index
        %get3A_676 = arith.constant 64 : index
        %get3A_677 = tpu.vector_load %arg12[%get3A_675, %get3A_676] {strides = array<i32>} : memref<128x128xf32, #tpu.memory_space<vmem>>, vector<16xf32>,
        %get3A_678 = arith.index_cast %add3A_593 : i32 to index
        %get3A_679 = arith.constant 64 : index
        %get3A_680 = tpu.vector_load %arg14[%get3A_678, %get3A_679] {strides = array<i32>} : memref<128x128xf32, #tpu.memory_space<vmem>>, vector<16xf32>,
        %sub3A_681 = arith.subf %get3A_674, %get3A_677 : vector<16xf32>
        %max3A_682 = arith.constant 0.000000e+00 : f32
        %max3A_683 = vector.broadcast %max3A_682 : f32 to vector<16xf32>
        %max3A_684 = arith.maximumf %sub3A_681, %max3A_683 : vector<16xf32>
        %mul3A_685 = arith.mulf %max3A_684, %select_n3A_531 : vector<16xf32>
        %mul3A_686 = arith.mulf %select_n3A_530, %get3A_680 : vector<16xf32>
        %gt3A_687 = arith.cmpf ogt, %mul3A_685, %mul3A_686 : vector<16xf32>
        %select_n3A_688 = arith.select %gt3A_687, %max3A_684, %select_n3A_530 : vector<16xi1>, vector<16xf32>
        %select_n3A_689 = arith.select %gt3A_687, %get3A_680, %select_n3A_531 : vector<16xi1>, vector<16xf32>
        %select_n3A_690 = arith.select %gt3A_687, %broadcast_in_dim3A_595, %select_n3A_532 : vector<16xi1>, vector<16xi32>
        %get3A_691 = arith.index_cast %add3A_593 : i32 to index
        %get3A_692 = arith.constant 80 : index
        %get3A_693 = tpu.vector_load %arg10[%get3A_691, %get3A_692] {strides = array<i32>} : memref<128x128xf32, #tpu.memory_space<vmem>>, vector<16xf32>,
        %get3A_694 = arith.index_cast %add3A_593 : i32 to index
        %get3A_695 = arith.constant 80 : index
        %get3A_696 = tpu.vector_load %arg12[%get3A_694, %get3A_695] {strides = array<i32>} : memref<128x128xf32, #tpu.memory_space<vmem>>, vector<16xf32>,
        %get3A_697 = arith.index_cast %add3A_593 : i32 to index
        %get3A_698 = arith.constant 80 : index
        %get3A_699 = tpu.vector_load %arg14[%get3A_697, %get3A_698] {strides = array<i32>} : memref<128x128xf32, #tpu.memory_space<vmem>>, vector<16xf32>,
        %sub3A_700 = arith.subf %get3A_693, %get3A_696 : vector<16xf32>
        %max3A_701 = arith.constant 0.000000e+00 : f32
        %max3A_702 = vector.broadcast %max3A_701 : f32 to vector<16xf32>
        %max3A_703 = arith.maximumf %sub3A_700, %max3A_702 : vector<16xf32>
        %mul3A_704 = arith.mulf %max3A_703, %select_n3A_550 : vector<16xf32>
        %mul3A_705 = arith.mulf %select_n3A_549, %get3A_699 : vector<16xf32>
        %gt3A_706 = arith.cmpf ogt, %mul3A_704, %mul3A_705 : vector<16xf32>
        %select_n3A_707 = arith.select %gt3A_706, %max3A_703, %select_n3A_549 : vector<16xi1>, vector<16xf32>
        %select_n3A_708 = arith.select %gt3A_706, %get3A_699, %select_n3A_550 : vector<16xi1>, vector<16xf32>
        %select_n3A_709 = arith.select %gt3A_706, %broadcast_in_dim3A_595, %select_n3A_551 : vector<16xi1>, vector<16xi32>
        %get3A_710 = arith.index_cast %add3A_593 : i32 to index
        %get3A_711 = arith.constant 96 : index
        %get3A_712 = tpu.vector_load %arg10[%get3A_710, %get3A_711] {strides = array<i32>} : memref<128x128xf32, #tpu.memory_space<vmem>>, vector<16xf32>,
        %get3A_713 = arith.index_cast %add3A_593 : i32 to index
        %get3A_714 = arith.constant 96 : index
        %get3A_715 = tpu.vector_load %arg12[%get3A_713, %get3A_714] {strides = array<i32>} : memref<128x128xf32, #tpu.memory_space<vmem>>, vector<16xf32>,
        %get3A_716 = arith.index_cast %add3A_593 : i32 to index
        %get3A_717 = arith.constant 96 : index
        %get3A_718 = tpu.vector_load %arg14[%get3A_716, %get3A_717] {strides = array<i32>} : memref<128x128xf32, #tpu.memory_space<vmem>>, vector<16xf32>,
        %sub3A_719 = arith.subf %get3A_712, %get3A_715 : vector<16xf32>
        %max3A_720 = arith.constant 0.000000e+00 : f32
        %max3A_721 = vector.broadcast %max3A_720 : f32 to vector<16xf32>
        %max3A_722 = arith.maximumf %sub3A_719, %max3A_721 : vector<16xf32>
        %mul3A_723 = arith.mulf %max3A_722, %select_n3A_569 : vector<16xf32>
        %mul3A_724 = arith.mulf %select_n3A_568, %get3A_718 : vector<16xf32>
        %gt3A_725 = arith.cmpf ogt, %mul3A_723, %mul3A_724 : vector<16xf32>
        %select_n3A_726 = arith.select %gt3A_725, %max3A_722, %select_n3A_568 : vector<16xi1>, vector<16xf32>
        %select_n3A_727 = arith.select %gt3A_725, %get3A_718, %select_n3A_569 : vector<16xi1>, vector<16xf32>
        %select_n3A_728 = arith.select %gt3A_725, %broadcast_in_dim3A_595, %select_n3A_570 : vector<16xi1>, vector<16xi32>
        %get3A_729 = arith.index_cast %add3A_593 : i32 to index
        %get3A_730 = arith.constant 112 : index
        %get3A_731 = tpu.vector_load %arg10[%get3A_729, %get3A_730] {strides = array<i32>} : memref<128x128xf32, #tpu.memory_space<vmem>>, vector<16xf32>,
        %get3A_732 = arith.index_cast %add3A_593 : i32 to index
        %get3A_733 = arith.constant 112 : index
        %get3A_734 = tpu.vector_load %arg12[%get3A_732, %get3A_733] {strides = array<i32>} : memref<128x128xf32, #tpu.memory_space<vmem>>, vector<16xf32>,
        %get3A_735 = arith.index_cast %add3A_593 : i32 to index
        %get3A_736 = arith.constant 112 : index
        %get3A_737 = tpu.vector_load %arg14[%get3A_735, %get3A_736] {strides = array<i32>} : memref<128x128xf32, #tpu.memory_space<vmem>>, vector<16xf32>,
        %sub3A_738 = arith.subf %get3A_731, %get3A_734 : vector<16xf32>
        %max3A_739 = arith.constant 0.000000e+00 : f32
        %max3A_740 = vector.broadcast %max3A_739 : f32 to vector<16xf32>
        %max3A_741 = arith.maximumf %sub3A_738, %max3A_740 : vector<16xf32>
        %mul3A_742 = arith.mulf %max3A_741, %select_n3A_588 : vector<16xf32>
        %mul3A_743 = arith.mulf %select_n3A_587, %get3A_737 : vector<16xf32>
        %gt3A_744 = arith.cmpf ogt, %mul3A_742, %mul3A_743 : vector<16xf32>
        %select_n3A_745 = arith.select %gt3A_744, %max3A_741, %select_n3A_587 : vector<16xi1>, vector<16xf32>
        %select_n3A_746 = arith.select %gt3A_744, %get3A_737, %select_n3A_588 : vector<16xi1>, vector<16xf32>
        %select_n3A_747 = arith.select %gt3A_744, %broadcast_in_dim3A_595, %select_n3A_589 : vector<16xi1>, vector<16xi32>
        %mul3A_748 = arith.constant 8 : i32
        %mul3A_749 = arith.muli %scan3A_253, %mul3A_748 : i32
        %add3A_750 = arith.constant 3 : i32
        %add3A_751 = arith.addi %mul3A_749, %add3A_750 : i32
        %add3A_752 = arith.addi %add3A_237, %add3A_751 : i32
        %broadcast_in_dim3A_753 = vector.broadcast %add3A_752 : i32 to vector<16xi32>
        %get3A_754 = arith.index_cast %add3A_751 : i32 to index
        %get3A_755 = arith.constant 0 : index
        %get3A_756 = tpu.vector_load %arg10[%get3A_754, %get3A_755] {strides = array<i32>} : memref<128x128xf32, #tpu.memory_space<vmem>>, vector<16xf32>,
        %get3A_757 = arith.index_cast %add3A_751 : i32 to index
        %get3A_758 = arith.constant 0 : index
        %get3A_759 = tpu.vector_load %arg12[%get3A_757, %get3A_758] {strides = array<i32>} : memref<128x128xf32, #tpu.memory_space<vmem>>, vector<16xf32>,
        %get3A_760 = arith.index_cast %add3A_751 : i32 to index
        %get3A_761 = arith.constant 0 : index
        %get3A_762 = tpu.vector_load %arg14[%get3A_760, %get3A_761] {strides = array<i32>} : memref<128x128xf32, #tpu.memory_space<vmem>>, vector<16xf32>,
        %sub3A_763 = arith.subf %get3A_756, %get3A_759 : vector<16xf32>
        %max3A_764 = arith.constant 0.000000e+00 : f32
        %max3A_765 = vector.broadcast %max3A_764 : f32 to vector<16xf32>
        %max3A_766 = arith.maximumf %sub3A_763, %max3A_765 : vector<16xf32>
        %mul3A_767 = arith.mulf %max3A_766, %select_n3A_613 : vector<16xf32>
        %mul3A_768 = arith.mulf %select_n3A_612, %get3A_762 : vector<16xf32>
        %gt3A_769 = arith.cmpf ogt, %mul3A_767, %mul3A_768 : vector<16xf32>
        %select_n3A_770 = arith.select %gt3A_769, %max3A_766, %select_n3A_612 : vector<16xi1>, vector<16xf32>
        %select_n3A_771 = arith.select %gt3A_769, %get3A_762, %select_n3A_613 : vector<16xi1>, vector<16xf32>
        %select_n3A_772 = arith.select %gt3A_769, %broadcast_in_dim3A_753, %select_n3A_614 : vector<16xi1>, vector<16xi32>
        %get3A_773 = arith.index_cast %add3A_751 : i32 to index
        %get3A_774 = arith.constant 16 : index
        %get3A_775 = tpu.vector_load %arg10[%get3A_773, %get3A_774] {strides = array<i32>} : memref<128x128xf32, #tpu.memory_space<vmem>>, vector<16xf32>,
        %get3A_776 = arith.index_cast %add3A_751 : i32 to index
        %get3A_777 = arith.constant 16 : index
        %get3A_778 = tpu.vector_load %arg12[%get3A_776, %get3A_777] {strides = array<i32>} : memref<128x128xf32, #tpu.memory_space<vmem>>, vector<16xf32>,
        %get3A_779 = arith.index_cast %add3A_751 : i32 to index
        %get3A_780 = arith.constant 16 : index
        %get3A_781 = tpu.vector_load %arg14[%get3A_779, %get3A_780] {strides = array<i32>} : memref<128x128xf32, #tpu.memory_space<vmem>>, vector<16xf32>,
        %sub3A_782 = arith.subf %get3A_775, %get3A_778 : vector<16xf32>
        %max3A_783 = arith.constant 0.000000e+00 : f32
        %max3A_784 = vector.broadcast %max3A_783 : f32 to vector<16xf32>
        %max3A_785 = arith.maximumf %sub3A_782, %max3A_784 : vector<16xf32>
        %mul3A_786 = arith.mulf %max3A_785, %select_n3A_632 : vector<16xf32>
        %mul3A_787 = arith.mulf %select_n3A_631, %get3A_781 : vector<16xf32>
        %gt3A_788 = arith.cmpf ogt, %mul3A_786, %mul3A_787 : vector<16xf32>
        %select_n3A_789 = arith.select %gt3A_788, %max3A_785, %select_n3A_631 : vector<16xi1>, vector<16xf32>
        %select_n3A_790 = arith.select %gt3A_788, %get3A_781, %select_n3A_632 : vector<16xi1>, vector<16xf32>
        %select_n3A_791 = arith.select %gt3A_788, %broadcast_in_dim3A_753, %select_n3A_633 : vector<16xi1>, vector<16xi32>
        %get3A_792 = arith.index_cast %add3A_751 : i32 to index
        %get3A_793 = arith.constant 32 : index
        %get3A_794 = tpu.vector_load %arg10[%get3A_792, %get3A_793] {strides = array<i32>} : memref<128x128xf32, #tpu.memory_space<vmem>>, vector<16xf32>,
        %get3A_795 = arith.index_cast %add3A_751 : i32 to index
        %get3A_796 = arith.constant 32 : index
        %get3A_797 = tpu.vector_load %arg12[%get3A_795, %get3A_796] {strides = array<i32>} : memref<128x128xf32, #tpu.memory_space<vmem>>, vector<16xf32>,
        %get3A_798 = arith.index_cast %add3A_751 : i32 to index
        %get3A_799 = arith.constant 32 : index
        %get3A_800 = tpu.vector_load %arg14[%get3A_798, %get3A_799] {strides = array<i32>} : memref<128x128xf32, #tpu.memory_space<vmem>>, vector<16xf32>,
        %sub3A_801 = arith.subf %get3A_794, %get3A_797 : vector<16xf32>
        %max3A_802 = arith.constant 0.000000e+00 : f32
        %max3A_803 = vector.broadcast %max3A_802 : f32 to vector<16xf32>
        %max3A_804 = arith.maximumf %sub3A_801, %max3A_803 : vector<16xf32>
        %mul3A_805 = arith.mulf %max3A_804, %select_n3A_651 : vector<16xf32>
        %mul3A_806 = arith.mulf %select_n3A_650, %get3A_800 : vector<16xf32>
        %gt3A_807 = arith.cmpf ogt, %mul3A_805, %mul3A_806 : vector<16xf32>
        %select_n3A_808 = arith.select %gt3A_807, %max3A_804, %select_n3A_650 : vector<16xi1>, vector<16xf32>
        %select_n3A_809 = arith.select %gt3A_807, %get3A_800, %select_n3A_651 : vector<16xi1>, vector<16xf32>
        %select_n3A_810 = arith.select %gt3A_807, %broadcast_in_dim3A_753, %select_n3A_652 : vector<16xi1>, vector<16xi32>
        %get3A_811 = arith.index_cast %add3A_751 : i32 to index
        %get3A_812 = arith.constant 48 : index
        %get3A_813 = tpu.vector_load %arg10[%get3A_811, %get3A_812] {strides = array<i32>} : memref<128x128xf32, #tpu.memory_space<vmem>>, vector<16xf32>,
        %get3A_814 = arith.index_cast %add3A_751 : i32 to index
        %get3A_815 = arith.constant 48 : index
        %get3A_816 = tpu.vector_load %arg12[%get3A_814, %get3A_815] {strides = array<i32>} : memref<128x128xf32, #tpu.memory_space<vmem>>, vector<16xf32>,
        %get3A_817 = arith.index_cast %add3A_751 : i32 to index
        %get3A_818 = arith.constant 48 : index
        %get3A_819 = tpu.vector_load %arg14[%get3A_817, %get3A_818] {strides = array<i32>} : memref<128x128xf32, #tpu.memory_space<vmem>>, vector<16xf32>,
        %sub3A_820 = arith.subf %get3A_813, %get3A_816 : vector<16xf32>
        %max3A_821 = arith.constant 0.000000e+00 : f32
        %max3A_822 = vector.broadcast %max3A_821 : f32 to vector<16xf32>
        %max3A_823 = arith.maximumf %sub3A_820, %max3A_822 : vector<16xf32>
        %mul3A_824 = arith.mulf %max3A_823, %select_n3A_670 : vector<16xf32>
        %mul3A_825 = arith.mulf %select_n3A_669, %get3A_819 : vector<16xf32>
        %gt3A_826 = arith.cmpf ogt, %mul3A_824, %mul3A_825 : vector<16xf32>
        %select_n3A_827 = arith.select %gt3A_826, %max3A_823, %select_n3A_669 : vector<16xi1>, vector<16xf32>
        %select_n3A_828 = arith.select %gt3A_826, %get3A_819, %select_n3A_670 : vector<16xi1>, vector<16xf32>
        %select_n3A_829 = arith.select %gt3A_826, %broadcast_in_dim3A_753, %select_n3A_671 : vector<16xi1>, vector<16xi32>
        %get3A_830 = arith.index_cast %add3A_751 : i32 to index
        %get3A_831 = arith.constant 64 : index
        %get3A_832 = tpu.vector_load %arg10[%get3A_830, %get3A_831] {strides = array<i32>} : memref<128x128xf32, #tpu.memory_space<vmem>>, vector<16xf32>,
        %get3A_833 = arith.index_cast %add3A_751 : i32 to index
        %get3A_834 = arith.constant 64 : index
        %get3A_835 = tpu.vector_load %arg12[%get3A_833, %get3A_834] {strides = array<i32>} : memref<128x128xf32, #tpu.memory_space<vmem>>, vector<16xf32>,
        %get3A_836 = arith.index_cast %add3A_751 : i32 to index
        %get3A_837 = arith.constant 64 : index
        %get3A_838 = tpu.vector_load %arg14[%get3A_836, %get3A_837] {strides = array<i32>} : memref<128x128xf32, #tpu.memory_space<vmem>>, vector<16xf32>,
        %sub3A_839 = arith.subf %get3A_832, %get3A_835 : vector<16xf32>
        %max3A_840 = arith.constant 0.000000e+00 : f32
        %max3A_841 = vector.broadcast %max3A_840 : f32 to vector<16xf32>
        %max3A_842 = arith.maximumf %sub3A_839, %max3A_841 : vector<16xf32>
        %mul3A_843 = arith.mulf %max3A_842, %select_n3A_689 : vector<16xf32>
        %mul3A_844 = arith.mulf %select_n3A_688, %get3A_838 : vector<16xf32>
        %gt3A_845 = arith.cmpf ogt, %mul3A_843, %mul3A_844 : vector<16xf32>
        %select_n3A_846 = arith.select %gt3A_845, %max3A_842, %select_n3A_688 : vector<16xi1>, vector<16xf32>
        %select_n3A_847 = arith.select %gt3A_845, %get3A_838, %select_n3A_689 : vector<16xi1>, vector<16xf32>
        %select_n3A_848 = arith.select %gt3A_845, %broadcast_in_dim3A_753, %select_n3A_690 : vector<16xi1>, vector<16xi32>
        %get3A_849 = arith.index_cast %add3A_751 : i32 to index
        %get3A_850 = arith.constant 80 : index
        %get3A_851 = tpu.vector_load %arg10[%get3A_849, %get3A_850] {strides = array<i32>} : memref<128x128xf32, #tpu.memory_space<vmem>>, vector<16xf32>,
        %get3A_852 = arith.index_cast %add3A_751 : i32 to index
        %get3A_853 = arith.constant 80 : index
        %get3A_854 = tpu.vector_load %arg12[%get3A_852, %get3A_853] {strides = array<i32>} : memref<128x128xf32, #tpu.memory_space<vmem>>, vector<16xf32>,
        %get3A_855 = arith.index_cast %add3A_751 : i32 to index
        %get3A_856 = arith.constant 80 : index
        %get3A_857 = tpu.vector_load %arg14[%get3A_855, %get3A_856] {strides = array<i32>} : memref<128x128xf32, #tpu.memory_space<vmem>>, vector<16xf32>,
        %sub3A_858 = arith.subf %get3A_851, %get3A_854 : vector<16xf32>
        %max3A_859 = arith.constant 0.000000e+00 : f32
        %max3A_860 = vector.broadcast %max3A_859 : f32 to vector<16xf32>
        %max3A_861 = arith.maximumf %sub3A_858, %max3A_860 : vector<16xf32>
        %mul3A_862 = arith.mulf %max3A_861, %select_n3A_708 : vector<16xf32>
        %mul3A_863 = arith.mulf %select_n3A_707, %get3A_857 : vector<16xf32>
        %gt3A_864 = arith.cmpf ogt, %mul3A_862, %mul3A_863 : vector<16xf32>
        %select_n3A_865 = arith.select %gt3A_864, %max3A_861, %select_n3A_707 : vector<16xi1>, vector<16xf32>
        %select_n3A_866 = arith.select %gt3A_864, %get3A_857, %select_n3A_708 : vector<16xi1>, vector<16xf32>
        %select_n3A_867 = arith.select %gt3A_864, %broadcast_in_dim3A_753, %select_n3A_709 : vector<16xi1>, vector<16xi32>
        %get3A_868 = arith.index_cast %add3A_751 : i32 to index
        %get3A_869 = arith.constant 96 : index
        %get3A_870 = tpu.vector_load %arg10[%get3A_868, %get3A_869] {strides = array<i32>} : memref<128x128xf32, #tpu.memory_space<vmem>>, vector<16xf32>,
        %get3A_871 = arith.index_cast %add3A_751 : i32 to index
        %get3A_872 = arith.constant 96 : index
        %get3A_873 = tpu.vector_load %arg12[%get3A_871, %get3A_872] {strides = array<i32>} : memref<128x128xf32, #tpu.memory_space<vmem>>, vector<16xf32>,
        %get3A_874 = arith.index_cast %add3A_751 : i32 to index
        %get3A_875 = arith.constant 96 : index
        %get3A_876 = tpu.vector_load %arg14[%get3A_874, %get3A_875] {strides = array<i32>} : memref<128x128xf32, #tpu.memory_space<vmem>>, vector<16xf32>,
        %sub3A_877 = arith.subf %get3A_870, %get3A_873 : vector<16xf32>
        %max3A_878 = arith.constant 0.000000e+00 : f32
        %max3A_879 = vector.broadcast %max3A_878 : f32 to vector<16xf32>
        %max3A_880 = arith.maximumf %sub3A_877, %max3A_879 : vector<16xf32>
        %mul3A_881 = arith.mulf %max3A_880, %select_n3A_727 : vector<16xf32>
        %mul3A_882 = arith.mulf %select_n3A_726, %get3A_876 : vector<16xf32>
        %gt3A_883 = arith.cmpf ogt, %mul3A_881, %mul3A_882 : vector<16xf32>
        %select_n3A_884 = arith.select %gt3A_883, %max3A_880, %select_n3A_726 : vector<16xi1>, vector<16xf32>
        %select_n3A_885 = arith.select %gt3A_883, %get3A_876, %select_n3A_727 : vector<16xi1>, vector<16xf32>
        %select_n3A_886 = arith.select %gt3A_883, %broadcast_in_dim3A_753, %select_n3A_728 : vector<16xi1>, vector<16xi32>
        %get3A_887 = arith.index_cast %add3A_751 : i32 to index
        %get3A_888 = arith.constant 112 : index
        %get3A_889 = tpu.vector_load %arg10[%get3A_887, %get3A_888] {strides = array<i32>} : memref<128x128xf32, #tpu.memory_space<vmem>>, vector<16xf32>,
        %get3A_890 = arith.index_cast %add3A_751 : i32 to index
        %get3A_891 = arith.constant 112 : index
        %get3A_892 = tpu.vector_load %arg12[%get3A_890, %get3A_891] {strides = array<i32>} : memref<128x128xf32, #tpu.memory_space<vmem>>, vector<16xf32>,
        %get3A_893 = arith.index_cast %add3A_751 : i32 to index
        %get3A_894 = arith.constant 112 : index
        %get3A_895 = tpu.vector_load %arg14[%get3A_893, %get3A_894] {strides = array<i32>} : memref<128x128xf32, #tpu.memory_space<vmem>>, vector<16xf32>,
        %sub3A_896 = arith.subf %get3A_889, %get3A_892 : vector<16xf32>
        %max3A_897 = arith.constant 0.000000e+00 : f32
        %max3A_898 = vector.broadcast %max3A_897 : f32 to vector<16xf32>
        %max3A_899 = arith.maximumf %sub3A_896, %max3A_898 : vector<16xf32>
        %mul3A_900 = arith.mulf %max3A_899, %select_n3A_746 : vector<16xf32>
        %mul3A_901 = arith.mulf %select_n3A_745, %get3A_895 : vector<16xf32>
        %gt3A_902 = arith.cmpf ogt, %mul3A_900, %mul3A_901 : vector<16xf32>
        %select_n3A_903 = arith.select %gt3A_902, %max3A_899, %select_n3A_745 : vector<16xi1>, vector<16xf32>
        %select_n3A_904 = arith.select %gt3A_902, %get3A_895, %select_n3A_746 : vector<16xi1>, vector<16xf32>
        %select_n3A_905 = arith.select %gt3A_902, %broadcast_in_dim3A_753, %select_n3A_747 : vector<16xi1>, vector<16xi32>
        %mul3A_906 = arith.constant 8 : i32
        %mul3A_907 = arith.muli %scan3A_253, %mul3A_906 : i32
        %add3A_908 = arith.constant 4 : i32
        %add3A_909 = arith.addi %mul3A_907, %add3A_908 : i32
        %add3A_910 = arith.addi %add3A_237, %add3A_909 : i32
        %broadcast_in_dim3A_911 = vector.broadcast %add3A_910 : i32 to vector<16xi32>
        %get3A_912 = arith.index_cast %add3A_909 : i32 to index
        %get3A_913 = arith.constant 0 : index
        %get3A_914 = tpu.vector_load %arg10[%get3A_912, %get3A_913] {strides = array<i32>} : memref<128x128xf32, #tpu.memory_space<vmem>>, vector<16xf32>,
        %get3A_915 = arith.index_cast %add3A_909 : i32 to index
        %get3A_916 = arith.constant 0 : index
        %get3A_917 = tpu.vector_load %arg12[%get3A_915, %get3A_916] {strides = array<i32>} : memref<128x128xf32, #tpu.memory_space<vmem>>, vector<16xf32>,
        %get3A_918 = arith.index_cast %add3A_909 : i32 to index
        %get3A_919 = arith.constant 0 : index
        %get3A_920 = tpu.vector_load %arg14[%get3A_918, %get3A_919] {strides = array<i32>} : memref<128x128xf32, #tpu.memory_space<vmem>>, vector<16xf32>,
        %sub3A_921 = arith.subf %get3A_914, %get3A_917 : vector<16xf32>
        %max3A_922 = arith.constant 0.000000e+00 : f32
        %max3A_923 = vector.broadcast %max3A_922 : f32 to vector<16xf32>
        %max3A_924 = arith.maximumf %sub3A_921, %max3A_923 : vector<16xf32>
        %mul3A_925 = arith.mulf %max3A_924, %select_n3A_771 : vector<16xf32>
        %mul3A_926 = arith.mulf %select_n3A_770, %get3A_920 : vector<16xf32>
        %gt3A_927 = arith.cmpf ogt, %mul3A_925, %mul3A_926 : vector<16xf32>
        %select_n3A_928 = arith.select %gt3A_927, %max3A_924, %select_n3A_770 : vector<16xi1>, vector<16xf32>
        %select_n3A_929 = arith.select %gt3A_927, %get3A_920, %select_n3A_771 : vector<16xi1>, vector<16xf32>
        %select_n3A_930 = arith.select %gt3A_927, %broadcast_in_dim3A_911, %select_n3A_772 : vector<16xi1>, vector<16xi32>
        %get3A_931 = arith.index_cast %add3A_909 : i32 to index
        %get3A_932 = arith.constant 16 : index
        %get3A_933 = tpu.vector_load %arg10[%get3A_931, %get3A_932] {strides = array<i32>} : memref<128x128xf32, #tpu.memory_space<vmem>>, vector<16xf32>,
        %get3A_934 = arith.index_cast %add3A_909 : i32 to index
        %get3A_935 = arith.constant 16 : index
        %get3A_936 = tpu.vector_load %arg12[%get3A_934, %get3A_935] {strides = array<i32>} : memref<128x128xf32, #tpu.memory_space<vmem>>, vector<16xf32>,
        %get3A_937 = arith.index_cast %add3A_909 : i32 to index
        %get3A_938 = arith.constant 16 : index
        %get3A_939 = tpu.vector_load %arg14[%get3A_937, %get3A_938] {strides = array<i32>} : memref<128x128xf32, #tpu.memory_space<vmem>>, vector<16xf32>,
        %sub3A_940 = arith.subf %get3A_933, %get3A_936 : vector<16xf32>
        %max3A_941 = arith.constant 0.000000e+00 : f32
        %max3A_942 = vector.broadcast %max3A_941 : f32 to vector<16xf32>
        %max3A_943 = arith.maximumf %sub3A_940, %max3A_942 : vector<16xf32>
        %mul3A_944 = arith.mulf %max3A_943, %select_n3A_790 : vector<16xf32>
        %mul3A_945 = arith.mulf %select_n3A_789, %get3A_939 : vector<16xf32>
        %gt3A_946 = arith.cmpf ogt, %mul3A_944, %mul3A_945 : vector<16xf32>
        %select_n3A_947 = arith.select %gt3A_946, %max3A_943, %select_n3A_789 : vector<16xi1>, vector<16xf32>
        %select_n3A_948 = arith.select %gt3A_946, %get3A_939, %select_n3A_790 : vector<16xi1>, vector<16xf32>
        %select_n3A_949 = arith.select %gt3A_946, %broadcast_in_dim3A_911, %select_n3A_791 : vector<16xi1>, vector<16xi32>
        %get3A_950 = arith.index_cast %add3A_909 : i32 to index
        %get3A_951 = arith.constant 32 : index
        %get3A_952 = tpu.vector_load %arg10[%get3A_950, %get3A_951] {strides = array<i32>} : memref<128x128xf32, #tpu.memory_space<vmem>>, vector<16xf32>,
        %get3A_953 = arith.index_cast %add3A_909 : i32 to index
        %get3A_954 = arith.constant 32 : index
        %get3A_955 = tpu.vector_load %arg12[%get3A_953, %get3A_954] {strides = array<i32>} : memref<128x128xf32, #tpu.memory_space<vmem>>, vector<16xf32>,
        %get3A_956 = arith.index_cast %add3A_909 : i32 to index
        %get3A_957 = arith.constant 32 : index
        %get3A_958 = tpu.vector_load %arg14[%get3A_956, %get3A_957] {strides = array<i32>} : memref<128x128xf32, #tpu.memory_space<vmem>>, vector<16xf32>,
        %sub3A_959 = arith.subf %get3A_952, %get3A_955 : vector<16xf32>
        %max3A_960 = arith.constant 0.000000e+00 : f32
        %max3A_961 = vector.broadcast %max3A_960 : f32 to vector<16xf32>
        %max3A_962 = arith.maximumf %sub3A_959, %max3A_961 : vector<16xf32>
        %mul3A_963 = arith.mulf %max3A_962, %select_n3A_809 : vector<16xf32>
        %mul3A_964 = arith.mulf %select_n3A_808, %get3A_958 : vector<16xf32>
        %gt3A_965 = arith.cmpf ogt, %mul3A_963, %mul3A_964 : vector<16xf32>
        %select_n3A_966 = arith.select %gt3A_965, %max3A_962, %select_n3A_808 : vector<16xi1>, vector<16xf32>
        %select_n3A_967 = arith.select %gt3A_965, %get3A_958, %select_n3A_809 : vector<16xi1>, vector<16xf32>
        %select_n3A_968 = arith.select %gt3A_965, %broadcast_in_dim3A_911, %select_n3A_810 : vector<16xi1>, vector<16xi32>
        %get3A_969 = arith.index_cast %add3A_909 : i32 to index
        %get3A_970 = arith.constant 48 : index
        %get3A_971 = tpu.vector_load %arg10[%get3A_969, %get3A_970] {strides = array<i32>} : memref<128x128xf32, #tpu.memory_space<vmem>>, vector<16xf32>,
        %get3A_972 = arith.index_cast %add3A_909 : i32 to index
        %get3A_973 = arith.constant 48 : index
        %get3A_974 = tpu.vector_load %arg12[%get3A_972, %get3A_973] {strides = array<i32>} : memref<128x128xf32, #tpu.memory_space<vmem>>, vector<16xf32>,
        %get3A_975 = arith.index_cast %add3A_909 : i32 to index
        %get3A_976 = arith.constant 48 : index
        %get3A_977 = tpu.vector_load %arg14[%get3A_975, %get3A_976] {strides = array<i32>} : memref<128x128xf32, #tpu.memory_space<vmem>>, vector<16xf32>,
        %sub3A_978 = arith.subf %get3A_971, %get3A_974 : vector<16xf32>
        %max3A_979 = arith.constant 0.000000e+00 : f32
        %max3A_980 = vector.broadcast %max3A_979 : f32 to vector<16xf32>
        %max3A_981 = arith.maximumf %sub3A_978, %max3A_980 : vector<16xf32>
        %mul3A_982 = arith.mulf %max3A_981, %select_n3A_828 : vector<16xf32>
        %mul3A_983 = arith.mulf %select_n3A_827, %get3A_977 : vector<16xf32>
        %gt3A_984 = arith.cmpf ogt, %mul3A_982, %mul3A_983 : vector<16xf32>
        %select_n3A_985 = arith.select %gt3A_984, %max3A_981, %select_n3A_827 : vector<16xi1>, vector<16xf32>
        %select_n3A_986 = arith.select %gt3A_984, %get3A_977, %select_n3A_828 : vector<16xi1>, vector<16xf32>
        %select_n3A_987 = arith.select %gt3A_984, %broadcast_in_dim3A_911, %select_n3A_829 : vector<16xi1>, vector<16xi32>
        %get3A_988 = arith.index_cast %add3A_909 : i32 to index
        %get3A_989 = arith.constant 64 : index
        %get3A_990 = tpu.vector_load %arg10[%get3A_988, %get3A_989] {strides = array<i32>} : memref<128x128xf32, #tpu.memory_space<vmem>>, vector<16xf32>,
        %get3A_991 = arith.index_cast %add3A_909 : i32 to index
        %get3A_992 = arith.constant 64 : index
        %get3A_993 = tpu.vector_load %arg12[%get3A_991, %get3A_992] {strides = array<i32>} : memref<128x128xf32, #tpu.memory_space<vmem>>, vector<16xf32>,
        %get3A_994 = arith.index_cast %add3A_909 : i32 to index
        %get3A_995 = arith.constant 64 : index
        %get3A_996 = tpu.vector_load %arg14[%get3A_994, %get3A_995] {strides = array<i32>} : memref<128x128xf32, #tpu.memory_space<vmem>>, vector<16xf32>,
        %sub3A_997 = arith.subf %get3A_990, %get3A_993 : vector<16xf32>
        %max3A_998 = arith.constant 0.000000e+00 : f32
        %max3A_999 = vector.broadcast %max3A_998 : f32 to vector<16xf32>
        %max3A_1000 = arith.maximumf %sub3A_997, %max3A_999 : vector<16xf32>
        %mul3A_1001 = arith.mulf %max3A_1000, %select_n3A_847 : vector<16xf32>
        %mul3A_1002 = arith.mulf %select_n3A_846, %get3A_996 : vector<16xf32>
        %gt3A_1003 = arith.cmpf ogt, %mul3A_1001, %mul3A_1002 : vector<16xf32>
        %select_n3A_1004 = arith.select %gt3A_1003, %max3A_1000, %select_n3A_846 : vector<16xi1>, vector<16xf32>
        %select_n3A_1005 = arith.select %gt3A_1003, %get3A_996, %select_n3A_847 : vector<16xi1>, vector<16xf32>
        %select_n3A_1006 = arith.select %gt3A_1003, %broadcast_in_dim3A_911, %select_n3A_848 : vector<16xi1>, vector<16xi32>
        %get3A_1007 = arith.index_cast %add3A_909 : i32 to index
        %get3A_1008 = arith.constant 80 : index
        %get3A_1009 = tpu.vector_load %arg10[%get3A_1007, %get3A_1008] {strides = array<i32>} : memref<128x128xf32, #tpu.memory_space<vmem>>, vector<16xf32>,
        %get3A_1010 = arith.index_cast %add3A_909 : i32 to index
        %get3A_1011 = arith.constant 80 : index
        %get3A_1012 = tpu.vector_load %arg12[%get3A_1010, %get3A_1011] {strides = array<i32>} : memref<128x128xf32, #tpu.memory_space<vmem>>, vector<16xf32>,
        %get3A_1013 = arith.index_cast %add3A_909 : i32 to index
        %get3A_1014 = arith.constant 80 : index
        %get3A_1015 = tpu.vector_load %arg14[%get3A_1013, %get3A_1014] {strides = array<i32>} : memref<128x128xf32, #tpu.memory_space<vmem>>, vector<16xf32>,
        %sub3A_1016 = arith.subf %get3A_1009, %get3A_1012 : vector<16xf32>
        %max3A_1017 = arith.constant 0.000000e+00 : f32
        %max3A_1018 = vector.broadcast %max3A_1017 : f32 to vector<16xf32>
        %max3A_1019 = arith.maximumf %sub3A_1016, %max3A_1018 : vector<16xf32>
        %mul3A_1020 = arith.mulf %max3A_1019, %select_n3A_866 : vector<16xf32>
        %mul3A_1021 = arith.mulf %select_n3A_865, %get3A_1015 : vector<16xf32>
        %gt3A_1022 = arith.cmpf ogt, %mul3A_1020, %mul3A_1021 : vector<16xf32>
        %select_n3A_1023 = arith.select %gt3A_1022, %max3A_1019, %select_n3A_865 : vector<16xi1>, vector<16xf32>
        %select_n3A_1024 = arith.select %gt3A_1022, %get3A_1015, %select_n3A_866 : vector<16xi1>, vector<16xf32>
        %select_n3A_1025 = arith.select %gt3A_1022, %broadcast_in_dim3A_911, %select_n3A_867 : vector<16xi1>, vector<16xi32>
        %get3A_1026 = arith.index_cast %add3A_909 : i32 to index
        %get3A_1027 = arith.constant 96 : index
        %get3A_1028 = tpu.vector_load %arg10[%get3A_1026, %get3A_1027] {strides = array<i32>} : memref<128x128xf32, #tpu.memory_space<vmem>>, vector<16xf32>,
        %get3A_1029 = arith.index_cast %add3A_909 : i32 to index
        %get3A_1030 = arith.constant 96 : index
        %get3A_1031 = tpu.vector_load %arg12[%get3A_1029, %get3A_1030] {strides = array<i32>} : memref<128x128xf32, #tpu.memory_space<vmem>>, vector<16xf32>,
        %get3A_1032 = arith.index_cast %add3A_909 : i32 to index
        %get3A_1033 = arith.constant 96 : index
        %get3A_1034 = tpu.vector_load %arg14[%get3A_1032, %get3A_1033] {strides = array<i32>} : memref<128x128xf32, #tpu.memory_space<vmem>>, vector<16xf32>,
        %sub3A_1035 = arith.subf %get3A_1028, %get3A_1031 : vector<16xf32>
        %max3A_1036 = arith.constant 0.000000e+00 : f32
        %max3A_1037 = vector.broadcast %max3A_1036 : f32 to vector<16xf32>
        %max3A_1038 = arith.maximumf %sub3A_1035, %max3A_1037 : vector<16xf32>
        %mul3A_1039 = arith.mulf %max3A_1038, %select_n3A_885 : vector<16xf32>
        %mul3A_1040 = arith.mulf %select_n3A_884, %get3A_1034 : vector<16xf32>
        %gt3A_1041 = arith.cmpf ogt, %mul3A_1039, %mul3A_1040 : vector<16xf32>
        %select_n3A_1042 = arith.select %gt3A_1041, %max3A_1038, %select_n3A_884 : vector<16xi1>, vector<16xf32>
        %select_n3A_1043 = arith.select %gt3A_1041, %get3A_1034, %select_n3A_885 : vector<16xi1>, vector<16xf32>
        %select_n3A_1044 = arith.select %gt3A_1041, %broadcast_in_dim3A_911, %select_n3A_886 : vector<16xi1>, vector<16xi32>
        %get3A_1045 = arith.index_cast %add3A_909 : i32 to index
        %get3A_1046 = arith.constant 112 : index
        %get3A_1047 = tpu.vector_load %arg10[%get3A_1045, %get3A_1046] {strides = array<i32>} : memref<128x128xf32, #tpu.memory_space<vmem>>, vector<16xf32>,
        %get3A_1048 = arith.index_cast %add3A_909 : i32 to index
        %get3A_1049 = arith.constant 112 : index
        %get3A_1050 = tpu.vector_load %arg12[%get3A_1048, %get3A_1049] {strides = array<i32>} : memref<128x128xf32, #tpu.memory_space<vmem>>, vector<16xf32>,
        %get3A_1051 = arith.index_cast %add3A_909 : i32 to index
        %get3A_1052 = arith.constant 112 : index
        %get3A_1053 = tpu.vector_load %arg14[%get3A_1051, %get3A_1052] {strides = array<i32>} : memref<128x128xf32, #tpu.memory_space<vmem>>, vector<16xf32>,
        %sub3A_1054 = arith.subf %get3A_1047, %get3A_1050 : vector<16xf32>
        %max3A_1055 = arith.constant 0.000000e+00 : f32
        %max3A_1056 = vector.broadcast %max3A_1055 : f32 to vector<16xf32>
        %max3A_1057 = arith.maximumf %sub3A_1054, %max3A_1056 : vector<16xf32>
        %mul3A_1058 = arith.mulf %max3A_1057, %select_n3A_904 : vector<16xf32>
        %mul3A_1059 = arith.mulf %select_n3A_903, %get3A_1053 : vector<16xf32>
        %gt3A_1060 = arith.cmpf ogt, %mul3A_1058, %mul3A_1059 : vector<16xf32>
        %select_n3A_1061 = arith.select %gt3A_1060, %max3A_1057, %select_n3A_903 : vector<16xi1>, vector<16xf32>
        %select_n3A_1062 = arith.select %gt3A_1060, %get3A_1053, %select_n3A_904 : vector<16xi1>, vector<16xf32>
        %select_n3A_1063 = arith.select %gt3A_1060, %broadcast_in_dim3A_911, %select_n3A_905 : vector<16xi1>, vector<16xi32>
        %mul3A_1064 = arith.constant 8 : i32
        %mul3A_1065 = arith.muli %scan3A_253, %mul3A_1064 : i32
        %add3A_1066 = arith.constant 5 : i32
        %add3A_1067 = arith.addi %mul3A_1065, %add3A_1066 : i32
        %add3A_1068 = arith.addi %add3A_237, %add3A_1067 : i32
        %broadcast_in_dim3A_1069 = vector.broadcast %add3A_1068 : i32 to vector<16xi32>
        %get3A_1070 = arith.index_cast %add3A_1067 : i32 to index
        %get3A_1071 = arith.constant 0 : index
        %get3A_1072 = tpu.vector_load %arg10[%get3A_1070, %get3A_1071] {strides = array<i32>} : memref<128x128xf32, #tpu.memory_space<vmem>>, vector<16xf32>,
        %get3A_1073 = arith.index_cast %add3A_1067 : i32 to index
        %get3A_1074 = arith.constant 0 : index
        %get3A_1075 = tpu.vector_load %arg12[%get3A_1073, %get3A_1074] {strides = array<i32>} : memref<128x128xf32, #tpu.memory_space<vmem>>, vector<16xf32>,
        %get3A_1076 = arith.index_cast %add3A_1067 : i32 to index
        %get3A_1077 = arith.constant 0 : index
        %get3A_1078 = tpu.vector_load %arg14[%get3A_1076, %get3A_1077] {strides = array<i32>} : memref<128x128xf32, #tpu.memory_space<vmem>>, vector<16xf32>,
        %sub3A_1079 = arith.subf %get3A_1072, %get3A_1075 : vector<16xf32>
        %max3A_1080 = arith.constant 0.000000e+00 : f32
        %max3A_1081 = vector.broadcast %max3A_1080 : f32 to vector<16xf32>
        %max3A_1082 = arith.maximumf %sub3A_1079, %max3A_1081 : vector<16xf32>
        %mul3A_1083 = arith.mulf %max3A_1082, %select_n3A_929 : vector<16xf32>
        %mul3A_1084 = arith.mulf %select_n3A_928, %get3A_1078 : vector<16xf32>
        %gt3A_1085 = arith.cmpf ogt, %mul3A_1083, %mul3A_1084 : vector<16xf32>
        %select_n3A_1086 = arith.select %gt3A_1085, %max3A_1082, %select_n3A_928 : vector<16xi1>, vector<16xf32>
        %select_n3A_1087 = arith.select %gt3A_1085, %get3A_1078, %select_n3A_929 : vector<16xi1>, vector<16xf32>
        %select_n3A_1088 = arith.select %gt3A_1085, %broadcast_in_dim3A_1069, %select_n3A_930 : vector<16xi1>, vector<16xi32>
        %get3A_1089 = arith.index_cast %add3A_1067 : i32 to index
        %get3A_1090 = arith.constant 16 : index
        %get3A_1091 = tpu.vector_load %arg10[%get3A_1089, %get3A_1090] {strides = array<i32>} : memref<128x128xf32, #tpu.memory_space<vmem>>, vector<16xf32>,
        %get3A_1092 = arith.index_cast %add3A_1067 : i32 to index
        %get3A_1093 = arith.constant 16 : index
        %get3A_1094 = tpu.vector_load %arg12[%get3A_1092, %get3A_1093] {strides = array<i32>} : memref<128x128xf32, #tpu.memory_space<vmem>>, vector<16xf32>,
        %get3A_1095 = arith.index_cast %add3A_1067 : i32 to index
        %get3A_1096 = arith.constant 16 : index
        %get3A_1097 = tpu.vector_load %arg14[%get3A_1095, %get3A_1096] {strides = array<i32>} : memref<128x128xf32, #tpu.memory_space<vmem>>, vector<16xf32>,
        %sub3A_1098 = arith.subf %get3A_1091, %get3A_1094 : vector<16xf32>
        %max3A_1099 = arith.constant 0.000000e+00 : f32
        %max3A_1100 = vector.broadcast %max3A_1099 : f32 to vector<16xf32>
        %max3A_1101 = arith.maximumf %sub3A_1098, %max3A_1100 : vector<16xf32>
        %mul3A_1102 = arith.mulf %max3A_1101, %select_n3A_948 : vector<16xf32>
        %mul3A_1103 = arith.mulf %select_n3A_947, %get3A_1097 : vector<16xf32>
        %gt3A_1104 = arith.cmpf ogt, %mul3A_1102, %mul3A_1103 : vector<16xf32>
        %select_n3A_1105 = arith.select %gt3A_1104, %max3A_1101, %select_n3A_947 : vector<16xi1>, vector<16xf32>
        %select_n3A_1106 = arith.select %gt3A_1104, %get3A_1097, %select_n3A_948 : vector<16xi1>, vector<16xf32>
        %select_n3A_1107 = arith.select %gt3A_1104, %broadcast_in_dim3A_1069, %select_n3A_949 : vector<16xi1>, vector<16xi32>
        %get3A_1108 = arith.index_cast %add3A_1067 : i32 to index
        %get3A_1109 = arith.constant 32 : index
        %get3A_1110 = tpu.vector_load %arg10[%get3A_1108, %get3A_1109] {strides = array<i32>} : memref<128x128xf32, #tpu.memory_space<vmem>>, vector<16xf32>,
        %get3A_1111 = arith.index_cast %add3A_1067 : i32 to index
        %get3A_1112 = arith.constant 32 : index
        %get3A_1113 = tpu.vector_load %arg12[%get3A_1111, %get3A_1112] {strides = array<i32>} : memref<128x128xf32, #tpu.memory_space<vmem>>, vector<16xf32>,
        %get3A_1114 = arith.index_cast %add3A_1067 : i32 to index
        %get3A_1115 = arith.constant 32 : index
        %get3A_1116 = tpu.vector_load %arg14[%get3A_1114, %get3A_1115] {strides = array<i32>} : memref<128x128xf32, #tpu.memory_space<vmem>>, vector<16xf32>,
        %sub3A_1117 = arith.subf %get3A_1110, %get3A_1113 : vector<16xf32>
        %max3A_1118 = arith.constant 0.000000e+00 : f32
        %max3A_1119 = vector.broadcast %max3A_1118 : f32 to vector<16xf32>
        %max3A_1120 = arith.maximumf %sub3A_1117, %max3A_1119 : vector<16xf32>
        %mul3A_1121 = arith.mulf %max3A_1120, %select_n3A_967 : vector<16xf32>
        %mul3A_1122 = arith.mulf %select_n3A_966, %get3A_1116 : vector<16xf32>
        %gt3A_1123 = arith.cmpf ogt, %mul3A_1121, %mul3A_1122 : vector<16xf32>
        %select_n3A_1124 = arith.select %gt3A_1123, %max3A_1120, %select_n3A_966 : vector<16xi1>, vector<16xf32>
        %select_n3A_1125 = arith.select %gt3A_1123, %get3A_1116, %select_n3A_967 : vector<16xi1>, vector<16xf32>
        %select_n3A_1126 = arith.select %gt3A_1123, %broadcast_in_dim3A_1069, %select_n3A_968 : vector<16xi1>, vector<16xi32>
        %get3A_1127 = arith.index_cast %add3A_1067 : i32 to index
        %get3A_1128 = arith.constant 48 : index
        %get3A_1129 = tpu.vector_load %arg10[%get3A_1127, %get3A_1128] {strides = array<i32>} : memref<128x128xf32, #tpu.memory_space<vmem>>, vector<16xf32>,
        %get3A_1130 = arith.index_cast %add3A_1067 : i32 to index
        %get3A_1131 = arith.constant 48 : index
        %get3A_1132 = tpu.vector_load %arg12[%get3A_1130, %get3A_1131] {strides = array<i32>} : memref<128x128xf32, #tpu.memory_space<vmem>>, vector<16xf32>,
        %get3A_1133 = arith.index_cast %add3A_1067 : i32 to index
        %get3A_1134 = arith.constant 48 : index
        %get3A_1135 = tpu.vector_load %arg14[%get3A_1133, %get3A_1134] {strides = array<i32>} : memref<128x128xf32, #tpu.memory_space<vmem>>, vector<16xf32>,
        %sub3A_1136 = arith.subf %get3A_1129, %get3A_1132 : vector<16xf32>
        %max3A_1137 = arith.constant 0.000000e+00 : f32
        %max3A_1138 = vector.broadcast %max3A_1137 : f32 to vector<16xf32>
        %max3A_1139 = arith.maximumf %sub3A_1136, %max3A_1138 : vector<16xf32>
        %mul3A_1140 = arith.mulf %max3A_1139, %select_n3A_986 : vector<16xf32>
        %mul3A_1141 = arith.mulf %select_n3A_985, %get3A_1135 : vector<16xf32>
        %gt3A_1142 = arith.cmpf ogt, %mul3A_1140, %mul3A_1141 : vector<16xf32>
        %select_n3A_1143 = arith.select %gt3A_1142, %max3A_1139, %select_n3A_985 : vector<16xi1>, vector<16xf32>
        %select_n3A_1144 = arith.select %gt3A_1142, %get3A_1135, %select_n3A_986 : vector<16xi1>, vector<16xf32>
        %select_n3A_1145 = arith.select %gt3A_1142, %broadcast_in_dim3A_1069, %select_n3A_987 : vector<16xi1>, vector<16xi32>
        %get3A_1146 = arith.index_cast %add3A_1067 : i32 to index
        %get3A_1147 = arith.constant 64 : index
        %get3A_1148 = tpu.vector_load %arg10[%get3A_1146, %get3A_1147] {strides = array<i32>} : memref<128x128xf32, #tpu.memory_space<vmem>>, vector<16xf32>,
        %get3A_1149 = arith.index_cast %add3A_1067 : i32 to index
        %get3A_1150 = arith.constant 64 : index
        %get3A_1151 = tpu.vector_load %arg12[%get3A_1149, %get3A_1150] {strides = array<i32>} : memref<128x128xf32, #tpu.memory_space<vmem>>, vector<16xf32>,
        %get3A_1152 = arith.index_cast %add3A_1067 : i32 to index
        %get3A_1153 = arith.constant 64 : index
        %get3A_1154 = tpu.vector_load %arg14[%get3A_1152, %get3A_1153] {strides = array<i32>} : memref<128x128xf32, #tpu.memory_space<vmem>>, vector<16xf32>,
        %sub3A_1155 = arith.subf %get3A_1148, %get3A_1151 : vector<16xf32>
        %max3A_1156 = arith.constant 0.000000e+00 : f32
        %max3A_1157 = vector.broadcast %max3A_1156 : f32 to vector<16xf32>
        %max3A_1158 = arith.maximumf %sub3A_1155, %max3A_1157 : vector<16xf32>
        %mul3A_1159 = arith.mulf %max3A_1158, %select_n3A_1005 : vector<16xf32>
        %mul3A_1160 = arith.mulf %select_n3A_1004, %get3A_1154 : vector<16xf32>
        %gt3A_1161 = arith.cmpf ogt, %mul3A_1159, %mul3A_1160 : vector<16xf32>
        %select_n3A_1162 = arith.select %gt3A_1161, %max3A_1158, %select_n3A_1004 : vector<16xi1>, vector<16xf32>
        %select_n3A_1163 = arith.select %gt3A_1161, %get3A_1154, %select_n3A_1005 : vector<16xi1>, vector<16xf32>
        %select_n3A_1164 = arith.select %gt3A_1161, %broadcast_in_dim3A_1069, %select_n3A_1006 : vector<16xi1>, vector<16xi32>
        %get3A_1165 = arith.index_cast %add3A_1067 : i32 to index
        %get3A_1166 = arith.constant 80 : index
        %get3A_1167 = tpu.vector_load %arg10[%get3A_1165, %get3A_1166] {strides = array<i32>} : memref<128x128xf32, #tpu.memory_space<vmem>>, vector<16xf32>,
        %get3A_1168 = arith.index_cast %add3A_1067 : i32 to index
        %get3A_1169 = arith.constant 80 : index
        %get3A_1170 = tpu.vector_load %arg12[%get3A_1168, %get3A_1169] {strides = array<i32>} : memref<128x128xf32, #tpu.memory_space<vmem>>, vector<16xf32>,
        %get3A_1171 = arith.index_cast %add3A_1067 : i32 to index
        %get3A_1172 = arith.constant 80 : index
        %get3A_1173 = tpu.vector_load %arg14[%get3A_1171, %get3A_1172] {strides = array<i32>} : memref<128x128xf32, #tpu.memory_space<vmem>>, vector<16xf32>,
        %sub3A_1174 = arith.subf %get3A_1167, %get3A_1170 : vector<16xf32>
        %max3A_1175 = arith.constant 0.000000e+00 : f32
        %max3A_1176 = vector.broadcast %max3A_1175 : f32 to vector<16xf32>
        %max3A_1177 = arith.maximumf %sub3A_1174, %max3A_1176 : vector<16xf32>
        %mul3A_1178 = arith.mulf %max3A_1177, %select_n3A_1024 : vector<16xf32>
        %mul3A_1179 = arith.mulf %select_n3A_1023, %get3A_1173 : vector<16xf32>
        %gt3A_1180 = arith.cmpf ogt, %mul3A_1178, %mul3A_1179 : vector<16xf32>
        %select_n3A_1181 = arith.select %gt3A_1180, %max3A_1177, %select_n3A_1023 : vector<16xi1>, vector<16xf32>
        %select_n3A_1182 = arith.select %gt3A_1180, %get3A_1173, %select_n3A_1024 : vector<16xi1>, vector<16xf32>
        %select_n3A_1183 = arith.select %gt3A_1180, %broadcast_in_dim3A_1069, %select_n3A_1025 : vector<16xi1>, vector<16xi32>
        %get3A_1184 = arith.index_cast %add3A_1067 : i32 to index
        %get3A_1185 = arith.constant 96 : index
        %get3A_1186 = tpu.vector_load %arg10[%get3A_1184, %get3A_1185] {strides = array<i32>} : memref<128x128xf32, #tpu.memory_space<vmem>>, vector<16xf32>,
        %get3A_1187 = arith.index_cast %add3A_1067 : i32 to index
        %get3A_1188 = arith.constant 96 : index
        %get3A_1189 = tpu.vector_load %arg12[%get3A_1187, %get3A_1188] {strides = array<i32>} : memref<128x128xf32, #tpu.memory_space<vmem>>, vector<16xf32>,
        %get3A_1190 = arith.index_cast %add3A_1067 : i32 to index
        %get3A_1191 = arith.constant 96 : index
        %get3A_1192 = tpu.vector_load %arg14[%get3A_1190, %get3A_1191] {strides = array<i32>} : memref<128x128xf32, #tpu.memory_space<vmem>>, vector<16xf32>,
        %sub3A_1193 = arith.subf %get3A_1186, %get3A_1189 : vector<16xf32>
        %max3A_1194 = arith.constant 0.000000e+00 : f32
        %max3A_1195 = vector.broadcast %max3A_1194 : f32 to vector<16xf32>
        %max3A_1196 = arith.maximumf %sub3A_1193, %max3A_1195 : vector<16xf32>
        %mul3A_1197 = arith.mulf %max3A_1196, %select_n3A_1043 : vector<16xf32>
        %mul3A_1198 = arith.mulf %select_n3A_1042, %get3A_1192 : vector<16xf32>
        %gt3A_1199 = arith.cmpf ogt, %mul3A_1197, %mul3A_1198 : vector<16xf32>
        %select_n3A_1200 = arith.select %gt3A_1199, %max3A_1196, %select_n3A_1042 : vector<16xi1>, vector<16xf32>
        %select_n3A_1201 = arith.select %gt3A_1199, %get3A_1192, %select_n3A_1043 : vector<16xi1>, vector<16xf32>
        %select_n3A_1202 = arith.select %gt3A_1199, %broadcast_in_dim3A_1069, %select_n3A_1044 : vector<16xi1>, vector<16xi32>
        %get3A_1203 = arith.index_cast %add3A_1067 : i32 to index
        %get3A_1204 = arith.constant 112 : index
        %get3A_1205 = tpu.vector_load %arg10[%get3A_1203, %get3A_1204] {strides = array<i32>} : memref<128x128xf32, #tpu.memory_space<vmem>>, vector<16xf32>,
        %get3A_1206 = arith.index_cast %add3A_1067 : i32 to index
        %get3A_1207 = arith.constant 112 : index
        %get3A_1208 = tpu.vector_load %arg12[%get3A_1206, %get3A_1207] {strides = array<i32>} : memref<128x128xf32, #tpu.memory_space<vmem>>, vector<16xf32>,
        %get3A_1209 = arith.index_cast %add3A_1067 : i32 to index
        %get3A_1210 = arith.constant 112 : index
        %get3A_1211 = tpu.vector_load %arg14[%get3A_1209, %get3A_1210] {strides = array<i32>} : memref<128x128xf32, #tpu.memory_space<vmem>>, vector<16xf32>,
        %sub3A_1212 = arith.subf %get3A_1205, %get3A_1208 : vector<16xf32>
        %max3A_1213 = arith.constant 0.000000e+00 : f32
        %max3A_1214 = vector.broadcast %max3A_1213 : f32 to vector<16xf32>
        %max3A_1215 = arith.maximumf %sub3A_1212, %max3A_1214 : vector<16xf32>
        %mul3A_1216 = arith.mulf %max3A_1215, %select_n3A_1062 : vector<16xf32>
        %mul3A_1217 = arith.mulf %select_n3A_1061, %get3A_1211 : vector<16xf32>
        %gt3A_1218 = arith.cmpf ogt, %mul3A_1216, %mul3A_1217 : vector<16xf32>
        %select_n3A_1219 = arith.select %gt3A_1218, %max3A_1215, %select_n3A_1061 : vector<16xi1>, vector<16xf32>
        %select_n3A_1220 = arith.select %gt3A_1218, %get3A_1211, %select_n3A_1062 : vector<16xi1>, vector<16xf32>
        %select_n3A_1221 = arith.select %gt3A_1218, %broadcast_in_dim3A_1069, %select_n3A_1063 : vector<16xi1>, vector<16xi32>
        %mul3A_1222 = arith.constant 8 : i32
        %mul3A_1223 = arith.muli %scan3A_253, %mul3A_1222 : i32
        %add3A_1224 = arith.constant 6 : i32
        %add3A_1225 = arith.addi %mul3A_1223, %add3A_1224 : i32
        %add3A_1226 = arith.addi %add3A_237, %add3A_1225 : i32
        %broadcast_in_dim3A_1227 = vector.broadcast %add3A_1226 : i32 to vector<16xi32>
        %get3A_1228 = arith.index_cast %add3A_1225 : i32 to index
        %get3A_1229 = arith.constant 0 : index
        %get3A_1230 = tpu.vector_load %arg10[%get3A_1228, %get3A_1229] {strides = array<i32>} : memref<128x128xf32, #tpu.memory_space<vmem>>, vector<16xf32>,
        %get3A_1231 = arith.index_cast %add3A_1225 : i32 to index
        %get3A_1232 = arith.constant 0 : index
        %get3A_1233 = tpu.vector_load %arg12[%get3A_1231, %get3A_1232] {strides = array<i32>} : memref<128x128xf32, #tpu.memory_space<vmem>>, vector<16xf32>,
        %get3A_1234 = arith.index_cast %add3A_1225 : i32 to index
        %get3A_1235 = arith.constant 0 : index
        %get3A_1236 = tpu.vector_load %arg14[%get3A_1234, %get3A_1235] {strides = array<i32>} : memref<128x128xf32, #tpu.memory_space<vmem>>, vector<16xf32>,
        %sub3A_1237 = arith.subf %get3A_1230, %get3A_1233 : vector<16xf32>
        %max3A_1238 = arith.constant 0.000000e+00 : f32
        %max3A_1239 = vector.broadcast %max3A_1238 : f32 to vector<16xf32>
        %max3A_1240 = arith.maximumf %sub3A_1237, %max3A_1239 : vector<16xf32>
        %mul3A_1241 = arith.mulf %max3A_1240, %select_n3A_1087 : vector<16xf32>
        %mul3A_1242 = arith.mulf %select_n3A_1086, %get3A_1236 : vector<16xf32>
        %gt3A_1243 = arith.cmpf ogt, %mul3A_1241, %mul3A_1242 : vector<16xf32>
        %select_n3A_1244 = arith.select %gt3A_1243, %max3A_1240, %select_n3A_1086 : vector<16xi1>, vector<16xf32>
        %select_n3A_1245 = arith.select %gt3A_1243, %get3A_1236, %select_n3A_1087 : vector<16xi1>, vector<16xf32>
        %select_n3A_1246 = arith.select %gt3A_1243, %broadcast_in_dim3A_1227, %select_n3A_1088 : vector<16xi1>, vector<16xi32>
        %get3A_1247 = arith.index_cast %add3A_1225 : i32 to index
        %get3A_1248 = arith.constant 16 : index
        %get3A_1249 = tpu.vector_load %arg10[%get3A_1247, %get3A_1248] {strides = array<i32>} : memref<128x128xf32, #tpu.memory_space<vmem>>, vector<16xf32>,
        %get3A_1250 = arith.index_cast %add3A_1225 : i32 to index
        %get3A_1251 = arith.constant 16 : index
        %get3A_1252 = tpu.vector_load %arg12[%get3A_1250, %get3A_1251] {strides = array<i32>} : memref<128x128xf32, #tpu.memory_space<vmem>>, vector<16xf32>,
        %get3A_1253 = arith.index_cast %add3A_1225 : i32 to index
        %get3A_1254 = arith.constant 16 : index
        %get3A_1255 = tpu.vector_load %arg14[%get3A_1253, %get3A_1254] {strides = array<i32>} : memref<128x128xf32, #tpu.memory_space<vmem>>, vector<16xf32>,
        %sub3A_1256 = arith.subf %get3A_1249, %get3A_1252 : vector<16xf32>
        %max3A_1257 = arith.constant 0.000000e+00 : f32
        %max3A_1258 = vector.broadcast %max3A_1257 : f32 to vector<16xf32>
        %max3A_1259 = arith.maximumf %sub3A_1256, %max3A_1258 : vector<16xf32>
        %mul3A_1260 = arith.mulf %max3A_1259, %select_n3A_1106 : vector<16xf32>
        %mul3A_1261 = arith.mulf %select_n3A_1105, %get3A_1255 : vector<16xf32>
        %gt3A_1262 = arith.cmpf ogt, %mul3A_1260, %mul3A_1261 : vector<16xf32>
        %select_n3A_1263 = arith.select %gt3A_1262, %max3A_1259, %select_n3A_1105 : vector<16xi1>, vector<16xf32>
        %select_n3A_1264 = arith.select %gt3A_1262, %get3A_1255, %select_n3A_1106 : vector<16xi1>, vector<16xf32>
        %select_n3A_1265 = arith.select %gt3A_1262, %broadcast_in_dim3A_1227, %select_n3A_1107 : vector<16xi1>, vector<16xi32>
        %get3A_1266 = arith.index_cast %add3A_1225 : i32 to index
        %get3A_1267 = arith.constant 32 : index
        %get3A_1268 = tpu.vector_load %arg10[%get3A_1266, %get3A_1267] {strides = array<i32>} : memref<128x128xf32, #tpu.memory_space<vmem>>, vector<16xf32>,
        %get3A_1269 = arith.index_cast %add3A_1225 : i32 to index
        %get3A_1270 = arith.constant 32 : index
        %get3A_1271 = tpu.vector_load %arg12[%get3A_1269, %get3A_1270] {strides = array<i32>} : memref<128x128xf32, #tpu.memory_space<vmem>>, vector<16xf32>,
        %get3A_1272 = arith.index_cast %add3A_1225 : i32 to index
        %get3A_1273 = arith.constant 32 : index
        %get3A_1274 = tpu.vector_load %arg14[%get3A_1272, %get3A_1273] {strides = array<i32>} : memref<128x128xf32, #tpu.memory_space<vmem>>, vector<16xf32>,
        %sub3A_1275 = arith.subf %get3A_1268, %get3A_1271 : vector<16xf32>
        %max3A_1276 = arith.constant 0.000000e+00 : f32
        %max3A_1277 = vector.broadcast %max3A_1276 : f32 to vector<16xf32>
        %max3A_1278 = arith.maximumf %sub3A_1275, %max3A_1277 : vector<16xf32>
        %mul3A_1279 = arith.mulf %max3A_1278, %select_n3A_1125 : vector<16xf32>
        %mul3A_1280 = arith.mulf %select_n3A_1124, %get3A_1274 : vector<16xf32>
        %gt3A_1281 = arith.cmpf ogt, %mul3A_1279, %mul3A_1280 : vector<16xf32>
        %select_n3A_1282 = arith.select %gt3A_1281, %max3A_1278, %select_n3A_1124 : vector<16xi1>, vector<16xf32>
        %select_n3A_1283 = arith.select %gt3A_1281, %get3A_1274, %select_n3A_1125 : vector<16xi1>, vector<16xf32>
        %select_n3A_1284 = arith.select %gt3A_1281, %broadcast_in_dim3A_1227, %select_n3A_1126 : vector<16xi1>, vector<16xi32>
        %get3A_1285 = arith.index_cast %add3A_1225 : i32 to index
        %get3A_1286 = arith.constant 48 : index
        %get3A_1287 = tpu.vector_load %arg10[%get3A_1285, %get3A_1286] {strides = array<i32>} : memref<128x128xf32, #tpu.memory_space<vmem>>, vector<16xf32>,
        %get3A_1288 = arith.index_cast %add3A_1225 : i32 to index
        %get3A_1289 = arith.constant 48 : index
        %get3A_1290 = tpu.vector_load %arg12[%get3A_1288, %get3A_1289] {strides = array<i32>} : memref<128x128xf32, #tpu.memory_space<vmem>>, vector<16xf32>,
        %get3A_1291 = arith.index_cast %add3A_1225 : i32 to index
        %get3A_1292 = arith.constant 48 : index
        %get3A_1293 = tpu.vector_load %arg14[%get3A_1291, %get3A_1292] {strides = array<i32>} : memref<128x128xf32, #tpu.memory_space<vmem>>, vector<16xf32>,
        %sub3A_1294 = arith.subf %get3A_1287, %get3A_1290 : vector<16xf32>
        %max3A_1295 = arith.constant 0.000000e+00 : f32
        %max3A_1296 = vector.broadcast %max3A_1295 : f32 to vector<16xf32>
        %max3A_1297 = arith.maximumf %sub3A_1294, %max3A_1296 : vector<16xf32>
        %mul3A_1298 = arith.mulf %max3A_1297, %select_n3A_1144 : vector<16xf32>
        %mul3A_1299 = arith.mulf %select_n3A_1143, %get3A_1293 : vector<16xf32>
        %gt3A_1300 = arith.cmpf ogt, %mul3A_1298, %mul3A_1299 : vector<16xf32>
        %select_n3A_1301 = arith.select %gt3A_1300, %max3A_1297, %select_n3A_1143 : vector<16xi1>, vector<16xf32>
        %select_n3A_1302 = arith.select %gt3A_1300, %get3A_1293, %select_n3A_1144 : vector<16xi1>, vector<16xf32>
        %select_n3A_1303 = arith.select %gt3A_1300, %broadcast_in_dim3A_1227, %select_n3A_1145 : vector<16xi1>, vector<16xi32>
        %get3A_1304 = arith.index_cast %add3A_1225 : i32 to index
        %get3A_1305 = arith.constant 64 : index
        %get3A_1306 = tpu.vector_load %arg10[%get3A_1304, %get3A_1305] {strides = array<i32>} : memref<128x128xf32, #tpu.memory_space<vmem>>, vector<16xf32>,
        %get3A_1307 = arith.index_cast %add3A_1225 : i32 to index
        %get3A_1308 = arith.constant 64 : index
        %get3A_1309 = tpu.vector_load %arg12[%get3A_1307, %get3A_1308] {strides = array<i32>} : memref<128x128xf32, #tpu.memory_space<vmem>>, vector<16xf32>,
        %get3A_1310 = arith.index_cast %add3A_1225 : i32 to index
        %get3A_1311 = arith.constant 64 : index
        %get3A_1312 = tpu.vector_load %arg14[%get3A_1310, %get3A_1311] {strides = array<i32>} : memref<128x128xf32, #tpu.memory_space<vmem>>, vector<16xf32>,
        %sub3A_1313 = arith.subf %get3A_1306, %get3A_1309 : vector<16xf32>
        %max3A_1314 = arith.constant 0.000000e+00 : f32
        %max3A_1315 = vector.broadcast %max3A_1314 : f32 to vector<16xf32>
        %max3A_1316 = arith.maximumf %sub3A_1313, %max3A_1315 : vector<16xf32>
        %mul3A_1317 = arith.mulf %max3A_1316, %select_n3A_1163 : vector<16xf32>
        %mul3A_1318 = arith.mulf %select_n3A_1162, %get3A_1312 : vector<16xf32>
        %gt3A_1319 = arith.cmpf ogt, %mul3A_1317, %mul3A_1318 : vector<16xf32>
        %select_n3A_1320 = arith.select %gt3A_1319, %max3A_1316, %select_n3A_1162 : vector<16xi1>, vector<16xf32>
        %select_n3A_1321 = arith.select %gt3A_1319, %get3A_1312, %select_n3A_1163 : vector<16xi1>, vector<16xf32>
        %select_n3A_1322 = arith.select %gt3A_1319, %broadcast_in_dim3A_1227, %select_n3A_1164 : vector<16xi1>, vector<16xi32>
        %get3A_1323 = arith.index_cast %add3A_1225 : i32 to index
        %get3A_1324 = arith.constant 80 : index
        %get3A_1325 = tpu.vector_load %arg10[%get3A_1323, %get3A_1324] {strides = array<i32>} : memref<128x128xf32, #tpu.memory_space<vmem>>, vector<16xf32>,
        %get3A_1326 = arith.index_cast %add3A_1225 : i32 to index
        %get3A_1327 = arith.constant 80 : index
        %get3A_1328 = tpu.vector_load %arg12[%get3A_1326, %get3A_1327] {strides = array<i32>} : memref<128x128xf32, #tpu.memory_space<vmem>>, vector<16xf32>,
        %get3A_1329 = arith.index_cast %add3A_1225 : i32 to index
        %get3A_1330 = arith.constant 80 : index
        %get3A_1331 = tpu.vector_load %arg14[%get3A_1329, %get3A_1330] {strides = array<i32>} : memref<128x128xf32, #tpu.memory_space<vmem>>, vector<16xf32>,
        %sub3A_1332 = arith.subf %get3A_1325, %get3A_1328 : vector<16xf32>
        %max3A_1333 = arith.constant 0.000000e+00 : f32
        %max3A_1334 = vector.broadcast %max3A_1333 : f32 to vector<16xf32>
        %max3A_1335 = arith.maximumf %sub3A_1332, %max3A_1334 : vector<16xf32>
        %mul3A_1336 = arith.mulf %max3A_1335, %select_n3A_1182 : vector<16xf32>
        %mul3A_1337 = arith.mulf %select_n3A_1181, %get3A_1331 : vector<16xf32>
        %gt3A_1338 = arith.cmpf ogt, %mul3A_1336, %mul3A_1337 : vector<16xf32>
        %select_n3A_1339 = arith.select %gt3A_1338, %max3A_1335, %select_n3A_1181 : vector<16xi1>, vector<16xf32>
        %select_n3A_1340 = arith.select %gt3A_1338, %get3A_1331, %select_n3A_1182 : vector<16xi1>, vector<16xf32>
        %select_n3A_1341 = arith.select %gt3A_1338, %broadcast_in_dim3A_1227, %select_n3A_1183 : vector<16xi1>, vector<16xi32>
        %get3A_1342 = arith.index_cast %add3A_1225 : i32 to index
        %get3A_1343 = arith.constant 96 : index
        %get3A_1344 = tpu.vector_load %arg10[%get3A_1342, %get3A_1343] {strides = array<i32>} : memref<128x128xf32, #tpu.memory_space<vmem>>, vector<16xf32>,
        %get3A_1345 = arith.index_cast %add3A_1225 : i32 to index
        %get3A_1346 = arith.constant 96 : index
        %get3A_1347 = tpu.vector_load %arg12[%get3A_1345, %get3A_1346] {strides = array<i32>} : memref<128x128xf32, #tpu.memory_space<vmem>>, vector<16xf32>,
        %get3A_1348 = arith.index_cast %add3A_1225 : i32 to index
        %get3A_1349 = arith.constant 96 : index
        %get3A_1350 = tpu.vector_load %arg14[%get3A_1348, %get3A_1349] {strides = array<i32>} : memref<128x128xf32, #tpu.memory_space<vmem>>, vector<16xf32>,
        %sub3A_1351 = arith.subf %get3A_1344, %get3A_1347 : vector<16xf32>
        %max3A_1352 = arith.constant 0.000000e+00 : f32
        %max3A_1353 = vector.broadcast %max3A_1352 : f32 to vector<16xf32>
        %max3A_1354 = arith.maximumf %sub3A_1351, %max3A_1353 : vector<16xf32>
        %mul3A_1355 = arith.mulf %max3A_1354, %select_n3A_1201 : vector<16xf32>
        %mul3A_1356 = arith.mulf %select_n3A_1200, %get3A_1350 : vector<16xf32>
        %gt3A_1357 = arith.cmpf ogt, %mul3A_1355, %mul3A_1356 : vector<16xf32>
        %select_n3A_1358 = arith.select %gt3A_1357, %max3A_1354, %select_n3A_1200 : vector<16xi1>, vector<16xf32>
        %select_n3A_1359 = arith.select %gt3A_1357, %get3A_1350, %select_n3A_1201 : vector<16xi1>, vector<16xf32>
        %select_n3A_1360 = arith.select %gt3A_1357, %broadcast_in_dim3A_1227, %select_n3A_1202 : vector<16xi1>, vector<16xi32>
        %get3A_1361 = arith.index_cast %add3A_1225 : i32 to index
        %get3A_1362 = arith.constant 112 : index
        %get3A_1363 = tpu.vector_load %arg10[%get3A_1361, %get3A_1362] {strides = array<i32>} : memref<128x128xf32, #tpu.memory_space<vmem>>, vector<16xf32>,
        %get3A_1364 = arith.index_cast %add3A_1225 : i32 to index
        %get3A_1365 = arith.constant 112 : index
        %get3A_1366 = tpu.vector_load %arg12[%get3A_1364, %get3A_1365] {strides = array<i32>} : memref<128x128xf32, #tpu.memory_space<vmem>>, vector<16xf32>,
        %get3A_1367 = arith.index_cast %add3A_1225 : i32 to index
        %get3A_1368 = arith.constant 112 : index
        %get3A_1369 = tpu.vector_load %arg14[%get3A_1367, %get3A_1368] {strides = array<i32>} : memref<128x128xf32, #tpu.memory_space<vmem>>, vector<16xf32>,
        %sub3A_1370 = arith.subf %get3A_1363, %get3A_1366 : vector<16xf32>
        %max3A_1371 = arith.constant 0.000000e+00 : f32
        %max3A_1372 = vector.broadcast %max3A_1371 : f32 to vector<16xf32>
        %max3A_1373 = arith.maximumf %sub3A_1370, %max3A_1372 : vector<16xf32>
        %mul3A_1374 = arith.mulf %max3A_1373, %select_n3A_1220 : vector<16xf32>
        %mul3A_1375 = arith.mulf %select_n3A_1219, %get3A_1369 : vector<16xf32>
        %gt3A_1376 = arith.cmpf ogt, %mul3A_1374, %mul3A_1375 : vector<16xf32>
        %select_n3A_1377 = arith.select %gt3A_1376, %max3A_1373, %select_n3A_1219 : vector<16xi1>, vector<16xf32>
        %select_n3A_1378 = arith.select %gt3A_1376, %get3A_1369, %select_n3A_1220 : vector<16xi1>, vector<16xf32>
        %select_n3A_1379 = arith.select %gt3A_1376, %broadcast_in_dim3A_1227, %select_n3A_1221 : vector<16xi1>, vector<16xi32>
        %mul3A_1380 = arith.constant 8 : i32
        %mul3A_1381 = arith.muli %scan3A_253, %mul3A_1380 : i32
        %add3A_1382 = arith.constant 7 : i32
        %add3A_1383 = arith.addi %mul3A_1381, %add3A_1382 : i32
        %add3A_1384 = arith.addi %add3A_237, %add3A_1383 : i32
        %broadcast_in_dim3A_1385 = vector.broadcast %add3A_1384 : i32 to vector<16xi32>
        %get3A_1386 = arith.index_cast %add3A_1383 : i32 to index
        %get3A_1387 = arith.constant 0 : index
        %get3A_1388 = tpu.vector_load %arg10[%get3A_1386, %get3A_1387] {strides = array<i32>} : memref<128x128xf32, #tpu.memory_space<vmem>>, vector<16xf32>,
        %get3A_1389 = arith.index_cast %add3A_1383 : i32 to index
        %get3A_1390 = arith.constant 0 : index
        %get3A_1391 = tpu.vector_load %arg12[%get3A_1389, %get3A_1390] {strides = array<i32>} : memref<128x128xf32, #tpu.memory_space<vmem>>, vector<16xf32>,
        %get3A_1392 = arith.index_cast %add3A_1383 : i32 to index
        %get3A_1393 = arith.constant 0 : index
        %get3A_1394 = tpu.vector_load %arg14[%get3A_1392, %get3A_1393] {strides = array<i32>} : memref<128x128xf32, #tpu.memory_space<vmem>>, vector<16xf32>,
        %sub3A_1395 = arith.subf %get3A_1388, %get3A_1391 : vector<16xf32>
        %max3A_1396 = arith.constant 0.000000e+00 : f32
        %max3A_1397 = vector.broadcast %max3A_1396 : f32 to vector<16xf32>
        %max3A_1398 = arith.maximumf %sub3A_1395, %max3A_1397 : vector<16xf32>
        %mul3A_1399 = arith.mulf %max3A_1398, %select_n3A_1245 : vector<16xf32>
        %mul3A_1400 = arith.mulf %select_n3A_1244, %get3A_1394 : vector<16xf32>
        %gt3A_1401 = arith.cmpf ogt, %mul3A_1399, %mul3A_1400 : vector<16xf32>
        %select_n3A_1402 = arith.select %gt3A_1401, %max3A_1398, %select_n3A_1244 : vector<16xi1>, vector<16xf32>
        %select_n3A_1403 = arith.select %gt3A_1401, %get3A_1394, %select_n3A_1245 : vector<16xi1>, vector<16xf32>
        %select_n3A_1404 = arith.select %gt3A_1401, %broadcast_in_dim3A_1385, %select_n3A_1246 : vector<16xi1>, vector<16xi32>
        %get3A_1405 = arith.index_cast %add3A_1383 : i32 to index
        %get3A_1406 = arith.constant 16 : index
        %get3A_1407 = tpu.vector_load %arg10[%get3A_1405, %get3A_1406] {strides = array<i32>} : memref<128x128xf32, #tpu.memory_space<vmem>>, vector<16xf32>,
        %get3A_1408 = arith.index_cast %add3A_1383 : i32 to index
        %get3A_1409 = arith.constant 16 : index
        %get3A_1410 = tpu.vector_load %arg12[%get3A_1408, %get3A_1409] {strides = array<i32>} : memref<128x128xf32, #tpu.memory_space<vmem>>, vector<16xf32>,
        %get3A_1411 = arith.index_cast %add3A_1383 : i32 to index
        %get3A_1412 = arith.constant 16 : index
        %get3A_1413 = tpu.vector_load %arg14[%get3A_1411, %get3A_1412] {strides = array<i32>} : memref<128x128xf32, #tpu.memory_space<vmem>>, vector<16xf32>,
        %sub3A_1414 = arith.subf %get3A_1407, %get3A_1410 : vector<16xf32>
        %max3A_1415 = arith.constant 0.000000e+00 : f32
        %max3A_1416 = vector.broadcast %max3A_1415 : f32 to vector<16xf32>
        %max3A_1417 = arith.maximumf %sub3A_1414, %max3A_1416 : vector<16xf32>
        %mul3A_1418 = arith.mulf %max3A_1417, %select_n3A_1264 : vector<16xf32>
        %mul3A_1419 = arith.mulf %select_n3A_1263, %get3A_1413 : vector<16xf32>
        %gt3A_1420 = arith.cmpf ogt, %mul3A_1418, %mul3A_1419 : vector<16xf32>
        %select_n3A_1421 = arith.select %gt3A_1420, %max3A_1417, %select_n3A_1263 : vector<16xi1>, vector<16xf32>
        %select_n3A_1422 = arith.select %gt3A_1420, %get3A_1413, %select_n3A_1264 : vector<16xi1>, vector<16xf32>
        %select_n3A_1423 = arith.select %gt3A_1420, %broadcast_in_dim3A_1385, %select_n3A_1265 : vector<16xi1>, vector<16xi32>
        %get3A_1424 = arith.index_cast %add3A_1383 : i32 to index
        %get3A_1425 = arith.constant 32 : index
        %get3A_1426 = tpu.vector_load %arg10[%get3A_1424, %get3A_1425] {strides = array<i32>} : memref<128x128xf32, #tpu.memory_space<vmem>>, vector<16xf32>,
        %get3A_1427 = arith.index_cast %add3A_1383 : i32 to index
        %get3A_1428 = arith.constant 32 : index
        %get3A_1429 = tpu.vector_load %arg12[%get3A_1427, %get3A_1428] {strides = array<i32>} : memref<128x128xf32, #tpu.memory_space<vmem>>, vector<16xf32>,
        %get3A_1430 = arith.index_cast %add3A_1383 : i32 to index
        %get3A_1431 = arith.constant 32 : index
        %get3A_1432 = tpu.vector_load %arg14[%get3A_1430, %get3A_1431] {strides = array<i32>} : memref<128x128xf32, #tpu.memory_space<vmem>>, vector<16xf32>,
        %sub3A_1433 = arith.subf %get3A_1426, %get3A_1429 : vector<16xf32>
        %max3A_1434 = arith.constant 0.000000e+00 : f32
        %max3A_1435 = vector.broadcast %max3A_1434 : f32 to vector<16xf32>
        %max3A_1436 = arith.maximumf %sub3A_1433, %max3A_1435 : vector<16xf32>
        %mul3A_1437 = arith.mulf %max3A_1436, %select_n3A_1283 : vector<16xf32>
        %mul3A_1438 = arith.mulf %select_n3A_1282, %get3A_1432 : vector<16xf32>
        %gt3A_1439 = arith.cmpf ogt, %mul3A_1437, %mul3A_1438 : vector<16xf32>
        %select_n3A_1440 = arith.select %gt3A_1439, %max3A_1436, %select_n3A_1282 : vector<16xi1>, vector<16xf32>
        %select_n3A_1441 = arith.select %gt3A_1439, %get3A_1432, %select_n3A_1283 : vector<16xi1>, vector<16xf32>
        %select_n3A_1442 = arith.select %gt3A_1439, %broadcast_in_dim3A_1385, %select_n3A_1284 : vector<16xi1>, vector<16xi32>
        %get3A_1443 = arith.index_cast %add3A_1383 : i32 to index
        %get3A_1444 = arith.constant 48 : index
        %get3A_1445 = tpu.vector_load %arg10[%get3A_1443, %get3A_1444] {strides = array<i32>} : memref<128x128xf32, #tpu.memory_space<vmem>>, vector<16xf32>,
        %get3A_1446 = arith.index_cast %add3A_1383 : i32 to index
        %get3A_1447 = arith.constant 48 : index
        %get3A_1448 = tpu.vector_load %arg12[%get3A_1446, %get3A_1447] {strides = array<i32>} : memref<128x128xf32, #tpu.memory_space<vmem>>, vector<16xf32>,
        %get3A_1449 = arith.index_cast %add3A_1383 : i32 to index
        %get3A_1450 = arith.constant 48 : index
        %get3A_1451 = tpu.vector_load %arg14[%get3A_1449, %get3A_1450] {strides = array<i32>} : memref<128x128xf32, #tpu.memory_space<vmem>>, vector<16xf32>,
        %sub3A_1452 = arith.subf %get3A_1445, %get3A_1448 : vector<16xf32>
        %max3A_1453 = arith.constant 0.000000e+00 : f32
        %max3A_1454 = vector.broadcast %max3A_1453 : f32 to vector<16xf32>
        %max3A_1455 = arith.maximumf %sub3A_1452, %max3A_1454 : vector<16xf32>
        %mul3A_1456 = arith.mulf %max3A_1455, %select_n3A_1302 : vector<16xf32>
        %mul3A_1457 = arith.mulf %select_n3A_1301, %get3A_1451 : vector<16xf32>
        %gt3A_1458 = arith.cmpf ogt, %mul3A_1456, %mul3A_1457 : vector<16xf32>
        %select_n3A_1459 = arith.select %gt3A_1458, %max3A_1455, %select_n3A_1301 : vector<16xi1>, vector<16xf32>
        %select_n3A_1460 = arith.select %gt3A_1458, %get3A_1451, %select_n3A_1302 : vector<16xi1>, vector<16xf32>
        %select_n3A_1461 = arith.select %gt3A_1458, %broadcast_in_dim3A_1385, %select_n3A_1303 : vector<16xi1>, vector<16xi32>
        %get3A_1462 = arith.index_cast %add3A_1383 : i32 to index
        %get3A_1463 = arith.constant 64 : index
        %get3A_1464 = tpu.vector_load %arg10[%get3A_1462, %get3A_1463] {strides = array<i32>} : memref<128x128xf32, #tpu.memory_space<vmem>>, vector<16xf32>,
        %get3A_1465 = arith.index_cast %add3A_1383 : i32 to index
        %get3A_1466 = arith.constant 64 : index
        %get3A_1467 = tpu.vector_load %arg12[%get3A_1465, %get3A_1466] {strides = array<i32>} : memref<128x128xf32, #tpu.memory_space<vmem>>, vector<16xf32>,
        %get3A_1468 = arith.index_cast %add3A_1383 : i32 to index
        %get3A_1469 = arith.constant 64 : index
        %get3A_1470 = tpu.vector_load %arg14[%get3A_1468, %get3A_1469] {strides = array<i32>} : memref<128x128xf32, #tpu.memory_space<vmem>>, vector<16xf32>,
        %sub3A_1471 = arith.subf %get3A_1464, %get3A_1467 : vector<16xf32>
        %max3A_1472 = arith.constant 0.000000e+00 : f32
        %max3A_1473 = vector.broadcast %max3A_1472 : f32 to vector<16xf32>
        %max3A_1474 = arith.maximumf %sub3A_1471, %max3A_1473 : vector<16xf32>
        %mul3A_1475 = arith.mulf %max3A_1474, %select_n3A_1321 : vector<16xf32>
        %mul3A_1476 = arith.mulf %select_n3A_1320, %get3A_1470 : vector<16xf32>
        %gt3A_1477 = arith.cmpf ogt, %mul3A_1475, %mul3A_1476 : vector<16xf32>
        %select_n3A_1478 = arith.select %gt3A_1477, %max3A_1474, %select_n3A_1320 : vector<16xi1>, vector<16xf32>
        %select_n3A_1479 = arith.select %gt3A_1477, %get3A_1470, %select_n3A_1321 : vector<16xi1>, vector<16xf32>
        %select_n3A_1480 = arith.select %gt3A_1477, %broadcast_in_dim3A_1385, %select_n3A_1322 : vector<16xi1>, vector<16xi32>
        %get3A_1481 = arith.index_cast %add3A_1383 : i32 to index
        %get3A_1482 = arith.constant 80 : index
        %get3A_1483 = tpu.vector_load %arg10[%get3A_1481, %get3A_1482] {strides = array<i32>} : memref<128x128xf32, #tpu.memory_space<vmem>>, vector<16xf32>,
        %get3A_1484 = arith.index_cast %add3A_1383 : i32 to index
        %get3A_1485 = arith.constant 80 : index
        %get3A_1486 = tpu.vector_load %arg12[%get3A_1484, %get3A_1485] {strides = array<i32>} : memref<128x128xf32, #tpu.memory_space<vmem>>, vector<16xf32>,
        %get3A_1487 = arith.index_cast %add3A_1383 : i32 to index
        %get3A_1488 = arith.constant 80 : index
        %get3A_1489 = tpu.vector_load %arg14[%get3A_1487, %get3A_1488] {strides = array<i32>} : memref<128x128xf32, #tpu.memory_space<vmem>>, vector<16xf32>,
        %sub3A_1490 = arith.subf %get3A_1483, %get3A_1486 : vector<16xf32>
        %max3A_1491 = arith.constant 0.000000e+00 : f32
        %max3A_1492 = vector.broadcast %max3A_1491 : f32 to vector<16xf32>
        %max3A_1493 = arith.maximumf %sub3A_1490, %max3A_1492 : vector<16xf32>
        %mul3A_1494 = arith.mulf %max3A_1493, %select_n3A_1340 : vector<16xf32>
        %mul3A_1495 = arith.mulf %select_n3A_1339, %get3A_1489 : vector<16xf32>
        %gt3A_1496 = arith.cmpf ogt, %mul3A_1494, %mul3A_1495 : vector<16xf32>
        %select_n3A_1497 = arith.select %gt3A_1496, %max3A_1493, %select_n3A_1339 : vector<16xi1>, vector<16xf32>
        %select_n3A_1498 = arith.select %gt3A_1496, %get3A_1489, %select_n3A_1340 : vector<16xi1>, vector<16xf32>
        %select_n3A_1499 = arith.select %gt3A_1496, %broadcast_in_dim3A_1385, %select_n3A_1341 : vector<16xi1>, vector<16xi32>
        %get3A_1500 = arith.index_cast %add3A_1383 : i32 to index
        %get3A_1501 = arith.constant 96 : index
        %get3A_1502 = tpu.vector_load %arg10[%get3A_1500, %get3A_1501] {strides = array<i32>} : memref<128x128xf32, #tpu.memory_space<vmem>>, vector<16xf32>,
        %get3A_1503 = arith.index_cast %add3A_1383 : i32 to index
        %get3A_1504 = arith.constant 96 : index
        %get3A_1505 = tpu.vector_load %arg12[%get3A_1503, %get3A_1504] {strides = array<i32>} : memref<128x128xf32, #tpu.memory_space<vmem>>, vector<16xf32>,
        %get3A_1506 = arith.index_cast %add3A_1383 : i32 to index
        %get3A_1507 = arith.constant 96 : index
        %get3A_1508 = tpu.vector_load %arg14[%get3A_1506, %get3A_1507] {strides = array<i32>} : memref<128x128xf32, #tpu.memory_space<vmem>>, vector<16xf32>,
        %sub3A_1509 = arith.subf %get3A_1502, %get3A_1505 : vector<16xf32>
        %max3A_1510 = arith.constant 0.000000e+00 : f32
        %max3A_1511 = vector.broadcast %max3A_1510 : f32 to vector<16xf32>
        %max3A_1512 = arith.maximumf %sub3A_1509, %max3A_1511 : vector<16xf32>
        %mul3A_1513 = arith.mulf %max3A_1512, %select_n3A_1359 : vector<16xf32>
        %mul3A_1514 = arith.mulf %select_n3A_1358, %get3A_1508 : vector<16xf32>
        %gt3A_1515 = arith.cmpf ogt, %mul3A_1513, %mul3A_1514 : vector<16xf32>
        %select_n3A_1516 = arith.select %gt3A_1515, %max3A_1512, %select_n3A_1358 : vector<16xi1>, vector<16xf32>
        %select_n3A_1517 = arith.select %gt3A_1515, %get3A_1508, %select_n3A_1359 : vector<16xi1>, vector<16xf32>
        %select_n3A_1518 = arith.select %gt3A_1515, %broadcast_in_dim3A_1385, %select_n3A_1360 : vector<16xi1>, vector<16xi32>
        %get3A_1519 = arith.index_cast %add3A_1383 : i32 to index
        %get3A_1520 = arith.constant 112 : index
        %get3A_1521 = tpu.vector_load %arg10[%get3A_1519, %get3A_1520] {strides = array<i32>} : memref<128x128xf32, #tpu.memory_space<vmem>>, vector<16xf32>,
        %get3A_1522 = arith.index_cast %add3A_1383 : i32 to index
        %get3A_1523 = arith.constant 112 : index
        %get3A_1524 = tpu.vector_load %arg12[%get3A_1522, %get3A_1523] {strides = array<i32>} : memref<128x128xf32, #tpu.memory_space<vmem>>, vector<16xf32>,
        %get3A_1525 = arith.index_cast %add3A_1383 : i32 to index
        %get3A_1526 = arith.constant 112 : index
        %get3A_1527 = tpu.vector_load %arg14[%get3A_1525, %get3A_1526] {strides = array<i32>} : memref<128x128xf32, #tpu.memory_space<vmem>>, vector<16xf32>,
        %sub3A_1528 = arith.subf %get3A_1521, %get3A_1524 : vector<16xf32>
        %max3A_1529 = arith.constant 0.000000e+00 : f32
        %max3A_1530 = vector.broadcast %max3A_1529 : f32 to vector<16xf32>
        %max3A_1531 = arith.maximumf %sub3A_1528, %max3A_1530 : vector<16xf32>
        %mul3A_1532 = arith.mulf %max3A_1531, %select_n3A_1378 : vector<16xf32>
        %mul3A_1533 = arith.mulf %select_n3A_1377, %get3A_1527 : vector<16xf32>
        %gt3A_1534 = arith.cmpf ogt, %mul3A_1532, %mul3A_1533 : vector<16xf32>
        %select_n3A_1535 = arith.select %gt3A_1534, %max3A_1531, %select_n3A_1377 : vector<16xi1>, vector<16xf32>
        %select_n3A_1536 = arith.select %gt3A_1534, %get3A_1527, %select_n3A_1378 : vector<16xi1>, vector<16xf32>
        %select_n3A_1537 = arith.select %gt3A_1534, %broadcast_in_dim3A_1385, %select_n3A_1379 : vector<16xi1>, vector<16xi32>
        scf.yield %select_n3A_1402, %select_n3A_1403, %select_n3A_1404, %select_n3A_1421, %select_n3A_1422, %select_n3A_1423, %select_n3A_1440, %select_n3A_1441, %select_n3A_1442, %select_n3A_1459, %select_n3A_1460, %select_n3A_1461, %select_n3A_1478, %select_n3A_1479, %select_n3A_1480, %select_n3A_1497, %select_n3A_1498, %select_n3A_1499, %select_n3A_1516, %select_n3A_1517, %select_n3A_1518, %select_n3A_1535, %select_n3A_1536, %select_n3A_1537 : vector<16xf32>, vector<16xf32>, vector<16xi32>, vector<16xf32>, vector<16xf32>, vector<16xi32>, vector<16xf32>, vector<16xf32>, vector<16xi32>, vector<16xf32>, vector<16xf32>, vector<16xi32>, vector<16xf32>, vector<16xf32>, vector<16xi32>, vector<16xf32>, vector<16xf32>, vector<16xi32>, vector<16xf32>, vector<16xf32>, vector<16xi32>, vector<16xf32>, vector<16xf32>, vector<16xi32>
      }
      %scan3A_243 = arith.constant 16 : i32
      %mul3A_244 = arith.constant 2 : i32
      %mul3A_245 = arith.muli %mul3A_244, %scan3A_156 : i32
      %add3A_246 = arith.constant 3 : i32
      %add3A_247 = arith.addi %mul3A_245, %add3A_246 : i32
      %lt3A_248 = arith.constant 6 : i32
      %lt3A_249 = arith.cmpi slt, %add3A_247, %lt3A_248 : i32
      %convert_element_type3A_250 = arith.extui %lt3A_249 : i1 to i32
      %cond3A_251 = arith.constant 0 : i32
      %cond3A_252 = arith.cmpi ne, %convert_element_type3A_250, %cond3A_251 : i32
      scf.if %cond3A_252 {
        %mul3A_253 = arith.constant 2 : i32
        %mul3A_254 = arith.muli %mul3A_253, %scan3A_156 : i32
        %add3A_255 = arith.constant 3 : i32
        %add3A_256 = arith.addi %mul3A_254, %add3A_255 : i32
        %mul3A_257 = arith.constant 128 : i32
        %mul3A_258 = arith.muli %add3A_256, %mul3A_257 : i32
        %add3A_259 = arith.addi %add3A_4, %mul3A_258 : i32
        %multiple_of3A_260 = tpu.assume_multiple %add3A_259, 8 : i32
        %dma_start3A_261 = arith.constant 0 : i32
        %dma_start3A_262 = tpu.memref_slice %arg2[%multiple_of3A_260, %dma_start3A_261] : memref<100000x128xf32, #tpu.memory_space<hbm>> -> memref<128x128xf32, #tpu.memory_space<hbm>>
        %dma_start3A_263 = arith.constant 0 : i32
        %dma_start3A_264 = tpu.memref_slice %arg2[%multiple_of3A_260, %dma_start3A_263] : memref<100000x128xf32, #tpu.memory_space<hbm>> -> memref<128x128xf32, #tpu.memory_space<hbm>>
        tpu.enqueue_dma source(%dma_start3A_264 : memref<128x128xf32, #tpu.memory_space<hbm>>) target(%arg10 : memref<128x128xf32, #tpu.memory_space<vmem>>) target_semaphore(%arg23 : memref<!tpu.dma_semaphore, #tpu.memory_space<semaphore_mem>>)
        %dma_start3A_265 = arith.constant 0 : i32
        %dma_start3A_266 = tpu.memref_slice %arg3[%multiple_of3A_260, %dma_start3A_265] : memref<100000x128xf32, #tpu.memory_space<hbm>> -> memref<128x128xf32, #tpu.memory_space<hbm>>
        %dma_start3A_267 = arith.constant 0 : i32
        %dma_start3A_268 = tpu.memref_slice %arg3[%multiple_of3A_260, %dma_start3A_267] : memref<100000x128xf32, #tpu.memory_space<hbm>> -> memref<128x128xf32, #tpu.memory_space<hbm>>
        tpu.enqueue_dma source(%dma_start3A_268 : memref<128x128xf32, #tpu.memory_space<hbm>>) target(%arg12 : memref<128x128xf32, #tpu.memory_space<vmem>>) target_semaphore(%arg23 : memref<!tpu.dma_semaphore, #tpu.memory_space<semaphore_mem>>)
        %dma_start3A_269 = arith.constant 0 : i32
        %dma_start3A_270 = tpu.memref_slice %arg4[%multiple_of3A_260, %dma_start3A_269] : memref<100000x128xf32, #tpu.memory_space<hbm>> -> memref<128x128xf32, #tpu.memory_space<hbm>>
        %dma_start3A_271 = arith.constant 0 : i32
        %dma_start3A_272 = tpu.memref_slice %arg4[%multiple_of3A_260, %dma_start3A_271] : memref<100000x128xf32, #tpu.memory_space<hbm>> -> memref<128x128xf32, #tpu.memory_space<hbm>>
        tpu.enqueue_dma source(%dma_start3A_272 : memref<128x128xf32, #tpu.memory_space<hbm>>) target(%arg14 : memref<128x128xf32, #tpu.memory_space<vmem>>) target_semaphore(%arg23 : memref<!tpu.dma_semaphore, #tpu.memory_space<semaphore_mem>>)
      } else {
      }
      scf.yield %scan3A_242#0, %scan3A_242#1, %scan3A_242#2, %scan3A_242#3, %scan3A_242#4, %scan3A_242#5, %scan3A_242#6, %scan3A_242#7, %scan3A_242#8, %scan3A_242#9, %scan3A_242#10, %scan3A_242#11, %scan3A_242#12, %scan3A_242#13, %scan3A_242#14, %scan3A_242#15, %scan3A_242#16, %scan3A_242#17, %scan3A_242#18, %scan3A_242#19, %scan3A_242#20, %scan3A_242#21, %scan3A_242#22, %scan3A_242#23 : vector<16xf32>, vector<16xf32>, vector<16xi32>, vector<16xf32>, vector<16xf32>, vector<16xi32>, vector<16xf32>, vector<16xf32>, vector<16xi32>, vector<16xf32>, vector<16xf32>, vector<16xi32>, vector<16xf32>, vector<16xf32>, vector<16xi32>, vector<16xf32>, vector<16xf32>, vector<16xi32>, vector<16xf32>, vector<16xf32>, vector<16xi32>, vector<16xf32>, vector<16xf32>, vector<16xi32>
    }
    %scan3A_84 = arith.constant 3 : i32
    %div3A = arith.divf %scan3A_83#0, %scan3A_83#1 : vector<16xf32>
    %swap3A = arith.constant 0 : index
    %swap3A_85 = tpu.vector_load %arg17[%swap3A] {strides = array<i32>} : memref<128xf32, #tpu.memory_space<vmem>>, vector<16xf32>,
    tpu.vector_store %arg17[%swap3A], %div3A {strides = array<i32>} : memref<128xf32, #tpu.memory_space<vmem>>, vector<16xf32>,
    %swap3A_86 = arith.constant 0 : index
    %swap3A_87 = tpu.vector_load %arg18[%swap3A_86] {strides = array<i32>} : memref<128xi32, #tpu.memory_space<vmem>>, vector<16xi32>,
    tpu.vector_store %arg18[%swap3A_86], %scan3A_83#2 {strides = array<i32>} : memref<128xi32, #tpu.memory_space<vmem>>, vector<16xi32>,
    %div3A_88 = arith.divf %scan3A_83#3, %scan3A_83#4 : vector<16xf32>
    %swap3A_89 = arith.constant 16 : index
    %swap3A_90 = tpu.vector_load %arg17[%swap3A_89] {strides = array<i32>} : memref<128xf32, #tpu.memory_space<vmem>>, vector<16xf32>,
    tpu.vector_store %arg17[%swap3A_89], %div3A_88 {strides = array<i32>} : memref<128xf32, #tpu.memory_space<vmem>>, vector<16xf32>,
    %swap3A_91 = arith.constant 16 : index
    %swap3A_92 = tpu.vector_load %arg18[%swap3A_91] {strides = array<i32>} : memref<128xi32, #tpu.memory_space<vmem>>, vector<16xi32>,
    tpu.vector_store %arg18[%swap3A_91], %scan3A_83#5 {strides = array<i32>} : memref<128xi32, #tpu.memory_space<vmem>>, vector<16xi32>,
    %div3A_93 = arith.divf %scan3A_83#6, %scan3A_83#7 : vector<16xf32>
    %swap3A_94 = arith.constant 32 : index
    %swap3A_95 = tpu.vector_load %arg17[%swap3A_94] {strides = array<i32>} : memref<128xf32, #tpu.memory_space<vmem>>, vector<16xf32>,
    tpu.vector_store %arg17[%swap3A_94], %div3A_93 {strides = array<i32>} : memref<128xf32, #tpu.memory_space<vmem>>, vector<16xf32>,
    %swap3A_96 = arith.constant 32 : index
    %swap3A_97 = tpu.vector_load %arg18[%swap3A_96] {strides = array<i32>} : memref<128xi32, #tpu.memory_space<vmem>>, vector<16xi32>,
    tpu.vector_store %arg18[%swap3A_96], %scan3A_83#8 {strides = array<i32>} : memref<128xi32, #tpu.memory_space<vmem>>, vector<16xi32>,
    %div3A_98 = arith.divf %scan3A_83#9, %scan3A_83#10 : vector<16xf32>
    %swap3A_99 = arith.constant 48 : index
    %swap3A_100 = tpu.vector_load %arg17[%swap3A_99] {strides = array<i32>} : memref<128xf32, #tpu.memory_space<vmem>>, vector<16xf32>,
    tpu.vector_store %arg17[%swap3A_99], %div3A_98 {strides = array<i32>} : memref<128xf32, #tpu.memory_space<vmem>>, vector<16xf32>,
    %swap3A_101 = arith.constant 48 : index
    %swap3A_102 = tpu.vector_load %arg18[%swap3A_101] {strides = array<i32>} : memref<128xi32, #tpu.memory_space<vmem>>, vector<16xi32>,
    tpu.vector_store %arg18[%swap3A_101], %scan3A_83#11 {strides = array<i32>} : memref<128xi32, #tpu.memory_space<vmem>>, vector<16xi32>,
    %div3A_103 = arith.divf %scan3A_83#12, %scan3A_83#13 : vector<16xf32>
    %swap3A_104 = arith.constant 64 : index
    %swap3A_105 = tpu.vector_load %arg17[%swap3A_104] {strides = array<i32>} : memref<128xf32, #tpu.memory_space<vmem>>, vector<16xf32>,
    tpu.vector_store %arg17[%swap3A_104], %div3A_103 {strides = array<i32>} : memref<128xf32, #tpu.memory_space<vmem>>, vector<16xf32>,
    %swap3A_106 = arith.constant 64 : index
    %swap3A_107 = tpu.vector_load %arg18[%swap3A_106] {strides = array<i32>} : memref<128xi32, #tpu.memory_space<vmem>>, vector<16xi32>,
    tpu.vector_store %arg18[%swap3A_106], %scan3A_83#14 {strides = array<i32>} : memref<128xi32, #tpu.memory_space<vmem>>, vector<16xi32>,
    %div3A_108 = arith.divf %scan3A_83#15, %scan3A_83#16 : vector<16xf32>
    %swap3A_109 = arith.constant 80 : index
    %swap3A_110 = tpu.vector_load %arg17[%swap3A_109] {strides = array<i32>} : memref<128xf32, #tpu.memory_space<vmem>>, vector<16xf32>,
    tpu.vector_store %arg17[%swap3A_109], %div3A_108 {strides = array<i32>} : memref<128xf32, #tpu.memory_space<vmem>>, vector<16xf32>,
    %swap3A_111 = arith.constant 80 : index
    %swap3A_112 = tpu.vector_load %arg18[%swap3A_111] {strides = array<i32>} : memref<128xi32, #tpu.memory_space<vmem>>, vector<16xi32>,
    tpu.vector_store %arg18[%swap3A_111], %scan3A_83#17 {strides = array<i32>} : memref<128xi32, #tpu.memory_space<vmem>>, vector<16xi32>,
    %div3A_113 = arith.divf %scan3A_83#18, %scan3A_83#19 : vector<16xf32>
    %swap3A_114 = arith.constant 96 : index
    %swap3A_115 = tpu.vector_load %arg17[%swap3A_114] {strides = array<i32>} : memref<128xf32, #tpu.memory_space<vmem>>, vector<16xf32>,
    tpu.vector_store %arg17[%swap3A_114], %div3A_113 {strides = array<i32>} : memref<128xf32, #tpu.memory_space<vmem>>, vector<16xf32>,
    %swap3A_116 = arith.constant 96 : index
    %swap3A_117 = tpu.vector_load %arg18[%swap3A_116] {strides = array<i32>} : memref<128xi32, #tpu.memory_space<vmem>>, vector<16xi32>,
    tpu.vector_store %arg18[%swap3A_116], %scan3A_83#20 {strides = array<i32>} : memref<128xi32, #tpu.memory_space<vmem>>, vector<16xi32>,
    %div3A_118 = arith.divf %scan3A_83#21, %scan3A_83#22 : vector<16xf32>
    %swap3A_119 = arith.constant 112 : index
    %swap3A_120 = tpu.vector_load %arg17[%swap3A_119] {strides = array<i32>} : memref<128xf32, #tpu.memory_space<vmem>>, vector<16xf32>,
    tpu.vector_store %arg17[%swap3A_119], %div3A_118 {strides = array<i32>} : memref<128xf32, #tpu.memory_space<vmem>>, vector<16xf32>,
    %swap3A_121 = arith.constant 112 : index
    %swap3A_122 = tpu.vector_load %arg18[%swap3A_121] {strides = array<i32>} : memref<128xi32, #tpu.memory_space<vmem>>, vector<16xi32>,
    tpu.vector_store %arg18[%swap3A_121], %scan3A_83#23 {strides = array<i32>} : memref<128xi32, #tpu.memory_space<vmem>>, vector<16xi32>,
    %mul3A_123 = arith.constant 128 : i32
    %mul3A_124 = arith.muli %add3A, %mul3A_123 : i32
    "tpu.region"() ({
      %run_scoped3A = tpu.sem_alloc : memref<!tpu.dma_semaphore, #tpu.memory_space<semaphore_mem>>
      %dma_start3A_156 = tpu.memref_slice %arg6[%mul3A_124] : memref<4096xf32, #tpu.memory_space<hbm>> -> memref<128xf32, #tpu.memory_space<hbm>>
      %dma_start3A_157 = tpu.memref_slice %arg6[%mul3A_124] : memref<4096xf32, #tpu.memory_space<hbm>> -> memref<128xf32, #tpu.memory_space<hbm>>
      tpu.enqueue_dma source(%arg17 : memref<128xf32, #tpu.memory_space<vmem>>) target(%dma_start3A_157 : memref<128xf32, #tpu.memory_space<hbm>>) target_semaphore(%run_scoped3A : memref<!tpu.dma_semaphore, #tpu.memory_space<semaphore_mem>>)
      %dma_wait3A_158 = tpu.memref_slice %arg6[%mul3A_124] : memref<4096xf32, #tpu.memory_space<hbm>> -> memref<128xf32, #tpu.memory_space<hbm>>
      %dma_wait3A_159 = tpu.memref_slice %arg6[%mul3A_124] : memref<4096xf32, #tpu.memory_space<hbm>> -> memref<128xf32, #tpu.memory_space<hbm>>
      tpu.wait_dma2 semaphore(%run_scoped3A : memref<!tpu.dma_semaphore, #tpu.memory_space<semaphore_mem>>) src(%arg17 : memref<128xf32, #tpu.memory_space<vmem>>) dst(%dma_wait3A_159 : memref<128xf32, #tpu.memory_space<hbm>>)
      tpu.yield
    }) : () -> ()
    %mul3A_125 = arith.constant 128 : i32
    %mul3A_126 = arith.muli %add3A, %mul3A_125 : i32
    "tpu.region"() ({
      %run_scoped3A = tpu.sem_alloc : memref<!tpu.dma_semaphore, #tpu.memory_space<semaphore_mem>>
      %dma_start3A_156 = tpu.memref_slice %arg7[%mul3A_126] : memref<4096xi32, #tpu.memory_space<hbm>> -> memref<128xi32, #tpu.memory_space<hbm>>
      %dma_start3A_157 = tpu.memref_slice %arg7[%mul3A_126] : memref<4096xi32, #tpu.memory_space<hbm>> -> memref<128xi32, #tpu.memory_space<hbm>>
      tpu.enqueue_dma source(%arg18 : memref<128xi32, #tpu.memory_space<vmem>>) target(%dma_start3A_157 : memref<128xi32, #tpu.memory_space<hbm>>) target_semaphore(%run_scoped3A : memref<!tpu.dma_semaphore, #tpu.memory_space<semaphore_mem>>)
      %dma_wait3A_158 = tpu.memref_slice %arg7[%mul3A_126] : memref<4096xi32, #tpu.memory_space<hbm>> -> memref<128xi32, #tpu.memory_space<hbm>>
      %dma_wait3A_159 = tpu.memref_slice %arg7[%mul3A_126] : memref<4096xi32, #tpu.memory_space<hbm>> -> memref<128xi32, #tpu.memory_space<hbm>>
      tpu.wait_dma2 semaphore(%run_scoped3A : memref<!tpu.dma_semaphore, #tpu.memory_space<semaphore_mem>>) src(%arg18 : memref<128xi32, #tpu.memory_space<vmem>>) dst(%dma_wait3A_159 : memref<128xi32, #tpu.memory_space<hbm>>)
      tpu.yield
    }) : () -> ()
    %and3A = arith.constant 7 : i32
    %and3A_127 = vector.broadcast %and3A : i32 to vector<16xi32>
    %and3A_128 = arith.andi %iota3A, %and3A_127 : vector<16xi32>
    %min3A = arith.constant 3 : i32
    %min3A_129 = vector.broadcast %min3A : i32 to vector<16xi32>
    %min3A_130 = arith.minsi %and3A_128, %min3A_129 : vector<16xi32>
    %mul3A_131 = arith.constant 4 : i32
    %mul3A_132 = arith.muli %add3A, %mul3A_131 : i32
    %add3A_133 = vector.broadcast %mul3A_132 : i32 to vector<16xi32>
    %add3A_134 = arith.addi %add3A_133, %min3A_130 : vector<16xi32>
    %gather3A = tpu.vector_load_idx %arg15[%add3A_134] : memref<128xi32, #tpu.memory_space<vmem>>[vector<16xi32>], vector<16xi32>,
    %swap3A_135 = arith.constant 0 : index
    %swap3A_136 = tpu.vector_load %arg19[%swap3A_135] {strides = array<i32>} : memref<16xi32, #tpu.memory_space<vmem>>, vector<16xi32>,
    tpu.vector_store %arg19[%swap3A_135], %gather3A {strides = array<i32>} : memref<16xi32, #tpu.memory_space<vmem>>, vector<16xi32>,
    %dma_start3A_137 = arith.constant 0 : i32
    %dma_start3A_138 = arith.constant 0 : i32
    %dma_start3A_139 = tpu.memref_slice %arg2[%dma_start3A_137, %dma_start3A_138] : memref<100000x128xf32, #tpu.memory_space<hbm>> -> memref<100000x128xf32, #tpu.memory_space<hbm>>
    tpu.enqueue_indirect_dma source(%dma_start3A_139 : memref<100000x128xf32, #tpu.memory_space<hbm>>) target(%arg20 : memref<16x128xf32, #tpu.memory_space<vmem>>) offsets(%arg19 : memref<16xi32, #tpu.memory_space<vmem>>) semaphore(%arg24 : memref<!tpu.dma_semaphore, #tpu.memory_space<semaphore_mem>>)
    %dma_wait3A = arith.constant 0 : i32
    %dma_wait3A_140 = arith.constant 0 : i32
    %dma_wait3A_141 = tpu.memref_slice %arg2[%dma_wait3A, %dma_wait3A_140] : memref<100000x128xf32, #tpu.memory_space<hbm>> -> memref<100000x128xf32, #tpu.memory_space<hbm>>
    tpu.wait_indirect_dma semaphore(%arg24 : memref<!tpu.dma_semaphore, #tpu.memory_space<semaphore_mem>>) src(%dma_wait3A_141 : memref<100000x128xf32, #tpu.memory_space<hbm>>) dst(%arg20 : memref<16x128xf32, #tpu.memory_space<vmem>>)
    %dma_start3A_142 = arith.constant 0 : i32
    %dma_start3A_143 = arith.constant 0 : i32
    %dma_start3A_144 = tpu.memref_slice %arg3[%dma_start3A_142, %dma_start3A_143] : memref<100000x128xf32, #tpu.memory_space<hbm>> -> memref<100000x128xf32, #tpu.memory_space<hbm>>
    tpu.enqueue_indirect_dma source(%dma_start3A_144 : memref<100000x128xf32, #tpu.memory_space<hbm>>) target(%arg21 : memref<16x128xf32, #tpu.memory_space<vmem>>) offsets(%arg19 : memref<16xi32, #tpu.memory_space<vmem>>) semaphore(%arg24 : memref<!tpu.dma_semaphore, #tpu.memory_space<semaphore_mem>>)
    %dma_wait3A_145 = arith.constant 0 : i32
    %dma_wait3A_146 = arith.constant 0 : i32
    %dma_wait3A_147 = tpu.memref_slice %arg3[%dma_wait3A_145, %dma_wait3A_146] : memref<100000x128xf32, #tpu.memory_space<hbm>> -> memref<100000x128xf32, #tpu.memory_space<hbm>>
    tpu.wait_indirect_dma semaphore(%arg24 : memref<!tpu.dma_semaphore, #tpu.memory_space<semaphore_mem>>) src(%dma_wait3A_147 : memref<100000x128xf32, #tpu.memory_space<hbm>>) dst(%arg21 : memref<16x128xf32, #tpu.memory_space<vmem>>)
    %gather3A_148 = tpu.vector_load_idx %arg21[%iota3A, %add3A_134] : memref<16x128xf32, #tpu.memory_space<vmem>>[vector<16xi32>, vector<16xi32>], vector<16xf32>,
    %gather3A_149 = tpu.vector_load_idx %arg20[%iota3A, %add3A_134] : memref<16x128xf32, #tpu.memory_space<vmem>>[vector<16xi32>, vector<16xi32>], vector<16xf32>,
    %lt3A = arith.constant 8 : i32
    %lt3A_150 = vector.broadcast %lt3A : i32 to vector<16xi32>
    %lt3A_151 = arith.cmpi slt, %iota3A, %lt3A_150 : vector<16xi32>
    %select_n3A = arith.select %lt3A_151, %gather3A_148, %gather3A_149 : vector<16xi1>, vector<16xf32>
    %swap3A_152 = arith.constant 0 : index
    %swap3A_153 = tpu.vector_load %arg16[%swap3A_152] {strides = array<i32>} : memref<16xf32, #tpu.memory_space<vmem>>, vector<16xf32>,
    tpu.vector_store %arg16[%swap3A_152], %select_n3A {strides = array<i32>} : memref<16xf32, #tpu.memory_space<vmem>>, vector<16xf32>,
    %mul3A_154 = arith.constant 16 : i32
    %mul3A_155 = arith.muli %add3A, %mul3A_154 : i32
    "tpu.region"() ({
      %run_scoped3A = tpu.sem_alloc : memref<!tpu.dma_semaphore, #tpu.memory_space<semaphore_mem>>
      %dma_start3A_156 = tpu.memref_slice %arg8[%mul3A_155] : memref<512xf32, #tpu.memory_space<hbm>> -> memref<16xf32, #tpu.memory_space<hbm>>
      %dma_start3A_157 = tpu.memref_slice %arg8[%mul3A_155] : memref<512xf32, #tpu.memory_space<hbm>> -> memref<16xf32, #tpu.memory_space<hbm>>
      tpu.enqueue_dma source(%arg16 : memref<16xf32, #tpu.memory_space<vmem>>) target(%dma_start3A_157 : memref<16xf32, #tpu.memory_space<hbm>>) target_semaphore(%run_scoped3A : memref<!tpu.dma_semaphore, #tpu.memory_space<semaphore_mem>>)
      %dma_wait3A_158 = tpu.memref_slice %arg8[%mul3A_155] : memref<512xf32, #tpu.memory_space<hbm>> -> memref<16xf32, #tpu.memory_space<hbm>>
      %dma_wait3A_159 = tpu.memref_slice %arg8[%mul3A_155] : memref<512xf32, #tpu.memory_space<hbm>> -> memref<16xf32, #tpu.memory_space<hbm>>
      tpu.wait_dma2 semaphore(%run_scoped3A : memref<!tpu.dma_semaphore, #tpu.memory_space<semaphore_mem>>) src(%arg16 : memref<16xf32, #tpu.memory_space<vmem>>) dst(%dma_wait3A_159 : memref<16xf32, #tpu.memory_space<hbm>>)
      tpu.yield
    }) : () -> ()
    return
  }
}

module attributes {stable_mosaic.version = 14 : i64} {
  func.func @_tc_scan_body(%arg0: i32, %arg1: memref<2560x128xf32, #tpu.memory_space<vmem>>, %arg2: memref<2560x128xf32, #tpu.memory_space<vmem>>, %arg3: memref<2560x128xf32, #tpu.memory_space<vmem>>, %arg4: memref<1x128xf32, #tpu.memory_space<vmem>>, %arg5: memref<1x128xi32, #tpu.memory_space<vmem>>) attributes {dimension_semantics = [#tpu.dimension_semantics<arbitrary>], iteration_bounds = array<i64: 30>, scalar_prefetch = 0 : i64, scratch_operands = 0 : i64, tpu.core_type = #tpu.core_type<tc>, window_params = [{transform_indices = @transform_0, window_bounds = array<i64: 2560, 128>}, {transform_indices = @transform_1, window_bounds = array<i64: 2560, 128>}, {transform_indices = @transform_2, window_bounds = array<i64: 2560, 128>}, {pipeline_mode = #tpu.pipeline_mode<synchronous>, transform_indices = @transform_3, window_bounds = array<i64: 1, 128>}, {pipeline_mode = #tpu.pipeline_mode<synchronous>, transform_indices = @transform_4, window_bounds = array<i64: 1, 128>}]} {
    %mul3A = arith.constant 2560 : i32
    %mul3A_0 = arith.muli %arg0, %mul3A : i32
    %get3A = arith.constant 0 : index
    %get3A_1 = arith.constant 0 : index
    %get3A_2 = vector.load %arg1[%get3A, %get3A_1] : memref<2560x128xf32, #tpu.memory_space<vmem>>, vector<2560x128xf32>
    %get3A_3 = arith.constant 0 : index
    %get3A_4 = arith.constant 0 : index
    %get3A_5 = vector.load %arg2[%get3A_3, %get3A_4] : memref<2560x128xf32, #tpu.memory_space<vmem>>, vector<2560x128xf32>
    %sub3A = arith.subf %get3A_2, %get3A_5 : vector<2560x128xf32>
    %max3A = arith.constant 0.000000e+00 : f32
    %max3A_6 = vector.broadcast %max3A : f32 to vector<2560x128xf32>
    %max3A_7 = arith.maximumf %sub3A, %max3A_6 : vector<2560x128xf32>
    %get3A_8 = arith.constant 0 : index
    %get3A_9 = arith.constant 0 : index
    %get3A_10 = vector.load %arg3[%get3A_8, %get3A_9] : memref<2560x128xf32, #tpu.memory_space<vmem>>, vector<2560x128xf32>
    %div3A = arith.divf %max3A_7, %get3A_10 : vector<2560x128xf32>
    %reduce_max3A = arith.constant dense<0xFF800000> : vector<128xf32>
    %reduce_max3A_11 = vector.multi_reduction <maximumf>, %div3A, %reduce_max3A [0] : vector<2560x128xf32> to vector<128xf32>
    %broadcast_in_dim3A = vector.shape_cast %reduce_max3A_11 : vector<128xf32> to vector<1x128xf32>
    %iota3A = tpu.iota {dimensions = array<i32: 0>} : vector<2560x128xi32>
    %eq3A = vector.broadcast %broadcast_in_dim3A : vector<1x128xf32> to vector<2560x128xf32>
    %eq3A_12 = arith.cmpf oeq, %div3A, %eq3A : vector<2560x128xf32>
    %jit3A = arith.constant 2147483647 : i32
    %broadcast_in_dim3A_13 = vector.broadcast %jit3A : i32 to vector<2560x128xi32>
    %select_n3A = arith.select %eq3A_12, %iota3A, %broadcast_in_dim3A_13 : vector<2560x128xi1>, vector<2560x128xi32>
    %reduce_min3A = arith.constant dense<2147483647> : vector<128xi32>
    %reduce_min3A_14 = vector.multi_reduction <minsi>, %select_n3A, %reduce_min3A [0] : vector<2560x128xi32> to vector<128xi32>
    %broadcast_in_dim3A_15 = vector.shape_cast %reduce_min3A_14 : vector<128xi32> to vector<1x128xi32>
    %add3A = vector.broadcast %mul3A_0 : i32 to vector<1x128xi32>
    %add3A_16 = arith.addi %broadcast_in_dim3A_15, %add3A : vector<1x128xi32>
    %eq3A_17 = arith.constant 0 : i32
    %eq3A_18 = arith.cmpi eq, %arg0, %eq3A_17 : i32
    %get3A_19 = arith.constant 0 : index
    %get3A_20 = arith.constant 0 : index
    %get3A_21 = vector.load %arg4[%get3A_19, %get3A_20] : memref<1x128xf32, #tpu.memory_space<vmem>>, vector<1x128xf32>
    %jit3A_22 = arith.constant -1.000000e+00 : f32
    %broadcast_in_dim3A_23 = vector.broadcast %jit3A_22 : f32 to vector<1x128xf32>
    %select_n3A_24 = arith.select %eq3A_18, %broadcast_in_dim3A_23, %get3A_21 : vector<1x128xf32>
    %get3A_25 = arith.constant 0 : index
    %get3A_26 = arith.constant 0 : index
    %get3A_27 = vector.load %arg5[%get3A_25, %get3A_26] : memref<1x128xi32, #tpu.memory_space<vmem>>, vector<1x128xi32>
    %jit3A_28 = arith.constant 0 : i32
    %broadcast_in_dim3A_29 = vector.broadcast %jit3A_28 : i32 to vector<1x128xi32>
    %select_n3A_30 = arith.select %eq3A_18, %broadcast_in_dim3A_29, %get3A_27 : vector<1x128xi32>
    %gt3A = arith.cmpf ogt, %broadcast_in_dim3A, %select_n3A_24 : vector<1x128xf32>
    %select_n3A_31 = arith.select %gt3A, %broadcast_in_dim3A, %select_n3A_24 : vector<1x128xi1>, vector<1x128xf32>
    %swap3A = arith.constant 0 : index
    %swap3A_32 = arith.constant 0 : index
    %swap3A_33 = vector.load %arg4[%swap3A, %swap3A_32] : memref<1x128xf32, #tpu.memory_space<vmem>>, vector<1x128xf32>
    tpu.vector_store %arg4[%swap3A, %swap3A_32], %select_n3A_31 {strides = array<i32>} : memref<1x128xf32, #tpu.memory_space<vmem>>, vector<1x128xf32>,
    %select_n3A_34 = arith.select %gt3A, %add3A_16, %select_n3A_30 : vector<1x128xi1>, vector<1x128xi32>
    %swap3A_35 = arith.constant 0 : index
    %swap3A_36 = arith.constant 0 : index
    %swap3A_37 = vector.load %arg5[%swap3A_35, %swap3A_36] : memref<1x128xi32, #tpu.memory_space<vmem>>, vector<1x128xi32>
    tpu.vector_store %arg5[%swap3A_35, %swap3A_36], %select_n3A_34 {strides = array<i32>} : memref<1x128xi32, #tpu.memory_space<vmem>>, vector<1x128xi32>,
    return
  }
  func.func @transform_0(%arg0: i32) -> (i32, i32) {
    %c0_i32 = arith.constant 0 : i32
    %c0_i32_0 = arith.constant 0 : i32
    return %arg0, %c0_i32 : i32, i32
  }
  func.func @transform_1(%arg0: i32) -> (i32, i32) {
    %c0_i32 = arith.constant 0 : i32
    %c0_i32_0 = arith.constant 0 : i32
    return %arg0, %c0_i32 : i32, i32
  }
  func.func @transform_2(%arg0: i32) -> (i32, i32) {
    %c0_i32 = arith.constant 0 : i32
    %c0_i32_0 = arith.constant 0 : i32
    return %arg0, %c0_i32 : i32, i32
  }
  func.func @transform_3(%arg0: i32) -> (i32, i32) {
    %c0_i32 = arith.constant 0 : i32
    %c0_i32_0 = arith.constant 0 : i32
    %c0_i32_1 = arith.constant 0 : i32
    return %c0_i32, %c0_i32_0 : i32, i32
  }
  func.func @transform_4(%arg0: i32) -> (i32, i32) {
    %c0_i32 = arith.constant 0 : i32
    %c0_i32_0 = arith.constant 0 : i32
    %c0_i32_1 = arith.constant 0 : i32
    return %c0_i32, %c0_i32_0 : i32, i32
  }
}

module attributes {stable_mosaic.version = 14 : i64} {
  func.func @_m1_body(%arg0: i32, %arg1: memref<1x128xf32, #tpu.memory_space<vmem>>, %arg2: memref<1x128xi32, #tpu.memory_space<vmem>>, %arg3: memref<32x128xf32, #tpu.memory_space<vmem>>, %arg4: memref<32x128xi32, #tpu.memory_space<vmem>>, %arg5: memref<1x128xi32, #tpu.memory_space<vmem>>) attributes {dimension_semantics = [#tpu.dimension_semantics<arbitrary>], iteration_bounds = array<i64: 1>, scalar_prefetch = 0 : i64, scratch_operands = 0 : i64, tpu.core_type = #tpu.core_type<tc>, window_params = [{pipeline_mode = #tpu.pipeline_mode<synchronous>, transform_indices = @transform_0, window_bounds = array<i64: 1, 128>}, {pipeline_mode = #tpu.pipeline_mode<synchronous>, transform_indices = @transform_1, window_bounds = array<i64: 1, 128>}, {pipeline_mode = #tpu.pipeline_mode<synchronous>, transform_indices = @transform_2, window_bounds = array<i64: 32, 128>}, {pipeline_mode = #tpu.pipeline_mode<synchronous>, transform_indices = @transform_3, window_bounds = array<i64: 32, 128>}, {pipeline_mode = #tpu.pipeline_mode<synchronous>, transform_indices = @transform_4, window_bounds = array<i64: 1, 128>}]} {
    %get3A = arith.constant 0 : index
    %get3A_0 = arith.constant 0 : index
    %get3A_1 = vector.load %arg3[%get3A, %get3A_0] : memref<32x128xf32, #tpu.memory_space<vmem>>, vector<32x128xf32>
    %reduce_max3A = arith.constant dense<0xFF800000> : vector<128xf32>
    %reduce_max3A_2 = vector.multi_reduction <maximumf>, %get3A_1, %reduce_max3A [0] : vector<32x128xf32> to vector<128xf32>
    %broadcast_in_dim3A = vector.shape_cast %reduce_max3A_2 : vector<128xf32> to vector<1x128xf32>
    %get3A_3 = arith.constant 0 : index
    %get3A_4 = arith.constant 0 : index
    %get3A_5 = vector.load %arg3[%get3A_3, %get3A_4] : memref<32x128xf32, #tpu.memory_space<vmem>>, vector<32x128xf32>
    %eq3A = vector.broadcast %broadcast_in_dim3A : vector<1x128xf32> to vector<32x128xf32>
    %eq3A_6 = arith.cmpf oeq, %get3A_5, %eq3A : vector<32x128xf32>
    %get3A_7 = arith.constant 0 : index
    %get3A_8 = arith.constant 0 : index
    %get3A_9 = vector.load %arg4[%get3A_7, %get3A_8] : memref<32x128xi32, #tpu.memory_space<vmem>>, vector<32x128xi32>
    %jit3A = arith.constant 2147483647 : i32
    %broadcast_in_dim3A_10 = vector.broadcast %jit3A : i32 to vector<32x128xi32>
    %select_n3A = arith.select %eq3A_6, %get3A_9, %broadcast_in_dim3A_10 : vector<32x128xi1>, vector<32x128xi32>
    %reduce_min3A = arith.constant dense<2147483647> : vector<128xi32>
    %reduce_min3A_11 = vector.multi_reduction <minsi>, %select_n3A, %reduce_min3A [0] : vector<32x128xi32> to vector<128xi32>
    %broadcast_in_dim3A_12 = vector.shape_cast %reduce_min3A_11 : vector<128xi32> to vector<1x128xi32>
    %get3A_13 = arith.constant 0 : index
    %get3A_14 = arith.constant 0 : index
    %get3A_15 = vector.load %arg1[%get3A_13, %get3A_14] : memref<1x128xf32, #tpu.memory_space<vmem>>, vector<1x128xf32>
    %ge3A = arith.cmpf oge, %get3A_15, %broadcast_in_dim3A : vector<1x128xf32>
    %get3A_16 = arith.constant 0 : index
    %get3A_17 = arith.constant 0 : index
    %get3A_18 = vector.load %arg2[%get3A_16, %get3A_17] : memref<1x128xi32, #tpu.memory_space<vmem>>, vector<1x128xi32>
    %select_n3A_19 = arith.select %ge3A, %get3A_18, %broadcast_in_dim3A_12 : vector<1x128xi1>, vector<1x128xi32>
    %swap3A = arith.constant 0 : index
    %swap3A_20 = arith.constant 0 : index
    %swap3A_21 = vector.load %arg5[%swap3A, %swap3A_20] : memref<1x128xi32, #tpu.memory_space<vmem>>, vector<1x128xi32>
    tpu.vector_store %arg5[%swap3A, %swap3A_20], %select_n3A_19 {strides = array<i32>} : memref<1x128xi32, #tpu.memory_space<vmem>>, vector<1x128xi32>,
    return
  }
  func.func @transform_0(%arg0: i32) -> (i32, i32) {
    %c0_i32 = arith.constant 0 : i32
    %c0_i32_0 = arith.constant 0 : i32
    %c0_i32_1 = arith.constant 0 : i32
    return %c0_i32, %c0_i32_0 : i32, i32
  }
  func.func @transform_1(%arg0: i32) -> (i32, i32) {
    %c0_i32 = arith.constant 0 : i32
    %c0_i32_0 = arith.constant 0 : i32
    %c0_i32_1 = arith.constant 0 : i32
    return %c0_i32, %c0_i32_0 : i32, i32
  }
  func.func @transform_2(%arg0: i32) -> (i32, i32) {
    %c0_i32 = arith.constant 0 : i32
    %c0_i32_0 = arith.constant 0 : i32
    %c0_i32_1 = arith.constant 0 : i32
    return %c0_i32, %c0_i32_0 : i32, i32
  }
  func.func @transform_3(%arg0: i32) -> (i32, i32) {
    %c0_i32 = arith.constant 0 : i32
    %c0_i32_0 = arith.constant 0 : i32
    %c0_i32_1 = arith.constant 0 : i32
    return %c0_i32, %c0_i32_0 : i32, i32
  }
  func.func @transform_4(%arg0: i32) -> (i32, i32) {
    %c0_i32 = arith.constant 0 : i32
    %c0_i32_0 = arith.constant 0 : i32
    %c0_i32_1 = arith.constant 0 : i32
    return %c0_i32, %c0_i32_0 : i32, i32
  }
}

module attributes {stable_mosaic.version = 14 : i64} {
  func.func @_m2_body(%arg0: i32, %arg1: memref<32x4xi32, #tpu.memory_space<vmem>>, %arg2: memref<32x4xf32, #tpu.memory_space<vmem>>, %arg3: memref<32x4xf32, #tpu.memory_space<vmem>>, %arg4: memref<32x4xi32, #tpu.memory_space<vmem>>, %arg5: memref<32x4xf32, #tpu.memory_space<vmem>>, %arg6: memref<32x1xi32, #tpu.memory_space<vmem>>, %arg7: memref<32x1xi32, #tpu.memory_space<vmem>>, %arg8: memref<32x5xi32, #tpu.memory_space<vmem>>) attributes {dimension_semantics = [#tpu.dimension_semantics<arbitrary>], iteration_bounds = array<i64: 1>, scalar_prefetch = 0 : i64, scratch_operands = 0 : i64, tpu.core_type = #tpu.core_type<tc>, window_params = [{pipeline_mode = #tpu.pipeline_mode<synchronous>, transform_indices = @transform_0, window_bounds = array<i64: 32, 4>}, {pipeline_mode = #tpu.pipeline_mode<synchronous>, transform_indices = @transform_1, window_bounds = array<i64: 32, 4>}, {pipeline_mode = #tpu.pipeline_mode<synchronous>, transform_indices = @transform_2, window_bounds = array<i64: 32, 4>}, {pipeline_mode = #tpu.pipeline_mode<synchronous>, transform_indices = @transform_3, window_bounds = array<i64: 32, 4>}, {pipeline_mode = #tpu.pipeline_mode<synchronous>, transform_indices = @transform_4, window_bounds = array<i64: 32, 4>}, {pipeline_mode = #tpu.pipeline_mode<synchronous>, transform_indices = @transform_5, window_bounds = array<i64: 32, 1>}, {pipeline_mode = #tpu.pipeline_mode<synchronous>, transform_indices = @transform_6, window_bounds = array<i64: 32, 1>}, {pipeline_mode = #tpu.pipeline_mode<synchronous>, transform_indices = @transform_7, window_bounds = array<i64: 32, 5>}]} {
    %get3A = arith.constant 0 : index
    %get3A_0 = arith.constant 0 : index
    %get3A_1 = vector.load %arg2[%get3A, %get3A_0] : memref<32x4xf32, #tpu.memory_space<vmem>>, vector<32x4xf32>
    %gt3A = arith.constant 0.000000e+00 : f32
    %gt3A_2 = vector.broadcast %gt3A : f32 to vector<32x4xf32>
    %gt3A_3 = arith.cmpf ogt, %get3A_1, %gt3A_2 : vector<32x4xf32>
    %get3A_4 = arith.constant 0 : index
    %get3A_5 = arith.constant 0 : index
    %get3A_6 = vector.load %arg3[%get3A_4, %get3A_5] : memref<32x4xf32, #tpu.memory_space<vmem>>, vector<32x4xf32>
    %get3A_7 = arith.constant 0 : index
    %get3A_8 = arith.constant 0 : index
    %get3A_9 = vector.load %arg2[%get3A_7, %get3A_8] : memref<32x4xf32, #tpu.memory_space<vmem>>, vector<32x4xf32>
    %max3A = arith.constant 1.000000e-30 : f32
    %max3A_10 = vector.broadcast %max3A : f32 to vector<32x4xf32>
    %max3A_11 = arith.maximumf %get3A_9, %max3A_10 : vector<32x4xf32>
    %div3A = arith.divf %get3A_6, %max3A_11 : vector<32x4xf32>
    %get3A_12 = arith.constant 0 : index
    %get3A_13 = arith.constant 0 : index
    %get3A_14 = vector.load %arg5[%get3A_12, %get3A_13] : memref<32x4xf32, #tpu.memory_space<vmem>>, vector<32x4xf32>
    %ge3A = arith.cmpf oge, %div3A, %get3A_14 : vector<32x4xf32>
    %and3A = arith.andi %gt3A_3, %ge3A : vector<32x4xi1>
    %get3A_15 = arith.constant 0 : index
    %get3A_16 = arith.constant 0 : index
    %get3A_17 = vector.load %arg4[%get3A_15, %get3A_16] : memref<32x4xi32, #tpu.memory_space<vmem>>, vector<32x4xi32>
    %get3A_18 = arith.constant 0 : index
    %get3A_19 = arith.constant 0 : index
    %get3A_20 = vector.load %arg1[%get3A_18, %get3A_19] : memref<32x4xi32, #tpu.memory_space<vmem>>, vector<32x4xi32>
    %select_n3A = arith.select %and3A, %get3A_17, %get3A_20 : vector<32x4xi1>, vector<32x4xi32>
    %broadcast_in_dim3A = arith.constant true
    %broadcast_in_dim3A_21 = vector.broadcast %broadcast_in_dim3A : i1 to vector<32x1xi1>
    %slice3A = vector.extract_strided_slice %select_n3A {offsets = [0, 0], sizes = [32, 1], strides = [1, 1]} : vector<32x4xi32> to vector<32x1xi32>
    %jit3A = arith.constant -1 : i32
    %broadcast_in_dim3A_22 = vector.broadcast %jit3A : i32 to vector<32x1xi32>
    %select_n3A_23 = arith.select %broadcast_in_dim3A_21, %slice3A, %broadcast_in_dim3A_22 : vector<32x1xi1>, vector<32x1xi32>
    %slice3A_24 = vector.extract_strided_slice %and3A {offsets = [0, 0], sizes = [32, 1], strides = [1, 1]} : vector<32x4xi1> to vector<32x1xi1>
    %and3A_25 = arith.andi %broadcast_in_dim3A_21, %slice3A_24 : vector<32x1xi1>
    %slice3A_26 = vector.extract_strided_slice %select_n3A {offsets = [0, 1], sizes = [32, 1], strides = [1, 1]} : vector<32x4xi32> to vector<32x1xi32>
    %jit3A_27 = arith.constant -1 : i32
    %broadcast_in_dim3A_28 = vector.broadcast %jit3A_27 : i32 to vector<32x1xi32>
    %select_n3A_29 = arith.select %and3A_25, %slice3A_26, %broadcast_in_dim3A_28 : vector<32x1xi1>, vector<32x1xi32>
    %slice3A_30 = vector.extract_strided_slice %and3A {offsets = [0, 1], sizes = [32, 1], strides = [1, 1]} : vector<32x4xi1> to vector<32x1xi1>
    %and3A_31 = arith.andi %and3A_25, %slice3A_30 : vector<32x1xi1>
    %slice3A_32 = vector.extract_strided_slice %select_n3A {offsets = [0, 2], sizes = [32, 1], strides = [1, 1]} : vector<32x4xi32> to vector<32x1xi32>
    %jit3A_33 = arith.constant -1 : i32
    %broadcast_in_dim3A_34 = vector.broadcast %jit3A_33 : i32 to vector<32x1xi32>
    %select_n3A_35 = arith.select %and3A_31, %slice3A_32, %broadcast_in_dim3A_34 : vector<32x1xi1>, vector<32x1xi32>
    %slice3A_36 = vector.extract_strided_slice %and3A {offsets = [0, 2], sizes = [32, 1], strides = [1, 1]} : vector<32x4xi1> to vector<32x1xi1>
    %and3A_37 = arith.andi %and3A_31, %slice3A_36 : vector<32x1xi1>
    %slice3A_38 = vector.extract_strided_slice %select_n3A {offsets = [0, 3], sizes = [32, 1], strides = [1, 1]} : vector<32x4xi32> to vector<32x1xi32>
    %jit3A_39 = arith.constant -1 : i32
    %broadcast_in_dim3A_40 = vector.broadcast %jit3A_39 : i32 to vector<32x1xi32>
    %select_n3A_41 = arith.select %and3A_37, %slice3A_38, %broadcast_in_dim3A_40 : vector<32x1xi1>, vector<32x1xi32>
    %slice3A_42 = vector.extract_strided_slice %and3A {offsets = [0, 3], sizes = [32, 1], strides = [1, 1]} : vector<32x4xi1> to vector<32x1xi1>
    %and3A_43 = arith.andi %and3A_37, %slice3A_42 : vector<32x1xi1>
    %get3A_44 = arith.constant 0 : index
    %get3A_45 = arith.constant 0 : index
    %get3A_46 = vector.load %arg6[%get3A_44, %get3A_45] : memref<32x1xi32, #tpu.memory_space<vmem>>, vector<32x1xi32>
    %jit3A_47 = arith.constant -1 : i32
    %broadcast_in_dim3A_48 = vector.broadcast %jit3A_47 : i32 to vector<32x1xi32>
    %select_n3A_49 = arith.select %and3A_43, %get3A_46, %broadcast_in_dim3A_48 : vector<32x1xi1>, vector<32x1xi32>
    %concatenate3A = tpu.concatenate %select_n3A_23, %select_n3A_29, %select_n3A_35, %select_n3A_41, %select_n3A_49 in 1 : vector<32x1xi32>, vector<32x1xi32>, vector<32x1xi32>, vector<32x1xi32>, vector<32x1xi32> -> vector<32x5xi32>
    %get3A_50 = arith.constant 0 : index
    %get3A_51 = arith.constant 0 : index
    %get3A_52 = vector.load %arg7[%get3A_50, %get3A_51] : memref<32x1xi32, #tpu.memory_space<vmem>>, vector<32x1xi32>
    %gt3A_53 = arith.constant 0 : i32
    %gt3A_54 = vector.broadcast %gt3A_53 : i32 to vector<32x1xi32>
    %gt3A_55 = arith.cmpi sgt, %get3A_52, %gt3A_54 : vector<32x1xi32>
    %jit3A_56 = arith.constant -1 : i32
    %broadcast_in_dim3A_57 = vector.shape_cast %gt3A_55 : vector<32x1xi1> to vector<32x1xi1>
    %broadcast_in_dim3A_58 = vector.broadcast %broadcast_in_dim3A_57 : vector<32x1xi1> to vector<32x5xi1>
    %broadcast_in_dim3A_59 = vector.broadcast %jit3A_56 : i32 to vector<32x5xi32>
    %select_n3A_60 = arith.select %broadcast_in_dim3A_58, %broadcast_in_dim3A_59, %concatenate3A : vector<32x5xi1>, vector<32x5xi32>
    %swap3A = arith.constant 0 : index
    %swap3A_61 = arith.constant 0 : index
    %swap3A_62 = vector.load %arg8[%swap3A, %swap3A_61] : memref<32x5xi32, #tpu.memory_space<vmem>>, vector<32x5xi32>
    tpu.vector_store %arg8[%swap3A, %swap3A_61], %select_n3A_60 {strides = array<i32>} : memref<32x5xi32, #tpu.memory_space<vmem>>, vector<32x5xi32>,
    return
  }
  func.func @transform_0(%arg0: i32) -> (i32, i32) {
    %c0_i32 = arith.constant 0 : i32
    %c0_i32_0 = arith.constant 0 : i32
    %c0_i32_1 = arith.constant 0 : i32
    return %c0_i32, %c0_i32_0 : i32, i32
  }
  func.func @transform_1(%arg0: i32) -> (i32, i32) {
    %c0_i32 = arith.constant 0 : i32
    %c0_i32_0 = arith.constant 0 : i32
    %c0_i32_1 = arith.constant 0 : i32
    return %c0_i32, %c0_i32_0 : i32, i32
  }
  func.func @transform_2(%arg0: i32) -> (i32, i32) {
    %c0_i32 = arith.constant 0 : i32
    %c0_i32_0 = arith.constant 0 : i32
    %c0_i32_1 = arith.constant 0 : i32
    return %c0_i32, %c0_i32_0 : i32, i32
  }
  func.func @transform_3(%arg0: i32) -> (i32, i32) {
    %c0_i32 = arith.constant 0 : i32
    %c0_i32_0 = arith.constant 0 : i32
    %c0_i32_1 = arith.constant 0 : i32
    return %c0_i32, %c0_i32_0 : i32, i32
  }
  func.func @transform_4(%arg0: i32) -> (i32, i32) {
    %c0_i32 = arith.constant 0 : i32
    %c0_i32_0 = arith.constant 0 : i32
    %c0_i32_1 = arith.constant 0 : i32
    return %c0_i32, %c0_i32_0 : i32, i32
  }
  func.func @transform_5(%arg0: i32) -> (i32, i32) {
    %c0_i32 = arith.constant 0 : i32
    %c0_i32_0 = arith.constant 0 : i32
    %c0_i32_1 = arith.constant 0 : i32
    return %c0_i32, %c0_i32_0 : i32, i32
  }
  func.func @transform_6(%arg0: i32) -> (i32, i32) {
    %c0_i32 = arith.constant 0 : i32
    %c0_i32_0 = arith.constant 0 : i32
    %c0_i32_1 = arith.constant 0 : i32
    return %c0_i32, %c0_i32_0 : i32, i32
  }
  func.func @transform_7(%arg0: i32) -> (i32, i32) {
    %c0_i32 = arith.constant 0 : i32
    %c0_i32_0 = arith.constant 0 : i32
    %c0_i32_1 = arith.constant 0 : i32
    return %c0_i32, %c0_i32_0 : i32, i32
  }
}

</mosaic_0001>

<sc_bundles>
// kernel: kernel.6.cloned.1.call-start
scs
__scs_entry_jumppad:
0x0: {  	(pc) =	sbr.rel $0x88, $3  }
0x1: {  	(tag) =	ssettag $0x0;
	lr =	simm.s32 $0x1  }
0x2: {  	[smem:$0x3F9A] =	sst lr;
	_ =	strace $0xD0000000  }
0x3: {  	_ = 	snop  }
0x4: {  	_ = 	snop  }
0x5: {  	_ = 	snop  }
0x6: {  	_ = 	snop  }
0x7: {  	_ = 	snop  }
__scs_overlays_trampoline_lowered:
0x8: {  	[smem:$0x3FA9] =	sst s0  }
0x9: {  	[smem:$0x3FAA] =	sst s1  }
0xa: {  	[smem:$0x3FAB] =	sst s2  }
0xb: {  	[smem:$0x3FAC] =	sst s3  }
0xc: {  	[smem:$0x3FAD] =	sst s4  }
0xd: {  	[smem:$0x3FAE] =	sst s5  }
0xe: {  	[smem:$0x3FAF] =	sst s6  }
0xf: {  	[smem:$0x3FB0] =	sst s7  }
0x10: {  	[smem:$0x3FB1] =	sst s8  }
0x11: {  	[smem:$0x3FB2] =	sst s9;
	s0 =	simm.s32 @!p0 $0x0  }
0x12: {  	s1 =	sld [smem:$0x3F98];
	s0 =	simm.s32 @p0 $0x1  }
0x13: {  	[smem:$0x3FB3] =	sst s0;
	s0 =	simm.s32 @!p1 $0x0  }
0x14: {  	s2 =	sld [smem:$0x3F97];
	s0 =	simm.s32 @p1 $0x1  }
0x15: {  	[smem:$0x3FB4] =	sst s0;
	s0 =	simm.s32 @!p2 $0x0  }
0x16: {  	s3 =	sld [smem:$0x3FDB];
	s0 =	simm.s32 @p2 $0x1  }
0x17: {  	s4 =	simm.s32 $0x1BF5;
	[smem:$0x3FB6] =	sst s0  }
0x18: {  	s0 =	sld [smem:$0x3F99];
	_ =	swait.ge [sflag:s4], $0x0  }
0x19: {  	s7 =	sld [smem:$0x3F9A]  }
0x1a: {  	s8 =	sadd.s32 $0xFFFFE003, lr  }
0x1b: {  	s9 =	sadd.s32 $0xFFFFFEF7, lr;
	s5 =	simm.s32 $0xFFFFFFFF;
	p2 =	slt.u32 s8, $0xFFFFF086  }
0x1c: {  	p1 =	slt.u32 s9, $0xF7A;
	s5 =	simm.s32 @!p2 $0x0  }
0x1d: {  	s5 =	simm.s32 @p1 $0x1;
	p0 =	seq.s32 s7, s2  }
0x1e: {  	s7 =	smul.u32 @!p0 $0xF7A, s2;
	p2 =	seq.s32 @!p0 s5, $0x0  }
0x1f: {  	s9 =	smul.u32 $0xF7A, s1;
	s8 =	simm.s32 @!p0 $0x1BF5;
	p2 =	por !p2, p0  }
0x20: {  	[sflag:s8] =	ssyncset.s32 @!p0 $0xFFFFF086;
	s6 =	sadd.s32 @!p0 s3, s7;
	s7 =	simm.s32 @!p0 $0x108  }
0x21: {  	s3 =	sadd.s32 s3, s9;
	s6 =	sadd.s32 @!p0 $0x88, s6;
	s7 =	simm.s32 @p2 $0x1082  }
0x22: {  	[simem:s7], [sflag:s8] =	dma.local @!p0 [hbm:s6], $0xF7A  }
0x23: {  	s9 =	sor.u32 $0xD0000000, s2;
	s6 =	simm.s32 $0x108;
	_ =	swait.ge @!p0 [sflag:s8], $0x0  }
0x24: {  	s3 =	sadd.s32 $0x88, s3;
	s6 =	simm.s32 @!p1 $0x1082;
	[sflag:s4] =	ssyncset.s32 $0xFFFFF086  }
0x25: {  	[simem:s6], [sflag:s4] =	dma.local [hbm:s3], $0xF7A  }
0x26: {  	[smem:$0x3F9A] =	sst s1;
	(tag) =	ssettag s2;
	_ =	strace s9  }
0x27: {  	s1 =	sld [smem:$0x3FAA]  }
0x28: {  	s2 =	sld [smem:$0x3FAB]  }
0x29: {  	s4 =	sld [smem:$0x3FAD]  }
0x2a: {  	p0 =	seq.s32 s5, $0x0;
	s5 =	sld [smem:$0x3FAE]  }
0x2b: {  	s6 =	sld [smem:$0x3FAF]  }
0x2c: {  	s7 =	sld [smem:$0x3FB0]  }
0x2d: {  	s3 =	simm.s32 $0x108;
	s8 =	sld [smem:$0x3FB1]  }
0x2e: {  	s3 =	simm.s32 @!p0 $0x1082;
	s9 =	sld [smem:$0x3FB2]  }
0x2f: {  	lr =	sadd.s32 s0, s3;
	s0 =	sld [smem:$0x3FA9]  }
0x30: {  	s3 =	sld [smem:$0x3FAC]  }
0x31: {  	[smem:$0x3FB5] =	sst s10  }
0x32: {  	s10 =	sld [smem:$0x3FB3];
	_ =	sdelay $0x3  }
0x33: {  	p0 =	seq.s32 s10, $0x1;
	s10 =	sld [smem:$0x3FB5];
	_ =	sdelay $0x3  }
0x34: {  	[smem:$0x3FB5] =	sst s10  }
0x35: {  	s10 =	sld [smem:$0x3FB4];
	_ =	sdelay $0x3  }
0x36: {  	p1 =	seq.s32 s10, $0x1;
	s10 =	sld [smem:$0x3FB5];
	_ =	sdelay $0x3  }
0x37: {  	[smem:$0x3FB5] =	sst s10  }
0x38: {  	s10 =	sld [smem:$0x3FB6]  }
0x39: {  	_ = 	snop;
	(pc) =	sbr.ind lr, $3  }
0x3a: {  	_ = 	snop  }
0x3b: {  	_ = 	snop  }
0x3c: {  	p2 =	seq.s32 s10, $0x1;
	s10 =	sld [smem:$0x3FB5]  }
0x3d: {  	_ =	shalt  }
0x3e: {  	_ =	shalt  }
0x3f: {  	_ =	shalt  }
0x40: {  	_ =	shalt  }
0x41: {  	_ =	shalt  }
0x42: {  	_ =	shalt  }
0x43: {  	_ =	shalt  }
0x44: {  	_ =	shalt  }
0x45: {  	_ =	shalt  }
0x46: {  	_ =	shalt  }
0x47: {  	_ =	shalt  }
0x48: {  	_ =	shalt  }
0x49: {  	_ =	shalt  }
0x4a: {  	_ =	shalt  }
0x4b: {  	_ =	shalt  }
0x4c: {  	_ =	shalt  }
0x4d: {  	_ =	shalt  }
0x4e: {  	_ =	shalt  }
0x4f: {  	_ =	shalt  }
0x50: {  	_ =	shalt  }
0x51: {  	_ =	shalt  }
0x52: {  	_ =	shalt  }
0x53: {  	_ =	shalt  }
0x54: {  	_ =	shalt  }
0x55: {  	_ =	shalt  }
0x56: {  	_ =	shalt  }
0x57: {  	_ =	shalt  }
0x58: {  	_ =	shalt  }
0x59: {  	_ =	shalt  }
0x5a: {  	_ =	shalt  }
0x5b: {  	_ =	shalt  }
0x5c: {  	_ =	shalt  }
0x5d: {  	_ =	shalt  }
0x5e: {  	_ =	shalt  }
0x5f: {  	_ =	shalt  }
0x60: {  	_ =	shalt  }
0x61: {  	_ =	shalt  }
0x62: {  	_ =	shalt  }
0x63: {  	_ =	shalt  }
0x64: {  	_ =	shalt  }
0x65: {  	_ =	shalt  }
0x66: {  	_ =	shalt  }
0x67: {  	_ =	shalt  }
0x68: {  	_ =	shalt  }
0x69: {  	_ =	shalt  }
0x6a: {  	_ =	shalt  }
0x6b: {  	_ =	shalt  }
0x6c: {  	_ =	shalt  }
0x6d: {  	_ =	shalt  }
0x6e: {  	_ =	shalt  }
0x6f: {  	_ =	shalt  }
0x70: {  	_ =	shalt  }
0x71: {  	_ =	shalt  }
0x72: {  	_ =	shalt  }
0x73: {  	_ =	shalt  }
0x74: {  	_ =	shalt  }
0x75: {  	_ =	shalt  }
0x76: {  	_ =	shalt  }
0x77: {  	_ =	shalt  }
0x78: {  	_ =	shalt  }
0x79: {  	_ =	shalt  }
0x7a: {  	_ =	shalt  }
0x7b: {  	_ =	shalt  }
0x7c: {  	_ =	shalt  }
0x7d: {  	_ =	shalt  }
0x7e: {  	_ =	shalt  }
0x7f: {  	_ =	shalt  }
0x80: {  	_ =	shalt  }
0x81: {  	_ =	shalt  }
0x82: {  	_ =	shalt  }
0x83: {  	_ =	shalt  }
0x84: {  	_ =	shalt  }
0x85: {  	_ =	shalt  }
0x86: {  	_ =	shalt  }
0x87: {  	_ =	shalt  }
.Lfunc_end0:
.L_simem_size_0:
called_computation_lowered:
.L_overlay_start_0:
0x88: {  	s2 =	sld [smem:$0x3FD9]  }
0x89: {  	s3 =	sld [smem:$0x3FFE];
	_ =	sdelay $0x1  }
0x8a: {  	s1 =	srdreg.scid  }
0x8b: {  	s0 =	sand.u32 $0x1, s1  }
0x8c: {  	s17 =	sshll.u32 s0, $0xA;
	s2 =	sadd.s32 s3, s2  }
0x8d: {  	s2 =	sadd.s32 s2, s17  }
0x8e: {  	[smem:$0x3FC1] =	sst s2  }
0x8f: {  	_ = 	snop  }
0x90: {  	s2 =	sld [smem:$0x3FC9]  }
0x91: {  	s18 =	sld [smem:$0x3FC8]  }
0x92: {  	s4 =	sld [smem:$0x3FC7]  }
0x93: {  	s5 =	sld [smem:$0x3FC4]  }
0x94: {  	s6 =	sld [smem:$0x3FD0];
	(tm) =	ssettm $0x1  }
0x95: {  	s7 =	sld [smem:$0x3FFB];
	_ =	sdelay $0x3  }
0x96: {  	_ =	strace s7  }
0x97: {  	s7 =	sld [smem:$0x3FFC];
	_ =	sdelay $0x3  }
0x98: {  	_ =	strace s7  }
0x99: {  	s7 =	sld [smem:$0x3FFD];
	_ =	sdelay $0x3  }
0x9a: {  	_ =	strace s7  }
0x9b: {  	_ =	strace $0x8FFFFFFF  }
0x9c: {  	s19 =	sld [smem:$0x3FDB];
	_ =	sdelay $0x1  }
0x9d: {  	s8 =	simm.s32 $_scs_section_size  }
0x9e: {  	s9 =	simm.s32 $_size__tile_overlayer_lowered;
	s10 =	simm.s32 $_tile_overlayer_lowered  }
0x9f: {  	s22 =	simm.s32 $0x1BFF;
	s21 =	sshll.u32 s10, $0x1;
	s7 =	sadd.s32 s8, s19  }
0xa0: {  	s11 =	simm.s32 $0x0;
	s20 =	sshll.u32 s9, $0x1;
	s9 =	sadd.s32 s21, s7  }
0xa1: {  	[timem:s11], [sflag:s22] =	dma.local [hbm:s9], s20  }
0xa2: {  	_ =	swait.ge [sflag:s22], s20  }
0xa3: {  	s8 =	ssub.s32 $0x0, s20;
	[sflag:s22] =	ssyncset.done $0x0  }
0xa4: {  	[sflag:s22] =	ssyncadd.s32 s8;
	_ =	sdelay $0x1  }
0xa5: {  	s23 =	simm.s32 $0x1B8B  }
0xa6: {  	_ =	swait.ge [sflag:s23], $0x1  }
0xa7: {  	[sflag:s23] =	ssyncset.done $0x0  }
0xa8: {  	s25 =	simm.s32 $0x1B8E;
	s24 =	sld [smem:$0x3FFE];
	[sflag:s23] =	ssyncadd.s32 $0xFFFFFFFF  }
0xa9: {  	s26 =	simm.s32 $execute0_lowered;
	[smem:$0x3FD2] =	sst s25  }
0xaa: {  	s9 =	sshll.u32 s26, $0x1;
	_ =	strace $0x80000046;
	[dreg:$0x1] =	wrdreg $0xFFFFFFFF  }
0xab: {  	s28 =	simm.s32 $_size_execute0_lowered;
	s7 =	sadd.s32 s7, s9;
	[dreg:$0x0] =	wrdreg $0x0  }
0xac: {  	s9 =	sshll.u32 s28, $0x1;
	[dreg:$0x2] =	wrdreg s7  }
0xad: {  	[dreg:$0x3] =	wrdreg s9  }
0xae: {  	[dreg:$0x4] =	wrdreg $0xC0  }
0xaf: {  	_ =	task [dreg:s11], $0x5FFFF  }
0xb0: {  	[dreg:$0x1] =	wrdreg $0xFFFFFFFF  }
0xb1: {  	[dreg:$0x0] =	wrdreg $0x60  }
0xb2: {  	[dreg:$0x2] =	wrdreg s4  }
0xb3: {  	[dreg:$0x3] =	wrdreg s18  }
0xb4: {  	[dreg:$0x4] =	wrdreg s5  }
0xb5: {  	[dreg:$0x5] =	wrdreg s2  }
0xb6: {  	[dreg:$0x6] =	wrdreg s24  }
0xb7: {  	[dreg:$0x7] =	wrdreg s6  }
0xb8: {  	[dreg:$0x8] =	wrdreg $0x9  }
0xb9: {  	_ =	task.clear_ibuf [dreg:s11], $0x9FFFF;
	_ =	strace $0x90000046  }
0xba: {  	s29 =	simm.s32 $0x9;
	_ =	strace $0x80000048  }
0xbb: {  	_ =	swait.ge [sflag:s29], $0x1  }
0xbc: {  	[sflag:s29] =	ssyncadd.s32 $0xFFFFFFFF  }
0xbd: {  	_ =	strace $0x90000048  }
0xbe: {  	_ =	sfence  }
0xbf: {  	s30 =	sld [smem:$0x0];
	_ =	sdelay $0x2  }
0xc0: {  	s31 =	sshll.u32 s1, $0xD;
	s1 =	sshrl.u32 s1, $0x2  }
0xc1: {  	s3 =	sand.u32 $0x4000, s31;
	s1 =	sadd.s32 s1, s30  }
0xc2: {  	s0 =	sor.u32 s3, s0;
	s1 =	sshll.u32 s1, $0x11  }
0xc3: {  	s0 =	sor.u32 s1, s0  }
0xc4: {  	s0 =	sadd.s32 $0x8F2B, s0  }
0xc5: {  	[sflag:s0] =	ssyncadd.remote.s32 $0x1  }
0xc6: {  	_ =	sfence.sel $0xFFFF  }
0xc7: {  	[dreg:$0x0] =	wrdreg $0xFFFFFFFF;
	(pc) =	sbr.abs _section_cstart, $3  }
0xc8: {  	[dreg:$0x1] =	wrdreg $0xFFFFFFFF  }
0xc9: {  	_ =	task.clear_ibuf [dreg:s11], $0x2FFFF;
	_ =	strace $0x9FFFFFFF  }
0xca: {  	(tm) =	ssettm $0x7FFFFFFF  }
0xcb: {  	_ =	shalt  }
tec
execute0_lowered:
.L_overlay_start_1:
0x0: {  	(tag) =	ssettag $0x1  }
0x1: {  	s0 =	rddreg [dreg:$0x0]  }
0x2: {  	s2 =	rddreg [dreg:$0x1]  }
0x3: {  	s3 =	rddreg [dreg:$0x2]  }
0x4: {  	s1 =	rddreg [dreg:$0x4]  }
0x5: {  	s4 =	rddreg [dreg:$0x5]  }
0x6: {  	s5 =	srdreg.scid;
	s6 =	simm.s32 $0x0;
	s8 =	stileid.u32  }
0x7: {  	s28 =	simm.s32 $0x1;
	s29 =	simm.s32 $0x2;
	s5 =	sand.u32 $0x1, s5  }
0x8: {  	[smem:$0x7FF] =	sst s6;
	s7 =	sshll.u32 s5, $0x4;
	s5 =	ssub.s32 $0x2, s5  }
0x9: {  	_ =	strace $0x80000047;
	s8 =	sor.u32 s8, s7;
	s20 =	sshrl.u32 s5, $0x1  }
0xa: {  	s7 =	smul.u32 $0x300, s8;
	s9 =	sshll.u32 s8, $0x4;
	s5 =	ssub.s32 s5, s20  }
0xb: {  	s10 =	smul.u32 $0x18000, s8;
	s1 =	sadd.s32 s9, s1;
	s31 =	smax.u32 s5, $0x1  }
0xc: {  	s30 =	sshll.u32 s8, $0x1;
	s26 =	sadd.s32 $0x1400, s1;
	[dreg:$0x11] =	wrdreg s31  }
0xd: {  	s7 =	sadd.s32 $0x126A0, s7;
	s1 =	sadd.s32 $0x1600, s1;
	[dreg:$0xe] =	wrdreg s26  }
0xe: {  	v0 =	vimm.s32 $0x33333210;
	s21 =	sshll.u32 s7, $0x4;
	[dreg:$0xf] =	wrdreg s1;
	s1 =	sadd.s32 s4, s30  }
0xf: {  	v0 =	vunpack.c.l.s4.s8 v0;
	s8 =	sshll.u32 s8, $0x2;
	s11 =	sadd.s32 s0, s21;
	[dreg:$0x10] =	wrdreg s1  }
0x10: {  	s10 =	sshrl.u32 s10, $0x3;
	s22 =	sadd.s32 s2, s21;
	[dreg:$0x7] =	wrdreg s11  }
0x11: {  	v0 =	vunpack.c.0.s8.s32 v0;
	s10 =	sadd.s32 $0x127200, s10;
	s23 =	sadd.s32 s3, s21;
	[dreg:$0x8] =	wrdreg s22  }
.Ltmp0:
0x12: {  	v1 =	vlaneseq.u32;
	s24 =	sadd.s32 s0, s10;
	[dreg:$0x9] =	wrdreg s23;
	(pc) =	sbr.rel .LBB2_1-.Ltmp0, $4  }
0x13: {  	v62 =	vmul.u32 $0x80, v1;
	s5 =	simm.s32 $0x4;
	v2 =	vor.u32 s8, v0;
	s25 =	sadd.s32 s2, s10;
	[dreg:$0xa] =	wrdreg s24  }
0x14: {  	s8 =	simm.s32 $0x0;
	v63 =	vand.u32 $0x7F, v2;
	s10 =	sadd.s32 s3, s10;
	[dreg:$0xb] =	wrdreg s25  }
0x15: {  	[tilespmem:$0x1FFE0] =	vst v2;
	s4 =	simm.s32 $0x18000;
	v0 =	vor.u32 v62, v63;
	s9 =	sadd.s32 $0x1800, s21;
	[dreg:$0xc] =	wrdreg s10  }
0x16: {  	s26 =	simm.s32 $0x0;
	s14 =	sadd.s32 $0x1000, s21;
	[tilespmem:$0x1FFF0] =	vst v0;
	[dreg:$0xd] =	wrdreg s9  }
.LBB2_8:
0x17: {  	(erf) = vrcp.f32 v35  }
0x18: {  	(erf) = vrcp.f32 v33  }
0x19: {  	(erf) = vrcp.f32 v30;
	_ =	sdelay $0x4  }
0x1a: {  	(erf) = vrcp.f32 v17  }
0x1b: {  	[tilespmem:$0x18180] =	vst v6;
	(erf) = vrcp.f32 v9  }
0x1c: {  	[tilespmem:$0x18190] =	vst v3;
	v0 =	vpop (erf);
	(erf) = vrcp.f32 v22  }
0x1d: {  	[tilespmem:$0x181A0] =	vst v8;
	v2 =	vpop (erf);
	(erf) = vrcp.f32 v26  }
0x1e: {  	[tilespmem:$0x181B0] =	vst v12;
	v49 =	vpop (erf);
	(erf) = vrcp.f32 v19  }
0x1f: {  	[tilespmem:$0x181C0] =	vst v4  }
0x20: {  	[tilespmem:$0x181D0] =	vst v15  }
0x21: {  	[tilespmem:$0x181E0] =	vst v18;
	v0 =	vmul.f32 v0, v43  }
0x22: {  	[tilespmem:$0x181F0] =	vst v14;
	v48 =	vmul.f32 v2, v7  }
0x23: {  	[tilespmem:$0x18100] =	vst v0;
	v50 =	vmul.f32 v49, v1;
	v51 =	vpop (erf)  }
0x24: {  	[tilespmem:$0x18110] =	vst v48;
	v52 =	vmul.f32 v51, v13;
	v53 =	vpop (erf)  }
0x25: {  	[tilespmem:$0x18120] =	vst v50;
	v54 =	vmul.f32 v53, v11;
	v55 =	vpop (erf)  }
0x26: {  	[tilespmem:$0x18130] =	vst v52;
	v56 =	vmul.f32 v55, v21;
	v57 =	vpop (erf)  }
0x27: {  	[tilespmem:$0x18140] =	vst v54;
	v58 =	vmul.f32 v57, v20;
	v59 =	vpop (erf)  }
0x28: {  	[tilespmem:$0x18150] =	vst v56;
	v60 =	vmul.f32 v59, v16  }
0x29: {  	[tilespmem:$0x18160] =	vst v58  }
0x2a: {  	s1 =	rddreg [dreg:$0xe];
	s4 =	simm.s32 $0x18100;
	s5 =	simm.s32 $0x4;
	[tilespmem:$0x18170] =	vst v60  }
0x2b: {  	[hbm4b:s1+s6] =	stream.linear.scatter [tilespmem:s4], [sflag:$0x4], $0x80, $0x38;
	[tilespmem:$0x19280] =	vst v63  }
0x2c: {  	_ =	swait.ge [sflag:s5], $0x80  }
0x2d: {  	[sflag:s5] =	ssyncset.done $0x0  }
0x2e: {  	s22 =	simm.s32 $0x18180;
	s21 =	rddreg [dreg:$0xf];
	[sflag:s5] =	ssyncadd.s32 $0xFFFFFF80  }
0x2f: {  	[hbm4b:s21+s6] =	stream.linear.scatter [tilespmem:s22], [sflag:$0x4], $0x80, $0x38;
	[tilespmem:$0x19280] =	vst v63  }
0x30: {  	_ =	swait.ge [sflag:s5], $0x80  }
0x31: {  	v61 =	vld [tilespmem:$0x1FFE0];
	_ =	sdelay $0x5  }
0x32: {  	[sflag:s5] =	ssyncset.done $0x0  }
0x33: {  	s4 =	simm.s32 $0x18000;
	[sflag:s5] =	ssyncadd.s32 $0xFFFFFF80  }
0x34: {  	v0 =	vld.idx.msk [tilespmem:v61+s4+$0x0], $0xffff;
	_ =	sdelay $0x3  }
0x35: {  	s23 =	simm.s32 $0x10  }
0x36: {  	s8 =	simm.s32 $0x18200;
	s9 =	simm.s32 $0x18280;
	s10 =	simm.s32 $0x3;
	[tilespmem:$0x18200] =	vst v0  }
0x37: {  	[tilespmem:s9], [sflag:$0x3] =	stream.indirect.gather [hbm4b:s0+s23], $0x80, s8, s23, $0xb8;
	[tilespmem:$0x19280] =	vst v63  }
0x38: {  	_ =	swait.ge [sflag:s10], $0x800  }
0x39: {  	[sflag:s10] =	ssyncset.done $0x0  }
0x3a: {  	s11 =	simm.s32 $0x18A80;
	[sflag:s10] =	ssyncadd.s32 $0xFFFFF800  }
0x3b: {  	[tilespmem:s11], [sflag:$0x3] =	stream.indirect.gather [hbm4b:s2+s23], $0x80, s8, s23, $0xb8;
	[tilespmem:$0x19280] =	vst v63  }
0x3c: {  	_ =	swait.ge [sflag:s10], $0x800  }
0x3d: {  	v62 =	vld [tilespmem:$0x1FFF0];
	_ =	sdelay $0x5  }
0x3e: {  	[sflag:s10] =	ssyncset.done $0x0  }
0x3f: {  	[sflag:s10] =	ssyncadd.s32 $0xFFFFF800  }
0x40: {  	v63 =	vld.idx.msk [tilespmem:v62+s11+$0x0], $0xffff  }
0x41: {  	v1 =	vld.idx.msk [tilespmem:v62+s9+$0x0], $0xffff;
	_ =	sdelay $0x3  }
0x42: {  	vm0 =	vmmov $0xff  }
0x43: {  	v0 =	vsel vm0, v63, v1  }
0x44: {  	s25 =	simm.s32 $0x18080;
	s24 =	rddreg [dreg:$0x10];
	[tilespmem:$0x18080] =	vst v0  }
0x45: {  	[hbm4b:s24+s6] =	stream.linear.scatter [tilespmem:s25], [sflag:$0x4], $0x10, $0x38;
	[tilespmem:$0x19280] =	vst v63  }
0x46: {  	_ =	swait.ge [sflag:s5], $0x10  }
0x47: {  	s30 =	rddreg [dreg:$0x12]  }
0x48: {  	s31 =	rddreg [dreg:$0x11];
	s8 =	sadd.s32 $0x1, s30  }
0x49: {  	p0 =	sne.s32 s8, s31  }
.Ltmp1:
0x4a: {  	_ = 	snop;
	(pc) =	sbr.rel @!p0 .LBB2_9-.Ltmp1, $3  }
0x4b: {  	_ =	sdelay $0x1  }
0x4c: {  	[sflag:s5] =	ssyncset.done $0x0  }
0x4d: {  	[sflag:s5] =	ssyncadd.s32 $0xFFFFFFF0  }
.LBB2_1:
0x4e: {  	[dreg:$0x12] =	wrdreg s8  }
0x4f: {  	s1 =	rddreg [dreg:$0x3]  }
0x50: {  	[tilespmem:s4], [sflag:$0x4] =	stream.linear.gather [hbm4b:s1+s6], $0x80, $0x38;
	[tilespmem:$0x19280] =	vst v63  }
0x51: {  	v0 =	vimm.f32 $-1.000000000e+00;
	_ =	swait.ge [sflag:s5], $0x80  }
0x52: {  	[sflag:s5] =	ssyncset.done $0x0;
	[tilespmem:$0x1FEC0] =	vst v0;
	v0 =	vimm.f32 $1.000000000e+00  }
0x53: {  	s16 =	rddreg [dreg:$0x7];
	[sflag:s5] =	ssyncadd.s32 $0xFFFFFF80;
	[tilespmem:$0x1FED0] =	vst v0  }
0x54: {  	v0 =	vimm.s32 $0x0;
	[tilespmem:s6], [sflag:$0x1] =	stream.linear.gather [hbm4b:s16+s6], $0x4000, $0x38;
	[tilespmem:$0x19280] =	vst v63  }
0x55: {  	[tilespmem:$0x1FEE0] =	vst v0;
	v0 =	vimm.s32 $0x0  }
0x56: {  	s18 =	simm.s32 $0x8000;
	s17 =	rddreg [dreg:$0x8];
	[tilespmem:$0x1FEF0] =	vst v0  }
0x57: {  	v0 =	vimm.f32 $1.000000000e+00;
	[tilespmem:s18], [sflag:$0x1] =	stream.linear.gather [hbm4b:s17+s6], $0x4000, $0x38;
	[tilespmem:$0x19280] =	vst v63  }
0x58: {  	[tilespmem:$0x1FF00] =	vst v0;
	v0 =	vimm.f32 $-1.000000000e+00  }
0x59: {  	s20 =	simm.s32 $0x10000;
	s19 =	rddreg [dreg:$0x9];
	[tilespmem:$0x1FF10] =	vst v0  }
0x5a: {  	v0 =	vimm.s32 $0x0;
	[tilespmem:s20], [sflag:$0x1] =	stream.linear.gather [hbm4b:s19+s6], $0x4000, $0x38;
	[tilespmem:$0x19280] =	vst v63  }
0x5b: {  	[tilespmem:$0x1FF20] =	vst v0;
	v0 =	vimm.f32 $1.000000000e+00  }
0x5c: {  	s22 =	simm.s32 $0x4000;
	s21 =	rddreg [dreg:$0xa];
	[tilespmem:$0x1FF30] =	vst v0  }
0x5d: {  	v0 =	vimm.f32 $-1.000000000e+00;
	[tilespmem:s22], [sflag:$0x2] =	stream.linear.gather [hbm4b:s21+s6], $0x4000, $0x38;
	[tilespmem:$0x19280] =	vst v63  }
0x5e: {  	[tilespmem:$0x1FF40] =	vst v0;
	v0 =	vimm.s32 $0x0  }
0x5f: {  	s24 =	simm.s32 $0xC000;
	s23 =	rddreg [dreg:$0xb];
	[tilespmem:$0x1FF50] =	vst v0  }
0x60: {  	v0 =	vimm.f32 $1.000000000e+00;
	[tilespmem:s24], [sflag:$0x2] =	stream.linear.gather [hbm4b:s23+s6], $0x4000, $0x38;
	[tilespmem:$0x19280] =	vst v63  }
0x61: {  	[tilespmem:$0x1FF60] =	vst v0;
	v0 =	vimm.f32 $-1.000000000e+00  }
0x62: {  	[tilespmem:$0x1FF70] =	vst v0;
	v0 =	vimm.s32 $0x0  }
0x63: {  	s31 =	simm.s32 $0x14000;
	s25 =	rddreg [dreg:$0xc];
	[tilespmem:$0x1FF80] =	vst v0  }
0x64: {  	v0 =	vimm.f32 $1.000000000e+00;
	[tilespmem:s31], [sflag:$0x2] =	stream.linear.gather [hbm4b:s25+s6], $0x4000, $0x38;
	[tilespmem:$0x19280] =	vst v63  }
0x65: {  	[tilespmem:$0x1FF90] =	vst v0;
	v0 =	vimm.f32 $-1.000000000e+00  }
0x66: {  	[tilespmem:$0x1FFA0] =	vst v0;
	v0 =	vimm.s32 $0x0  }
0x67: {  	v1 =	vimm.f32 $-1.000000000e+00;
	[tilespmem:$0x1FFB0] =	vst v0;
	v0 =	vimm.f32 $1.000000000e+00  }
0x68: {  	v42 =	vimm.f32 $1.000000000e+00;
	v7 =	vimm.f32 $-1.000000000e+00;
	[tilespmem:$0x1FFC0] =	vst v0;
	v0 =	vimm.s32 $0x0  }
0x69: {  	v6 =	vimm.s32 $0x0;
	v44 =	vimm.f32 $1.000000000e+00;
	v43 =	vimm.f32 $-1.000000000e+00;
	s30 =	simm.s32 $0x0;
	[tilespmem:$0x1FFD0] =	vst v0  }
.LBB2_2:
0x6a: {  	_ =	swait.ge [sflag:s28], $0x4000  }
0x6b: {  	[sflag:s28] =	ssyncset.done $0x0  }
0x6c: {  	[sflag:s28] =	ssyncadd.s32 $0xFFFFC000  }
0x6d: {  	_ =	swait.ge [sflag:s28], $0x4000  }
0x6e: {  	[sflag:s28] =	ssyncset.done $0x0  }
0x6f: {  	[sflag:s28] =	ssyncadd.s32 $0xFFFFC000  }
0x70: {  	s1 =	simm.s32 $0x0;
	_ =	swait.ge [sflag:s28], $0x4000  }
0x71: {  	s1 =	sshllo.u32 s1, $0x3;
	[sflag:s28] =	ssyncset.done $0x0  }
0x72: {  	s4 =	sshll.u32 s1, $0x7;
	[sflag:s28] =	ssyncadd.s32 $0xFFFFC000  }
0x73: {  	v0 =	vld [tilespmem:s4+$0x70];
	_ =	sdelay $0x1  }
0x74: {  	s9 =	simm.s32 $0x0  }
0x75: {  	s23 =	sor.u32 $0x6, s9  }
0x76: {  	s5 =	sshll.u32 s23, $0x7  }
0x77: {  	[tilespmem:$0x1F980] =	vst v0;
	v0 =	vld [tilespmem:s5+$0x30];
	_ =	sdelay $0x4  }
0x78: {  	[tilespmem:$0x1F990] =	vst v0;
	v0 =	vld [tilespmem:s5+$0x40];
	_ =	sdelay $0x4  }
0x79: {  	[tilespmem:$0x1F9A0] =	vst v0;
	v0 =	vld [tilespmem:s5+$0x8040];
	_ =	sdelay $0x4  }
0x7a: {  	[tilespmem:$0x1F9B0] =	vst v0;
	v0 =	vld [tilespmem:s5+$0x50];
	_ =	sdelay $0x4  }
0x7b: {  	[tilespmem:$0x1F9C0] =	vst v0;
	v0 =	vld [tilespmem:s5+$0x8050];
	_ =	sdelay $0x4  }
0x7c: {  	[tilespmem:$0x1F9D0] =	vst v0;
	v0 =	vld [tilespmem:s5+$0x60];
	_ =	sdelay $0x4  }
0x7d: {  	[tilespmem:$0x1F9E0] =	vst v0;
	v0 =	vld [tilespmem:s5+$0x8060];
	_ =	sdelay $0x4  }
0x7e: {  	[tilespmem:$0x1F9F0] =	vst v0;
	v0 =	vld [tilespmem:s5+$0x70];
	_ =	sdelay $0x4  }
0x7f: {  	[tilespmem:$0x1FA00] =	vst v0;
	v0 =	vld [tilespmem:s5+$0x8070];
	_ =	sdelay $0x2  }
0x80: {  	s13 =	sor.u32 $0x5, s9  }
0x81: {  	s8 =	sshll.u32 s13, $0x7  }
0x82: {  	[tilespmem:$0x1FA10] =	vst v0;
	v0 =	vld [tilespmem:s8+$0x10];
	_ =	sdelay $0x4  }
0x83: {  	[tilespmem:$0x1FA20] =	vst v0;
	v0 =	vld [tilespmem:s8+$0x8010];
	_ =	sdelay $0x4  }
0x84: {  	[tilespmem:$0x1FA30] =	vst v0;
	v0 =	vld [tilespmem:s8+$0x20];
	_ =	sdelay $0x4  }
0x85: {  	[tilespmem:$0x1FA50] =	vst v0;
	v0 =	vld [tilespmem:s8+$0x8020];
	_ =	sdelay $0x4  }
0x86: {  	[tilespmem:$0x1FA60] =	vst v0;
	v0 =	vld [tilespmem:s8+$0x30];
	_ =	sdelay $0x4  }
0x87: {  	[tilespmem:$0x1FA70] =	vst v0;
	v0 =	vld [tilespmem:s8+$0x8030];
	_ =	sdelay $0x4  }
0x88: {  	[tilespmem:$0x1FA80] =	vst v0;
	v0 =	vld [tilespmem:s8+$0x40];
	_ =	sdelay $0x4  }
0x89: {  	[tilespmem:$0x1FA90] =	vst v0;
	v0 =	vld [tilespmem:s8+$0x8040];
	_ =	sdelay $0x4  }
0x8a: {  	[tilespmem:$0x1FAA0] =	vst v0;
	v0 =	vld [tilespmem:s8+$0x50];
	_ =	sdelay $0x4  }
0x8b: {  	[tilespmem:$0x1FAB0] =	vst v0;
	v0 =	vld [tilespmem:s8+$0x8050];
	_ =	sdelay $0x4  }
0x8c: {  	[tilespmem:$0x1FAC0] =	vst v0;
	v0 =	vld [tilespmem:s8+$0x60];
	_ =	sdelay $0x4  }
0x8d: {  	[tilespmem:$0x1FAD0] =	vst v0;
	v0 =	vld [tilespmem:s8+$0x8060];
	_ =	sdelay $0x4  }
0x8e: {  	[tilespmem:$0x1FAE0] =	vst v0;
	v0 =	vld [tilespmem:s8+$0x70];
	_ =	sdelay $0x4  }
0x8f: {  	[tilespmem:$0x1FB00] =	vst v0;
	v0 =	vld [tilespmem:s8+$0x8070];
	_ =	sdelay $0x2  }
0x90: {  	s21 =	sor.u32 $0x4, s9  }
0x91: {  	s10 =	sshll.u32 s21, $0x7  }
0x92: {  	[tilespmem:$0x1FB10] =	vst v0;
	v0 =	vld [tilespmem:s10+$0x20];
	_ =	sdelay $0x4  }
0x93: {  	[tilespmem:$0x1FB20] =	vst v0;
	v0 =	vld [tilespmem:s10+$0x8020];
	_ =	sdelay $0x4  }
0x94: {  	[tilespmem:$0x1FB30] =	vst v0;
	v0 =	vld [tilespmem:s10+$0x30];
	_ =	sdelay $0x4  }
0x95: {  	[tilespmem:$0x1FB40] =	vst v0;
	v0 =	vld [tilespmem:s10+$0x8030];
	_ =	sdelay $0x4  }
0x96: {  	[tilespmem:$0x1FB50] =	vst v0;
	v0 =	vld [tilespmem:s10+$0x40];
	_ =	sdelay $0x4  }
0x97: {  	[tilespmem:$0x1FB60] =	vst v0;
	v0 =	vld [tilespmem:s10+$0x8040];
	_ =	sdelay $0x4  }
0x98: {  	[tilespmem:$0x1FB70] =	vst v0;
	v0 =	vld [tilespmem:s10+$0x50];
	_ =	sdelay $0x4  }
0x99: {  	[tilespmem:$0x1FB80] =	vst v0;
	v0 =	vld [tilespmem:s10+$0x8050]  }
0x9a: {  	s20 =	simm.s32 $0x0  }
0x9b: {  	v28 =	vld [tilespmem:s20+$0x0]  }
0x9c: {  	v49 =	vld [tilespmem:s20+$0x8000]  }
0x9d: {  	v61 =	vld [tilespmem:s20+$0x10]  }
0x9e: {  	[tilespmem:$0x1FB90] =	vst v0;
	v0 =	vld [tilespmem:s10+$0x60]  }
0x9f: {  	v60 =	vld [tilespmem:s20+$0x8010]  }
0xa0: {  	v10 =	vld [tilespmem:s20+$0x20]  }
0xa1: {  	v14 =	vld [tilespmem:s20+$0x8020]  }
0xa2: {  	v24 =	vld [tilespmem:s20+$0x30]  }
0xa3: {  	[tilespmem:$0x1FBA0] =	vst v0;
	v0 =	vld [tilespmem:s10+$0x8060]  }
0xa4: {  	v63 =	vld [tilespmem:s20+$0x8030]  }
0xa5: {  	v13 =	vld [tilespmem:s20+$0x40]  }
0xa6: {  	v23 =	vld [tilespmem:s20+$0x8040]  }
0xa7: {  	v56 =	vld [tilespmem:s20+$0x60]  }
0xa8: {  	[tilespmem:$0x1FBB0] =	vst v0;
	v0 =	vld [tilespmem:s10+$0x70]  }
0xa9: {  	v59 =	vld [tilespmem:s20+$0x8060]  }
0xaa: {  	v15 =	vld [tilespmem:s4+$0x10]  }
0xab: {  	v2 =	vld [tilespmem:s4+$0x8010]  }
0xac: {  	v12 =	vld [tilespmem:s4+$0x20]  }
0xad: {  	[tilespmem:$0x1FBC0] =	vst v0;
	v0 =	vld [tilespmem:s10+$0x8070]  }
0xae: {  	s18 =	sor.u32 $0x1, s9;
	v39 =	vld [tilespmem:s20+$0x10000]  }
0xaf: {  	s19 =	sor.u32 $0x2, s9;
	s31 =	sshll.u32 s18, $0x7;
	v62 =	vld [tilespmem:s10+$0x0]  }
0xb0: {  	s16 =	sshll.u32 s19, $0x7;
	v37 =	vld [tilespmem:s31+$0x0];
	v28 =	vsub.f32 v28, v49  }
0xb1: {  	v27 =	vld [tilespmem:s16+$0x0]  }
0xb2: {  	s22 =	sor.u32 $0x3, s9;
	v28 =	vmax.f32 v28, $0.0e+00;
	[tilespmem:$0x1FBD0] =	vst v0;
	v0 =	vld [tilespmem:s16+$0x8000]  }
0xb3: {  	s12 =	sshll.u32 s22, $0x7;
	v35 =	vld [tilespmem:s31+$0x8000];
	v50 =	vmul.f32 v39, v43;
	v45 =	vmul.f32 v28, v44  }
0xb4: {  	v25 =	vld [tilespmem:s12+$0x0]  }
0xb5: {  	vm7 =	vgt.f32 v45, v50;
	v45 =	vld [tilespmem:s12+$0x8020]  }
0xb6: {  	v47 =	vld [tilespmem:s31+$0x10000]  }
0xb7: {  	v27 =	vsub.f32 v27, v0;
	v0 =	vld [tilespmem:s12+$0x30]  }
0xb8: {  	v52 =	vld [tilespmem:s12+$0x8000];
	v37 =	vsub.f32 v37, v35  }
0xb9: {  	v46 =	vmov v44;
	v51 =	vld [tilespmem:s12+$0x20]  }
0xba: {  	v37 =	vmax.f32 v37, $0.0e+00;
	v50 =	vld [tilespmem:s20+$0x10010];
	v39 =	vsel vm7, v39, v46;
	[tilespmem:$0x1FBF0] =	vst v45;
	v45 =	vsel vm7, v28, v43  }
0xbb: {  	v46 =	vmul.f32 v37, v39;
	v28 =	vld [tilespmem:s16+$0x10000];
	v48 =	vmul.f32 v47, v45  }
0xbc: {  	v35 =	vsub.f32 v61, v60;
	[tilespmem:$0x1FC00] =	vst v0;
	v0 =	vld [tilespmem:s12+$0x8030]  }
0xbd: {  	vm5 =	vgt.f32 v46, v48;
	v48 =	vld [tilespmem:s31+$0x10]  }
0xbe: {  	v43 =	vmax.f32 v35, $0.0e+00;
	v37 =	vsel vm5, v37, v45;
	v45 =	vld [tilespmem:s31+$0x8010]  }
0xbf: {  	v34 =	vld [tilespmem:s10+$0x8000];
	[tilespmem:$0x1FBE0] =	vst v51;
	v51 =	vmul.f32 v43, v42;
	v39 =	vsel vm5, v47, v39;
	v27 =	vmax.f32 v27, $0.0e+00  }
0xc0: {  	v35 =	vmovc v42;
	v42 =	vsub.f32 v10, v14;
	v10 =	vld [tilespmem:s12+$0x40];
	v46 =	vmul.f32 v28, v37;
	v47 =	vmul.f32 v27, v39  }
0xc1: {  	v61 =	vmul.f32 v50, v7;
	[tilespmem:$0x1FC10] =	vst v0;
	v0 =	vld [tilespmem:s12+$0x10000]  }
0xc2: {  	vm4 =	vgt.f32 v47, v46;
	v47 =	vld [tilespmem:s31+$0x10010]  }
0xc3: {  	v14 =	vsub.f32 v25, v52;
	vm0 =	vgt.f32 v51, v61;
	v25 =	vsub.f32 v48, v45;
	v45 =	vld [tilespmem:s16+$0x8010]  }
0xc4: {  	v34 =	vsub.f32 v62, v34;
	v7 =	vsel vm0, v43, v7;
	v27 =	vsel vm4, v27, v37;
	v37 =	vld [tilespmem:s16+$0x10]  }
0xc5: {  	v3 =	vld [tilespmem:s4+$0x8020];
	v43 =	vmax.f32 v14, $0.0e+00;
	v25 =	vmax.f32 v25, $0.0e+00;
	v28 =	vsel vm4, v28, v39  }
0xc6: {  	v29 =	vld [tilespmem:s8+$0x0];
	v39 =	vsel vm0, v50, v35;
	v48 =	vmul.f32 v43, v28;
	v35 =	vmul.f32 v0, v27  }
0xc7: {  	v2 =	vsub.f32 v15, v2;
	v51 =	vld [tilespmem:s10+$0x10000];
	v44 =	vmul.f32 v25, v39;
	v46 =	vmul.f32 v47, v7  }
0xc8: {  	[tilespmem:$0x1FC20] =	vst v10;
	v10 =	vsub.f32 v24, v63;
	vm6 =	vgt.f32 v48, v35;
	v48 =	vld [tilespmem:s16+$0x10010]  }
0xc9: {  	v32 =	vld [tilespmem:s8+$0x8000];
	v34 =	vmax.f32 v34, $0.0e+00;
	[tilespmem:$0x1FCA0] =	vst v2;
	v37 =	vsub.f32 v37, v45;
	vm1 =	vgt.f32 v44, v46  }
0xca: {  	v16 =	vld [tilespmem:s4+$0x30];
	v2 =	vsub.f32 v12, v3;
	[tilespmem:$0x1FC30] =	vst v10;
	v10 =	vsub.f32 v13, v23;
	v25 =	vsel vm1, v25, v7  }
0xcb: {  	v9 =	vld [tilespmem:s4+$0x8030];
	v37 =	vmax.f32 v37, $0.0e+00;
	v27 =	vsel vm6, v43, v27;
	v0 =	vsel vm6, v0, v28  }
0xcc: {  	v17 =	vld [tilespmem:s4+$0x40];
	v28 =	vsel vm1, v47, v39;
	v7 =	vmul.f32 v34, v0;
	v52 =	vmul.f32 v51, v27  }
0xcd: {  	v41 =	vld [tilespmem:s4+$0x8040];
	[tilespmem:$0x1FC50] =	vst v10;
	v10 =	vsub.f32 v56, v59;
	v59 =	vmul.f32 v37, v28;
	v60 =	vmul.f32 v48, v25  }
0xce: {  	v21 =	vld [tilespmem:s4+$0x50];
	[tilespmem:$0x1FCB0] =	vst v2;
	v2 =	vsub.f32 v29, v32;
	vm3 =	vgt.f32 v7, v52  }
0xcf: {  	v20 =	vld [tilespmem:s4+$0x8050];
	v15 =	vsel vm3, v34, v27;
	vm2 =	vgt.f32 v59, v60  }
0xd0: {  	v19 =	vld [tilespmem:s4+$0x60];
	v27 =	vsel vm2, v48, v28;
	v28 =	vmax.f32 v2, $0.0e+00;
	v2 =	vsub.f32 v16, v9  }
0xd1: {  	v18 =	vld [tilespmem:s4+$0x8060]  }
0xd2: {  	[tilespmem:$0x1FCC0] =	vst v2;
	v2 =	vsub.f32 v17, v41  }
0xd3: {  	v33 =	vld [tilespmem:s4+$0x0]  }
0xd4: {  	v11 =	vld [tilespmem:s4+$0x8000];
	[tilespmem:$0x1FCD0] =	vst v2;
	v2 =	vsub.f32 v21, v20  }
0xd5: {  	v22 =	vld [tilespmem:s4+$0x8070]  }
0xd6: {  	v36 =	vld [tilespmem:s5+$0x20];
	[tilespmem:$0x1FCF0] =	vst v2;
	v2 =	vsub.f32 v19, v18  }
0xd7: {  	v53 =	vld [tilespmem:s12+$0x10]  }
0xd8: {  	[tilespmem:$0x1FD10] =	vst v2;
	v2 =	vld [tilespmem:$0x1F980]  }
0xd9: {  	v49 =	vld [tilespmem:s12+$0x8010]  }
0xda: {  	v26 =	vld [tilespmem:s5+$0x8020];
	_ =	sdelay $0x2  }
0xdb: {  	v56 =	vld [tilespmem:s8+$0x10000];
	v2 =	vsub.f32 v2, v22  }
0xdc: {  	v39 =	vsub.f32 v33, v11;
	v11 =	vsub.f32 v53, v49;
	v49 =	vld [tilespmem:s20+$0x10020]  }
0xdd: {  	v3 =	vsub.f32 v36, v26;
	[tilespmem:$0x1FD30] =	vst v2;
	v2 =	vld [tilespmem:$0x1FFC0]  }
0xde: {  	v30 =	vld [tilespmem:s5+$0x8030]  }
0xdf: {  	[tilespmem:$0x1FD50] =	vst v3;
	v3 =	vld [tilespmem:$0x1F990]  }
0xe0: {  	v0 =	vsel vm3, v51, v0;
	v34 =	vmul.f32 v56, v15  }
0xe1: {  	v48 =	vmax.f32 v11, $0.0e+00;
	v11 =	vmul.f32 v28, v0;
	v20 =	vmax.f32 v42, $0.0e+00  }
0xe2: {  	v53 =	vmul.f32 v49, v1;
	v22 =	vmul.f32 v20, v2  }
0xe3: {  	vm8 =	vgt.f32 v11, v34  }
0xe4: {  	v0 =	vsel vm8, v56, v0;
	v56 =	vsub.f32 v3, v30;
	v3 =	vld [tilespmem:$0x1F9B0];
	vm9 =	vgt.f32 v22, v53  }
0xe5: {  	v1 =	vsel vm9, v20, v1;
	v20 =	vsel vm9, v49, v2;
	v2 =	vld [tilespmem:$0x1F9A0];
	_ =	sdelay $0x4  }
0xe6: {  	v41 =	vsub.f32 v2, v3;
	v2 =	vld [tilespmem:$0x1F9C0]  }
0xe7: {  	v3 =	vld [tilespmem:$0x1F9D0];
	_ =	sdelay $0x2  }
0xe8: {  	v40 =	vld [tilespmem:s5+$0x10]  }
0xe9: {  	v31 =	vld [tilespmem:s5+$0x8010]  }
0xea: {  	v23 =	vsub.f32 v2, v3;
	v2 =	vld [tilespmem:$0x1F9E0]  }
0xeb: {  	v3 =	vld [tilespmem:$0x1F9F0];
	_ =	sdelay $0x1  }
0xec: {  	v62 =	vld [tilespmem:s12+$0x10010]  }
0xed: {  	v16 =	vld [tilespmem:s31+$0x20]  }
0xee: {  	v19 =	vld [tilespmem:s31+$0x8020]  }
0xef: {  	v31 =	vsub.f32 v40, v31;
	v40 =	vsub.f32 v2, v3;
	v2 =	vld [tilespmem:$0x1FA00]  }
0xf0: {  	v3 =	vld [tilespmem:$0x1FA10]  }
0xf1: {  	v25 =	vsel vm2, v37, v25  }
0xf2: {  	v9 =	vmul.f32 v48, v27;
	v50 =	vmul.f32 v62, v25  }
0xf3: {  	v21 =	vld [tilespmem:s31+$0x10020]  }
0xf4: {  	vm10 =	vgt.f32 v9, v50  }
0xf5: {  	v16 =	vsub.f32 v16, v19;
	v19 =	vsel vm10, v48, v25;
	v48 =	vsub.f32 v2, v3;
	v2 =	vld [tilespmem:$0x1FA20]  }
0xf6: {  	v3 =	vld [tilespmem:$0x1FA30]  }
0xf7: {  	v16 =	vmax.f32 v16, $0.0e+00  }
0xf8: {  	v43 =	vmul.f32 v16, v20;
	v59 =	vmul.f32 v21, v1;
	_ =	sdelay $0x1  }
0xf9: {  	vm12 =	vgt.f32 v43, v59  }
0xfa: {  	v60 =	vsub.f32 v2, v3;
	v3 =	vsel vm12, v16, v1;
	v1 =	vimm.s32 $0x0  }
0xfb: {  	v2 =	vld [tilespmem:$0x1FA60];
	v1 =	vsel vm12, $0xFFFFFFFF, v1  }
0xfc: {  	[tilespmem:$0x1FA40] =	vst v1;
	v1 =	vld [tilespmem:$0x1FA50];
	_ =	sdelay $0x4  }
0xfd: {  	v49 =	vsub.f32 v1, v2;
	v1 =	vld [tilespmem:$0x1FA70]  }
0xfe: {  	v2 =	vld [tilespmem:$0x1FA80];
	_ =	sdelay $0x3  }
0xff: {  	v8 =	vld [tilespmem:s5+$0x0]  }
0x100: {  	v18 =	vsel vm8, v28, v15;
	v28 =	vsub.f32 v1, v2;
	v1 =	vld [tilespmem:$0x1FA90]  }
0x101: {  	v2 =	vld [tilespmem:$0x1FAA0]  }
0x102: {  	v4 =	vld [tilespmem:s5+$0x8000]  }
0x103: {  	v54 =	vld [tilespmem:s10+$0x10]  }
0x104: {  	v55 =	vld [tilespmem:s10+$0x8010]  }
0x105: {  	v37 =	vld [tilespmem:s5+$0x10000]  }
0x106: {  	v53 =	vsub.f32 v1, v2;
	v1 =	vld [tilespmem:$0x1FAB0]  }
0x107: {  	v8 =	vsub.f32 v8, v4;
	v2 =	vld [tilespmem:$0x1FAC0];
	_ =	sdelay $0x1  }
0x108: {  	v8 =	vmax.f32 v8, $0.0e+00  }
0x109: {  	v52 =	vld [tilespmem:s10+$0x10010];
	v15 =	vmul.f32 v8, v0;
	v51 =	vmul.f32 v37, v18;
	_ =	sdelay $0x1  }
0x10a: {  	v26 =	vsub.f32 v54, v55;
	vm13 =	vgt.f32 v15, v51;
	v51 =	vsub.f32 v1, v2;
	v1 =	vld [tilespmem:$0x1FAD0]  }
0x10b: {  	v2 =	vld [tilespmem:$0x1FAE0]  }
0x10c: {  	v26 =	vmax.f32 v26, $0.0e+00;
	v25 =	vsel vm10, v62, v27  }
0x10d: {  	v54 =	vmul.f32 v26, v25;
	v55 =	vmul.f32 v52, v19  }
0x10e: {  	v5 =	vld [tilespmem:s20+$0x70]  }
0x10f: {  	v38 =	vld [tilespmem:s20+$0x8070];
	vm11 =	vgt.f32 v54, v55  }
0x110: {  	v29 =	vld [tilespmem:s16+$0x20];
	v25 =	vsel vm11, v52, v25;
	v52 =	vsub.f32 v1, v2;
	v1 =	vimm.s32 $0x0  }
0x111: {  	v55 =	vsel vm13, v37, v0;
	v0 =	vld [tilespmem:$0x1FB00];
	v1 =	vsel vm13, $0xFFFFFFFF, v1  }
0x112: {  	[tilespmem:$0x1FAF0] =	vst v1;
	v1 =	vld [tilespmem:$0x1FB10]  }
0x113: {  	v17 =	vld [tilespmem:s16+$0x8020];
	_ =	sdelay $0x1  }
0x114: {  	v5 =	vsub.f32 v5, v38  }
0x115: {  	v47 =	vld [tilespmem:s16+$0x10020]  }
0x116: {  	[tilespmem:$0x1FC80] =	vst v5;
	v5 =	vmax.f32 v39, $0.0e+00;
	v39 =	vsub.f32 v0, v1;
	v0 =	vld [tilespmem:$0x1FB20]  }
0x117: {  	v17 =	vsub.f32 v29, v17;
	v1 =	vld [tilespmem:$0x1FB30];
	_ =	sdelay $0x1  }
0x118: {  	v17 =	vmax.f32 v17, $0.0e+00;
	v16 =	vsel vm12, v21, v20  }
0x119: {  	v33 =	vmul.f32 v17, v16;
	v36 =	vmul.f32 v47, v3;
	_ =	sdelay $0x1  }
0x11a: {  	vm15 =	vgt.f32 v33, v36;
	v36 =	vsub.f32 v0, v1;
	v0 =	vld [tilespmem:$0x1FB40]  }
0x11b: {  	v1 =	vld [tilespmem:$0x1FB50];
	_ =	sdelay $0x3  }
0x11c: {  	v35 =	vld [tilespmem:s4+$0x10000]  }
0x11d: {  	v33 =	vsub.f32 v0, v1;
	v0 =	vld [tilespmem:$0x1FB60]  }
0x11e: {  	v1 =	vld [tilespmem:$0x1FB70];
	_ =	sdelay $0x1  }
0x11f: {  	v18 =	vsel vm13, v8, v18  }
0x120: {  	v50 =	vmul.f32 v35, v18;
	v20 =	vmax.f32 v60, $0.0e+00;
	v60 =	vmul.f32 v5, v55  }
0x121: {  	v42 =	vld [tilespmem:s8+$0x10010]  }
0x122: {  	vm13 =	vgt.f32 v60, v50;
	v60 =	vsub.f32 v0, v1;
	v0 =	vld [tilespmem:$0x1FB80]  }
0x123: {  	v1 =	vld [tilespmem:$0x1FB90];
	_ =	sdelay $0x1  }
0x124: {  	v19 =	vsel vm11, v26, v19  }
0x125: {  	v62 =	vmul.f32 v42, v19;
	v38 =	vmul.f32 v20, v25  }
0x126: {  	v59 =	vld [tilespmem:s5+$0x10010]  }
0x127: {  	vm12 =	vgt.f32 v38, v62;
	v62 =	vsub.f32 v0, v1;
	v0 =	vld [tilespmem:$0x1FBA0]  }
0x128: {  	v1 =	vld [tilespmem:$0x1FBB0];
	_ =	sdelay $0x2  }
0x129: {  	s9 =	sshll.u32 s30, $0x8  }
0x12a: {  	s11 =	sadd.s32 s7, s9;
	v19 =	vsel vm12, v20, v19;
	v25 =	vsel vm12, v42, v25;
	v20 =	vmax.f32 v31, $0.0e+00  }
0x12b: {  	s17 =	sadd.s32 $0x0, s11;
	v42 =	vsub.f32 v0, v1;
	v1 =	vmul.f32 v20, v25;
	v0 =	vmul.f32 v59, v19  }
0x12c: {  	s18 =	sadd.s32 s11, s18;
	v6 =	vsel vm7, s17, v6  }
0x12d: {  	v6 =	vsel vm5, s18, v6;
	vm5 =	vmmov vm15;
	vm15 =	vgt.f32 v1, v0;
	v0 =	vld [tilespmem:$0x1FC00]  }
0x12e: {  	v1 =	vld [tilespmem:$0x1FC10];
	_ =	sdelay $0x3  }
0x12f: {  	v61 =	vld [tilespmem:s12+$0x8040]  }
0x130: {  	v11 =	vsub.f32 v0, v1;
	v0 =	vld [tilespmem:$0x1FC20];
	_ =	sdelay $0x2  }
0x131: {  	v63 =	vld [tilespmem:s12+$0x50]  }
0x132: {  	v46 =	vld [tilespmem:s12+$0x8050]  }
0x133: {  	v61 =	vsub.f32 v0, v61;
	v0 =	vld [tilespmem:$0x1FC30];
	_ =	sdelay $0x1  }
0x134: {  	v14 =	vld [tilespmem:s12+$0x8070]  }
0x135: {  	v24 =	vld [tilespmem:s12+$0x70]  }
0x136: {  	v13 =	vsel vm5, v47, v16;
	v16 =	vld [tilespmem:s31+$0x8060]  }
0x137: {  	v22 =	vsub.f32 v63, v46;
	v1 =	vld [tilespmem:s31+$0x60];
	v63 =	vmax.f32 v0, $0.0e+00;
	v0 =	vsel vm13, v5, v18  }
0x138: {  	[tilespmem:$0x1FC40] =	vst v0;
	v0 =	vld [tilespmem:$0x1FC50];
	_ =	sdelay $0x2  }
0x139: {  	v57 =	vld [tilespmem:s20+$0x50]  }
0x13a: {  	v58 =	vld [tilespmem:s20+$0x8050];
	[tilespmem:$0x1FC60] =	vst v10  }
0x13b: {  	v50 =	vsub.f32 v24, v14;
	v14 =	vsub.f32 v1, v16;
	v1 =	vmax.f32 v0, $0.0e+00;
	v0 =	vld [tilespmem:$0x1FC60];
	_ =	sdelay $0x4  }
0x13c: {  	v57 =	vsub.f32 v57, v58;
	v58 =	vld [tilespmem:s12+$0x8060];
	v0 =	vmax.f32 v0, $0.0e+00  }
0x13d: {  	[tilespmem:$0x1FC70] =	vst v0;
	v0 =	vld [tilespmem:$0x1FC80]  }
0x13e: {  	v32 =	vld [tilespmem:s16+$0x8040]  }
0x13f: {  	v10 =	vld [tilespmem:s16+$0x30]  }
0x140: {  	v45 =	vld [tilespmem:s16+$0x8050]  }
0x141: {  	v34 =	vld [tilespmem:s16+$0x50]  }
0x142: {  	v27 =	vld [tilespmem:s16+$0x40];
	v0 =	vmax.f32 v0, $0.0e+00  }
0x143: {  	[tilespmem:$0x1FC90] =	vst v0;
	v0 =	vld [tilespmem:$0x1FCA0]  }
0x144: {  	v44 =	vld [tilespmem:s12+$0x60]  }
0x145: {  	v30 =	vld [tilespmem:s16+$0x8030]  }
0x146: {  	v29 =	vld [tilespmem:s16+$0x70]  }
0x147: {  	v43 =	vld [tilespmem:s16+$0x8070]  }
0x148: {  	v27 =	vsub.f32 v27, v32;
	v32 =	vsub.f32 v34, v45;
	v45 =	vmax.f32 v0, $0.0e+00;
	v0 =	vld [tilespmem:$0x1FCB0];
	_ =	sdelay $0x3  }
0x149: {  	v44 =	vsub.f32 v44, v58  }
0x14a: {  	v58 =	vsub.f32 v10, v30;
	v10 =	vsub.f32 v29, v43;
	v43 =	vmax.f32 v0, $0.0e+00;
	v0 =	vld [tilespmem:$0x1FCC0];
	_ =	sdelay $0x4  }
0x14b: {  	v18 =	vmax.f32 v0, $0.0e+00;
	v0 =	vld [tilespmem:$0x1FCD0];
	_ =	sdelay $0x2  }
0x14c: {  	v12 =	vld [tilespmem:s31+$0x40]  }
0x14d: {  	v4 =	vld [tilespmem:$0x1FBD0]  }
0x14e: {  	v7 =	vld [tilespmem:s31+$0x8040];
	v0 =	vmax.f32 v0, $0.0e+00  }
0x14f: {  	[tilespmem:$0x1FCE0] =	vst v0;
	v0 =	vld [tilespmem:$0x1FCF0]  }
0x150: {  	v8 =	vld [tilespmem:s20+$0x10030]  }
0x151: {  	v54 =	vld [tilespmem:s31+$0x30]  }
0x152: {  	v37 =	vld [tilespmem:s31+$0x8030]  }
0x153: {  	v26 =	vld [tilespmem:s16+$0x60]  }
0x154: {  	v2 =	vld [tilespmem:$0x1FBC0];
	v0 =	vmax.f32 v0, $0.0e+00  }
0x155: {  	[tilespmem:$0x1FD00] =	vst v0;
	v0 =	vld [tilespmem:$0x1FD10]  }
0x156: {  	v29 =	vld [tilespmem:$0x1FFA0]  }
0x157: {  	v21 =	vld [tilespmem:s16+$0x8060]  }
0x158: {  	v47 =	vld [tilespmem:$0x1FF90]  }
0x159: {  	v15 =	vsub.f32 v2, v4;
	v2 =	vld [tilespmem:$0x1FBE0]  }
0x15a: {  	v4 =	vld [tilespmem:$0x1FBF0];
	v0 =	vmax.f32 v0, $0.0e+00  }
0x15b: {  	s19 =	sadd.s32 s11, s19;
	[tilespmem:$0x1FD20] =	vst v0;
	v0 =	vld [tilespmem:$0x1FD30]  }
0x15c: {  	s22 =	sadd.s32 s11, s22;
	v6 =	vsel vm4, s19, v6;
	v12 =	vsub.f32 v12, v7;
	v9 =	vld [tilespmem:s12+$0x10020];
	v54 =	vsub.f32 v54, v37  }
0x15d: {  	v6 =	vsel vm6, s22, v6  }
0x15e: {  	v12 =	vmax.f32 v12, $0.0e+00;
	v27 =	vmax.f32 v27, $0.0e+00;
	v54 =	vmax.f32 v54, $0.0e+00  }
0x15f: {  	v3 =	vsel vm5, v17, v3;
	v34 =	vsub.f32 v26, v21;
	v31 =	vld [tilespmem:s31+$0x50];
	v2 =	vsub.f32 v2, v4  }
0x160: {  	v26 =	vmul.f32 v8, v29;
	v4 =	vld [tilespmem:s31+$0x8050];
	v21 =	vmul.f32 v63, v47;
	v0 =	vmax.f32 v0, $0.0e+00  }
0x161: {  	v46 =	vmax.f32 v41, $0.0e+00;
	v38 =	vmul.f32 v9, v3;
	v2 =	vmax.f32 v2, $0.0e+00;
	[tilespmem:$0x1FD40] =	vst v0;
	v0 =	vld [tilespmem:$0x1FD50]  }
0x162: {  	vm7 =	vgt.f32 v21, v26;
	v26 =	vmax.f32 v15, $0.0e+00;
	v15 =	vimm.s32 $0x0  }
0x163: {  	v37 =	vmax.f32 v53, $0.0e+00;
	v17 =	vmul.f32 v2, v13;
	v15 =	vsel vm13, $0xFFFFFFFF, v15  }
0x164: {  	v41 =	vmax.f32 v51, $0.0e+00;
	v51 =	vmax.f32 v32, $0.0e+00;
	[tilespmem:$0x1FD90] =	vst v15;
	v15 =	vsel vm13, v35, v55  }
0x165: {  	vm4 =	vgt.f32 v17, v38;
	v4 =	vsub.f32 v31, v4;
	v31 =	vmax.f32 v56, $0.0e+00;
	[tilespmem:$0x1FDA0] =	vst v15;
	v15 =	vld [tilespmem:s10+$0x10020]  }
0x166: {  	v2 =	vsel vm4, v2, v3;
	v5 =	vmax.f32 v0, $0.0e+00;
	v0 =	vmax.f32 v23, $0.0e+00  }
0x167: {  	v3 =	vld [tilespmem:s31+$0x10030];
	v9 =	vsel vm4, v9, v13;
	v7 =	vsel vm15, v20, v19;
	[tilespmem:$0x1FD60] =	vst v0;
	v0 =	vmax.f32 v40, $0.0e+00  }
0x168: {  	v20 =	vmax.f32 v4, $0.0e+00;
	v16 =	vmax.f32 v57, $0.0e+00;
	[tilespmem:$0x1FD70] =	vst v0;
	v0 =	vmax.f32 v48, $0.0e+00  }
0x169: {  	v57 =	vmax.f32 v36, $0.0e+00;
	[tilespmem:$0x1FD80] =	vst v0;
	v0 =	vmax.f32 v49, $0.0e+00;
	v49 =	vmax.f32 v10, $0.0e+00;
	v10 =	vld [tilespmem:$0x1FFD0]  }
0x16a: {  	s21 =	sadd.s32 s11, s21;
	v24 =	vld [tilespmem:s31+$0x70];
	v13 =	vmul.f32 v57, v9;
	v8 =	vsel vm7, v8, v47;
	v47 =	vmul.f32 v15, v2  }
0x16b: {  	v17 =	vld [tilespmem:s31+$0x8070];
	v36 =	vmax.f32 v42, $0.0e+00;
	v21 =	vsel vm3, s21, v6;
	v63 =	vsel vm7, v63, v29  }
0x16c: {  	v42 =	vld [tilespmem:s8+$0x10020];
	v56 =	vmul.f32 v3, v63;
	vm3 =	vgt.f32 v13, v47;
	v13 =	vmul.f32 v54, v8  }
0x16d: {  	v53 =	vmax.f32 v14, $0.0e+00;
	v14 =	vimm.s32 $0x0;
	v48 =	vmax.f32 v22, $0.0e+00;
	v22 =	vld [tilespmem:$0x1FF60]  }
0x16e: {  	v4 =	vsel vm3, v15, v9;
	v9 =	vld [tilespmem:s20+$0x10040];
	v10 =	vsel vm0, s17, v10;
	vm0 =	vgt.f32 v13, v56  }
0x16f: {  	v38 =	vmax.f32 v39, $0.0e+00;
	v6 =	vsel vm1, s18, v10;
	v10 =	vld [tilespmem:s16+$0x10030];
	v14 =	vsel vm0, $0xFFFFFFFF, v14  }
0x170: {  	v39 =	vmax.f32 v33, $0.0e+00;
	v24 =	vsub.f32 v24, v17;
	v2 =	vsel vm3, v57, v2;
	[tilespmem:$0x1FDB0] =	vst v14;
	v14 =	vld [tilespmem:$0x1FF70]  }
0x171: {  	v11 =	vmax.f32 v11, $0.0e+00;
	v57 =	vmul.f32 v42, v2;
	v15 =	vmul.f32 v0, v4  }
0x172: {  	v32 =	vld [tilespmem:s4+$0x10010];
	v40 =	vmax.f32 v62, $0.0e+00;
	v62 =	vmax.f32 v58, $0.0e+00;
	v58 =	vmul.f32 v1, v22  }
0x173: {  	v13 =	vsel vm0, v54, v63;
	v3 =	vsel vm0, v3, v8;
	vm0 =	vgt.f32 v15, v57  }
0x174: {  	v8 =	vld [tilespmem:s12+$0x10030];
	v17 =	vmul.f32 v62, v3;
	v15 =	vsel vm2, s19, v6;
	v54 =	vmul.f32 v10, v13  }
0x175: {  	v6 =	vsel vm15, v59, v25;
	v0 =	vsel vm0, v0, v2;
	v59 =	vmul.f32 v9, v14  }
0x176: {  	v4 =	vsel vm0, v42, v4;
	v2 =	vmul.f32 v45, v6;
	vm2 =	vgt.f32 v17, v54  }
0x177: {  	v25 =	vld [tilespmem:s31+$0x10040];
	v17 =	vmul.f32 v32, v7;
	v13 =	vsel vm2, v62, v13;
	vm1 =	vgt.f32 v58, v59  }
0x178: {  	v3 =	vsel vm2, v10, v3;
	v9 =	vsel vm1, v9, v22;
	v22 =	vimm.s32 $0x0  }
0x179: {  	v35 =	vmul.f32 v11, v3;
	v62 =	vmul.f32 v8, v13;
	v22 =	vsel vm0, $0xFFFFFFFF, v22  }
0x17a: {  	v10 =	vld [tilespmem:s10+$0x10030];
	v1 =	vsel vm1, v1, v14;
	vm6 =	vgt.f32 v2, v17;
	[tilespmem:$0x1FDC0] =	vst v22;
	v22 =	vimm.s32 $0x0  }
0x17b: {  	v14 =	vimm.s32 $0x0;
	v42 =	vmul.f32 v12, v9;
	v22 =	vsel vm1, $0xFFFFFFFF, v22  }
0x17c: {  	v63 =	vld [tilespmem:s16+$0x10040];
	v2 =	vsel vm6, v32, v6;
	vm0 =	vgt.f32 v35, v62;
	[tilespmem:$0x1FDD0] =	vst v22;
	v22 =	vmul.f32 v25, v1  }
0x17d: {  	v47 =	vld [tilespmem:s5+$0x10020];
	v6 =	vimm.s32 $0x0;
	[tilespmem:$0x1FDE0] =	vst v2;
	v2 =	vsel vm0, v11, v13;
	v3 =	vsel vm0, v8, v3  }
0x17e: {  	v6 =	vsel vm0, $0xFFFFFFFF, v6;
	v8 =	vmul.f32 v39, v3;
	vm0 =	vgt.f32 v42, v22  }
0x17f: {  	v11 =	vmul.f32 v10, v2;
	v1 =	vsel vm0, v12, v1;
	v12 =	vimm.s32 $0x0  }
0x180: {  	v13 =	vmul.f32 v5, v4;
	v9 =	vsel vm0, v25, v9;
	v12 =	vsel vm0, $0xFFFFFFFF, v12  }
0x181: {  	[tilespmem:$0x1FDF0] =	vst v6;
	v25 =	vmul.f32 v27, v9;
	v56 =	vmul.f32 v63, v1;
	vm0 =	vgt.f32 v8, v11  }
0x182: {  	v6 =	vld [tilespmem:s8+$0x10030];
	v8 =	vmul.f32 v47, v0;
	[tilespmem:$0x1FE00] =	vst v12;
	v2 =	vsel vm0, v39, v2;
	v14 =	vsel vm0, $0xFFFFFFFF, v14  }
0x183: {  	v12 =	vld [tilespmem:s12+$0x10040];
	v3 =	vsel vm0, v10, v3;
	[tilespmem:$0x1FE10] =	vst v14;
	vm0 =	vgt.f32 v25, v56;
	v14 =	vimm.s32 $0x0  }
0x184: {  	v22 =	vld [tilespmem:$0x1FF30];
	v1 =	vsel vm0, v27, v1;
	v14 =	vsel vm0, $0xFFFFFFFF, v14  }
0x185: {  	v9 =	vsel vm0, v63, v9;
	vm0 =	vgt.f32 v13, v8;
	[tilespmem:$0x1FE20] =	vst v14;
	v14 =	vimm.s32 $0x0  }
0x186: {  	v60 =	vmax.f32 v60, $0.0e+00;
	v19 =	vmax.f32 v28, $0.0e+00;
	v11 =	vld [tilespmem:s20+$0x10050];
	v14 =	vsel vm0, $0xFFFFFFFF, v14  }
0x187: {  	v61 =	vmax.f32 v61, $0.0e+00;
	v10 =	vmul.f32 v19, v3;
	v57 =	vmul.f32 v6, v2;
	[tilespmem:$0x1FE30] =	vst v14;
	v14 =	vld [tilespmem:$0x1FF40]  }
0x188: {  	v25 =	vld [tilespmem:s10+$0x10040];
	v8 =	vsel vm0, v47, v4;
	v4 =	vmul.f32 v61, v9;
	v13 =	vmul.f32 v12, v1  }
0x189: {  	v27 =	vmul.f32 v16, v22;
	v32 =	vsel vm0, v5, v0;
	vm0 =	vgt.f32 v10, v57  }
0x18a: {  	vm1 =	vgt.f32 v4, v13;
	v13 =	vsel vm0, v19, v2;
	v2 =	vimm.s32 $0x0  }
0x18b: {  	v17 =	vld [tilespmem:s4+$0x10020];
	v0 =	vmul.f32 v43, v8;
	v3 =	vsel vm0, v6, v3;
	v2 =	vsel vm1, $0xFFFFFFFF, v2  }
0x18c: {  	v5 =	vld [tilespmem:s31+$0x10050];
	v1 =	vsel vm1, v61, v1;
	[tilespmem:$0x1FE40] =	vst v2;
	v2 =	vsel vm1, v12, v9;
	v58 =	vmul.f32 v11, v14  }
0x18d: {  	v19 =	vld [tilespmem:s5+$0x10030];
	v4 =	vimm.s32 $0x0;
	v10 =	vmul.f32 v25, v1;
	v9 =	vmul.f32 v60, v2  }
0x18e: {  	v59 =	vmul.f32 v31, v3;
	v4 =	vsel vm0, $0xFFFFFFFF, v4;
	vm1 =	vgt.f32 v27, v58  }
0x18f: {  	[tilespmem:$0x1FE50] =	vst v4;
	v4 =	vimm.s32 $0x0;
	vm0 =	vgt.f32 v9, v10;
	v6 =	vsel vm1, v16, v14  }
0x190: {  	v4 =	vsel vm1, $0xFFFFFFFF, v4;
	v11 =	vsel vm1, v11, v22;
	v61 =	vsel vm0, v25, v2  }
0x191: {  	v2 =	vimm.s32 $0x0;
	v12 =	vmul.f32 v20, v11;
	v27 =	vmul.f32 v5, v6  }
0x192: {  	v16 =	vmul.f32 v17, v32;
	v25 =	vmul.f32 v19, v13;
	v2 =	vsel vm0, $0xFFFFFFFF, v2  }
0x193: {  	v60 =	vsel vm0, v60, v1;
	[tilespmem:$0x1FE70] =	vst v2;
	v2 =	vimm.s32 $0x0;
	vm0 =	vgt.f32 v12, v27  }
0x194: {  	vm1 =	vgt.f32 v59, v25;
	v10 =	vsel vm0, v20, v6;
	v2 =	vsel vm0, $0xFFFFFFFF, v2  }
0x195: {  	v9 =	vsel vm0, v5, v11;
	vm0 =	vgt.f32 v0, v16;
	v0 =	vimm.s32 $0x0  }
0x196: {  	v0 =	vsel vm1, $0xFFFFFFFF, v0  }
0x197: {  	[tilespmem:$0x1FE90] =	vst v0;
	v0 =	vimm.s32 $0x0  }
0x198: {  	v0 =	vsel vm0, $0xFFFFFFFF, v0  }
0x199: {  	[tilespmem:$0x1FEA0] =	vst v0;
	v0 =	vsel vm0, v17, v8  }
0x19a: {  	[tilespmem:$0x1FEB0] =	vst v0;
	v0 =	vld [tilespmem:$0x1FF50];
	_ =	sdelay $0x4  }
0x19b: {  	[tilespmem:$0x1FF50] =	vst v0;
	v0 =	vld [tilespmem:$0x1FF80]  }
0x19c: {  	v29 =	vld [tilespmem:$0x1FF00]  }
0x19d: {  	v62 =	vld [tilespmem:s8+$0x10040]  }
0x19e: {  	v35 =	vld [tilespmem:s4+$0x10030]  }
0x19f: {  	v42 =	vld [tilespmem:$0x1FED0]  }
0x1a0: {  	[tilespmem:$0x1FF80] =	vst v0;
	v0 =	vld [tilespmem:$0x1FFB0]  }
0x1a1: {  	v56 =	vld [tilespmem:$0x1FEC0]  }
0x1a2: {  	v63 =	vld [tilespmem:s5+$0x10040]  }
0x1a3: {  	[tilespmem:$0x1FE60] =	vst v4;
	v4 =	vld [tilespmem:s16+$0x10050]  }
0x1a4: {  	v47 =	vld [tilespmem:$0x1FEF0]  }
0x1a5: {  	[tilespmem:$0x1FFB0] =	vst v0;
	v0 =	vld [tilespmem:$0x1FF20]  }
0x1a6: {  	v44 =	vmax.f32 v44, $0.0e+00;
	v33 =	vmax.f32 v50, $0.0e+00;
	v50 =	vmax.f32 v34, $0.0e+00;
	v57 =	vld [tilespmem:$0x1FEE0]  }
0x1a7: {  	v1 =	vmul.f32 v37, v61;
	v25 =	vld [tilespmem:s20+$0x10060];
	v39 =	vsel vm1, v19, v3;
	v5 =	vmul.f32 v62, v60  }
0x1a8: {  	v34 =	vsel vm1, v31, v13;
	v31 =	vld [tilespmem:$0x1FF10];
	v6 =	vmul.f32 v51, v9;
	v12 =	vmul.f32 v4, v10  }
0x1a9: {  	v30 =	vmax.f32 v52, $0.0e+00;
	v52 =	vmax.f32 v24, $0.0e+00;
	v59 =	vmul.f32 v18, v39;
	v11 =	vld [tilespmem:s20+$0x10070];
	[tilespmem:$0x1FE80] =	vst v2  }
0x1aa: {  	v58 =	vmul.f32 v35, v34;
	s20 =	simm.s32 $0x1;
	v2 =	vld [tilespmem:s12+$0x10050];
	vm13 =	vgt.f32 v1, v5;
	vm14 =	vgt.f32 v6, v12;
	[tilespmem:$0x1FF20] =	vst v0  }
.LBB2_3:
0x1ab: {  	v0 =	vimm.s32 $0x0  }
0x1ac: {  	v0 =	vsel vm2, $0xFFFFFFFF, v0  }
0x1ad: {  	[tilespmem:$0x1F3D0] =	vst v0;
	v0 =	vimm.s32 $0x0  }
0x1ae: {  	v0 =	vsel vm14, $0xFFFFFFFF, v0  }
0x1af: {  	[tilespmem:$0x1F370] =	vst v0;
	v0 =	vimm.s32 $0x0  }
0x1b0: {  	v0 =	vsel vm13, $0xFFFFFFFF, v0  }
0x1b1: {  	[tilespmem:$0x1F410] =	vst v0;
	v0 =	vimm.s32 $0x0  }
0x1b2: {  	v0 =	vsel vm3, $0xFFFFFFFF, v0  }
0x1b3: {  	[tilespmem:$0x1F400] =	vst v0;
	v0 =	vimm.s32 $0x0  }
0x1b4: {  	v0 =	vsel vm4, $0xFFFFFFFF, v0  }
0x1b5: {  	[tilespmem:$0x1F3F0] =	vst v0;
	v0 =	vimm.s32 $0x0  }
0x1b6: {  	v0 =	vsel vm7, $0xFFFFFFFF, v0  }
0x1b7: {  	[tilespmem:$0x1F3B0] =	vst v0;
	v0 =	vimm.s32 $0x0  }
0x1b8: {  	v0 =	vsel vm5, $0xFFFFFFFF, v0  }
0x1b9: {  	[tilespmem:$0x1F3E0] =	vst v0;
	v0 =	vimm.s32 $0x0  }
0x1ba: {  	v0 =	vsel vm15, $0xFFFFFFFF, v0  }
0x1bb: {  	[tilespmem:$0x1F480] =	vst v0;
	v0 =	vimm.s32 $0x0  }
0x1bc: {  	v0 =	vsel vm9, $0xFFFFFFFF, v0  }
0x1bd: {  	[tilespmem:$0x1F3C0] =	vst v0;
	v0 =	vimm.s32 $0x0  }
0x1be: {  	v0 =	vsel vm12, $0xFFFFFFFF, v0  }
0x1bf: {  	[tilespmem:$0x1F470] =	vst v0;
	v0 =	vimm.s32 $0x0  }
0x1c0: {  	v0 =	vsel vm11, $0xFFFFFFFF, v0  }
0x1c1: {  	[tilespmem:$0x1F460] =	vst v0;
	v0 =	vimm.s32 $0x0  }
0x1c2: {  	v0 =	vsel vm10, $0xFFFFFFFF, v0  }
0x1c3: {  	[tilespmem:$0x1F440] =	vst v0;
	v0 =	vimm.s32 $0x0  }
0x1c4: {  	v0 =	vsel vm8, $0xFFFFFFFF, v0  }
0x1c5: {  	v1 =	vsel vm14, v4, v9;
	v4 =	vsel vm13, v37, v60;
	v17 =	vld [tilespmem:$0x1FC70];
	[tilespmem:$0x1F450] =	vst v0;
	v0 =	vsel vm14, v51, v10  }
0x1c6: {  	v9 =	vsel vm13, v62, v61;
	v6 =	vmul.f32 v48, v1;
	v8 =	vmul.f32 v2, v0  }
0x1c7: {  	v3 =	vimm.s32 $0x0;
	vm0 =	vgt.f32 v59, v58;
	v12 =	vmul.f32 v63, v4  }
0x1c8: {  	v10 =	vmul.f32 v46, v9;
	vm1 =	vgt.f32 v6, v8;
	v6 =	vsel vm0, v18, v34  }
0x1c9: {  	v16 =	vld [tilespmem:$0x1FC90];
	v3 =	vsel vm0, $0xFFFFFFFF, v3;
	v13 =	vmul.f32 v25, v31;
	[tilespmem:$0x1F900] =	vst v6;
	v6 =	vsel vm0, v35, v39  }
0x1ca: {  	v5 =	vld [tilespmem:s10+$0x10050];
	vm0 =	vgt.f32 v10, v12;
	v12 =	vmul.f32 v17, v29;
	[tilespmem:$0x1F8F0] =	vst v6;
	v6 =	vimm.s32 $0x0  }
0x1cb: {  	v8 =	vsel vm1, v2, v1;
	v6 =	vsel vm1, $0xFFFFFFFF, v6  }
0x1cc: {  	[tilespmem:$0x1F380] =	vst v6;
	v6 =	vsel vm1, v48, v0;
	vm1 =	vgt.f32 v12, v13;
	v12 =	vimm.s32 $0x0  }
0x1cd: {  	v10 =	vld [tilespmem:s31+$0x10060];
	v2 =	vsel vm0, v46, v4;
	v0 =	vimm.s32 $0x0;
	v12 =	vsel vm1, $0xFFFFFFFF, v12  }
0x1ce: {  	v13 =	vmul.f32 v11, v56;
	v0 =	vsel vm0, $0xFFFFFFFF, v0;
	[tilespmem:$0x1F320] =	vst v12;
	v12 =	vmul.f32 v16, v42  }
0x1cf: {  	v1 =	vmul.f32 v5, v6;
	v24 =	vsel vm1, v17, v31;
	[tilespmem:$0x1F420] =	vst v0;
	v0 =	vmul.f32 v40, v8  }
0x1d0: {  	v25 =	vsel vm1, v25, v29;
	vm1 =	vgt.f32 v12, v13;
	v12 =	vimm.s32 $0x0  }
0x1d1: {  	v4 =	vsel vm0, v63, v9;
	v9 =	vld [tilespmem:s31+$0x10070];
	vm0 =	vgt.f32 v0, v1;
	v12 =	vsel vm1, $0xFFFFFFFF, v12  }
0x1d2: {  	v0 =	vimm.s32 $0x0;
	v13 =	vmul.f32 v10, v24;
	[tilespmem:$0x1F330] =	vst v12;
	v12 =	vmul.f32 v53, v25  }
0x1d3: {  	v0 =	vsel vm0, $0xFFFFFFFF, v0;
	v6 =	vsel vm0, v40, v6  }
0x1d4: {  	v5 =	vsel vm0, v5, v8;
	v8 =	vimm.s32 $0x0;
	vm0 =	vgt.f32 v12, v13  }
0x1d5: {  	v27 =	vld [tilespmem:s16+$0x10060];
	v56 =	vsel vm1, v16, v56;
	v11 =	vsel vm1, v11, v42;
	v8 =	vsel vm0, $0xFFFFFFFF, v8  }
0x1d6: {  	v29 =	vld [tilespmem:s8+$0x10050];
	v12 =	vmul.f32 v9, v56;
	[tilespmem:$0x1F340] =	vst v8;
	v8 =	vmul.f32 v52, v11  }
0x1d7: {  	v13 =	vsel vm0, v53, v24  }
0x1d8: {  	v58 =	vld [tilespmem:s16+$0x10070];
	v10 =	vsel vm0, v10, v25;
	vm0 =	vgt.f32 v8, v12;
	v8 =	vimm.s32 $0x0  }
0x1d9: {  	v17 =	vimm.s32 $0x0;
	v8 =	vsel vm0, $0xFFFFFFFF, v8  }
0x1da: {  	v16 =	vimm.s32 $0x0;
	v12 =	vmul.f32 v27, v13;
	[tilespmem:$0x1F350] =	vst v8;
	v8 =	vmul.f32 v50, v10  }
0x1db: {  	v59 =	vmul.f32 v29, v6;
	v24 =	vld [tilespmem:s12+$0x10060];
	v25 =	vmul.f32 v41, v5;
	v34 =	vsel vm0, v52, v56  }
0x1dc: {  	v9 =	vsel vm0, v9, v11;
	vm0 =	vgt.f32 v8, v12;
	v8 =	vimm.s32 $0x0  }
0x1dd: {  	v11 =	vld [tilespmem:s12+$0x10070];
	v12 =	vmul.f32 v58, v34;
	v8 =	vsel vm0, $0xFFFFFFFF, v8;
	v13 =	vsel vm0, v50, v13  }
0x1de: {  	v10 =	vsel vm0, v27, v10;
	vm0 =	vgt.f32 v25, v59;
	[tilespmem:$0x1F360] =	vst v8;
	v8 =	vmul.f32 v49, v9  }
0x1df: {  	vm9 =	vmmov vm6;
	v17 =	vsel vm6, $0xFFFFFFFF, v17;
	v27 =	vld [tilespmem:s10+$0x10060];
	v16 =	vsel vm0, $0xFFFFFFFF, v16  }
0x1e0: {  	[tilespmem:$0x1F3A0] =	vst v16;
	v16 =	vld [tilespmem:$0x1FD60];
	vm10 =	vgt.f32 v8, v12;
	v8 =	vmul.f32 v44, v10;
	v12 =	vmul.f32 v24, v13  }
0x1e1: {  	v60 =	vld [tilespmem:s10+$0x10070];
	v6 =	vsel vm0, v41, v6;
	v25 =	vsel vm10, v49, v34;
	v9 =	vsel vm10, v58, v9  }
0x1e2: {  	v31 =	vld [tilespmem:s5+$0x10050];
	vm11 =	vgt.f32 v8, v12;
	v8 =	vmul.f32 v33, v9;
	v12 =	vmul.f32 v11, v25  }
0x1e3: {  	v5 =	vsel vm0, v29, v5;
	v13 =	vsel vm11, v44, v13;
	v10 =	vsel vm11, v24, v10;
	v24 =	vld [tilespmem:s8+$0x10060]  }
0x1e4: {  	vm12 =	vgt.f32 v8, v12;
	v8 =	vmul.f32 v36, v10;
	v12 =	vmul.f32 v27, v13  }
0x1e5: {  	v29 =	vmul.f32 v16, v5;
	v25 =	vsel vm12, v33, v25;
	v9 =	vsel vm12, v11, v9;
	v11 =	vld [tilespmem:s8+$0x10070]  }
0x1e6: {  	v61 =	vld [tilespmem:s5+$0x10060];
	vm6 =	vgt.f32 v8, v12;
	v8 =	vmul.f32 v26, v9;
	v12 =	vmul.f32 v60, v25  }
0x1e7: {  	[tilespmem:$0x1F490] =	vst v17;
	v17 =	vld [tilespmem:$0x1FD70];
	v13 =	vsel vm6, v36, v13;
	v10 =	vsel vm6, v27, v10;
	v27 =	vmul.f32 v31, v6  }
0x1e8: {  	v18 =	vld [tilespmem:$0x1FD80];
	vm14 =	vgt.f32 v8, v12;
	v8 =	vmul.f32 v30, v10;
	v12 =	vmul.f32 v24, v13  }
0x1e9: {  	v25 =	vsel vm14, v26, v25;
	v9 =	vsel vm14, v60, v9;
	vm7 =	vgt.f32 v29, v27;
	v27 =	vld [tilespmem:s5+$0x10070]  }
0x1ea: {  	vm15 =	vgt.f32 v8, v12;
	v8 =	vmul.f32 v38, v9;
	v12 =	vmul.f32 v11, v25  }
0x1eb: {  	v13 =	vsel vm15, v30, v13;
	v10 =	vsel vm15, v24, v10  }
0x1ec: {  	v14 =	vld [tilespmem:$0x1FCE0];
	vm5 =	vgt.f32 v8, v12;
	v8 =	vmul.f32 v17, v10;
	v12 =	vmul.f32 v61, v13  }
0x1ed: {  	[tilespmem:$0x1F430] =	vst v3;
	v3 =	vld [tilespmem:s4+$0x10040];
	v25 =	vsel vm5, v38, v25;
	v9 =	vsel vm5, v11, v9  }
0x1ee: {  	v24 =	vld [tilespmem:s4+$0x10060];
	vm4 =	vgt.f32 v8, v12;
	v8 =	vmul.f32 v18, v9;
	v12 =	vmul.f32 v27, v25  }
0x1ef: {  	v11 =	vld [tilespmem:s4+$0x10070]  }
0x1f0: {  	v13 =	vsel vm4, v17, v13;
	v17 =	vld [tilespmem:$0x1FD20];
	vm3 =	vgt.f32 v8, v12  }
0x1f1: {  	v12 =	vsel vm3, v18, v25;
	v18 =	vld [tilespmem:$0x1FD40];
	_ =	sdelay $0x2  }
0x1f2: {  	v1 =	vmul.f32 v3, v2;
	[tilespmem:$0x1F390] =	vst v0;
	v0 =	vmul.f32 v14, v4;
	v10 =	vsel vm4, v61, v10  }
0x1f3: {  	v22 =	vmul.f32 v24, v13;
	v9 =	vsel vm3, v27, v9;
	v8 =	vmul.f32 v17, v10  }
0x1f4: {  	vm13 =	vgt.f32 v0, v1;
	v29 =	vld [tilespmem:s4+$0x10050];
	v1 =	vmul.f32 v11, v12;
	v0 =	vmul.f32 v18, v9  }
0x1f5: {  	v6 =	vsel vm7, v16, v6;
	v16 =	vld [tilespmem:$0x1FD00];
	vm0 =	vgt.f32 v8, v22  }
0x1f6: {  	vm1 =	vgt.f32 v0, v1;
	v0 =	vsel vm0, v24, v10  }
0x1f7: {  	[tilespmem:$0x1FF00] =	vst v0;
	v0 =	vsel vm1, v18, v12  }
0x1f8: {  	[tilespmem:$0x1FEC0] =	vst v0;
	v0 =	vsel vm1, v11, v9  }
0x1f9: {  	v5 =	vsel vm7, v31, v5;
	[tilespmem:$0x1FED0] =	vst v0;
	v0 =	vld [tilespmem:$0x1FEA0]  }
0x1fa: {  	v28 =	vmul.f32 v29, v6;
	v26 =	vmul.f32 v16, v5  }
0x1fb: {  	v2 =	vsel vm13, v14, v2  }
0x1fc: {  	[tilespmem:$0x1F930] =	vst v2;
	v2 =	vsel vm13, v3, v4;
	vm2 =	vgt.f32 v26, v28  }
0x1fd: {  	[tilespmem:$0x1F920] =	vst v2;
	v2 =	vsel vm2, v29, v5  }
0x1fe: {  	[tilespmem:$0x1F940] =	vst v2;
	v2 =	vsel vm9, v45, v7;
	vm8 =	vnez.u8 v0;
	v0 =	vimm.s32 $0x0  }
0x1ff: {  	[tilespmem:$0x1F8C0] =	vst v2;
	v0 =	vsel vm8, $0xFFFFFFFF, v0  }
0x200: {  	v8 =	vld [tilespmem:$0x1FE60];
	[tilespmem:$0x1FEA0] =	vst v0;
	v0 =	vsel vm8, v43, v32  }
0x201: {  	[tilespmem:$0x1F8E0] =	vst v0;
	v0 =	vsel vm2, v16, v6  }
0x202: {  	v2 =	vld [tilespmem:$0x1FF20];
	[tilespmem:$0x1F960] =	vst v0;
	v0 =	vsel vm0, v17, v13  }
0x203: {  	[tilespmem:$0x1FF10] =	vst v0;
	v0 =	vld [tilespmem:$0x1F320]  }
0x204: {  	v1 =	vld [tilespmem:$0x1F330]  }
0x205: {  	vm9 =	vnez.u8 v8;
	v8 =	vld [tilespmem:$0x1F340]  }
0x206: {  	v9 =	vld [tilespmem:$0x1FE80];
	_ =	sdelay $0x1  }
0x207: {  	vm8 =	vnez.u8 v0  }
0x208: {  	v0 =	vsel vm8, s17, v47;
	vm8 =	vnez.u8 v1  }
0x209: {  	v1 =	vsel vm8, s17, v57;
	vm8 =	vnez.u8 v8;
	v8 =	vld [tilespmem:$0x1F350]  }
0x20a: {  	v2 =	vsel vm9, s17, v2;
	vm9 =	vnez.u8 v9;
	v9 =	vld [tilespmem:$0x1F360];
	_ =	sdelay $0x3  }
0x20b: {  	v0 =	vsel vm8, s18, v0;
	vm8 =	vnez.u8 v8  }
0x20c: {  	v1 =	vsel vm8, s18, v1;
	vm8 =	vnez.u8 v9  }
0x20d: {  	v0 =	vsel vm8, s19, v0  }
0x20e: {  	v10 =	vld [tilespmem:$0x1F370];
	v1 =	vsel vm10, s19, v1;
	v0 =	vsel vm11, s22, v0  }
0x20f: {  	s10 =	sadd.s32 s11, s13;
	v12 =	vld [tilespmem:$0x1F390];
	v1 =	vsel vm12, s22, v1;
	v0 =	vsel vm6, s21, v0  }
0x210: {  	s12 =	sadd.s32 s11, s23;
	v11 =	vld [tilespmem:$0x1F380];
	v1 =	vsel vm14, s21, v1;
	v0 =	vsel vm15, s10, v0  }
0x211: {  	s13 =	sadd.s32 s11, s1;
	v16 =	vld [tilespmem:$0x1FDD0];
	v1 =	vsel vm5, s10, v1;
	v0 =	vsel vm4, s12, v0  }
0x212: {  	v13 =	vld [tilespmem:$0x1F3A0];
	v1 =	vsel vm3, s12, v1;
	v0 =	vsel vm0, s13, v0  }
0x213: {  	[tilespmem:$0x1FEF0] =	vst v0;
	v0 =	vsel vm1, s13, v1;
	v1 =	vld [tilespmem:$0x1F3B0]  }
0x214: {  	[tilespmem:$0x1FEE0] =	vst v0;
	v0 =	vld [tilespmem:$0x1FF80]  }
0x215: {  	v2 =	vsel vm9, s18, v2;
	vm8 =	vnez.u8 v10  }
0x216: {  	vm9 =	vnez.u8 v11;
	v2 =	vsel vm8, s19, v2  }
0x217: {  	v2 =	vsel vm9, s22, v2;
	vm6 =	vnez.u8 v12  }
0x218: {  	v2 =	vsel vm6, s21, v2;
	vm0 =	vnez.u8 v1;
	v1 =	vld [tilespmem:$0x1FF50]  }
0x219: {  	vm5 =	vnez.u8 v13;
	v0 =	vsel vm0, s17, v0;
	vm0 =	vnez.u8 v16;
	v16 =	vld [tilespmem:$0x1F3C0]  }
0x21a: {  	v2 =	vsel vm5, s10, v2  }
0x21b: {  	v2 =	vsel vm7, s12, v2  }
0x21c: {  	v2 =	vsel vm2, s13, v2  }
0x21d: {  	[tilespmem:$0x1FF20] =	vst v2;
	v2 =	vld [tilespmem:$0x1FFB0]  }
0x21e: {  	v1 =	vsel vm0, s17, v1;
	vm0 =	vnez.u8 v16;
	v16 =	vld [tilespmem:$0x1FDB0];
	_ =	sdelay $0x4  }
0x21f: {  	v2 =	vsel vm0, s17, v2;
	vm0 =	vnez.u8 v16;
	v16 =	vld [tilespmem:$0x1FE00];
	_ =	sdelay $0x4  }
0x220: {  	v0 =	vsel vm0, s18, v0;
	vm0 =	vnez.u8 v16;
	v16 =	vld [tilespmem:$0x1FA40];
	_ =	sdelay $0x4  }
0x221: {  	v1 =	vsel vm0, s18, v1;
	vm0 =	vnez.u8 v16;
	v16 =	vld [tilespmem:$0x1F3D0];
	_ =	sdelay $0x4  }
0x222: {  	v2 =	vsel vm0, s18, v2;
	vm0 =	vnez.u8 v16;
	v16 =	vld [tilespmem:$0x1FE20];
	_ =	sdelay $0x4  }
0x223: {  	v0 =	vsel vm0, s19, v0;
	vm0 =	vnez.u8 v16;
	v16 =	vld [tilespmem:$0x1F3E0];
	_ =	sdelay $0x4  }
0x224: {  	v1 =	vsel vm0, s19, v1;
	vm0 =	vnez.u8 v16;
	v16 =	vld [tilespmem:$0x1FDF0];
	_ =	sdelay $0x4  }
0x225: {  	v2 =	vsel vm0, s19, v2;
	vm0 =	vnez.u8 v16;
	v16 =	vld [tilespmem:$0x1FE40];
	_ =	sdelay $0x4  }
0x226: {  	v0 =	vsel vm0, s22, v0;
	vm0 =	vnez.u8 v16;
	v16 =	vld [tilespmem:$0x1F3F0];
	_ =	sdelay $0x4  }
0x227: {  	v1 =	vsel vm0, s22, v1;
	vm0 =	vnez.u8 v16;
	v16 =	vld [tilespmem:$0x1FE10];
	_ =	sdelay $0x4  }
0x228: {  	v2 =	vsel vm0, s22, v2;
	vm0 =	vnez.u8 v16;
	v16 =	vld [tilespmem:$0x1FE70];
	_ =	sdelay $0x4  }
0x229: {  	v0 =	vsel vm0, s21, v0;
	vm0 =	vnez.u8 v16;
	v16 =	vld [tilespmem:$0x1F400];
	_ =	sdelay $0x4  }
0x22a: {  	v1 =	vsel vm0, s21, v1;
	vm0 =	vnez.u8 v16;
	v16 =	vld [tilespmem:$0x1FE50];
	_ =	sdelay $0x4  }
0x22b: {  	v2 =	vsel vm0, s21, v2;
	vm0 =	vnez.u8 v16;
	v16 =	vld [tilespmem:$0x1F410];
	_ =	sdelay $0x4  }
0x22c: {  	v0 =	vsel vm0, s10, v0;
	vm0 =	vnez.u8 v16;
	v16 =	vld [tilespmem:$0x1FDC0];
	_ =	sdelay $0x4  }
0x22d: {  	v1 =	vsel vm0, s10, v1;
	vm0 =	vnez.u8 v16;
	v16 =	vld [tilespmem:$0x1FE90];
	_ =	sdelay $0x4  }
0x22e: {  	v2 =	vsel vm0, s10, v2;
	vm0 =	vnez.u8 v16;
	v16 =	vld [tilespmem:$0x1F420];
	_ =	sdelay $0x4  }
0x22f: {  	v0 =	vsel vm0, s12, v0;
	vm0 =	vnez.u8 v16;
	v16 =	vld [tilespmem:$0x1FE30];
	_ =	sdelay $0x4  }
0x230: {  	v1 =	vsel vm0, s12, v1;
	vm0 =	vnez.u8 v16;
	v16 =	vld [tilespmem:$0x1F430];
	_ =	sdelay $0x4  }
0x231: {  	v2 =	vsel vm0, s12, v2;
	vm0 =	vnez.u8 v16  }
0x232: {  	v0 =	vsel vm0, s13, v0  }
0x233: {  	[tilespmem:$0x1FF80] =	vst v0;
	v0 =	vsel vm13, s13, v1  }
0x234: {  	[tilespmem:$0x1FF50] =	vst v0;
	v0 =	vld [tilespmem:$0x1F440];
	_ =	sdelay $0x4  }
0x235: {  	v1 =	vld [tilespmem:$0x1F450];
	vm0 =	vnez.u8 v0  }
0x236: {  	v0 =	vsel vm0, s22, v15;
	v15 =	vld [tilespmem:$0x1FEA0];
	_ =	sdelay $0x3  }
0x237: {  	vm0 =	vnez.u8 v1  }
0x238: {  	v1 =	vsel vm0, s10, v21;
	vm0 =	vnez.u8 v15;
	v15 =	vld [tilespmem:$0x1F460];
	_ =	sdelay $0x4  }
0x239: {  	v2 =	vsel vm0, s13, v2;
	vm0 =	vnez.u8 v15;
	v15 =	vld [tilespmem:$0x1FAF0];
	_ =	sdelay $0x4  }
0x23a: {  	v0 =	vsel vm0, s21, v0;
	vm0 =	vnez.u8 v15;
	v15 =	vld [tilespmem:$0x1F470];
	_ =	sdelay $0x4  }
0x23b: {  	v1 =	vsel vm0, s12, v1;
	vm0 =	vnez.u8 v15;
	v15 =	vld [tilespmem:$0x1FD90];
	_ =	sdelay $0x4  }
0x23c: {  	v0 =	vsel vm0, s10, v0;
	vm0 =	vnez.u8 v15;
	v15 =	vld [tilespmem:$0x1F480];
	_ =	sdelay $0x1  }
0x23d: {  	s25 =	sshll.u32 s20, $0x3  }
0x23e: {  	s23 =	sor.u32 $0x6, s25  }
0x23f: {  	s5 =	sshll.u32 s23, $0x7  }
0x240: {  	v1 =	vsel vm0, s13, v1;
	vm0 =	vnez.u8 v15;
	v15 =	vld [tilespmem:s5+$0x50];
	_ =	sdelay $0x4  }
0x241: {  	[tilespmem:$0x1F4A0] =	vst v15;
	v15 =	vld [tilespmem:$0x1F490];
	_ =	sdelay $0x4  }
0x242: {  	v0 =	vsel vm0, s12, v0;
	vm0 =	vnez.u8 v15  }
0x243: {  	v0 =	vsel vm0, s13, v0  }
0x244: {  	[tilespmem:$0x1F8D0] =	vst v0;
	v0 =	vld [tilespmem:s5+$0x8050];
	_ =	sdelay $0x4  }
0x245: {  	[tilespmem:$0x1F4B0] =	vst v0;
	v0 =	vld [tilespmem:s5+$0x60];
	_ =	sdelay $0x4  }
0x246: {  	[tilespmem:$0x1F4C0] =	vst v0;
	v0 =	vld [tilespmem:s5+$0x8060];
	_ =	sdelay $0x4  }
0x247: {  	[tilespmem:$0x1F4D0] =	vst v0;
	v0 =	vld [tilespmem:s5+$0x70];
	_ =	sdelay $0x4  }
0x248: {  	[tilespmem:$0x1F4E0] =	vst v0;
	v0 =	vld [tilespmem:s5+$0x8070];
	_ =	sdelay $0x2  }
0x249: {  	s8 =	sshllo.u32 s20, $0x3;
	s13 =	sor.u32 $0x5, s25  }
0x24a: {  	s1 =	smov.u32 s8;
	s4 =	sshll.u32 s8, $0x7;
	s8 =	sshll.u32 s13, $0x7  }
0x24b: {  	[tilespmem:$0x1F4F0] =	vst v0;
	v0 =	vld [tilespmem:s8+$0x0];
	_ =	sdelay $0x4  }
0x24c: {  	[tilespmem:$0x1F500] =	vst v0;
	v0 =	vld [tilespmem:s8+$0x8000];
	_ =	sdelay $0x4  }
0x24d: {  	[tilespmem:$0x1F510] =	vst v0;
	v0 =	vld [tilespmem:s8+$0x10];
	_ =	sdelay $0x4  }
0x24e: {  	[tilespmem:$0x1F520] =	vst v0;
	v0 =	vld [tilespmem:s8+$0x8010];
	_ =	sdelay $0x4  }
0x24f: {  	[tilespmem:$0x1F530] =	vst v0;
	v0 =	vld [tilespmem:s8+$0x20];
	_ =	sdelay $0x4  }
0x250: {  	[tilespmem:$0x1F540] =	vst v0;
	v0 =	vld [tilespmem:s8+$0x8020];
	_ =	sdelay $0x4  }
0x251: {  	[tilespmem:$0x1F550] =	vst v0;
	v0 =	vld [tilespmem:s8+$0x30];
	_ =	sdelay $0x4  }
0x252: {  	[tilespmem:$0x1F560] =	vst v0;
	v0 =	vld [tilespmem:s8+$0x8030];
	_ =	sdelay $0x4  }
0x253: {  	[tilespmem:$0x1F570] =	vst v0;
	v0 =	vld [tilespmem:s8+$0x40];
	_ =	sdelay $0x4  }
0x254: {  	[tilespmem:$0x1F580] =	vst v0;
	v0 =	vld [tilespmem:s8+$0x8040];
	_ =	sdelay $0x4  }
0x255: {  	[tilespmem:$0x1F590] =	vst v0;
	v0 =	vld [tilespmem:s8+$0x50];
	_ =	sdelay $0x4  }
0x256: {  	[tilespmem:$0x1F5A0] =	vst v0;
	v0 =	vld [tilespmem:s8+$0x8050];
	_ =	sdelay $0x4  }
0x257: {  	[tilespmem:$0x1F5B0] =	vst v0;
	v0 =	vld [tilespmem:s8+$0x60];
	_ =	sdelay $0x4  }
0x258: {  	[tilespmem:$0x1F5C0] =	vst v0;
	v0 =	vld [tilespmem:s8+$0x8060];
	_ =	sdelay $0x4  }
0x259: {  	[tilespmem:$0x1F5D0] =	vst v0;
	v0 =	vld [tilespmem:s8+$0x70];
	_ =	sdelay $0x4  }
0x25a: {  	[tilespmem:$0x1F5E0] =	vst v0;
	v0 =	vld [tilespmem:s8+$0x8070];
	_ =	sdelay $0x2  }
0x25b: {  	s21 =	sor.u32 $0x4, s25  }
0x25c: {  	s10 =	sshll.u32 s21, $0x7  }
0x25d: {  	[tilespmem:$0x1F5F0] =	vst v0;
	v0 =	vld [tilespmem:s10+$0x0];
	_ =	sdelay $0x4  }
0x25e: {  	[tilespmem:$0x1F600] =	vst v0;
	v0 =	vld [tilespmem:s10+$0x8000];
	_ =	sdelay $0x4  }
0x25f: {  	[tilespmem:$0x1F610] =	vst v0;
	v0 =	vld [tilespmem:s10+$0x10];
	_ =	sdelay $0x4  }
0x260: {  	[tilespmem:$0x1F620] =	vst v0;
	v0 =	vld [tilespmem:s10+$0x8010];
	_ =	sdelay $0x4  }
0x261: {  	[tilespmem:$0x1F630] =	vst v0;
	v0 =	vld [tilespmem:s10+$0x20];
	_ =	sdelay $0x4  }
0x262: {  	[tilespmem:$0x1F640] =	vst v0;
	v0 =	vld [tilespmem:s10+$0x8020];
	_ =	sdelay $0x4  }
0x263: {  	[tilespmem:$0x1F650] =	vst v0;
	v0 =	vld [tilespmem:s10+$0x30];
	_ =	sdelay $0x4  }
0x264: {  	[tilespmem:$0x1F660] =	vst v0;
	v0 =	vld [tilespmem:s10+$0x8030];
	_ =	sdelay $0x4  }
0x265: {  	[tilespmem:$0x1F670] =	vst v0;
	v0 =	vld [tilespmem:s10+$0x40];
	_ =	sdelay $0x4  }
0x266: {  	[tilespmem:$0x1F680] =	vst v0;
	v0 =	vld [tilespmem:s10+$0x8040];
	_ =	sdelay $0x4  }
0x267: {  	[tilespmem:$0x1F690] =	vst v0;
	v0 =	vld [tilespmem:s10+$0x50];
	_ =	sdelay $0x4  }
0x268: {  	[tilespmem:$0x1F6A0] =	vst v0;
	v0 =	vld [tilespmem:s10+$0x8050];
	_ =	sdelay $0x4  }
0x269: {  	[tilespmem:$0x1F6B0] =	vst v0;
	v0 =	vld [tilespmem:s10+$0x60];
	_ =	sdelay $0x4  }
0x26a: {  	[tilespmem:$0x1F6C0] =	vst v0;
	v0 =	vld [tilespmem:s10+$0x8060];
	_ =	sdelay $0x4  }
0x26b: {  	[tilespmem:$0x1F6D0] =	vst v0;
	v0 =	vld [tilespmem:s10+$0x70];
	_ =	sdelay $0x4  }
0x26c: {  	[tilespmem:$0x1F6E0] =	vst v0;
	v0 =	vld [tilespmem:s10+$0x8070];
	_ =	sdelay $0x2  }
0x26d: {  	s22 =	sor.u32 $0x3, s25  }
0x26e: {  	s12 =	sshll.u32 s22, $0x7  }
0x26f: {  	[tilespmem:$0x1F6F0] =	vst v0;
	v0 =	vld [tilespmem:s12+$0x0];
	_ =	sdelay $0x4  }
0x270: {  	[tilespmem:$0x1F700] =	vst v0;
	v0 =	vld [tilespmem:s12+$0x8000];
	_ =	sdelay $0x4  }
0x271: {  	[tilespmem:$0x1F710] =	vst v0;
	v0 =	vld [tilespmem:s12+$0x10];
	_ =	sdelay $0x4  }
0x272: {  	[tilespmem:$0x1F720] =	vst v0;
	v0 =	vld [tilespmem:s12+$0x8010];
	_ =	sdelay $0x4  }
0x273: {  	[tilespmem:$0x1F730] =	vst v0;
	v0 =	vld [tilespmem:s12+$0x20];
	_ =	sdelay $0x4  }
0x274: {  	[tilespmem:$0x1F740] =	vst v0;
	v0 =	vld [tilespmem:s12+$0x8020];
	_ =	sdelay $0x4  }
0x275: {  	[tilespmem:$0x1F750] =	vst v0;
	v0 =	vld [tilespmem:s12+$0x30];
	_ =	sdelay $0x4  }
0x276: {  	[tilespmem:$0x1F760] =	vst v0;
	v0 =	vld [tilespmem:s12+$0x8030];
	_ =	sdelay $0x4  }
0x277: {  	[tilespmem:$0x1F770] =	vst v0;
	v0 =	vld [tilespmem:s12+$0x40];
	_ =	sdelay $0x4  }
0x278: {  	[tilespmem:$0x1F780] =	vst v0;
	v0 =	vld [tilespmem:s12+$0x8040];
	_ =	sdelay $0x4  }
0x279: {  	[tilespmem:$0x1F790] =	vst v0;
	v0 =	vld [tilespmem:s12+$0x50]  }
0x27a: {  	s24 =	sshll.u32 s20, $0xA  }
0x27b: {  	v19 =	vld [tilespmem:s24+$0x0]  }
0x27c: {  	v20 =	vld [tilespmem:s24+$0x8000]  }
0x27d: {  	v23 =	vld [tilespmem:s24+$0x10]  }
0x27e: {  	[tilespmem:$0x1F7A0] =	vst v0;
	v0 =	vld [tilespmem:s12+$0x60]  }
0x27f: {  	v37 =	vld [tilespmem:s24+$0x40]  }
0x280: {  	v39 =	vld [tilespmem:s24+$0x8010]  }
0x281: {  	v46 =	vld [tilespmem:s24+$0x20]  }
0x282: {  	v40 =	vld [tilespmem:s24+$0x8020]  }
0x283: {  	v51 =	vld [tilespmem:s24+$0x8030];
	[tilespmem:$0x1F7B0] =	vst v0;
	v0 =	vsub.f32 v19, v20  }
0x284: {  	v48 =	vld [tilespmem:s24+$0x30]  }
0x285: {  	v41 =	vld [tilespmem:s24+$0x8040];
	[tilespmem:$0x1F7C0] =	vst v0;
	v0 =	vsub.f32 v23, v39  }
0x286: {  	v34 =	vld [tilespmem:s24+$0x60]  }
0x287: {  	v33 =	vld [tilespmem:s24+$0x50];
	[tilespmem:$0x1F7D0] =	vst v0;
	v0 =	vsub.f32 v46, v40  }
0x288: {  	v36 =	vld [tilespmem:s24+$0x8050]  }
0x289: {  	v31 =	vld [tilespmem:s24+$0x70];
	[tilespmem:$0x1F7E0] =	vst v0;
	v0 =	vsub.f32 v48, v51  }
0x28a: {  	v30 =	vld [tilespmem:s24+$0x8060]  }
0x28b: {  	v54 =	vld [tilespmem:s5+$0x40];
	[tilespmem:$0x1F7F0] =	vst v0;
	v0 =	vsub.f32 v37, v41  }
0x28c: {  	v38 =	vld [tilespmem:s24+$0x8070]  }
0x28d: {  	v44 =	vld [tilespmem:s4+$0x0];
	[tilespmem:$0x1F800] =	vst v0;
	v0 =	vsub.f32 v33, v36  }
0x28e: {  	v25 =	vld [tilespmem:s4+$0x8000]  }
0x28f: {  	v3 =	vld [tilespmem:s4+$0x8010];
	[tilespmem:$0x1F810] =	vst v0;
	v0 =	vsub.f32 v34, v30  }
0x290: {  	v27 =	vld [tilespmem:s4+$0x10]  }
0x291: {  	v4 =	vld [tilespmem:s4+$0x20];
	[tilespmem:$0x1F820] =	vst v0;
	v0 =	vsub.f32 v31, v38  }
0x292: {  	v5 =	vld [tilespmem:s4+$0x8020]  }
0x293: {  	v7 =	vld [tilespmem:s4+$0x8030];
	[tilespmem:$0x1F830] =	vst v0;
	v0 =	vsub.f32 v44, v25  }
0x294: {  	v6 =	vld [tilespmem:s4+$0x30]  }
0x295: {  	v8 =	vld [tilespmem:s4+$0x40];
	[tilespmem:$0x1F840] =	vst v0;
	v0 =	vsub.f32 v27, v3  }
0x296: {  	v9 =	vld [tilespmem:s4+$0x8040]  }
0x297: {  	v11 =	vld [tilespmem:s4+$0x8050];
	[tilespmem:$0x1F850] =	vst v0;
	v0 =	vsub.f32 v4, v5  }
0x298: {  	v10 =	vld [tilespmem:s4+$0x50]  }
0x299: {  	v12 =	vld [tilespmem:s4+$0x60];
	[tilespmem:$0x1F860] =	vst v0;
	v0 =	vsub.f32 v6, v7  }
0x29a: {  	v13 =	vld [tilespmem:s4+$0x8060];
	[tilespmem:$0x1F8B0] =	vst v1  }
0x29b: {  	v1 =	vld [tilespmem:s5+$0x8040];
	[tilespmem:$0x1F870] =	vst v0;
	v0 =	vsub.f32 v8, v9;
	_ =	sdelay $0x1  }
0x29c: {  	[tilespmem:$0x1F880] =	vst v0;
	v0 =	vsub.f32 v10, v11  }
0x29d: {  	v50 =	vld [tilespmem:s5+$0x8020]  }
0x29e: {  	v47 =	vld [tilespmem:s5+$0x20];
	[tilespmem:$0x1F890] =	vst v0;
	v0 =	vsub.f32 v12, v13  }
0x29f: {  	v46 =	vsub.f32 v54, v1;
	v1 =	vld [tilespmem:$0x1F4B0]  }
0x2a0: {  	[tilespmem:$0x1F8A0] =	vst v0;
	v0 =	vld [tilespmem:$0x1F4A0];
	_ =	sdelay $0x4  }
0x2a1: {  	v55 =	vsub.f32 v47, v50;
	v47 =	vsub.f32 v0, v1;
	v0 =	vld [tilespmem:$0x1F4C0]  }
0x2a2: {  	v1 =	vld [tilespmem:$0x1F4D0];
	_ =	sdelay $0x2  }
0x2a3: {  	v52 =	vld [tilespmem:s5+$0x30]  }
0x2a4: {  	[tilespmem:$0x1FFB0] =	vst v2;
	v2 =	vld [tilespmem:s5+$0x8030]  }
0x2a5: {  	v51 =	vsub.f32 v0, v1;
	v0 =	vld [tilespmem:$0x1F4E0]  }
0x2a6: {  	v1 =	vld [tilespmem:$0x1F4F0];
	_ =	sdelay $0x4  }
0x2a7: {  	v56 =	vsub.f32 v52, v2;
	v52 =	vsub.f32 v0, v1;
	v0 =	vld [tilespmem:$0x1F500]  }
0x2a8: {  	v1 =	vld [tilespmem:$0x1F510];
	_ =	sdelay $0x4  }
0x2a9: {  	v36 =	vsub.f32 v0, v1;
	v0 =	vld [tilespmem:$0x1F520]  }
0x2aa: {  	v1 =	vld [tilespmem:$0x1F530];
	_ =	sdelay $0x4  }
0x2ab: {  	v44 =	vsub.f32 v0, v1;
	v0 =	vld [tilespmem:$0x1F540]  }
0x2ac: {  	v1 =	vld [tilespmem:$0x1F550];
	_ =	sdelay $0x4  }
0x2ad: {  	v39 =	vsub.f32 v0, v1;
	v0 =	vld [tilespmem:$0x1F560]  }
0x2ae: {  	v1 =	vld [tilespmem:$0x1F570];
	_ =	sdelay $0x4  }
0x2af: {  	v41 =	vsub.f32 v0, v1;
	v0 =	vld [tilespmem:$0x1F580]  }
0x2b0: {  	v1 =	vld [tilespmem:$0x1F590];
	_ =	sdelay $0x4  }
0x2b1: {  	v37 =	vsub.f32 v0, v1;
	v0 =	vld [tilespmem:$0x1F5A0]  }
0x2b2: {  	v1 =	vld [tilespmem:$0x1F5B0];
	_ =	sdelay $0x4  }
0x2b3: {  	v38 =	vsub.f32 v0, v1;
	v0 =	vld [tilespmem:$0x1F5C0]  }
0x2b4: {  	v1 =	vld [tilespmem:$0x1F5D0];
	_ =	sdelay $0x4  }
0x2b5: {  	v30 =	vsub.f32 v0, v1;
	v0 =	vld [tilespmem:$0x1F5E0]  }
0x2b6: {  	v1 =	vld [tilespmem:$0x1F5F0];
	_ =	sdelay $0x2  }
0x2b7: {  	v26 =	vld [tilespmem:s5+$0x8000]  }
0x2b8: {  	v24 =	vld [tilespmem:s5+$0x0]  }
0x2b9: {  	v40 =	vsub.f32 v0, v1;
	v0 =	vld [tilespmem:$0x1F600]  }
0x2ba: {  	v1 =	vld [tilespmem:$0x1F610];
	_ =	sdelay $0x4  }
0x2bb: {  	v59 =	vsub.f32 v24, v26;
	v26 =	vsub.f32 v0, v1;
	v0 =	vld [tilespmem:$0x1F620]  }
0x2bc: {  	v1 =	vld [tilespmem:$0x1F630];
	_ =	sdelay $0x2  }
0x2bd: {  	v29 =	vld [tilespmem:s5+$0x10]  }
0x2be: {  	v32 =	vld [tilespmem:s5+$0x8010]  }
0x2bf: {  	v25 =	vsub.f32 v0, v1;
	v0 =	vld [tilespmem:$0x1F640]  }
0x2c0: {  	v1 =	vld [tilespmem:$0x1F650];
	_ =	sdelay $0x4  }
0x2c1: {  	v60 =	vsub.f32 v29, v32;
	v29 =	vsub.f32 v0, v1;
	v0 =	vld [tilespmem:$0x1F660]  }
0x2c2: {  	v1 =	vld [tilespmem:$0x1F670];
	_ =	sdelay $0x4  }
0x2c3: {  	v27 =	vsub.f32 v0, v1;
	v0 =	vld [tilespmem:$0x1F680]  }
0x2c4: {  	v1 =	vld [tilespmem:$0x1F690]  }
0x2c5: {  	v14 =	vld [tilespmem:s4+$0x70];
	s19 =	sor.u32 $0x2, s25  }
0x2c6: {  	v22 =	vld [tilespmem:s4+$0x8070];
	s16 =	sshll.u32 s19, $0x7  }
0x2c7: {  	v53 =	vld [tilespmem:s16+$0x0]  }
0x2c8: {  	v45 =	vld [tilespmem:s16+$0x8000]  }
0x2c9: {  	v24 =	vsub.f32 v0, v1;
	v0 =	vld [tilespmem:$0x1F6A0]  }
0x2ca: {  	v1 =	vld [tilespmem:$0x1F6B0]  }
0x2cb: {  	v43 =	vld [tilespmem:s16+$0x10]  }
0x2cc: {  	v35 =	vld [tilespmem:s16+$0x8010]  }
0x2cd: {  	v42 =	vld [tilespmem:s16+$0x20]  }
0x2ce: {  	v28 =	vld [tilespmem:s16+$0x8020]  }
0x2cf: {  	v33 =	vsub.f32 v0, v1;
	v0 =	vld [tilespmem:$0x1F6C0]  }
0x2d0: {  	v1 =	vld [tilespmem:$0x1F6D0]  }
0x2d1: {  	v18 =	vld [tilespmem:s16+$0x50]  }
0x2d2: {  	v17 =	vld [tilespmem:s16+$0x8050]  }
0x2d3: {  	v63 =	vsub.f32 v14, v22;
	v14 =	vld [tilespmem:s16+$0x70]  }
0x2d4: {  	v16 =	vld [tilespmem:s16+$0x60]  }
0x2d5: {  	v31 =	vsub.f32 v0, v1;
	v0 =	vld [tilespmem:$0x1F6E0]  }
0x2d6: {  	s15 =	sor.u32 $0x1, s25;
	v1 =	vld [tilespmem:$0x1F6F0]  }
0x2d7: {  	s31 =	sshll.u32 s15, $0x7;
	v21 =	vld [tilespmem:s16+$0x8030]  }
0x2d8: {  	v2 =	vld [tilespmem:s31+$0x50]  }
0x2d9: {  	v57 =	vld [tilespmem:s12+$0x70]  }
0x2da: {  	v49 =	vld [tilespmem:s12+$0x8070]  }
0x2db: {  	v32 =	vsub.f32 v0, v1;
	v0 =	vld [tilespmem:$0x1F700]  }
0x2dc: {  	v1 =	vld [tilespmem:$0x1F710]  }
0x2dd: {  	v61 =	vld [tilespmem:s12+$0x8050]  }
0x2de: {  	v58 =	vld [tilespmem:s12+$0x8060]  }
0x2df: {  	v49 =	vsub.f32 v57, v49;
	v57 =	vld [tilespmem:s31+$0x8060]  }
0x2e0: {  	v15 =	vld [tilespmem:s16+$0x8060]  }
0x2e1: {  	v22 =	vsub.f32 v0, v1;
	v0 =	vld [tilespmem:$0x1F720]  }
0x2e2: {  	v1 =	vld [tilespmem:$0x1F730]  }
0x2e3: {  	v62 =	vld [tilespmem:$0x1F790]  }
0x2e4: {  	v3 =	vld [tilespmem:s31+$0x8040]  }
0x2e5: {  	v4 =	vld [tilespmem:s31+$0x40]  }
0x2e6: {  	v20 =	vld [tilespmem:s16+$0x40]  }
0x2e7: {  	v34 =	vsub.f32 v0, v1;
	v0 =	vld [tilespmem:$0x1F740]  }
0x2e8: {  	v1 =	vld [tilespmem:$0x1F750]  }
0x2e9: {  	v19 =	vld [tilespmem:s16+$0x8040]  }
0x2ea: {  	v3 =	vsub.f32 v4, v3;
	v4 =	vld [tilespmem:$0x1F870]  }
0x2eb: {  	v23 =	vld [tilespmem:s16+$0x30]  }
0x2ec: {  	v5 =	vld [tilespmem:s31+$0x8030]  }
0x2ed: {  	v50 =	vsub.f32 v0, v1;
	v0 =	vld [tilespmem:$0x1F760]  }
0x2ee: {  	v1 =	vld [tilespmem:$0x1F770]  }
0x2ef: {  	v7 =	vld [tilespmem:s31+$0x8020];
	v4 =	vmax.f32 v4, $0.0e+00  }
0x2f0: {  	[tilespmem:$0x1F970] =	vst v4;
	v4 =	vld [tilespmem:$0x1F880]  }
0x2f1: {  	v6 =	vld [tilespmem:s31+$0x30]  }
0x2f2: {  	v9 =	vld [tilespmem:s31+$0x8010]  }
0x2f3: {  	v54 =	vsub.f32 v0, v1;
	v1 =	vld [tilespmem:s31+$0x8050]  }
0x2f4: {  	v8 =	vld [tilespmem:s31+$0x20]  }
0x2f5: {  	v11 =	vld [tilespmem:s31+$0x8000];
	v4 =	vmax.f32 v4, $0.0e+00  }
0x2f6: {  	[tilespmem:$0x1FCE0] =	vst v4;
	v4 =	vld [tilespmem:$0x1F890]  }
0x2f7: {  	v0 =	vld [tilespmem:$0x1F780]  }
0x2f8: {  	v20 =	vsub.f32 v20, v19;
	v19 =	vsub.f32 v2, v1;
	v1 =	vld [tilespmem:$0x1F7C0]  }
0x2f9: {  	v10 =	vld [tilespmem:s31+$0x10]  }
0x2fa: {  	v13 =	vld [tilespmem:s16+$0x8070]  }
0x2fb: {  	v12 =	vld [tilespmem:s31+$0x0]  }
0x2fc: {  	v18 =	vsub.f32 v18, v17;
	v48 =	vsub.f32 v0, v62;
	v62 =	vld [tilespmem:$0x1F7B0]  }
0x2fd: {  	v17 =	vsub.f32 v6, v5;
	v4 =	vmax.f32 v4, $0.0e+00;
	v6 =	vmax.f32 v1, $0.0e+00;
	v1 =	vld [tilespmem:$0x1F7E0]  }
0x2fe: {  	[tilespmem:$0x1FD00] =	vst v4;
	v4 =	vld [tilespmem:$0x1F8A0]  }
0x2ff: {  	v21 =	vsub.f32 v23, v21;
	v23 =	vld [tilespmem:s31+$0x8070]  }
0x300: {  	v42 =	vsub.f32 v42, v28;
	v0 =	vld [tilespmem:$0x1F7A0]  }
0x301: {  	v28 =	vsub.f32 v16, v15;
	v58 =	vsub.f32 v62, v58;
	v62 =	vld [tilespmem:s31+$0x70]  }
0x302: {  	v11 =	vsub.f32 v12, v11;
	v12 =	vsub.f32 v8, v7;
	v7 =	vmax.f32 v1, $0.0e+00;
	v1 =	vld [tilespmem:$0x1F7F0]  }
0x303: {  	v16 =	vsub.f32 v14, v13;
	v14 =	vsub.f32 v10, v9;
	v9 =	vld [tilespmem:s24+$0x10000];
	v4 =	vmax.f32 v4, $0.0e+00  }
0x304: {  	[tilespmem:$0x1FD20] =	vst v4;
	v4 =	vmax.f32 v63, $0.0e+00;
	v63 =	vld [tilespmem:$0x1FC40]  }
0x305: {  	v61 =	vsub.f32 v0, v61;
	v0 =	vld [tilespmem:s31+$0x60]  }
0x306: {  	v23 =	vsub.f32 v62, v23;
	v62 =	vld [tilespmem:$0x1FDA0]  }
0x307: {  	v53 =	vsub.f32 v53, v45;
	v45 =	vmax.f32 v1, $0.0e+00;
	v1 =	vld [tilespmem:$0x1F800]  }
0x308: {  	[tilespmem:$0x1FD40] =	vst v4;
	v4 =	vmax.f32 v47, $0.0e+00  }
0x309: {  	v43 =	vsub.f32 v43, v35;
	[tilespmem:$0x1FD60] =	vst v4;
	v4 =	vmax.f32 v51, $0.0e+00  }
0x30a: {  	v5 =	vmax.f32 v60, $0.0e+00;
	v10 =	vmax.f32 v59, $0.0e+00;
	[tilespmem:$0x1FD70] =	vst v4;
	v4 =	vmax.f32 v52, $0.0e+00  }
0x30b: {  	[tilespmem:$0x1FD80] =	vst v4;
	v4 =	vmax.f32 v29, $0.0e+00;
	v29 =	vmul.f32 v9, v63;
	v59 =	vmax.f32 v27, $0.0e+00  }
0x30c: {  	v35 =	vsub.f32 v0, v57;
	v27 =	vmul.f32 v6, v62;
	v57 =	vmax.f32 v1, $0.0e+00;
	v1 =	vld [tilespmem:$0x1F810]  }
0x30d: {  	v60 =	vmax.f32 v55, $0.0e+00;
	v11 =	vmax.f32 v11, $0.0e+00;
	v13 =	vmax.f32 v25, $0.0e+00;
	v25 =	vld [tilespmem:s31+$0x10000]  }
0x30e: {  	v15 =	vmax.f32 v36, $0.0e+00;
	v8 =	vmax.f32 v44, $0.0e+00;
	vm0 =	vgt.f32 v27, v29  }
0x30f: {  	v55 =	vmax.f32 v41, $0.0e+00;
	v41 =	vmax.f32 v38, $0.0e+00;
	v27 =	vsel vm0, v9, v62;
	v9 =	vld [tilespmem:$0x1F8B0]  }
0x310: {  	v38 =	vmax.f32 v40, $0.0e+00;
	v52 =	vmax.f32 v26, $0.0e+00;
	v40 =	vmax.f32 v33, $0.0e+00  }
0x311: {  	v26 =	vmax.f32 v32, $0.0e+00;
	v32 =	vld [tilespmem:s16+$0x10000];
	v6 =	vsel vm0, v6, v63;
	v1 =	vmax.f32 v1, $0.0e+00  }
0x312: {  	v36 =	vmax.f32 v31, $0.0e+00;
	v33 =	vmul.f32 v11, v27;
	v44 =	vmul.f32 v25, v6;
	[tilespmem:$0x1F950] =	vst v1;
	v1 =	vld [tilespmem:$0x1F820]  }
0x313: {  	s17 =	sadd.s32 s11, s25;
	v47 =	vmax.f32 v22, $0.0e+00;
	v22 =	vmax.f32 v48, $0.0e+00;
	v48 =	vmax.f32 v61, $0.0e+00  }
0x314: {  	v0 =	vld [tilespmem:$0x1F7D0];
	v29 =	vmax.f32 v34, $0.0e+00;
	v31 =	vsel vm0, s17, v9;
	vm0 =	vgt.f32 v33, v44  }
0x315: {  	v34 =	vmax.f32 v53, $0.0e+00;
	v53 =	vld [tilespmem:s12+$0x10000];
	v11 =	vsel vm0, v11, v6;
	v25 =	vsel vm0, v25, v27  }
0x316: {  	v63 =	vmax.f32 v54, $0.0e+00;
	v54 =	vld [tilespmem:s24+$0x10010];
	v61 =	vmul.f32 v34, v25;
	v62 =	vmul.f32 v32, v11  }
0x317: {  	s18 =	sadd.s32 s11, s15;
	v44 =	vmax.f32 v58, $0.0e+00;
	v58 =	vld [tilespmem:$0x1F8C0];
	v1 =	vmax.f32 v1, $0.0e+00  }
0x318: {  	v31 =	vsel vm0, s18, v31;
	vm0 =	vgt.f32 v61, v62;
	[tilespmem:$0x1FC70] =	vst v1;
	v1 =	vld [tilespmem:$0x1F830]  }
0x319: {  	v11 =	vsel vm0, v34, v11;
	v34 =	vld [tilespmem:$0x1FDE0]  }
0x31a: {  	v51 =	vmax.f32 v18, $0.0e+00;
	v0 =	vmax.f32 v0, $0.0e+00;
	v9 =	vmax.f32 v50, $0.0e+00  }
0x31b: {  	v33 =	vmax.f32 v49, $0.0e+00;
	v50 =	vmax.f32 v28, $0.0e+00;
	v18 =	vsel vm0, v32, v25  }
0x31c: {  	s19 =	sadd.s32 s11, s19;
	v49 =	vmax.f32 v16, $0.0e+00;
	v25 =	vmul.f32 v47, v18;
	v28 =	vmul.f32 v53, v11  }
0x31d: {  	v62 =	vmax.f32 v20, $0.0e+00;
	v20 =	vsel vm0, s19, v31;
	v1 =	vmax.f32 v1, $0.0e+00  }
0x31e: {  	v61 =	vmul.f32 v54, v58;
	vm0 =	vgt.f32 v25, v28;
	v16 =	vmul.f32 v0, v34;
	[tilespmem:$0x1FC90] =	vst v1;
	v1 =	vld [tilespmem:$0x1F840]  }
0x31f: {  	s22 =	sadd.s32 s11, s22;
	v6 =	vmax.f32 v21, $0.0e+00;
	v11 =	vsel vm0, v47, v11  }
0x320: {  	v21 =	vld [tilespmem:s10+$0x10000];
	v18 =	vsel vm0, v53, v18;
	v20 =	vsel vm0, s22, v20;
	vm0 =	vgt.f32 v16, v61  }
0x321: {  	v0 =	vsel vm0, v0, v58;
	v58 =	vld [tilespmem:$0x1F8D0]  }
0x322: {  	v31 =	vld [tilespmem:s31+$0x10010]  }
0x323: {  	v2 =	vmax.f32 v1, $0.0e+00;
	v1 =	vld [tilespmem:$0x1F850]  }
0x324: {  	v43 =	vmax.f32 v43, $0.0e+00;
	v14 =	vmax.f32 v14, $0.0e+00  }
0x325: {  	v28 =	vld [tilespmem:s8+$0x10000];
	v25 =	vmul.f32 v21, v11;
	v16 =	vmul.f32 v52, v18;
	v32 =	vsel vm0, v54, v34  }
0x326: {  	v27 =	vmax.f32 v42, $0.0e+00;
	v42 =	vld [tilespmem:s16+$0x10010];
	v61 =	vmul.f32 v14, v32;
	v34 =	vsel vm0, s17, v58  }
0x327: {  	s21 =	sadd.s32 s11, s21;
	v58 =	vmul.f32 v31, v0;
	vm0 =	vgt.f32 v16, v25;
	v25 =	vmax.f32 v17, $0.0e+00  }
0x328: {  	v16 =	vsel vm0, v21, v18;
	v21 =	vsel vm0, s21, v20;
	v1 =	vmax.f32 v1, $0.0e+00  }
0x329: {  	v17 =	vsel vm0, v52, v11;
	vm1 =	vgt.f32 v61, v58;
	v18 =	vmul.f32 v15, v16;
	[tilespmem:$0x1F910] =	vst v1;
	v1 =	vld [tilespmem:$0x1F860]  }
0x32a: {  	v20 =	vld [tilespmem:s12+$0x10010];
	v0 =	vsel vm1, v14, v0;
	v14 =	vsel vm1, v31, v32;
	v31 =	vmul.f32 v28, v17  }
0x32b: {  	v54 =	vld [tilespmem:s5+$0x10000];
	v32 =	vsel vm1, s18, v34;
	v34 =	vmul.f32 v43, v14;
	v61 =	vmul.f32 v42, v0  }
0x32c: {  	v11 =	vmax.f32 v3, $0.0e+00;
	v58 =	vld [tilespmem:s24+$0x10020]  }
0x32d: {  	v3 =	vmax.f32 v19, $0.0e+00;
	vm8 =	vgt.f32 v18, v31;
	v18 =	vld [tilespmem:s10+$0x10010];
	vm0 =	vgt.f32 v34, v61  }
0x32e: {  	v0 =	vsel vm0, v43, v0;
	v14 =	vsel vm0, v42, v14;
	v42 =	vld [tilespmem:$0x1FEB0];
	v1 =	vmax.f32 v1, $0.0e+00  }
0x32f: {  	v52 =	vmax.f32 v23, $0.0e+00;
	v19 =	vmul.f32 v29, v14;
	v23 =	vmul.f32 v20, v0;
	v43 =	vmovc v1;
	v1 =	vld [tilespmem:$0x1F8E0]  }
0x330: {  	v17 =	vsel vm8, v15, v17  }
0x331: {  	v16 =	vsel vm8, v28, v16;
	v15 =	vsel vm0, s19, v32;
	vm10 =	vgt.f32 v19, v23  }
0x332: {  	v31 =	vmul.f32 v10, v16;
	v32 =	vmul.f32 v54, v17;
	v14 =	vsel vm10, v20, v14  }
0x333: {  	v28 =	vld [tilespmem:s31+$0x10020];
	v0 =	vsel vm10, v29, v0;
	v34 =	vmul.f32 v7, v42;
	v20 =	vmul.f32 v13, v14  }
0x334: {  	v19 =	vld [tilespmem:s8+$0x10010];
	v23 =	vmul.f32 v18, v0;
	v61 =	vmul.f32 v58, v1  }
0x335: {  	v12 =	vmax.f32 v12, $0.0e+00;
	vm0 =	vgt.f32 v31, v32  }
0x336: {  	v10 =	vsel vm0, v10, v17;
	vm11 =	vgt.f32 v20, v23;
	vm9 =	vgt.f32 v34, v61  }
0x337: {  	v31 =	vld [tilespmem:s16+$0x10020];
	v0 =	vsel vm11, v13, v0;
	v7 =	vsel vm9, v7, v1;
	v29 =	vsel vm9, v58, v42  }
0x338: {  	v20 =	vld [tilespmem:s4+$0x10000];
	v13 =	vsel vm11, v18, v14;
	v17 =	vmul.f32 v12, v29;
	v58 =	vmul.f32 v28, v7  }
0x339: {  	v14 =	vsel vm0, v54, v16;
	v16 =	vld [tilespmem:s5+$0x10010];
	v18 =	vmul.f32 v19, v0;
	v1 =	vimm.s32 $0x0  }
0x33a: {  	v1 =	vsel vm0, $0xFFFFFFFF, v1;
	vm0 =	vgt.f32 v17, v58;
	v17 =	vmul.f32 v8, v13  }
0x33b: {  	v7 =	vsel vm0, v12, v7;
	v12 =	vsel vm0, v28, v29;
	v28 =	vmul.f32 v2, v14  }
0x33c: {  	v29 =	vmul.f32 v27, v12;
	v61 =	vmul.f32 v31, v7;
	vm12 =	vgt.f32 v17, v18  }
0x33d: {  	v0 =	vsel vm12, v8, v0;
	v8 =	vsel vm12, v19, v13;
	v13 =	vmul.f32 v20, v10  }
0x33e: {  	[tilespmem:$0x1FAF0] =	vst v1;
	v1 =	vimm.s32 $0x0;
	v18 =	vmul.f32 v5, v8;
	v19 =	vmul.f32 v16, v0  }
0x33f: {  	v1 =	vsel vm0, $0xFFFFFFFF, v1  }
0x340: {  	vm5 =	vgt.f32 v29, v61;
	vm0 =	vgt.f32 v28, v13;
	vm15 =	vgt.f32 v18, v19  }
0x341: {  	v23 =	vld [tilespmem:s12+$0x10020];
	v27 =	vsel vm5, v27, v7;
	v7 =	vsel vm15, v5, v0;
	v0 =	vsel vm0, v2, v10  }
0x342: {  	v17 =	vld [tilespmem:s24+$0x10030];
	[tilespmem:$0x1FC40] =	vst v0;
	v0 =	vimm.s32 $0x0  }
0x343: {  	[tilespmem:$0x1FA40] =	vst v1;
	v1 =	vld [tilespmem:$0x1F900];
	v0 =	vsel vm0, $0xFFFFFFFF, v0  }
0x344: {  	[tilespmem:$0x1FD90] =	vst v0;
	v0 =	vsel vm0, v20, v14;
	v14 =	vld [tilespmem:$0x1F8F0];
	_ =	sdelay $0x1  }
0x345: {  	v29 =	vld [tilespmem:s10+$0x10020];
	v12 =	vsel vm5, v31, v12  }
0x346: {  	v13 =	vmul.f32 v9, v12;
	v28 =	vmul.f32 v23, v27  }
0x347: {  	v18 =	vld [tilespmem:s31+$0x10030]  }
0x348: {  	v2 =	vmul.f32 v17, v1;
	vm4 =	vgt.f32 v13, v28;
	[tilespmem:$0x1FDA0] =	vst v0;
	v0 =	vmul.f32 v45, v14  }
0x349: {  	v9 =	vsel vm4, v9, v27;
	v10 =	vsel vm4, v23, v12;
	v12 =	vld [tilespmem:s8+$0x10020]  }
0x34a: {  	vm7 =	vgt.f32 v0, v2;
	v0 =	vmul.f32 v4, v10;
	v2 =	vmul.f32 v29, v9  }
0x34b: {  	v39 =	vmax.f32 v39, $0.0e+00;
	v13 =	vsel vm7, v45, v1;
	v14 =	vsel vm7, v17, v14  }
0x34c: {  	v19 =	vmul.f32 v25, v14;
	v20 =	vmul.f32 v18, v13;
	vm3 =	vgt.f32 v0, v2  }
0x34d: {  	v5 =	vld [tilespmem:s4+$0x10010];
	v1 =	vimm.s32 $0x0;
	v2 =	vsel vm3, v4, v9;
	v4 =	vsel vm3, v29, v10  }
0x34e: {  	v45 =	vld [tilespmem:$0x1F910];
	vm0 =	vgt.f32 v19, v20;
	v10 =	vmul.f32 v39, v4;
	v19 =	vmul.f32 v12, v2  }
0x34f: {  	v8 =	vsel vm15, v16, v8;
	v16 =	vld [tilespmem:s16+$0x10030];
	v13 =	vsel vm0, v25, v13;
	v1 =	vsel vm0, $0xFFFFFFFF, v1  }
0x350: {  	v0 =	vld [tilespmem:s24+$0x10040];
	v14 =	vsel vm0, v18, v14;
	[tilespmem:$0x1FDB0] =	vst v1;
	vm0 =	vgt.f32 v10, v19;
	v1 =	vimm.s32 $0x0  }
0x351: {  	v20 =	vld [tilespmem:$0x1F920];
	v1 =	vsel vm0, $0xFFFFFFFF, v1  }
0x352: {  	[tilespmem:$0x1FDC0] =	vst v1;
	v1 =	vld [tilespmem:$0x1F930]  }
0x353: {  	v9 =	vmul.f32 v5, v7;
	v17 =	vmul.f32 v45, v8;
	_ =	sdelay $0x1  }
0x354: {  	v18 =	vld [tilespmem:s12+$0x10030];
	vm6 =	vgt.f32 v17, v9;
	v9 =	vmul.f32 v6, v14;
	v17 =	vmul.f32 v16, v13  }
0x355: {  	v24 =	vmax.f32 v24, $0.0e+00;
	v10 =	vld [tilespmem:s5+$0x10020];
	v2 =	vsel vm0, v39, v2;
	v5 =	vsel vm6, v5, v8  }
0x356: {  	v19 =	vld [tilespmem:s31+$0x10040];
	[tilespmem:$0x1FDE0] =	vst v5;
	v5 =	vmul.f32 v57, v20;
	vm2 =	vgt.f32 v9, v17;
	v8 =	vmul.f32 v0, v1  }
0x357: {  	v4 =	vsel vm0, v12, v4;
	v6 =	vsel vm2, v6, v13;
	v9 =	vsel vm2, v16, v14  }
0x358: {  	v13 =	vmul.f32 v60, v4;
	vm0 =	vgt.f32 v5, v8;
	v5 =	vmul.f32 v63, v9  }
0x359: {  	v12 =	vld [tilespmem:s10+$0x10030];
	v8 =	vmul.f32 v18, v6;
	v14 =	vsel vm0, v57, v1;
	v1 =	vimm.s32 $0x0  }
0x35a: {  	v17 =	vmul.f32 v10, v2;
	v0 =	vsel vm0, v0, v20;
	v1 =	vsel vm0, $0xFFFFFFFF, v1  }
0x35b: {  	v20 =	vmul.f32 v11, v0;
	v23 =	vmul.f32 v19, v14;
	vm0 =	vgt.f32 v5, v8  }
0x35c: {  	v16 =	vld [tilespmem:s16+$0x10040];
	[tilespmem:$0x1FDD0] =	vst v1;
	v5 =	vsel vm0, v63, v6;
	v1 =	vimm.s32 $0x0;
	v6 =	vsel vm0, v18, v9  }
0x35d: {  	v1 =	vsel vm0, $0xFFFFFFFF, v1;
	vm0 =	vgt.f32 v13, v17;
	vm1 =	vgt.f32 v20, v23  }
0x35e: {  	v8 =	vld [tilespmem:s8+$0x10030];
	v9 =	vmul.f32 v59, v6;
	v13 =	vmul.f32 v12, v5;
	[tilespmem:$0x1FDF0] =	vst v1;
	v1 =	vimm.s32 $0x0  }
0x35f: {  	v11 =	vsel vm1, v11, v14;
	v0 =	vsel vm1, v19, v0;
	v1 =	vsel vm1, $0xFFFFFFFF, v1  }
0x360: {  	v32 =	vsel vm0, v60, v2;
	vm1 =	vgt.f32 v9, v13;
	[tilespmem:$0x1FE00] =	vst v1;
	v1 =	vimm.s32 $0x0  }
0x361: {  	v14 =	vld [tilespmem:s12+$0x10040];
	v2 =	vmul.f32 v62, v0;
	v17 =	vmul.f32 v16, v11;
	v1 =	vsel vm1, $0xFFFFFFFF, v1  }
0x362: {  	v5 =	vsel vm1, v59, v5;
	v6 =	vsel vm1, v12, v6;
	[tilespmem:$0x1FE10] =	vst v1;
	v1 =	vimm.s32 $0x0  }
0x363: {  	v12 =	vsel vm0, v10, v4;
	v4 =	vmul.f32 v8, v5;
	v1 =	vsel vm0, $0xFFFFFFFF, v1  }
0x364: {  	v25 =	vld [tilespmem:$0x1F950];
	vm0 =	vgt.f32 v2, v17;
	v2 =	vmul.f32 v55, v6;
	[tilespmem:$0x1FE30] =	vst v1;
	v1 =	vimm.s32 $0x0  }
0x365: {  	v10 =	vsel vm0, v62, v11;
	v0 =	vsel vm0, v16, v0;
	v11 =	vld [tilespmem:s10+$0x10040];
	v1 =	vsel vm0, $0xFFFFFFFF, v1  }
0x366: {  	v23 =	vld [tilespmem:$0x1F940];
	v17 =	vmul.f32 v22, v0;
	v18 =	vmul.f32 v14, v10;
	vm0 =	vgt.f32 v2, v4  }
0x367: {  	v13 =	vld [tilespmem:s4+$0x10020];
	[tilespmem:$0x1FE20] =	vst v1;
	v5 =	vsel vm0, v55, v5;
	v1 =	vimm.s32 $0x0;
	v6 =	vsel vm0, v8, v6  }
0x368: {  	v9 =	vld [tilespmem:s24+$0x10050];
	v1 =	vsel vm0, $0xFFFFFFFF, v1;
	vm0 =	vgt.f32 v17, v18;
	v17 =	vimm.s32 $0x0  }
0x369: {  	[tilespmem:$0x1FE50] =	vst v1;
	v1 =	vld [tilespmem:$0x1F960];
	v10 =	vsel vm0, v22, v10;
	v17 =	vsel vm0, $0xFFFFFFFF, v17;
	v0 =	vsel vm0, v14, v0  }
0x36a: {  	v47 =	vld [tilespmem:$0x1FEF0];
	[tilespmem:$0x1FE40] =	vst v17;
	v17 =	vmul.f32 v24, v0;
	v18 =	vmul.f32 v11, v10  }
0x36b: {  	v56 =	vmax.f32 v56, $0.0e+00;
	v46 =	vmax.f32 v46, $0.0e+00;
	v37 =	vmax.f32 v37, $0.0e+00;
	v19 =	vld [tilespmem:s5+$0x10030]  }
0x36c: {  	v53 =	vmax.f32 v35, $0.0e+00;
	v35 =	vld [tilespmem:s4+$0x10030];
	v16 =	vmul.f32 v43, v12;
	vm13 =	vgt.f32 v17, v18  }
0x36d: {  	v2 =	vld [tilespmem:s31+$0x10050];
	v4 =	vmul.f32 v25, v23;
	v61 =	vsel vm13, v11, v0;
	v0 =	vimm.s32 $0x0  }
0x36e: {  	v42 =	vld [tilespmem:$0x1FED0];
	v8 =	vmul.f32 v13, v32;
	v20 =	vmul.f32 v9, v1;
	v0 =	vsel vm13, $0xFFFFFFFF, v0  }
0x36f: {  	v31 =	vld [tilespmem:$0x1FF10];
	v14 =	vmul.f32 v56, v6;
	v60 =	vsel vm13, v24, v10;
	[tilespmem:$0x1FE70] =	vst v0;
	v0 =	vmul.f32 v37, v61  }
0x370: {  	v29 =	vld [tilespmem:$0x1FF00];
	vm0 =	vgt.f32 v4, v20;
	v4 =	vimm.s32 $0x0;
	v20 =	vmul.f32 v19, v5  }
0x371: {  	v62 =	vld [tilespmem:s8+$0x10040];
	v1 =	vsel vm0, v25, v1;
	v4 =	vsel vm0, $0xFFFFFFFF, v4;
	v9 =	vsel vm0, v9, v23  }
0x372: {  	[tilespmem:$0x1FE60] =	vst v4;
	v4 =	vld [tilespmem:s16+$0x10050];
	v22 =	vmul.f32 v3, v9;
	v23 =	vmul.f32 v2, v1;
	vm1 =	vgt.f32 v14, v20  }
0x373: {  	v18 =	vld [tilespmem:$0x1F970];
	vm0 =	vgt.f32 v16, v8;
	v39 =	vsel vm1, v19, v6;
	v6 =	vimm.s32 $0x0  }
0x374: {  	p0 =	sne.s32 s20, $0xF;
	v57 =	vld [tilespmem:$0x1FEE0];
	v34 =	vsel vm1, v56, v5;
	vm14 =	vgt.f32 v22, v23;
	v6 =	vsel vm1, $0xFFFFFFFF, v6  }
.Ltmp2:
0x375: {  	v63 =	vld [tilespmem:s5+$0x10040];
	v10 =	vsel vm14, v3, v1;
	v1 =	vimm.s32 $0x0;
	v9 =	vsel vm14, v2, v9;
	(pc) =	sbr.rel @p0 .LBB2_3-.Ltmp2, $4  }
0x376: {  	v11 =	vld [tilespmem:s24+$0x10070];
	v5 =	vimm.s32 $0x0;
	[tilespmem:$0x1FE90] =	vst v6;
	v1 =	vsel vm14, $0xFFFFFFFF, v1;
	v3 =	vmul.f32 v51, v9  }
0x377: {  	v25 =	vld [tilespmem:s24+$0x10060];
	v5 =	vsel vm0, $0xFFFFFFFF, v5;
	[tilespmem:$0x1FE80] =	vst v1;
	v1 =	vmul.f32 v62, v60;
	v8 =	vmul.f32 v4, v10  }
0x378: {  	v30 =	vmax.f32 v30, $0.0e+00;
	v56 =	vld [tilespmem:$0x1FEC0];
	v59 =	vmul.f32 v18, v39;
	[tilespmem:$0x1FEA0] =	vst v5;
	v5 =	vsel vm0, v13, v12  }
0x379: {  	s20 =	sadd.s32 $0x1, s20;
	v58 =	vmul.f32 v35, v34;
	v2 =	vld [tilespmem:s12+$0x10050];
	[tilespmem:$0x1FEB0] =	vst v5;
	vm14 =	vgt.f32 v3, v8;
	vm13 =	vgt.f32 v0, v1  }
0x37a: {  	v0 =	vld [tilespmem:s4+$0x10040];
	_ =	sdelay $0x2  }
0x37b: {  	v8 =	vld [tilespmem:s10+$0x10050]  }
0x37c: {  	v17 =	vld [tilespmem:s31+$0x10060]  }
0x37d: {  	[tilespmem:$0x1EC10] =	vst v0;
	v0 =	vld [tilespmem:s5+$0x10070]  }
0x37e: {  	v20 =	vld [tilespmem:s31+$0x10070]  }
0x37f: {  	v23 =	vld [tilespmem:s16+$0x10060]  }
0x380: {  	v19 =	vld [tilespmem:s8+$0x10050]  }
0x381: {  	v28 =	vld [tilespmem:s16+$0x10070]  }
0x382: {  	[tilespmem:$0x1EC00] =	vst v0;
	v0 =	vld [tilespmem:s4+$0x10050]  }
0x383: {  	v22 =	vld [tilespmem:s12+$0x10060]  }
0x384: {  	v27 =	vld [tilespmem:s12+$0x10070]  }
0x385: {  	v13 =	vld [tilespmem:s10+$0x10060]  }
0x386: {  	v6 =	vld [tilespmem:s10+$0x10070]  }
0x387: {  	[tilespmem:$0x1EC20] =	vst v0;
	v0 =	vld [tilespmem:s4+$0x10060]  }
0x388: {  	v24 =	vld [tilespmem:s5+$0x10050]  }
0x389: {  	v12 =	vld [tilespmem:s8+$0x10060];
	s20 =	sshll.u32 s30, $0xC;
	p0 =	seq.s32 s30, $0x2  }
0x38a: {  	v54 =	vld [tilespmem:s5+$0x10060];
	s5 =	sadd.s32 @!p0 s20, s14  }
0x38b: {  	v16 =	vld [tilespmem:s8+$0x10070];
	s10 =	simm.s32 @!p0 $0x0;
	s8 =	sadd.s32 @!p0 s0, s5  }
0x38c: {  	[tilespmem:$0x1EC50] =	vst v0;
	v0 =	vld [tilespmem:s4+$0x10070];
	[tilespmem:s10], [sflag:$0x1] =	stream.linear.gather @!p0 [hbm4b:s8+s10], $0x4000, $0x38  }
0x38d: {  	s4 =	sadd.s32 @!p0 s2, s5;
	s8 =	simm.s32 @!p0 $0x8000  }
0x38e: {  	[tilespmem:s8], [sflag:$0x1] =	stream.linear.gather @!p0 [hbm4b:s4+s10], $0x4000, $0x38;
	[tilespmem:$0x19280] =	vst v63  }
0x38f: {  	s4 =	sadd.s32 @!p0 s3, s5;
	s5 =	simm.s32 @!p0 $0x10000  }
0x390: {  	[tilespmem:s5], [sflag:$0x1] =	stream.linear.gather @!p0 [hbm4b:s4+s10], $0x4000, $0x38;
	[tilespmem:$0x19280] =	vst v63  }
0x391: {  	[tilespmem:$0x1EC60] =	vst v0  }
0x392: {  	_ =	swait.ge [sflag:s29], $0x4000  }
0x393: {  	[sflag:s29] =	ssyncset.done $0x0  }
0x394: {  	[sflag:s29] =	ssyncadd.s32 $0xFFFFC000  }
0x395: {  	_ =	swait.ge [sflag:s29], $0x4000  }
0x396: {  	[sflag:s29] =	ssyncset.done $0x0  }
0x397: {  	[sflag:s29] =	ssyncadd.s32 $0xFFFFC000  }
0x398: {  	_ =	swait.ge [sflag:s29], $0x4000  }
0x399: {  	[sflag:s29] =	ssyncset.done $0x0  }
0x39a: {  	s24 =	simm.s32 $0x0;
	[sflag:s29] =	ssyncadd.s32 $0xFFFFC000  }
0x39b: {  	v0 =	vld [tilespmem:s24+$0x4000];
	_ =	sdelay $0x4  }
0x39c: {  	[tilespmem:$0x1EBF0] =	vst v0;
	v0 =	vld [tilespmem:s24+$0x4010];
	_ =	sdelay $0x4  }
0x39d: {  	[tilespmem:$0x1EC30] =	vst v0;
	v0 =	vld [tilespmem:s24+$0xC010];
	_ =	sdelay $0x4  }
0x39e: {  	[tilespmem:$0x1EC40] =	vst v0;
	v0 =	vld [tilespmem:s24+$0x4020];
	_ =	sdelay $0x4  }
0x39f: {  	[tilespmem:$0x1ECE0] =	vst v0;
	v0 =	vld [tilespmem:s24+$0xC020];
	_ =	sdelay $0x4  }
0x3a0: {  	[tilespmem:$0x1ECF0] =	vst v0;
	v0 =	vld [tilespmem:s24+$0x4030];
	_ =	sdelay $0x4  }
0x3a1: {  	[tilespmem:$0x1ED60] =	vst v0;
	v0 =	vld [tilespmem:s24+$0xC030];
	_ =	sdelay $0x4  }
0x3a2: {  	[tilespmem:$0x1ED70] =	vst v0;
	v0 =	vld [tilespmem:s24+$0x4040];
	_ =	sdelay $0x4  }
0x3a3: {  	[tilespmem:$0x1EDA0] =	vst v0;
	v0 =	vld [tilespmem:s24+$0xC040];
	_ =	sdelay $0x4  }
0x3a4: {  	[tilespmem:$0x1EDB0] =	vst v0;
	v0 =	vld [tilespmem:s24+$0x4050];
	_ =	sdelay $0x4  }
0x3a5: {  	[tilespmem:$0x1EDC0] =	vst v0;
	v0 =	vld [tilespmem:s24+$0xC050];
	_ =	sdelay $0x4  }
0x3a6: {  	[tilespmem:$0x1EDD0] =	vst v0;
	v0 =	vld [tilespmem:s24+$0x4060];
	_ =	sdelay $0x4  }
0x3a7: {  	[tilespmem:$0x1EDE0] =	vst v0;
	v0 =	vld [tilespmem:s24+$0xC060];
	_ =	sdelay $0x4  }
0x3a8: {  	[tilespmem:$0x1EDF0] =	vst v0;
	v0 =	vld [tilespmem:s24+$0x4070];
	_ =	sdelay $0x4  }
0x3a9: {  	[tilespmem:$0x1EE00] =	vst v0;
	v0 =	vld [tilespmem:s24+$0xC070];
	_ =	sdelay $0x1  }
0x3aa: {  	s16 =	simm.s32 $0x0  }
0x3ab: {  	s4 =	sshllo.u32 s16, $0x3  }
0x3ac: {  	s5 =	sshll.u32 s4, $0x7  }
0x3ad: {  	[tilespmem:$0x1EE10] =	vst v0;
	v0 =	vld [tilespmem:s5+$0x4000];
	_ =	sdelay $0x4  }
0x3ae: {  	[tilespmem:$0x1ED80] =	vst v0;
	v0 =	vld [tilespmem:s5+$0xC000];
	_ =	sdelay $0x4  }
0x3af: {  	[tilespmem:$0x1ED90] =	vst v0;
	v0 =	vld [tilespmem:s5+$0x4010];
	_ =	sdelay $0x4  }
0x3b0: {  	[tilespmem:$0x1EE40] =	vst v0;
	v0 =	vld [tilespmem:s5+$0xC010];
	_ =	sdelay $0x4  }
0x3b1: {  	[tilespmem:$0x1EE50] =	vst v0;
	v0 =	vld [tilespmem:s5+$0x4020];
	_ =	sdelay $0x4  }
0x3b2: {  	[tilespmem:$0x1EE60] =	vst v0;
	v0 =	vld [tilespmem:s5+$0xC020];
	_ =	sdelay $0x4  }
0x3b3: {  	[tilespmem:$0x1EE70] =	vst v0;
	v0 =	vld [tilespmem:s5+$0x4030];
	_ =	sdelay $0x4  }
0x3b4: {  	[tilespmem:$0x1EE80] =	vst v0;
	v0 =	vld [tilespmem:s5+$0xC030];
	_ =	sdelay $0x4  }
0x3b5: {  	[tilespmem:$0x1EE90] =	vst v0;
	v0 =	vld [tilespmem:s5+$0x4040];
	_ =	sdelay $0x4  }
0x3b6: {  	[tilespmem:$0x1EEA0] =	vst v0;
	v0 =	vld [tilespmem:s5+$0xC040];
	_ =	sdelay $0x4  }
0x3b7: {  	[tilespmem:$0x1EEB0] =	vst v0;
	v0 =	vld [tilespmem:$0x1FC70];
	_ =	sdelay $0x1  }
0x3b8: {  	v1 =	vld [tilespmem:s5+$0x4050];
	_ =	sdelay $0x2  }
0x3b9: {  	v3 =	vmul.f32 v25, v31;
	v14 =	vmul.f32 v0, v29;
	_ =	sdelay $0x1  }
0x3ba: {  	[tilespmem:$0x1EEC0] =	vst v1;
	v1 =	vld [tilespmem:s5+$0xC050];
	vm0 =	vgt.f32 v14, v3  }
0x3bb: {  	v31 =	vsel vm0, v0, v31;
	v0 =	vld [tilespmem:s5+$0xC060];
	_ =	sdelay $0x3  }
0x3bc: {  	[tilespmem:$0x1EED0] =	vst v1;
	v1 =	vld [tilespmem:$0x1FC90]  }
0x3bd: {  	[tilespmem:$0x1EEF0] =	vst v0;
	v0 =	vld [tilespmem:s5+$0x4070];
	_ =	sdelay $0x3  }
0x3be: {  	[tilespmem:$0x1ED10] =	vst v43;
	v43 =	vmul.f32 v11, v56;
	v5 =	vmul.f32 v1, v42  }
0x3bf: {  	[tilespmem:$0x1EF10] =	vst v0;
	v0 =	vld [tilespmem:s5+$0xC070]  }
0x3c0: {  	v3 =	vld [tilespmem:$0x1FE60];
	v25 =	vsel vm0, v25, v29;
	v29 =	vmovc v45;
	v45 =	vsel vm0, s17, v47;
	vm0 =	vgt.f32 v5, v43;
	v14 =	vmovc v56  }
0x3c1: {  	v1 =	vsel vm0, v1, v14;
	v14 =	vld [tilespmem:$0x1FF20];
	_ =	sdelay $0x1  }
0x3c2: {  	v47 =	vmul.f32 v53, v25;
	v56 =	vmul.f32 v17, v31;
	v11 =	vsel vm0, v11, v42  }
0x3c3: {  	v42 =	vmul.f32 v52, v11;
	[tilespmem:$0x1EF20] =	vst v0;
	v0 =	vmul.f32 v20, v1  }
0x3c4: {  	s8 =	sor.u32 $0x6, s26;
	v43 =	vsel vm0, s17, v57;
	vm1 =	vnez.u8 v3  }
0x3c5: {  	s10 =	sshll.u32 s8, $0x7;
	vm0 =	vgt.f32 v47, v56;
	v47 =	vsel vm1, s17, v14;
	vm1 =	vgt.f32 v42, v0  }
0x3c6: {  	v57 =	vsel vm1, v52, v1;
	v1 =	vld [tilespmem:s10+$0xC010];
	_ =	sdelay $0x4  }
0x3c7: {  	[tilespmem:$0x1EE30] =	vst v1;
	v1 =	vld [tilespmem:s10+$0x4020];
	_ =	sdelay $0x4  }
0x3c8: {  	[tilespmem:$0x1EF30] =	vst v1;
	v1 =	vld [tilespmem:$0x1FE80];
	_ =	sdelay $0x4  }
0x3c9: {  	v11 =	vsel vm1, v20, v11;
	v43 =	vsel vm1, s18, v43;
	vm1 =	vnez.u8 v1;
	v1 =	vld [tilespmem:s10+$0xC040];
	_ =	sdelay $0x2  }
0x3ca: {  	v31 =	vsel vm0, v53, v31;
	v25 =	vsel vm0, v17, v25  }
0x3cb: {  	v53 =	vmul.f32 v50, v25;
	v56 =	vmul.f32 v23, v31  }
0x3cc: {  	v10 =	vsel vm14, v51, v10;
	v0 =	vsel vm0, s18, v45;
	[tilespmem:$0x1EF40] =	vst v1;
	v1 =	vld [tilespmem:s10+$0xC050]  }
0x3cd: {  	vm0 =	vgt.f32 v53, v56;
	v20 =	vmul.f32 v49, v11;
	v17 =	vmul.f32 v28, v57  }
0x3ce: {  	v31 =	vsel vm0, v50, v31;
	v23 =	vsel vm0, v23, v25;
	v0 =	vsel vm0, s19, v0  }
0x3cf: {  	v25 =	vmul.f32 v44, v23;
	v56 =	vmul.f32 v22, v31;
	vm0 =	vgt.f32 v20, v17  }
0x3d0: {  	v4 =	vsel vm14, v4, v9;
	v52 =	vmul.f32 v2, v10;
	v20 =	vsel vm0, v49, v57  }
0x3d1: {  	v11 =	vsel vm0, v28, v11;
	v28 =	vsel vm0, s19, v43;
	vm0 =	vgt.f32 v25, v56;
	[tilespmem:$0x1EF50] =	vst v1;
	v1 =	vld [tilespmem:s10+$0x4060]  }
0x3d2: {  	v57 =	vmul.f32 v33, v11;
	v25 =	vsel vm0, v44, v31;
	v31 =	vmul.f32 v48, v4  }
0x3d3: {  	v3 =	vld [tilespmem:s10+$0xC000];
	v17 =	vmul.f32 v27, v20;
	v22 =	vsel vm0, v22, v23;
	v0 =	vsel vm0, s22, v0  }
0x3d4: {  	v23 =	vmul.f32 v36, v22;
	v56 =	vmul.f32 v13, v25;
	vm0 =	vgt.f32 v31, v52  }
0x3d5: {  	v10 =	vsel vm0, v48, v10;
	v2 =	vsel vm0, v2, v4;
	v47 =	vsel vm1, s18, v47  }
0x3d6: {  	v45 =	vmul.f32 v40, v2;
	vm1 =	vgt.f32 v57, v17;
	v9 =	vsel vm14, s19, v47;
	[tilespmem:$0x1EF60] =	vst v1;
	v1 =	vld [tilespmem:s10+$0xC060]  }
0x3d7: {  	v20 =	vsel vm1, v33, v20;
	v11 =	vsel vm1, v27, v11;
	v27 =	vsel vm1, s22, v28  }
0x3d8: {  	[tilespmem:$0x1ECC0] =	vst v3;
	v3 =	vld [tilespmem:s10+$0x4010];
	vm1 =	vgt.f32 v23, v56;
	v28 =	vmul.f32 v26, v11;
	v31 =	vmul.f32 v6, v20  }
0x3d9: {  	v47 =	vmul.f32 v8, v10;
	v57 =	vsel vm0, s22, v9;
	v25 =	vsel vm1, v36, v25  }
0x3da: {  	v13 =	vsel vm1, v13, v22;
	v0 =	vsel vm1, s21, v0;
	vm0 =	vgt.f32 v28, v31  }
0x3db: {  	s12 =	sor.u32 $0x5, s26;
	vm1 =	vgt.f32 v45, v47;
	v20 =	vsel vm0, v26, v20;
	[tilespmem:$0x1EF70] =	vst v1;
	v1 =	vsel vm0, v6, v11  }
0x3dc: {  	s16 =	sshll.u32 s12, $0x7;
	v28 =	vmul.f32 v16, v20;
	v11 =	vsel vm0, s21, v27;
	v27 =	vmul.f32 v38, v1  }
0x3dd: {  	[tilespmem:$0x1EE20] =	vst v3;
	v3 =	vld [tilespmem:s16+$0x4030];
	v10 =	vsel vm1, v40, v10  }
0x3de: {  	v2 =	vsel vm1, v8, v2;
	v8 =	vsel vm1, s21, v57;
	vm1 =	vgt.f32 v27, v28  }
0x3df: {  	v4 =	vsel vm1, v16, v1;
	v1 =	vld [tilespmem:s16+$0x4050]  }
0x3e0: {  	v22 =	vmul.f32 v30, v13;
	v26 =	vmul.f32 v12, v25;
	_ =	sdelay $0x1  }
0x3e1: {  	s15 =	sadd.s32 s11, s13;
	[tilespmem:$0x1EF80] =	vst v3;
	v3 =	vld [tilespmem:s16+$0xC030];
	vm0 =	vgt.f32 v22, v26  }
0x3e2: {  	v31 =	vsel vm0, s15, v0;
	v0 =	vld [tilespmem:s16+$0x4040]  }
0x3e3: {  	[tilespmem:$0x1EFE0] =	vst v1;
	v1 =	vld [tilespmem:$0x1FF80];
	_ =	sdelay $0x2  }
0x3e4: {  	v5 =	vld [tilespmem:$0x1FDD0]  }
0x3e5: {  	v56 =	vmul.f32 v41, v2;
	[tilespmem:$0x1EFC0] =	vst v0;
	v0 =	vld [tilespmem:s16+$0xC040]  }
0x3e6: {  	[tilespmem:$0x1EF90] =	vst v3;
	v22 =	vsel vm0, v30, v25;
	v25 =	vmul.f32 v19, v10;
	v3 =	vsel vm7, s17, v1;
	v1 =	vld [tilespmem:$0x1FF50];
	_ =	sdelay $0x1  }
0x3e7: {  	v26 =	vsel vm0, v12, v13;
	vm0 =	vgt.f32 v56, v25  }
0x3e8: {  	v2 =	vsel vm0, v19, v2  }
0x3e9: {  	v6 =	vsel vm0, s15, v8;
	[tilespmem:$0x1EFD0] =	vst v0;
	v0 =	vsel vm0, v41, v10;
	vm0 =	vnez.u8 v5  }
0x3ea: {  	v8 =	vsel vm0, s17, v1;
	v1 =	vld [tilespmem:$0x1FFB0];
	_ =	sdelay $0x4  }
0x3eb: {  	v10 =	vsel vm9, s17, v1;
	v1 =	vld [tilespmem:s16+$0xC050];
	_ =	sdelay $0x4  }
0x3ec: {  	[tilespmem:$0x1EFF0] =	vst v1;
	v1 =	vld [tilespmem:$0x1FDB0];
	_ =	sdelay $0x4  }
0x3ed: {  	vm0 =	vnez.u8 v1;
	v1 =	vld [tilespmem:$0x1FE00];
	_ =	sdelay $0x4  }
0x3ee: {  	v3 =	vsel vm0, s18, v3;
	vm0 =	vnez.u8 v1;
	v1 =	vld [tilespmem:$0x1FA40];
	_ =	sdelay $0x4  }
0x3ef: {  	v8 =	vsel vm0, s18, v8;
	vm0 =	vnez.u8 v1;
	v1 =	vld [tilespmem:s16+$0x4060];
	_ =	sdelay $0x4  }
0x3f0: {  	[tilespmem:$0x1F000] =	vst v1;
	v1 =	vld [tilespmem:$0x1FE20];
	_ =	sdelay $0x4  }
0x3f1: {  	v10 =	vsel vm0, s18, v10;
	vm0 =	vnez.u8 v1;
	v1 =	vld [tilespmem:$0x1FDF0];
	_ =	sdelay $0x4  }
0x3f2: {  	v8 =	vsel vm0, s19, v8;
	vm0 =	vnez.u8 v1;
	v1 =	vld [tilespmem:$0x1FE40];
	_ =	sdelay $0x3  }
0x3f3: {  	v3 =	vsel vm2, s19, v3  }
0x3f4: {  	v3 =	vsel vm0, s22, v3;
	vm0 =	vnez.u8 v1;
	v1 =	vld [tilespmem:s16+$0xC060];
	_ =	sdelay $0x4  }
0x3f5: {  	[tilespmem:$0x1F010] =	vst v1;
	v1 =	vld [tilespmem:$0x1FE10];
	_ =	sdelay $0x3  }
0x3f6: {  	v18 =	vld [tilespmem:s24+$0xC000]  }
0x3f7: {  	v8 =	vsel vm0, s22, v8;
	vm0 =	vnez.u8 v1;
	v1 =	vld [tilespmem:$0x1EBF0];
	_ =	sdelay $0x4  }
0x3f8: {  	v13 =	vsub.f32 v1, v18;
	v1 =	vld [tilespmem:$0x1FE70];
	_ =	sdelay $0x4  }
0x3f9: {  	v3 =	vsel vm0, s21, v3;
	vm0 =	vnez.u8 v1;
	v1 =	vld [tilespmem:s16+$0xC070];
	_ =	sdelay $0x2  }
0x3fa: {  	v9 =	vsel vm1, s15, v11;
	v11 =	vld [tilespmem:s24+$0x14000]  }
0x3fb: {  	v5 =	vld [tilespmem:$0x1FDA0]  }
0x3fc: {  	[tilespmem:$0x1F020] =	vst v1;
	v1 =	vld [tilespmem:$0x1FC40];
	_ =	sdelay $0x3  }
0x3fd: {  	s31 =	sor.u32 $0x1, s26;
	v23 =	vsel vm13, v62, v61;
	v10 =	vsel vm5, s19, v10;
	v13 =	vmax.f32 v13, $0.0e+00  }
0x3fe: {  	s19 =	sshll.u32 s31, $0x7;
	v18 =	vsel vm13, v37, v60;
	v60 =	vmul.f32 v13, v5;
	v61 =	vmul.f32 v11, v1  }
0x3ff: {  	v57 =	vld [tilespmem:s19+$0x4000]  }
0x400: {  	v25 =	vld [tilespmem:s19+$0xC000];
	vm14 =	vgt.f32 v60, v61  }
0x401: {  	v41 =	vsel vm14, v11, v5;
	v5 =	vld [tilespmem:$0x1FD70];
	_ =	sdelay $0x1  }
0x402: {  	v12 =	vld [tilespmem:$0x1FE50];
	_ =	sdelay $0x1  }
0x403: {  	v28 =	vld [tilespmem:$0x1FD60];
	v16 =	vsub.f32 v57, v25  }
0x404: {  	v25 =	vsel vm14, v13, v1;
	v13 =	vmul.f32 v54, v22;
	v11 =	vmul.f32 v5, v26  }
0x405: {  	v27 =	vmul.f32 v46, v23;
	vm9 =	vgt.f32 v59, v58;
	v59 =	vmul.f32 v63, v18  }
0x406: {  	v8 =	vsel vm0, s21, v8;
	vm0 =	vnez.u8 v12;
	vm5 =	vgt.f32 v11, v13;
	v11 =	vld [tilespmem:$0x1FDC0]  }
0x407: {  	v10 =	vsel vm4, s22, v10;
	v47 =	vsel vm0, s15, v3;
	v3 =	vsel vm10, s22, v15;
	s22 =	sor.u32 $0x2, s26  }
0x408: {  	v19 =	vmul.f32 v24, v0;
	v45 =	vld [tilespmem:s19+$0x14000];
	vm2 =	vgt.f32 v27, v59;
	v27 =	vmul.f32 v28, v2;
	s18 =	sshll.u32 s22, $0x7  }
0x409: {  	s25 =	sor.u32 $0x4, s26;
	v43 =	vld [tilespmem:s18+$0x4000]  }
0x40a: {  	s13 =	sshll.u32 s25, $0x7;
	v10 =	vsel vm3, s21, v10;
	vm3 =	vgt.f32 v27, v19;
	v58 =	vld [tilespmem:s18+$0xC000]  }
0x40b: {  	vm0 =	vnez.u8 v11;
	v11 =	vsel vm3, v28, v0;
	v0 =	vld [tilespmem:s13+$0x4020];
	_ =	sdelay $0x2  }
0x40c: {  	v16 =	vmax.f32 v16, $0.0e+00  }
0x40d: {  	v59 =	vsel vm13, s15, v8;
	v8 =	vmul.f32 v16, v41;
	v37 =	vmul.f32 v45, v25  }
0x40e: {  	[tilespmem:$0x1EFA0] =	vst v0;
	v0 =	vsub.f32 v43, v58  }
0x40f: {  	v20 =	vsel vm1, v38, v20;
	vm1 =	vgt.f32 v8, v37  }
0x410: {  	v12 =	vsel vm1, v45, v41;
	v45 =	vmax.f32 v0, $0.0e+00;
	v0 =	vld [tilespmem:s13+$0xC020];
	_ =	sdelay $0x3  }
0x411: {  	v19 =	vld [tilespmem:$0x1EC00]  }
0x412: {  	[tilespmem:$0x1EFB0] =	vst v0;
	v0 =	vld [tilespmem:s13+$0x4030]  }
0x413: {  	v1 =	vld [tilespmem:$0x1FD80];
	_ =	sdelay $0x3  }
0x414: {  	[tilespmem:$0x1F030] =	vst v0;
	v0 =	vld [tilespmem:s13+$0xC030]  }
0x415: {  	v7 =	vsel vm6, v29, v7;
	v29 =	vld [tilespmem:$0x1EC50];
	v57 =	vmul.f32 v19, v20;
	v56 =	vmul.f32 v1, v4  }
0x416: {  	v30 =	vld [tilespmem:$0x1EC10]  }
0x417: {  	v37 =	vld [tilespmem:$0x1EC20];
	vm4 =	vgt.f32 v56, v57  }
0x418: {  	v20 =	vsel vm4, v1, v20;
	v1 =	vld [tilespmem:$0x1EC40]  }
0x419: {  	[tilespmem:$0x1F040] =	vst v0;
	v0 =	vld [tilespmem:$0x1EC30]  }
0x41a: {  	v28 =	vld [tilespmem:$0x1FD00]  }
0x41b: {  	v8 =	vsel vm2, v46, v18;
	v18 =	vld [tilespmem:s18+$0x14000];
	v56 =	vsel vm11, s21, v3;
	s21 =	sor.u32 $0x3, s26  }
0x41c: {  	v46 =	vsel vm3, v24, v2;
	v2 =	vsel vm1, v16, v25;
	v25 =	vld [tilespmem:$0x1FCE0];
	s17 =	sshll.u32 s21, $0x7  }
0x41d: {  	v16 =	vld [tilespmem:s17+$0x4000]  }
0x41e: {  	v24 =	vsel vm5, v54, v26;
	v54 =	vsub.f32 v0, v1;
	v0 =	vld [tilespmem:s13+$0x4040]  }
0x41f: {  	v43 =	vld [tilespmem:s17+$0xC000];
	v57 =	vmul.f32 v28, v46;
	v58 =	vmul.f32 v37, v11  }
0x420: {  	v26 =	vld [tilespmem:s17+$0x14000];
	v61 =	vsel vm0, s15, v10;
	v10 =	vsel vm2, v63, v23  }
0x421: {  	v63 =	vmul.f32 v30, v8;
	v60 =	vmul.f32 v25, v10;
	vm10 =	vgt.f32 v57, v58;
	v58 =	vld [tilespmem:s24+$0x14010]  }
0x422: {  	v41 =	vsel vm8, s15, v21;
	v57 =	vsel vm5, v5, v22;
	v22 =	vld [tilespmem:$0x1FDE0]  }
0x423: {  	vm8 =	vgt.f32 v60, v63;
	v63 =	vmul.f32 v18, v2;
	v60 =	vmul.f32 v45, v12;
	[tilespmem:$0x1F050] =	vst v0;
	v0 =	vld [tilespmem:s13+$0xC040]  }
0x424: {  	s23 =	sadd.s32 s11, s23;
	v21 =	vld [tilespmem:$0x1FD20];
	v16 =	vsub.f32 v16, v43  }
0x425: {  	v38 =	vld [tilespmem:s13+$0xC000];
	v31 =	vsel vm5, s23, v31;
	v4 =	vsel vm4, v19, v4;
	vm5 =	vgt.f32 v60, v63  }
0x426: {  	v15 =	vld [tilespmem:s13+$0x4000];
	v2 =	vsel vm5, v45, v2;
	v12 =	vsel vm5, v18, v12;
	v16 =	vmax.f32 v16, $0.0e+00  }
0x427: {  	v19 =	vld [tilespmem:$0x1FD40];
	v3 =	vmul.f32 v16, v12;
	v63 =	vmax.f32 v54, $0.0e+00;
	v54 =	vmul.f32 v26, v2  }
0x428: {  	v60 =	vld [tilespmem:s19+$0xC010];
	v1 =	vmul.f32 v63, v22;
	[tilespmem:$0x1F060] =	vst v0;
	v0 =	vmul.f32 v58, v7  }
0x429: {  	v9 =	vsel vm4, s23, v9;
	v43 =	vmul.f32 v21, v24;
	v18 =	vld [tilespmem:s19+$0x4010]  }
0x42a: {  	v45 =	vmul.f32 v29, v57;
	vm7 =	vgt.f32 v3, v54;
	v3 =	vld [tilespmem:$0x1FE90];
	vm4 =	vgt.f32 v1, v0  }
0x42b: {  	v12 =	vsel vm7, v26, v12;
	v26 =	vsel vm4, v58, v22;
	v22 =	vld [tilespmem:$0x1EC60]  }
0x42c: {  	vm11 =	vgt.f32 v43, v45;
	v43 =	vld [tilespmem:s13+$0x14000];
	_ =	sdelay $0x1  }
0x42d: {  	v1 =	vsub.f32 v15, v38  }
0x42e: {  	v16 =	vsel vm7, v16, v2;
	vm0 =	vnez.u8 v3;
	v3 =	vld [tilespmem:s19+$0x14010]  }
0x42f: {  	v38 =	vmul.f32 v19, v4;
	v0 =	vld [tilespmem:s13+$0x4050];
	v1 =	vmax.f32 v1, $0.0e+00;
	v54 =	vmul.f32 v22, v20  }
0x430: {  	v23 =	vld [tilespmem:s18+$0xC010];
	v15 =	vsub.f32 v18, v60;
	v60 =	vmul.f32 v43, v16;
	v58 =	vmul.f32 v1, v12  }
0x431: {  	v56 =	vsel vm12, s15, v56;
	v18 =	vld [tilespmem:s18+$0x4010];
	vm12 =	vgt.f32 v38, v54;
	v54 =	vimm.s32 $0x0  }
0x432: {  	v38 =	vsel vm6, $0xFFFFFFFF, v54;
	vm6 =	vgt.f32 v58, v60  }
0x433: {  	v7 =	vsel vm4, v63, v7;
	v15 =	vmax.f32 v15, $0.0e+00;
	v16 =	vsel vm6, v1, v16;
	v1 =	vld [tilespmem:s13+$0xC050]  }
0x434: {  	v2 =	vmul.f32 v15, v26;
	[tilespmem:$0x1F070] =	vst v0;
	v0 =	vmul.f32 v3, v7;
	_ =	sdelay $0x1  }
0x435: {  	v59 =	vsel vm2, s23, v59;
	vm2 =	vgt.f32 v2, v0;
	v0 =	vsub.f32 v18, v23;
	_ =	sdelay $0x1  }
0x436: {  	[tilespmem:$0x1F080] =	vst v1;
	v1 =	vsel vm2, v15, v7;
	v7 =	vmax.f32 v0, $0.0e+00;
	v0 =	vld [tilespmem:s13+$0x4060];
	_ =	sdelay $0x4  }
0x437: {  	[tilespmem:$0x1F090] =	vst v0;
	v0 =	vld [tilespmem:s13+$0xC060];
	_ =	sdelay $0x4  }
0x438: {  	[tilespmem:$0x1F0A0] =	vst v0;
	v0 =	vsel vm11, v29, v24  }
0x439: {  	[tilespmem:$0x1EC70] =	vst v0;
	v0 =	vld [tilespmem:s13+$0x4070];
	_ =	sdelay $0x4  }
0x43a: {  	s1 =	sadd.s32 s11, s1;
	[tilespmem:$0x1F0B0] =	vst v0;
	v0 =	vsel vm11, v21, v57  }
0x43b: {  	v55 =	vld [tilespmem:s5+$0x4060];
	[tilespmem:$0x1EC80] =	vst v0;
	v0 =	vsel vm11, s1, v31  }
0x43c: {  	[tilespmem:$0x1EC90] =	vst v0;
	v0 =	vld [tilespmem:s13+$0xC070]  }
0x43d: {  	v5 =	vsel vm0, s23, v47;
	v47 =	vld [tilespmem:s17+$0x4010]  }
0x43e: {  	v63 =	vld [tilespmem:s18+$0x14010]  }
0x43f: {  	v2 =	vld [tilespmem:s17+$0xC010]  }
0x440: {  	[tilespmem:$0x1EEE0] =	vst v55;
	v45 =	vld [tilespmem:$0x1FE30]  }
0x441: {  	v55 =	vld [tilespmem:s10+$0x4000];
	[tilespmem:$0x1F0C0] =	vst v0;
	v0 =	vsel vm12, v19, v20  }
0x442: {  	v18 =	vld [tilespmem:s17+$0x14010];
	v3 =	vsel vm2, v3, v26;
	[tilespmem:$0x1ECA0] =	vst v0;
	v0 =	vsel vm12, v22, v4  }
0x443: {  	v15 =	vmul.f32 v7, v3;
	v26 =	vmul.f32 v63, v1;
	[tilespmem:$0x1ECB0] =	vst v0;
	v0 =	vld [tilespmem:$0x1ECC0]  }
0x444: {  	v14 =	vld [tilespmem:s16+$0xC000];
	v2 =	vsub.f32 v47, v2  }
0x445: {  	v17 =	vld [tilespmem:s16+$0x4000];
	v6 =	vsel vm3, s23, v6;
	vm0 =	vnez.u8 v45;
	vm3 =	vgt.f32 v15, v26  }
0x446: {  	v2 =	vmax.f32 v2, $0.0e+00;
	v7 =	vsel vm3, v7, v1;
	v24 =	vsel vm3, v63, v3  }
0x447: {  	v45 =	vsel vm0, s23, v61;
	v61 =	vld [tilespmem:$0x1FAF0];
	v3 =	vmul.f32 v18, v7;
	v1 =	vmul.f32 v2, v24  }
0x448: {  	v58 =	vld [tilespmem:s16+$0x14000];
	v4 =	vsub.f32 v55, v0;
	v0 =	vsel vm12, s1, v9  }
0x449: {  	vm12 =	vgt.f32 v1, v3;
	v1 =	vld [tilespmem:$0x1ECF0];
	[tilespmem:$0x1ECD0] =	vst v0;
	v0 =	vsel vm10, v37, v46  }
0x44a: {  	v14 =	vsub.f32 v17, v14;
	[tilespmem:$0x1F2A0] =	vst v0;
	v0 =	vld [tilespmem:$0x1ECE0];
	_ =	sdelay $0x1  }
0x44b: {  	v14 =	vmax.f32 v14, $0.0e+00;
	v23 =	vsel vm6, v43, v12  }
0x44c: {  	vm0 =	vnez.u8 v61;
	v60 =	vmul.f32 v14, v23;
	v61 =	vmul.f32 v58, v16  }
0x44d: {  	v41 =	vsel vm0, s23, v41  }
0x44e: {  	vm0 =	vgt.f32 v60, v61;
	v3 =	vsub.f32 v0, v1;
	v0 =	vimm.s32 $0x0  }
0x44f: {  	v0 =	vsel vm0, $0xFFFFFFFF, v0  }
0x450: {  	[tilespmem:$0x1ED00] =	vst v0;
	v0 =	vld [tilespmem:$0x1FEA0];
	_ =	sdelay $0x4  }
0x451: {  	v17 =	vsel vm0, v58, v23;
	v46 =	vsel vm0, v14, v16;
	vm0 =	vnez.u8 v0;
	v0 =	vld [tilespmem:$0x1ED10];
	_ =	sdelay $0x4  }
0x452: {  	v32 =	vsel vm0, v0, v32;
	v0 =	vsel vm10, v28, v11  }
0x453: {  	[tilespmem:$0x1F2B0] =	vst v0;
	v0 =	vsel vm10, s1, v6  }
0x454: {  	[tilespmem:$0x1ED20] =	vst v0;
	v0 =	vld [tilespmem:s17+$0x4030];
	_ =	sdelay $0x2  }
0x455: {  	v31 =	vld [tilespmem:s10+$0x14000];
	_ =	sdelay $0x1  }
0x456: {  	[tilespmem:$0x1F0D0] =	vst v0;
	v0 =	vld [tilespmem:$0x1F970];
	_ =	sdelay $0x1  }
0x457: {  	v4 =	vmax.f32 v4, $0.0e+00  }
0x458: {  	v37 =	vmul.f32 v31, v46;
	v16 =	vmul.f32 v4, v17;
	_ =	sdelay $0x1  }
0x459: {  	vm10 =	vgt.f32 v16, v37;
	v16 =	vsel vm9, v0, v34;
	v0 =	vsel vm9, s1, v5  }
0x45a: {  	[tilespmem:$0x1ED30] =	vst v0;
	v0 =	vld [tilespmem:s17+$0xC030];
	_ =	sdelay $0x4  }
0x45b: {  	[tilespmem:$0x1F0E0] =	vst v0;
	v0 =	vld [tilespmem:s17+$0x4040];
	_ =	sdelay $0x1  }
0x45c: {  	v9 =	vld [tilespmem:s24+$0x14020]  }
0x45d: {  	v1 =	vld [tilespmem:$0x1FEB0];
	_ =	sdelay $0x1  }
0x45e: {  	[tilespmem:$0x1F0F0] =	vst v0;
	v0 =	vsel vm8, s1, v59  }
0x45f: {  	[tilespmem:$0x1ED40] =	vst v0;
	v0 =	vsel vm0, s1, v45  }
0x460: {  	v6 =	vmax.f32 v3, $0.0e+00;
	[tilespmem:$0x1ED50] =	vst v0;
	v0 =	vld [tilespmem:$0x1FD90]  }
0x461: {  	[tilespmem:$0x1F490] =	vst v38;
	v38 =	vmul.f32 v9, v32;
	v3 =	vmul.f32 v6, v1  }
0x462: {  	v63 =	vld [tilespmem:s19+$0xC020]  }
0x463: {  	v14 =	vld [tilespmem:s19+$0x4020];
	vm13 =	vgt.f32 v3, v38  }
0x464: {  	v9 =	vsel vm13, v9, v1;
	v1 =	vld [tilespmem:$0x1ED70]  }
0x465: {  	vm0 =	vnez.u8 v0;
	v0 =	vld [tilespmem:$0x1ED60];
	_ =	sdelay $0x2  }
0x466: {  	v5 =	vld [tilespmem:s19+$0x14020];
	_ =	sdelay $0x1  }
0x467: {  	v14 =	vsub.f32 v14, v63;
	v59 =	vsub.f32 v0, v1;
	v0 =	vld [tilespmem:$0x1ED80]  }
0x468: {  	v2 =	vsel vm12, v2, v7;
	v1 =	vld [tilespmem:$0x1ED90]  }
0x469: {  	v7 =	vsel vm12, v18, v24;
	v14 =	vmax.f32 v14, $0.0e+00;
	v24 =	vsel vm13, v6, v32  }
0x46a: {  	v34 =	vsel vm8, v30, v10;
	v10 =	vmul.f32 v14, v9;
	v63 =	vmul.f32 v5, v24;
	_ =	sdelay $0x1  }
0x46b: {  	v43 =	vsel vm15, s23, v56;
	vm15 =	vgt.f32 v10, v63  }
0x46c: {  	v5 =	vsel vm15, v5, v9;
	v9 =	vsub.f32 v0, v1;
	v0 =	vld [tilespmem:$0x1F490];
	_ =	sdelay $0x3  }
0x46d: {  	v1 =	vld [tilespmem:$0x1EDB0]  }
0x46e: {  	v56 =	vsel vm15, v14, v24;
	v24 =	vsel vm0, s1, v41;
	vm0 =	vnez.u8 v0;
	v0 =	vld [tilespmem:$0x1EDA0];
	_ =	sdelay $0x4  }
0x46f: {  	v0 =	vsub.f32 v0, v1  }
0x470: {  	v1 =	vld [tilespmem:$0x1EDD0]  }
0x471: {  	[tilespmem:$0x1F120] =	vst v0;
	v0 =	vld [tilespmem:$0x1EDC0];
	_ =	sdelay $0x4  }
0x472: {  	v0 =	vsub.f32 v0, v1  }
0x473: {  	v1 =	vld [tilespmem:$0x1EDF0]  }
0x474: {  	[tilespmem:$0x1F150] =	vst v0;
	v0 =	vld [tilespmem:$0x1EDE0];
	_ =	sdelay $0x4  }
0x475: {  	v0 =	vsub.f32 v0, v1  }
0x476: {  	v1 =	vld [tilespmem:$0x1EE10]  }
0x477: {  	[tilespmem:$0x1F160] =	vst v0;
	v0 =	vld [tilespmem:$0x1EE00];
	_ =	sdelay $0x4  }
0x478: {  	v0 =	vsub.f32 v0, v1  }
0x479: {  	v1 =	vld [tilespmem:$0x1EE30]  }
0x47a: {  	[tilespmem:$0x1F170] =	vst v0;
	v0 =	vld [tilespmem:$0x1EE20];
	_ =	sdelay $0x3  }
0x47b: {  	v33 =	vld [tilespmem:s16+$0xC010]  }
0x47c: {  	v18 =	vsub.f32 v0, v1;
	v0 =	vld [tilespmem:$0x1EE40]  }
0x47d: {  	v1 =	vld [tilespmem:$0x1EE50]  }
0x47e: {  	v27 =	vld [tilespmem:s13+$0x4010]  }
0x47f: {  	v13 =	vld [tilespmem:s13+$0xC010]  }
0x480: {  	v36 =	vld [tilespmem:s16+$0x4010]  }
0x481: {  	v55 =	vld [tilespmem:s13+$0x14010]  }
0x482: {  	v37 =	vsub.f32 v0, v1;
	v0 =	vld [tilespmem:$0x1EE60]  }
0x483: {  	v1 =	vld [tilespmem:$0x1EE70]  }
0x484: {  	v38 =	vsel vm8, v25, v8;
	v8 =	vsub.f32 v27, v13;
	_ =	sdelay $0x1  }
0x485: {  	v32 =	vld [tilespmem:s16+$0x14010];
	v8 =	vmax.f32 v8, $0.0e+00  }
0x486: {  	v61 =	vmul.f32 v55, v2;
	v60 =	vmul.f32 v8, v7  }
0x487: {  	v33 =	vsub.f32 v36, v33;
	v0 =	vsub.f32 v0, v1  }
0x488: {  	vm8 =	vgt.f32 v60, v61;
	v1 =	vld [tilespmem:$0x1EE90]  }
0x489: {  	v54 =	vmax.f32 v33, $0.0e+00;
	v2 =	vsel vm8, v8, v2;
	v45 =	vsel vm8, v55, v7;
	[tilespmem:$0x1F180] =	vst v0;
	v0 =	vld [tilespmem:$0x1EE80]  }
0x48a: {  	v23 =	vld [tilespmem:s5+$0x14000];
	v7 =	vmul.f32 v54, v45;
	v8 =	vmul.f32 v32, v2  }
0x48b: {  	v47 =	vld [tilespmem:s17+$0x4020]  }
0x48c: {  	v20 =	vsel vm9, v35, v39;
	v39 =	vld [tilespmem:s10+$0x14010];
	vm9 =	vgt.f32 v7, v8  }
0x48d: {  	s23 =	sadd.s32 s9, s7;
	v33 =	vsel vm10, v4, v46;
	v35 =	vsel vm10, v31, v17;
	v54 =	vsel vm9, v54, v2;
	v2 =	vld [tilespmem:$0x1EEB0]  }
0x48e: {  	v41 =	vmax.f32 v9, $0.0e+00;
	v43 =	vsel vm0, s1, v43;
	s1 =	sadd.s32 $0x80, s23;
	v0 =	vsub.f32 v0, v1;
	v1 =	vld [tilespmem:$0x1EEA0]  }
0x48f: {  	v29 =	vld [tilespmem:s17+$0xC020];
	v31 =	vmul.f32 v23, v33;
	v17 =	vmul.f32 v41, v35;
	s9 =	sadd.s32 $0x0, s1  }
0x490: {  	v19 =	vsel vm14, s9, v24  }
0x491: {  	vm14 =	vgt.f32 v17, v31;
	v31 =	vsel vm9, v32, v45;
	v45 =	vmax.f32 v18, $0.0e+00  }
0x492: {  	v46 =	vmul.f32 v45, v31;
	[tilespmem:$0x1F190] =	vst v0;
	v0 =	vmul.f32 v39, v54  }
0x493: {  	s11 =	sadd.s32 s1, s31;
	v1 =	vsub.f32 v1, v2  }
0x494: {  	v47 =	vsub.f32 v47, v29;
	v29 =	vsel vm1, s11, v19;
	vm1 =	vgt.f32 v46, v0;
	v0 =	vld [tilespmem:$0x1EEC0]  }
0x495: {  	[tilespmem:$0x1F1A0] =	vst v1;
	v1 =	vld [tilespmem:$0x1EED0];
	_ =	sdelay $0x2  }
0x496: {  	v58 =	vld [tilespmem:s18+$0xC020]  }
0x497: {  	v13 =	vld [tilespmem:s18+$0x4020]  }
0x498: {  	v36 =	vld [tilespmem:s18+$0x14020];
	v0 =	vsub.f32 v0, v1  }
0x499: {  	v1 =	vld [tilespmem:$0x1EEF0]  }
0x49a: {  	[tilespmem:$0x1F1C0] =	vst v0;
	v0 =	vld [tilespmem:$0x1EEE0];
	_ =	sdelay $0x1  }
0x49b: {  	v10 =	vsub.f32 v13, v58;
	_ =	sdelay $0x1  }
0x49c: {  	v10 =	vmax.f32 v10, $0.0e+00  }
0x49d: {  	v7 =	vmul.f32 v10, v5;
	v8 =	vmul.f32 v36, v56;
	v0 =	vsub.f32 v0, v1;
	_ =	sdelay $0x1  }
0x49e: {  	vm0 =	vgt.f32 v7, v8;
	[tilespmem:$0x1F1E0] =	vst v0;
	v0 =	vimm.s32 $0x0  }
0x49f: {  	v1 =	vld [tilespmem:$0x1EF20];
	v0 =	vsel vm0, $0xFFFFFFFF, v0  }
0x4a0: {  	[tilespmem:$0x1EF00] =	vst v0;
	v0 =	vld [tilespmem:$0x1EF10];
	_ =	sdelay $0x1  }
0x4a1: {  	v7 =	vld [tilespmem:s17+$0x14020];
	_ =	sdelay $0x2  }
0x4a2: {  	v0 =	vsub.f32 v0, v1  }
0x4a3: {  	v47 =	vmax.f32 v47, $0.0e+00;
	v10 =	vsel vm0, v10, v56;
	v5 =	vsel vm0, v36, v5  }
0x4a4: {  	v1 =	vmul.f32 v47, v5;
	[tilespmem:$0x1F200] =	vst v0;
	v0 =	vmul.f32 v7, v10  }
0x4a5: {  	v51 =	vld [tilespmem:s10+$0x4040];
	s23 =	sadd.s32 s1, s22  }
0x4a6: {  	v29 =	vsel vm5, s23, v29;
	vm5 =	vgt.f32 v1, v0;
	v0 =	vld [tilespmem:$0x1EF40];
	_ =	sdelay $0x1  }
0x4a7: {  	v50 =	vld [tilespmem:s10+$0xC020]  }
0x4a8: {  	v44 =	vld [tilespmem:s10+$0x4050]  }
0x4a9: {  	v2 =	vld [tilespmem:$0x1EF30]  }
0x4aa: {  	v30 =	vsub.f32 v51, v0;
	v0 =	vld [tilespmem:$0x1EF50];
	_ =	sdelay $0x2  }
0x4ab: {  	v4 =	vld [tilespmem:s24+$0x14030]  }
0x4ac: {  	v1 =	vld [tilespmem:$0x1EF70]  }
0x4ad: {  	v56 =	vsub.f32 v2, v50;
	v50 =	vsub.f32 v44, v0;
	v0 =	vld [tilespmem:$0x1EF60];
	_ =	sdelay $0x3  }
0x4ae: {  	v59 =	vmax.f32 v59, $0.0e+00  }
0x4af: {  	v53 =	vld [tilespmem:s10+$0x4030];
	v51 =	vsub.f32 v0, v1;
	v1 =	vmul.f32 v59, v20;
	v0 =	vmul.f32 v4, v16  }
0x4b0: {  	v42 =	vld [tilespmem:s16+$0xC020];
	s22 =	sadd.s32 s1, s21  }
0x4b1: {  	v29 =	vsel vm7, s22, v29;
	vm7 =	vgt.f32 v1, v0;
	v0 =	vld [tilespmem:$0x1EFC0]  }
0x4b2: {  	v1 =	vld [tilespmem:$0x1EFD0]  }
0x4b3: {  	v49 =	vld [tilespmem:s10+$0xC030]  }
0x4b4: {  	v40 =	vld [tilespmem:s16+$0x4020]  }
0x4b5: {  	v9 =	vld [tilespmem:$0x1EF90]  }
0x4b6: {  	v2 =	vld [tilespmem:$0x1EF80]  }
0x4b7: {  	v46 =	vsub.f32 v0, v1;
	v0 =	vld [tilespmem:$0x1EFE0]  }
0x4b8: {  	v1 =	vld [tilespmem:$0x1EFF0];
	_ =	sdelay $0x2  }
0x4b9: {  	v53 =	vsub.f32 v53, v49;
	v49 =	vsub.f32 v2, v9;
	v2 =	vld [tilespmem:$0x1EFA0]  }
0x4ba: {  	v9 =	vld [tilespmem:$0x1EFB0]  }
0x4bb: {  	v11 =	vsub.f32 v40, v42;
	v42 =	vsub.f32 v0, v1;
	v0 =	vld [tilespmem:$0x1F000]  }
0x4bc: {  	v1 =	vld [tilespmem:$0x1F010]  }
0x4bd: {  	v62 =	vld [tilespmem:s16+$0x4070]  }
0x4be: {  	v6 =	vld [tilespmem:s13+$0x14020]  }
0x4bf: {  	v3 =	vld [tilespmem:s19+$0xC030]  }
0x4c0: {  	v8 =	vld [tilespmem:s19+$0x4030];
	v2 =	vsub.f32 v2, v9  }
0x4c1: {  	v63 =	vsub.f32 v0, v1;
	v1 =	vld [tilespmem:$0x1F020]  }
0x4c2: {  	v2 =	vmax.f32 v2, $0.0e+00;
	v47 =	vsel vm5, v47, v10;
	v5 =	vsel vm5, v7, v5  }
0x4c3: {  	v10 =	vmul.f32 v2, v5;
	v0 =	vmul.f32 v6, v47;
	_ =	sdelay $0x1  }
0x4c4: {  	v3 =	vsub.f32 v8, v3;
	v8 =	vsel vm4, s9, v43;
	vm4 =	vgt.f32 v10, v0;
	v0 =	vld [tilespmem:$0x1F030]  }
0x4c5: {  	v32 =	vsub.f32 v62, v1;
	v1 =	vld [tilespmem:$0x1F040];
	_ =	sdelay $0x2  }
0x4c6: {  	v52 =	vld [tilespmem:s10+$0xC070]  }
0x4c7: {  	v48 =	vld [tilespmem:s10+$0x4070]  }
0x4c8: {  	v40 =	vsub.f32 v0, v1;
	v0 =	vld [tilespmem:$0x1F050]  }
0x4c9: {  	v1 =	vld [tilespmem:$0x1F060]  }
0x4ca: {  	v27 =	vld [tilespmem:$0x1F0A0]  }
0x4cb: {  	v10 =	vld [tilespmem:$0x1F090]  }
0x4cc: {  	v12 =	vld [tilespmem:s19+$0xC040]  }
0x4cd: {  	v7 =	vld [tilespmem:s19+$0x14030]  }
0x4ce: {  	v44 =	vsub.f32 v0, v1;
	v0 =	vld [tilespmem:$0x1F070]  }
0x4cf: {  	v1 =	vld [tilespmem:$0x1F080]  }
0x4d0: {  	v62 =	vsub.f32 v10, v27;
	v10 =	vld [tilespmem:$0x1F0B0]  }
0x4d1: {  	v27 =	vld [tilespmem:$0x1F0C0]  }
0x4d2: {  	v15 =	vld [tilespmem:s18+$0xC060]  }
0x4d3: {  	v57 =	vld [tilespmem:s17+$0xC050];
	v3 =	vmax.f32 v3, $0.0e+00;
	v16 =	vsel vm7, v59, v16;
	v4 =	vsel vm7, v4, v20  }
0x4d4: {  	v21 =	vld [tilespmem:s18+$0x4050];
	v59 =	vsub.f32 v0, v1;
	v1 =	vmul.f32 v3, v4;
	v0 =	vmul.f32 v7, v16  }
0x4d5: {  	v52 =	vsub.f32 v48, v52;
	v22 =	vld [tilespmem:s18+$0x4040];
	s31 =	sadd.s32 s1, s25  }
0x4d6: {  	v48 =	vsub.f32 v10, v27;
	v10 =	vsel vm6, s31, v29;
	vm6 =	vgt.f32 v1, v0;
	v0 =	vld [tilespmem:$0x1F0D0]  }
0x4d7: {  	v1 =	vld [tilespmem:$0x1F0E0]  }
0x4d8: {  	v28 =	vld [tilespmem:s17+$0xC040]  }
0x4d9: {  	v25 =	vld [tilespmem:s18+$0x4030]  }
0x4da: {  	v55 =	vld [tilespmem:s17+$0x4050]  }
0x4db: {  	v20 =	vld [tilespmem:s16+$0x14020]  }
0x4dc: {  	v1 =	vsub.f32 v0, v1;
	v0 =	vld [tilespmem:$0x1F0F0]  }
0x4dd: {  	v24 =	vld [tilespmem:s18+$0xC030]  }
0x4de: {  	v17 =	vld [tilespmem:s18+$0x4060]  }
0x4df: {  	v55 =	vsub.f32 v55, v57;
	v19 =	vld [tilespmem:s18+$0xC040]  }
0x4e0: {  	v18 =	vld [tilespmem:s18+$0xC050];
	v2 =	vsel vm4, v2, v47;
	v6 =	vsel vm4, v6, v5;
	v47 =	vmax.f32 v11, $0.0e+00  }
0x4e1: {  	v11 =	vmul.f32 v47, v6;
	v57 =	vmul.f32 v20, v2;
	v36 =	vsub.f32 v0, v28;
	v0 =	vld [tilespmem:s18+$0x14030]  }
0x4e2: {  	v43 =	vld [tilespmem:s19+$0x4040];
	v8 =	vsel vm2, s11, v8  }
0x4e3: {  	v26 =	vld [tilespmem:s17+$0xC070];
	v24 =	vsub.f32 v25, v24;
	vm0 =	vgt.f32 v11, v57;
	v11 =	vimm.s32 $0x0  }
0x4e4: {  	v5 =	vld [tilespmem:s19+$0xC060];
	v27 =	vsub.f32 v22, v19;
	v3 =	vsel vm6, v3, v16;
	v11 =	vsel vm6, $0xFFFFFFFF, v11  }
0x4e5: {  	v4 =	vsel vm6, v7, v4;
	v7 =	vmax.f32 v24, $0.0e+00;
	v24 =	vsub.f32 v21, v18;
	v28 =	vld [tilespmem:s19+$0x4060]  }
0x4e6: {  	[tilespmem:$0x1F100] =	vst v11;
	v21 =	vmul.f32 v7, v4;
	v11 =	vsel vm3, s23, v8;
	v8 =	vld [tilespmem:s5+$0x14010];
	v22 =	vmul.f32 v0, v3  }
0x4e7: {  	v58 =	vld [tilespmem:s17+$0x4060];
	v15 =	vsub.f32 v17, v15;
	v12 =	vsub.f32 v43, v12;
	v43 =	vsel vm14, v41, v33  }
0x4e8: {  	v13 =	vld [tilespmem:s18+$0xC070];
	v57 =	vmax.f32 v37, $0.0e+00;
	vm3 =	vmmov vm1;
	vm1 =	vgt.f32 v21, v22  }
0x4e9: {  	v14 =	vld [tilespmem:s18+$0x4070];
	v41 =	vsel vm3, v39, v31;
	v3 =	vsel vm1, v7, v3;
	v7 =	vimm.s32 $0x0  }
0x4ea: {  	v60 =	vld [tilespmem:s17+$0xC060];
	v17 =	vsub.f32 v28, v5;
	v5 =	vsel vm3, v45, v54;
	v7 =	vsel vm1, $0xFFFFFFFF, v7  }
0x4eb: {  	v61 =	vld [tilespmem:s17+$0x4070];
	v45 =	vmul.f32 v8, v5;
	[tilespmem:$0x1F110] =	vst v7;
	v7 =	vmul.f32 v57, v41  }
0x4ec: {  	v21 =	vld [tilespmem:s17+$0x14030]  }
0x4ed: {  	v33 =	vimm.s32 $0x0;
	vm6 =	vgt.f32 v7, v45  }
0x4ee: {  	v16 =	vsel vm0, $0xFFFFFFFF, v33;
	v33 =	vsel vm6, v8, v41;
	v8 =	vld [tilespmem:$0x1F160]  }
0x4ef: {  	v13 =	vsub.f32 v14, v13  }
0x4f0: {  	v14 =	vld [tilespmem:s24+$0x14040];
	v58 =	vsub.f32 v58, v60;
	v1 =	vmax.f32 v1, $0.0e+00;
	v0 =	vsel vm1, v0, v4  }
0x4f1: {  	v61 =	vsub.f32 v61, v26;
	v60 =	vld [tilespmem:s19+$0xC070];
	v26 =	vmul.f32 v1, v0;
	v28 =	vmul.f32 v21, v3  }
0x4f2: {  	v2 =	vsel vm0, v47, v2;
	v4 =	vld [tilespmem:$0x1F120]  }
0x4f3: {  	v6 =	vsel vm0, v20, v6;
	vm0 =	vgt.f32 v26, v28;
	v28 =	vmax.f32 v8, $0.0e+00;
	v8 =	vld [tilespmem:$0x1F170]  }
0x4f4: {  	v25 =	vld [tilespmem:s19+$0x4070];
	_ =	sdelay $0x3  }
0x4f5: {  	v4 =	vmax.f32 v4, $0.0e+00;
	v26 =	vmax.f32 v8, $0.0e+00;
	v8 =	vld [tilespmem:$0x1F180]  }
0x4f6: {  	v25 =	vsub.f32 v25, v60;
	v60 =	vmul.f32 v14, v38;
	v54 =	vmul.f32 v4, v34;
	_ =	sdelay $0x1  }
0x4f7: {  	v9 =	vld [tilespmem:s19+$0x4050];
	v7 =	vimm.s32 $0x0;
	vm1 =	vgt.f32 v54, v60  }
0x4f8: {  	v29 =	vld [tilespmem:s19+$0xC050];
	v7 =	vsel vm1, $0xFFFFFFFF, v7  }
0x4f9: {  	[tilespmem:$0x1F140] =	vst v7;
	v7 =	vsel vm1, v14, v34;
	v34 =	vmax.f32 v8, $0.0e+00;
	v8 =	vld [tilespmem:$0x1F190];
	_ =	sdelay $0x2  }
0x4fa: {  	v37 =	vld [tilespmem:s19+$0x14040]  }
0x4fb: {  	v41 =	vld [tilespmem:$0x1F1C0]  }
0x4fc: {  	v9 =	vsub.f32 v9, v29;
	v19 =	vmax.f32 v8, $0.0e+00;
	v8 =	vld [tilespmem:$0x1F1A0]  }
0x4fd: {  	v35 =	vsel vm14, v23, v35;
	v47 =	vld [tilespmem:$0x1F200];
	v29 =	vmax.f32 v56, $0.0e+00;
	v56 =	vmax.f32 v40, $0.0e+00  }
0x4fe: {  	v40 =	vmax.f32 v62, $0.0e+00;
	v9 =	vmax.f32 v9, $0.0e+00;
	v45 =	vld [tilespmem:$0x1F1E0];
	v1 =	vsel vm0, v1, v3  }
0x4ff: {  	v3 =	vld [tilespmem:$0x1F150];
	v0 =	vsel vm0, v21, v0;
	v21 =	vmax.f32 v53, $0.0e+00;
	v53 =	vmax.f32 v52, $0.0e+00  }
0x500: {  	v52 =	vimm.s32 $0x0;
	v54 =	vmul.f32 v29, v6;
	v18 =	vmax.f32 v41, $0.0e+00  }
0x501: {  	v60 =	vmax.f32 v8, $0.0e+00;
	v8 =	vmax.f32 v12, $0.0e+00;
	v12 =	vimm.s32 $0x0  }
0x502: {  	v4 =	vsel vm1, v4, v38;
	v38 =	vmax.f32 v63, $0.0e+00;
	[tilespmem:$0x1F1D0] =	vst v18;
	v12 =	vsel vm0, $0xFFFFFFFF, v12  }
0x503: {  	v39 =	vmul.f32 v37, v4;
	v18 =	vmax.f32 v45, $0.0e+00;
	v14 =	vmul.f32 v8, v7;
	[tilespmem:$0x1F1B0] =	vst v12;
	v12 =	vld [tilespmem:s10+$0x14020]  }
0x504: {  	v41 =	vmax.f32 v46, $0.0e+00;
	v3 =	vmax.f32 v3, $0.0e+00;
	[tilespmem:$0x1F1F0] =	vst v18;
	v18 =	vmax.f32 v47, $0.0e+00  }
0x505: {  	v47 =	vmax.f32 v58, $0.0e+00;
	vm0 =	vgt.f32 v14, v39;
	v14 =	vmax.f32 v30, $0.0e+00  }
0x506: {  	v39 =	vmax.f32 v42, $0.0e+00;
	[tilespmem:$0x1F220] =	vst v14;
	v14 =	vmax.f32 v50, $0.0e+00;
	v4 =	vsel vm0, v8, v4;
	v8 =	vld [tilespmem:s13+$0x14030]  }
0x507: {  	[tilespmem:$0x1F130] =	vst v16;
	v16 =	vsel vm0, $0xFFFFFFFF, v52;
	v7 =	vsel vm0, v37, v7;
	v37 =	vmax.f32 v32, $0.0e+00  }
0x508: {  	v63 =	vld [tilespmem:s18+$0x14040];
	v32 =	vmax.f32 v48, $0.0e+00;
	v50 =	vimm.s32 $0x0;
	v31 =	vmul.f32 v12, v2  }
0x509: {  	v48 =	vmax.f32 v13, $0.0e+00;
	v13 =	vimm.s32 $0x0;
	[tilespmem:$0x1F230] =	vst v14;
	v14 =	vmax.f32 v51, $0.0e+00  }
0x50a: {  	[tilespmem:$0x1F250] =	vst v16;
	v16 =	vmax.f32 v36, $0.0e+00;
	v51 =	vmax.f32 v25, $0.0e+00;
	vm0 =	vgt.f32 v54, v31  }
0x50b: {  	[tilespmem:$0x1F240] =	vst v14;
	v14 =	vmax.f32 v49, $0.0e+00;
	v49 =	vmul.f32 v8, v1;
	v45 =	vsel vm0, v29, v2  }
0x50c: {  	v2 =	vmul.f32 v56, v0;
	v29 =	vmax.f32 v44, $0.0e+00;
	v44 =	vmax.f32 v59, $0.0e+00  }
0x50d: {  	v12 =	vsel vm0, v12, v6;
	v6 =	vmul.f32 v63, v4;
	v59 =	vimm.s32 $0x0  }
0x50e: {  	v31 =	vld [tilespmem:s16+$0x14030];
	v58 =	vmul.f32 v34, v12;
	vm1 =	vgt.f32 v2, v49;
	v2 =	vmax.f32 v27, $0.0e+00  }
0x50f: {  	v20 =	vld [tilespmem:s17+$0x14040];
	v49 =	vmax.f32 v15, $0.0e+00;
	v1 =	vsel vm1, v56, v1;
	v52 =	vmul.f32 v2, v7  }
0x510: {  	v62 =	vld [tilespmem:$0x1F2A0];
	[tilespmem:$0x1F210] =	vst v18;
	v18 =	vsel vm1, $0xFFFFFFFF, v50;
	v8 =	vsel vm1, v8, v0;
	v0 =	vimm.s32 $0x0  }
0x511: {  	v15 =	vld [tilespmem:s24+$0x14050];
	v50 =	vmax.f32 v55, $0.0e+00;
	v0 =	vsel vm0, $0xFFFFFFFF, v0;
	vm0 =	vgt.f32 v52, v6  }
0x512: {  	v56 =	vmax.f32 v61, $0.0e+00;
	v55 =	vimm.s32 $0x0;
	v7 =	vsel vm0, v63, v7;
	v63 =	vld [tilespmem:$0x1F2B0]  }
0x513: {  	v6 =	vmul.f32 v14, v8;
	v2 =	vsel vm0, v2, v4;
	v4 =	vmul.f32 v31, v1  }
0x514: {  	[tilespmem:$0x1F270] =	vst v0;
	v0 =	vmax.f32 v24, $0.0e+00;
	v13 =	vsel vm0, $0xFFFFFFFF, v13;
	v24 =	vmul.f32 v16, v7  }
0x515: {  	[tilespmem:$0x1F280] =	vst v13;
	v13 =	vld [tilespmem:s13+$0x14040];
	v61 =	vmul.f32 v20, v2;
	vm0 =	vgt.f32 v6, v4;
	v6 =	vimm.s32 $0x0  }
0x516: {  	v46 =	vld [tilespmem:s10+$0x14030];
	v1 =	vsel vm0, v14, v1;
	v6 =	vsel vm0, $0xFFFFFFFF, v6;
	v14 =	vsel vm0, v31, v8  }
0x517: {  	v4 =	vld [tilespmem:s19+$0x14050];
	vm0 =	vgt.f32 v24, v61;
	[tilespmem:$0x1F290] =	vst v6;
	v6 =	vmul.f32 v3, v62;
	v8 =	vmul.f32 v15, v63  }
0x518: {  	v52 =	vmax.f32 v17, $0.0e+00;
	v17 =	vld [tilespmem:s5+$0x14020];
	v2 =	vsel vm0, v16, v2;
	v16 =	vsel vm0, $0xFFFFFFFF, v55  }
0x519: {  	v20 =	vsel vm0, v20, v7;
	vm0 =	vgt.f32 v6, v8;
	v6 =	vimm.s32 $0x0  }
0x51a: {  	v24 =	vld [tilespmem:s16+$0x14040];
	v25 =	vmul.f32 v29, v20;
	v31 =	vmul.f32 v13, v2;
	v6 =	vsel vm0, $0xFFFFFFFF, v6  }
0x51b: {  	v61 =	vmul.f32 v21, v14;
	v3 =	vsel vm0, v3, v63;
	[tilespmem:$0x1F2D0] =	vst v6;
	v6 =	vsel vm0, v15, v62  }
0x51c: {  	v15 =	vmul.f32 v4, v3;
	vm0 =	vgt.f32 v25, v31;
	v8 =	vmul.f32 v9, v6  }
0x51d: {  	v31 =	vmul.f32 v46, v1;
	v25 =	vsel vm0, v13, v20;
	v13 =	vmul.f32 v17, v45  }
0x51e: {  	[tilespmem:$0x1F260] =	vst v18;
	v7 =	vld [tilespmem:s18+$0x14050];
	v18 =	vsel vm0, $0xFFFFFFFF, v59;
	v2 =	vsel vm0, v29, v2;
	vm0 =	vgt.f32 v8, v15  }
0x51f: {  	v29 =	vld [tilespmem:s5+$0x14030];
	v62 =	vmul.f32 v24, v2;
	v8 =	vsel vm0, v9, v3;
	v3 =	vimm.s32 $0x0  }
0x520: {  	vm1 =	vgt.f32 v61, v31;
	v15 =	vmul.f32 v41, v25;
	v3 =	vsel vm0, $0xFFFFFFFF, v3  }
0x521: {  	v36 =	vsel vm1, v46, v14;
	v9 =	vsel vm0, v4, v6;
	[tilespmem:$0x1F2F0] =	vst v3;
	v3 =	vimm.s32 $0x0  }
0x522: {  	[tilespmem:$0x1F2C0] =	vst v16;
	v31 =	vld [tilespmem:s10+$0x14040];
	v1 =	vsel vm1, v21, v1;
	v63 =	vmul.f32 v0, v9;
	v3 =	vsel vm1, $0xFFFFFFFF, v3  }
0x523: {  	v6 =	vld [tilespmem:s17+$0x14050];
	v14 =	vmul.f32 v7, v8;
	vm0 =	vgt.f32 v58, v13;
	[tilespmem:$0x1F300] =	vst v3;
	v3 =	vimm.s32 $0x0  }
0x524: {  	v42 =	vmovc v19;
	[tilespmem:$0x1F2E0] =	vst v18;
	v13 =	vld [tilespmem:s24+$0x14060];
	v30 =	vsel vm0, v17, v12;
	v4 =	vmul.f32 v29, v1;
	v3 =	vsel vm0, $0xFFFFFFFF, v3  }
0x525: {  	s21 =	simm.s32 $0x1;
	v12 =	vld [tilespmem:s24+$0x14070];
	vm11 =	vgt.f32 v63, v14;
	vm0 =	vgt.f32 v15, v62;
	[tilespmem:$0x1F310] =	vst v3;
	v3 =	vmul.f32 v42, v36  }
.LBB2_5:
0x526: {  	v14 =	vimm.s32 $0x0  }
0x527: {  	v14 =	vsel vm13, $0xFFFFFFFF, v14  }
0x528: {  	[tilespmem:$0x1E5D0] =	vst v14;
	v14 =	vimm.s32 $0x0  }
0x529: {  	v14 =	vsel vm0, $0xFFFFFFFF, v14  }
0x52a: {  	[tilespmem:$0x1E610] =	vst v14;
	v14 =	vimm.s32 $0x0  }
0x52b: {  	v14 =	vsel vm15, $0xFFFFFFFF, v14  }
0x52c: {  	[tilespmem:$0x1E5E0] =	vst v14;
	v14 =	vimm.s32 $0x0  }
0x52d: {  	v14 =	vsel vm7, $0xFFFFFFFF, v14  }
0x52e: {  	[tilespmem:$0x1E5C0] =	vst v14;
	v14 =	vimm.s32 $0x0  }
0x52f: {  	v14 =	vsel vm11, $0xFFFFFFFF, v14  }
0x530: {  	[tilespmem:$0x1E580] =	vst v14;
	v14 =	vimm.s32 $0x0  }
0x531: {  	v14 =	vsel vm4, $0xFFFFFFFF, v14  }
0x532: {  	[tilespmem:$0x1E600] =	vst v14;
	v14 =	vimm.s32 $0x0  }
0x533: {  	v14 =	vsel vm3, $0xFFFFFFFF, v14  }
0x534: {  	[tilespmem:$0x1E690] =	vst v14;
	v14 =	vimm.s32 $0x0  }
0x535: {  	v14 =	vsel vm5, $0xFFFFFFFF, v14  }
0x536: {  	[tilespmem:$0x1E5F0] =	vst v14;
	v14 =	vimm.s32 $0x0  }
0x537: {  	v14 =	vsel vm14, $0xFFFFFFFF, v14  }
0x538: {  	[tilespmem:$0x1E680] =	vst v14;
	v14 =	vimm.s32 $0x0  }
0x539: {  	v14 =	vsel vm12, $0xFFFFFFFF, v14  }
0x53a: {  	[tilespmem:$0x1E640] =	vst v14;
	v14 =	vimm.s32 $0x0  }
0x53b: {  	v14 =	vsel vm10, $0xFFFFFFFF, v14  }
0x53c: {  	v16 =	vld [tilespmem:$0x1F220];
	[tilespmem:$0x1E660] =	vst v14;
	v14 =	vimm.s32 $0x0  }
0x53d: {  	v0 =	vsel vm11, v0, v8;
	v14 =	vsel vm9, $0xFFFFFFFF, v14  }
0x53e: {  	v7 =	vsel vm11, v7, v9;
	v9 =	vsel vm0, v41, v2;
	v18 =	vld [tilespmem:$0x1EC70];
	[tilespmem:$0x1E670] =	vst v14;
	v14 =	vimm.s32 $0x0  }
0x53f: {  	[tilespmem:$0x1EAC0] =	vst v43;
	v17 =	vsel vm0, v24, v25;
	v2 =	vimm.s32 $0x0;
	v43 =	vld [tilespmem:$0x1EC80];
	v14 =	vsel vm8, $0xFFFFFFFF, v14  }
0x540: {  	vm1 =	vgt.f32 v3, v4;
	v15 =	vmul.f32 v6, v0;
	[tilespmem:$0x1E650] =	vst v14;
	v14 =	vmul.f32 v50, v7  }
0x541: {  	v1 =	vsel vm1, v42, v1;
	v24 =	vmul.f32 v31, v9;
	v20 =	vmul.f32 v16, v17  }
0x542: {  	v19 =	vld [tilespmem:$0x1ECB0];
	v2 =	vsel vm1, $0xFFFFFFFF, v2;
	[tilespmem:$0x1EB40] =	vst v1;
	v1 =	vsel vm1, v29, v36;
	vm2 =	vgt.f32 v14, v15  }
0x543: {  	[tilespmem:$0x1EB30] =	vst v1;
	v1 =	vimm.s32 $0x0;
	vm1 =	vgt.f32 v20, v24;
	v14 =	vsel vm2, v50, v0;
	v50 =	vld [tilespmem:$0x1ECA0]  }
0x544: {  	v8 =	vld [tilespmem:s13+$0x14050];
	v3 =	vsel vm1, v16, v9;
	v9 =	vmul.f32 v28, v18;
	v15 =	vmul.f32 v13, v43  }
0x545: {  	v1 =	vsel vm2, $0xFFFFFFFF, v1  }
0x546: {  	v6 =	vsel vm2, v6, v7;
	vm2 =	vgt.f32 v9, v15;
	v9 =	vimm.s32 $0x0  }
0x547: {  	v0 =	vimm.s32 $0x0;
	v7 =	vld [tilespmem:s19+$0x14060];
	v9 =	vsel vm2, $0xFFFFFFFF, v9  }
0x548: {  	v0 =	vsel vm1, $0xFFFFFFFF, v0;
	[tilespmem:$0x1E530] =	vst v9;
	v9 =	vmul.f32 v26, v19;
	v15 =	vmul.f32 v12, v50  }
0x549: {  	[tilespmem:$0x1E590] =	vst v1;
	v1 =	vmul.f32 v44, v6;
	v4 =	vmul.f32 v8, v14;
	v20 =	vsel vm2, v28, v43  }
0x54a: {  	v13 =	vsel vm2, v13, v18;
	vm2 =	vgt.f32 v9, v15;
	v9 =	vimm.s32 $0x0  }
0x54b: {  	v46 =	vld [tilespmem:s19+$0x14070];
	[tilespmem:$0x1E620] =	vst v0;
	v0 =	vsel vm1, v31, v17;
	vm1 =	vgt.f32 v1, v4;
	v9 =	vsel vm2, $0xFFFFFFFF, v9  }
0x54c: {  	v1 =	vimm.s32 $0x0;
	v15 =	vmul.f32 v7, v20;
	[tilespmem:$0x1E540] =	vst v9;
	v9 =	vmul.f32 v52, v13  }
0x54d: {  	v1 =	vsel vm1, $0xFFFFFFFF, v1;
	v14 =	vsel vm1, v44, v14  }
0x54e: {  	v6 =	vsel vm1, v8, v6;
	v8 =	vimm.s32 $0x0;
	vm1 =	vgt.f32 v9, v15  }
0x54f: {  	v24 =	vld [tilespmem:s18+$0x14060];
	v29 =	vsel vm2, v26, v50;
	v12 =	vsel vm2, v12, v19;
	v8 =	vsel vm1, $0xFFFFFFFF, v8  }
0x550: {  	v9 =	vmul.f32 v46, v29;
	[tilespmem:$0x1E550] =	vst v8;
	v8 =	vmul.f32 v51, v12  }
0x551: {  	v15 =	vsel vm1, v52, v20  }
0x552: {  	v25 =	vld [tilespmem:s16+$0x14050];
	v7 =	vsel vm1, v7, v13;
	vm1 =	vgt.f32 v8, v9;
	v8 =	vimm.s32 $0x0  }
0x553: {  	[tilespmem:$0x1FFC0] =	vst v30;
	v30 =	vld [tilespmem:s18+$0x14070];
	v8 =	vsel vm1, $0xFFFFFFFF, v8  }
0x554: {  	v9 =	vmul.f32 v24, v15;
	[tilespmem:$0x1E560] =	vst v8;
	v8 =	vmul.f32 v49, v7  }
0x555: {  	v62 =	vimm.s32 $0x0;
	vm9 =	vmmov vm6;
	v13 =	vld [tilespmem:s17+$0x14060];
	v29 =	vsel vm1, v51, v29  }
0x556: {  	v12 =	vsel vm1, v46, v12;
	vm1 =	vgt.f32 v8, v9;
	v8 =	vimm.s32 $0x0  }
0x557: {  	v54 =	vld [tilespmem:s17+$0x14070];
	v31 =	vmul.f32 v25, v14;
	v52 =	vmul.f32 v39, v6;
	v8 =	vsel vm1, $0xFFFFFFFF, v8  }
0x558: {  	v18 =	vsel vm6, $0xFFFFFFFF, v62;
	v9 =	vmul.f32 v30, v29;
	[tilespmem:$0x1E570] =	vst v8;
	v8 =	vmul.f32 v48, v12  }
0x559: {  	v15 =	vsel vm1, v49, v15;
	v7 =	vsel vm1, v24, v7;
	v24 =	vld [tilespmem:s13+$0x14060];
	vm1 =	vgt.f32 v52, v31  }
0x55a: {  	v61 =	vld [tilespmem:$0x1F230];
	vm10 =	vgt.f32 v8, v9;
	v8 =	vmul.f32 v47, v7;
	v9 =	vmul.f32 v13, v15  }
0x55b: {  	v14 =	vsel vm1, v39, v14;
	v58 =	vsel vm10, v48, v29;
	v12 =	vsel vm10, v30, v12;
	v29 =	vld [tilespmem:s13+$0x14070]  }
0x55c: {  	v30 =	vld [tilespmem:s10+$0x14050];
	vm11 =	vgt.f32 v8, v9;
	v8 =	vmul.f32 v56, v12;
	v9 =	vmul.f32 v54, v58  }
0x55d: {  	v6 =	vsel vm1, v25, v6;
	v15 =	vsel vm11, v47, v15;
	v7 =	vsel vm11, v13, v7;
	v13 =	vld [tilespmem:s16+$0x14060]  }
0x55e: {  	vm12 =	vgt.f32 v8, v9;
	v8 =	vmul.f32 v40, v7;
	v9 =	vmul.f32 v24, v15  }
0x55f: {  	v59 =	vld [tilespmem:s16+$0x14070];
	v25 =	vmul.f32 v61, v6;
	v20 =	vsel vm12, v56, v58;
	v12 =	vsel vm12, v54, v12  }
0x560: {  	v63 =	vld [tilespmem:$0x1F240];
	vm6 =	vgt.f32 v8, v9;
	v8 =	vmul.f32 v32, v12;
	v9 =	vmul.f32 v29, v20  }
0x561: {  	v31 =	vld [tilespmem:s10+$0x14060];
	v15 =	vsel vm6, v40, v15;
	v7 =	vsel vm6, v24, v7;
	v24 =	vmul.f32 v30, v14  }
0x562: {  	vm5 =	vgt.f32 v8, v9;
	v8 =	vmul.f32 v38, v7;
	v9 =	vmul.f32 v13, v15  }
0x563: {  	v20 =	vsel vm5, v32, v20;
	v12 =	vsel vm5, v29, v12;
	vm7 =	vgt.f32 v25, v24;
	v24 =	vld [tilespmem:s10+$0x14070]  }
0x564: {  	[tilespmem:$0x1E630] =	vst v2;
	v2 =	vld [tilespmem:s5+$0x14040];
	vm14 =	vgt.f32 v8, v9;
	v8 =	vmul.f32 v37, v12;
	v9 =	vmul.f32 v59, v20  }
0x565: {  	v15 =	vsel vm14, v38, v15;
	v7 =	vsel vm14, v13, v7  }
0x566: {  	[tilespmem:$0x1EAB0] =	vst v35;
	v35 =	vld [tilespmem:s5+$0x14070];
	vm4 =	vgt.f32 v8, v9;
	v8 =	vmul.f32 v63, v7;
	v9 =	vmul.f32 v31, v15  }
0x567: {  	v42 =	vld [tilespmem:$0x1F1D0];
	v20 =	vsel vm4, v37, v20;
	v12 =	vsel vm4, v59, v12  }
0x568: {  	v43 =	vld [tilespmem:$0x1F1F0];
	vm15 =	vgt.f32 v8, v9;
	v8 =	vmul.f32 v53, v12;
	v9 =	vmul.f32 v24, v20  }
0x569: {  	v4 =	vmul.f32 v2, v3;
	v25 =	vld [tilespmem:s5+$0x14050]  }
0x56a: {  	[tilespmem:$0x1E5A0] =	vst v1;
	v1 =	vmul.f32 v60, v0;
	v13 =	vsel vm7, v61, v14;
	v14 =	vld [tilespmem:s5+$0x14060];
	vm3 =	vgt.f32 v8, v9  }
0x56b: {  	v9 =	vsel vm3, v53, v20;
	v53 =	vld [tilespmem:$0x1F210]  }
0x56c: {  	vm13 =	vgt.f32 v1, v4;
	v6 =	vsel vm7, v30, v6  }
0x56d: {  	v0 =	vsel vm13, v2, v0;
	v28 =	vmul.f32 v42, v6  }
0x56e: {  	v29 =	vmul.f32 v25, v13;
	v7 =	vsel vm15, v31, v7;
	v15 =	vsel vm15, v63, v15  }
0x56f: {  	v8 =	vmul.f32 v43, v7;
	v52 =	vmul.f32 v14, v15;
	v12 =	vsel vm3, v24, v12  }
0x570: {  	vm2 =	vgt.f32 v28, v29;
	v4 =	vmul.f32 v35, v9;
	v1 =	vmul.f32 v53, v12  }
0x571: {  	v55 =	vimm.s32 $0x0;
	[tilespmem:$0x1EB50] =	vst v0;
	v0 =	vsel vm2, v25, v6;
	vm0 =	vgt.f32 v8, v52  }
0x572: {  	v16 =	vsel vm1, $0xFFFFFFFF, v55;
	[tilespmem:$0x1EB90] =	vst v0;
	v0 =	vsel vm0, v14, v7;
	vm1 =	vgt.f32 v1, v4  }
0x573: {  	[tilespmem:$0x1EC70] =	vst v0;
	v0 =	vsel vm1, v53, v9  }
0x574: {  	[tilespmem:$0x1ECA0] =	vst v0;
	v0 =	vsel vm1, v35, v12  }
0x575: {  	[tilespmem:$0x1ECB0] =	vst v0;
	v0 =	vld [tilespmem:$0x1F310];
	_ =	sdelay $0x4  }
0x576: {  	vm8 =	vnez.u8 v0;
	v0 =	vimm.s32 $0x0  }
0x577: {  	v0 =	vsel vm8, $0xFFFFFFFF, v0  }
0x578: {  	[tilespmem:$0x1F310] =	vst v0;
	v0 =	vsel vm8, v34, v45  }
0x579: {  	v2 =	vld [tilespmem:$0x1E540];
	[tilespmem:$0x1EB10] =	vst v0;
	v0 =	vsel vm2, v42, v13  }
0x57a: {  	v1 =	vld [tilespmem:$0x1E530];
	[tilespmem:$0x1EBB0] =	vst v0;
	v0 =	vsel vm0, v43, v15  }
0x57b: {  	[tilespmem:$0x1EC80] =	vst v0;
	v0 =	vld [tilespmem:$0x1EC90]  }
0x57c: {  	v8 =	vld [tilespmem:$0x1F2D0];
	_ =	sdelay $0x2  }
0x57d: {  	v9 =	vld [tilespmem:$0x1F2F0];
	vm8 =	vnez.u8 v1  }
0x57e: {  	v1 =	vld [tilespmem:$0x1ECD0];
	v0 =	vsel vm8, s9, v0  }
0x57f: {  	vm8 =	vnez.u8 v2;
	v2 =	vsel vm9, v57, v5;
	vm9 =	vnez.u8 v8;
	v8 =	vld [tilespmem:$0x1E550]  }
0x580: {  	[tilespmem:$0x1EAE0] =	vst v2;
	v2 =	vld [tilespmem:$0x1ED20];
	_ =	sdelay $0x3  }
0x581: {  	v1 =	vsel vm8, s9, v1;
	vm8 =	vnez.u8 v8;
	v8 =	vld [tilespmem:$0x1E560]  }
0x582: {  	v2 =	vsel vm9, s9, v2;
	vm9 =	vnez.u8 v9;
	v9 =	vld [tilespmem:$0x1E570];
	_ =	sdelay $0x3  }
0x583: {  	v0 =	vsel vm8, s11, v0;
	vm8 =	vnez.u8 v8  }
0x584: {  	v1 =	vsel vm8, s11, v1;
	vm8 =	vnez.u8 v9  }
0x585: {  	v12 =	vld [tilespmem:$0x1E580];
	v0 =	vsel vm8, s23, v0  }
0x586: {  	v13 =	vld [tilespmem:$0x1E590];
	v1 =	vsel vm10, s23, v1;
	v0 =	vsel vm11, s22, v0  }
0x587: {  	s12 =	sadd.s32 s1, s12;
	[tilespmem:$0x1E5B0] =	vst v16;
	v14 =	vld [tilespmem:$0x1E5A0];
	v1 =	vsel vm12, s22, v1;
	v0 =	vsel vm6, s31, v0  }
0x588: {  	s19 =	sadd.s32 s1, s8;
	v15 =	vld [tilespmem:$0x1E5B0];
	v1 =	vsel vm5, s31, v1;
	v0 =	vsel vm14, s12, v0  }
0x589: {  	s15 =	sadd.s32 s1, s4;
	v2 =	vsel vm9, s11, v2;
	v1 =	vsel vm4, s12, v1;
	v0 =	vsel vm15, s19, v0  }
0x58a: {  	vm8 =	vnez.u8 v12;
	v1 =	vsel vm3, s19, v1;
	v0 =	vsel vm0, s15, v0  }
0x58b: {  	vm9 =	vnez.u8 v13;
	v2 =	vsel vm8, s23, v2;
	[tilespmem:$0x1EC90] =	vst v0;
	v0 =	vsel vm1, s15, v1;
	v1 =	vld [tilespmem:$0x1E5C0]  }
0x58c: {  	v55 =	vld [tilespmem:$0x1E5D0];
	v2 =	vsel vm9, s22, v2;
	vm5 =	vnez.u8 v14  }
0x58d: {  	v54 =	vld [tilespmem:$0x1F140];
	v2 =	vsel vm5, s31, v2;
	vm4 =	vnez.u8 v15  }
0x58e: {  	v56 =	vld [tilespmem:$0x1F100];
	v2 =	vsel vm4, s12, v2  }
0x58f: {  	v2 =	vsel vm7, s19, v2;
	[tilespmem:$0x1ECD0] =	vst v0;
	v0 =	vld [tilespmem:$0x1ED30]  }
0x590: {  	v2 =	vsel vm2, s15, v2;
	vm0 =	vnez.u8 v1;
	v1 =	vld [tilespmem:$0x1ED40]  }
0x591: {  	[tilespmem:$0x1ED20] =	vst v2;
	v2 =	vld [tilespmem:$0x1ED50]  }
0x592: {  	v57 =	vld [tilespmem:$0x1F250]  }
0x593: {  	v58 =	vld [tilespmem:$0x1E5E0]  }
0x594: {  	v59 =	vld [tilespmem:$0x1F110];
	v0 =	vsel vm0, s9, v0;
	vm0 =	vnez.u8 v54  }
0x595: {  	v3 =	vsel vm13, v60, v3;
	v60 =	vld [tilespmem:$0x1F280];
	v1 =	vsel vm0, s9, v1;
	vm0 =	vnez.u8 v55  }
0x596: {  	v61 =	vld [tilespmem:$0x1EF00];
	v2 =	vsel vm0, s9, v2;
	vm0 =	vnez.u8 v56  }
0x597: {  	v62 =	vld [tilespmem:$0x1F1B0];
	v0 =	vsel vm0, s11, v0;
	vm0 =	vnez.u8 v57  }
0x598: {  	v63 =	vld [tilespmem:$0x1F2C0];
	v1 =	vsel vm0, s11, v1;
	vm0 =	vnez.u8 v58  }
0x599: {  	v20 =	vld [tilespmem:$0x1E5F0];
	v2 =	vsel vm0, s11, v2;
	vm0 =	vnez.u8 v59  }
0x59a: {  	v35 =	vld [tilespmem:$0x1F260];
	v0 =	vsel vm0, s23, v0;
	vm0 =	vnez.u8 v60  }
0x59b: {  	v42 =	vld [tilespmem:$0x1F2E0];
	v1 =	vsel vm0, s23, v1;
	vm0 =	vnez.u8 v61  }
0x59c: {  	v43 =	vld [tilespmem:$0x1E600];
	v2 =	vsel vm0, s23, v2;
	vm0 =	vnez.u8 v62  }
0x59d: {  	v45 =	vld [tilespmem:$0x1F290];
	v0 =	vsel vm0, s22, v0;
	vm0 =	vnez.u8 v63  }
0x59e: {  	v49 =	vld [tilespmem:$0x1E610];
	v1 =	vsel vm0, s22, v1;
	vm0 =	vnez.u8 v20  }
0x59f: {  	v53 =	vld [tilespmem:$0x1F130];
	v2 =	vsel vm0, s22, v2;
	vm0 =	vnez.u8 v35  }
0x5a0: {  	v55 =	vld [tilespmem:$0x1F300];
	v0 =	vsel vm0, s31, v0;
	vm0 =	vnez.u8 v42  }
0x5a1: {  	v56 =	vld [tilespmem:$0x1E620];
	v1 =	vsel vm0, s31, v1;
	vm0 =	vnez.u8 v43  }
0x5a2: {  	v57 =	vld [tilespmem:$0x1F270];
	v2 =	vsel vm0, s31, v2;
	vm0 =	vnez.u8 v45  }
0x5a3: {  	v58 =	vld [tilespmem:$0x1E630];
	v0 =	vsel vm0, s12, v0;
	vm0 =	vnez.u8 v49  }
0x5a4: {  	v1 =	vsel vm0, s12, v1;
	vm0 =	vnez.u8 v53  }
0x5a5: {  	v2 =	vsel vm0, s12, v2;
	vm0 =	vnez.u8 v55  }
0x5a6: {  	v0 =	vsel vm0, s19, v0;
	vm0 =	vnez.u8 v56  }
0x5a7: {  	v1 =	vsel vm0, s19, v1;
	vm0 =	vnez.u8 v57  }
0x5a8: {  	v2 =	vsel vm0, s19, v2;
	vm0 =	vnez.u8 v58  }
0x5a9: {  	v0 =	vsel vm0, s15, v0  }
0x5aa: {  	[tilespmem:$0x1ED30] =	vst v0;
	v0 =	vsel vm13, s15, v1  }
0x5ab: {  	[tilespmem:$0x1ED40] =	vst v0;
	v0 =	vld [tilespmem:$0x1E640]  }
0x5ac: {  	v1 =	vld [tilespmem:$0x1ED00];
	_ =	sdelay $0x3  }
0x5ad: {  	vm0 =	vnez.u8 v0  }
0x5ae: {  	v0 =	vsel vm0, s22, v11;
	vm0 =	vnez.u8 v1  }
0x5af: {  	v1 =	vsel vm0, s12, v10;
	v10 =	vld [tilespmem:$0x1F310];
	_ =	sdelay $0x4  }
0x5b0: {  	vm0 =	vnez.u8 v10;
	v10 =	vld [tilespmem:$0x1E650];
	_ =	sdelay $0x4  }
0x5b1: {  	v2 =	vsel vm0, s15, v2;
	vm0 =	vnez.u8 v10;
	v10 =	vld [tilespmem:$0x1E660]  }
0x5b2: {  	v11 =	vld [tilespmem:$0x1E670];
	_ =	sdelay $0x1  }
0x5b3: {  	s24 =	sshll.u32 s21, $0xA  }
0x5b4: {  	v41 =	vld [tilespmem:s24+$0x4030]  }
0x5b5: {  	v36 =	vld [tilespmem:s24+$0x4020];
	v0 =	vsel vm0, s31, v0;
	vm0 =	vnez.u8 v10  }
0x5b6: {  	v1 =	vsel vm0, s19, v1;
	vm0 =	vnez.u8 v11;
	v11 =	vld [tilespmem:$0x1E680]  }
0x5b7: {  	v44 =	vld [tilespmem:s24+$0xC030]  }
0x5b8: {  	v46 =	vld [tilespmem:s24+$0x4040]  }
0x5b9: {  	v39 =	vld [tilespmem:s24+$0xC040]  }
0x5ba: {  	s25 =	sshll.u32 s21, $0x3;
	v47 =	vld [tilespmem:s24+$0x4050]  }
0x5bb: {  	s8 =	sor.u32 $0x6, s25;
	[tilespmem:$0x1E6A0] =	vst v18;
	v0 =	vsel vm0, s12, v0;
	vm0 =	vnez.u8 v11;
	v11 =	vld [tilespmem:$0x1E690]  }
0x5bc: {  	s10 =	sshll.u32 s8, $0x7;
	v59 =	vld [tilespmem:$0x1E6A0]  }
0x5bd: {  	v60 =	vld [tilespmem:s10+$0xC060]  }
0x5be: {  	v40 =	vld [tilespmem:s24+$0xC050]  }
0x5bf: {  	v51 =	vld [tilespmem:s10+$0x4010]  }
0x5c0: {  	v37 =	vld [tilespmem:s24+$0x4070];
	s12 =	sor.u32 $0x5, s25;
	v1 =	vsel vm0, s15, v1;
	vm0 =	vnez.u8 v11  }
0x5c1: {  	v10 =	vld [tilespmem:s10+$0x4040];
	s16 =	sshll.u32 s12, $0x7;
	v0 =	vsel vm0, s19, v0;
	vm0 =	vnez.u8 v59  }
0x5c2: {  	[tilespmem:$0x1E6C0] =	vst v60;
	v60 =	vld [tilespmem:s16+$0xC050];
	v0 =	vsel vm0, s15, v0  }
0x5c3: {  	[tilespmem:$0x1EAF0] =	vst v0;
	v0 =	vld [tilespmem:s10+$0xC050]  }
0x5c4: {  	[tilespmem:$0x1EAD0] =	vst v1;
	v1 =	vld [tilespmem:s10+$0xC040]  }
0x5c5: {  	v31 =	vld [tilespmem:s24+$0xC070];
	s31 =	sor.u32 $0x4, s25  }
0x5c6: {  	v52 =	vld [tilespmem:s10+$0xC010];
	s13 =	sshll.u32 s31, $0x7  }
0x5c7: {  	v46 =	vsub.f32 v46, v39;
	[tilespmem:$0x1E7A0] =	vst v60;
	v60 =	vld [tilespmem:s13+$0xC040]  }
0x5c8: {  	v11 =	vld [tilespmem:s10+$0x4050];
	[tilespmem:$0x1E6B0] =	vst v0  }
0x5c9: {  	[tilespmem:$0x1E9F0] =	vst v46;
	v46 =	vsub.f32 v10, v1;
	v1 =	vld [tilespmem:$0x1E6B0]  }
0x5ca: {  	v61 =	vld [tilespmem:s10+$0x4070];
	s22 =	sor.u32 $0x3, s25  }
0x5cb: {  	v62 =	vld [tilespmem:s10+$0xC070];
	s17 =	sshll.u32 s22, $0x7  }
0x5cc: {  	v47 =	vsub.f32 v47, v40;
	[tilespmem:$0x1E880] =	vst v60;
	v60 =	vld [tilespmem:s17+$0xC030]  }
0x5cd: {  	v0 =	vld [tilespmem:s10+$0x4060]  }
0x5ce: {  	[tilespmem:$0x1EA00] =	vst v47;
	v47 =	vsub.f32 v11, v1;
	v1 =	vld [tilespmem:$0x1E6C0]  }
0x5cf: {  	v26 =	vld [tilespmem:s24+$0xC020]  }
0x5d0: {  	v32 =	vld [tilespmem:s24+$0x4060];
	[tilespmem:$0x1E6D0] =	vst v61  }
0x5d1: {  	v63 =	vld [tilespmem:s16+$0x4000];
	[tilespmem:$0x1E960] =	vst v60;
	v60 =	vsub.f32 v37, v31  }
0x5d2: {  	[tilespmem:$0x1E6E0] =	vst v62;
	v20 =	vld [tilespmem:s16+$0xC000]  }
0x5d3: {  	[tilespmem:$0x1EA20] =	vst v60;
	v60 =	vsub.f32 v51, v52;
	v51 =	vsub.f32 v0, v1;
	v0 =	vld [tilespmem:$0x1E6D0]  }
0x5d4: {  	s18 =	sshllo.u32 s21, $0x3;
	v1 =	vld [tilespmem:$0x1E6E0]  }
0x5d5: {  	v30 =	vld [tilespmem:s24+$0xC060];
	s5 =	sshll.u32 s18, $0x7  }
0x5d6: {  	v38 =	vld [tilespmem:s5+$0x4000]  }
0x5d7: {  	v35 =	vld [tilespmem:s16+$0x4010]  }
0x5d8: {  	v42 =	vld [tilespmem:s16+$0xC010];
	[tilespmem:$0x1E6F0] =	vst v63  }
0x5d9: {  	[tilespmem:$0x1E700] =	vst v20;
	v52 =	vsub.f32 v0, v1;
	v0 =	vld [tilespmem:$0x1E6F0]  }
0x5da: {  	v1 =	vld [tilespmem:$0x1E700]  }
0x5db: {  	v36 =	vsub.f32 v36, v26;
	v48 =	vld [tilespmem:s5+$0x4010]  }
0x5dc: {  	[tilespmem:$0x1EB70] =	vst v3;
	v3 =	vld [tilespmem:s5+$0xC010]  }
0x5dd: {  	[tilespmem:$0x1E9D0] =	vst v36;
	v43 =	vld [tilespmem:s16+$0x4020]  }
0x5de: {  	v45 =	vld [tilespmem:s16+$0xC020];
	[tilespmem:$0x1E710] =	vst v35  }
0x5df: {  	[tilespmem:$0x1E720] =	vst v42;
	v36 =	vsub.f32 v0, v1;
	v0 =	vld [tilespmem:$0x1E710]  }
0x5e0: {  	v1 =	vld [tilespmem:$0x1E720]  }
0x5e1: {  	v44 =	vsub.f32 v41, v44;
	v29 =	vld [tilespmem:s5+$0xC070]  }
0x5e2: {  	v24 =	vld [tilespmem:s5+$0xC000]  }
0x5e3: {  	[tilespmem:$0x1E9E0] =	vst v44;
	v49 =	vld [tilespmem:s16+$0x4030]  }
0x5e4: {  	v53 =	vld [tilespmem:s16+$0xC030];
	[tilespmem:$0x1E730] =	vst v43  }
0x5e5: {  	[tilespmem:$0x1E740] =	vst v45;
	v44 =	vsub.f32 v0, v1;
	v0 =	vld [tilespmem:$0x1E730]  }
0x5e6: {  	v1 =	vld [tilespmem:$0x1E740]  }
0x5e7: {  	v6 =	vld [tilespmem:s5+$0xC020]  }
0x5e8: {  	v57 =	vld [tilespmem:s16+$0x4040]  }
0x5e9: {  	v58 =	vld [tilespmem:s16+$0xC040]  }
0x5ea: {  	v62 =	vld [tilespmem:s16+$0xC060];
	[tilespmem:$0x1E750] =	vst v49  }
0x5eb: {  	[tilespmem:$0x1E760] =	vst v53;
	v39 =	vsub.f32 v0, v1;
	v0 =	vld [tilespmem:$0x1E750]  }
0x5ec: {  	v1 =	vld [tilespmem:$0x1E760]  }
0x5ed: {  	v25 =	vld [tilespmem:s5+$0x4070]  }
0x5ee: {  	v7 =	vld [tilespmem:s5+$0x4030]  }
0x5ef: {  	[tilespmem:$0x1E7C0] =	vst v62;
	v62 =	vld [tilespmem:s13+$0xC050]  }
0x5f0: {  	[tilespmem:$0x1E770] =	vst v57;
	v59 =	vld [tilespmem:s16+$0x4050]  }
0x5f1: {  	[tilespmem:$0x1E780] =	vst v58;
	v41 =	vsub.f32 v0, v1;
	v0 =	vld [tilespmem:$0x1E770]  }
0x5f2: {  	v1 =	vld [tilespmem:$0x1E780]  }
0x5f3: {  	v4 =	vld [tilespmem:s5+$0x4020]  }
0x5f4: {  	v61 =	vld [tilespmem:s16+$0x4060]  }
0x5f5: {  	[tilespmem:$0x1E8A0] =	vst v62;
	v62 =	vld [tilespmem:s17+$0xC040]  }
0x5f6: {  	[tilespmem:$0x1E790] =	vst v59;
	v59 =	vld [tilespmem:s13+$0x4040]  }
0x5f7: {  	v37 =	vsub.f32 v0, v1;
	v0 =	vld [tilespmem:$0x1E790]  }
0x5f8: {  	v1 =	vld [tilespmem:$0x1E7A0]  }
0x5f9: {  	v5 =	vld [tilespmem:s5+$0xC030]  }
0x5fa: {  	v63 =	vld [tilespmem:s16+$0x4070]  }
0x5fb: {  	[tilespmem:$0x1E7B0] =	vst v61;
	v20 =	vld [tilespmem:s16+$0xC070]  }
0x5fc: {  	[tilespmem:$0x1E870] =	vst v59;
	v59 =	vld [tilespmem:s17+$0x4030]  }
0x5fd: {  	[tilespmem:$0x1E980] =	vst v62;
	v62 =	vsub.f32 v38, v24;
	v38 =	vsub.f32 v0, v1;
	v0 =	vld [tilespmem:$0x1E7B0]  }
0x5fe: {  	v1 =	vld [tilespmem:$0x1E7C0]  }
0x5ff: {  	v13 =	vld [tilespmem:s5+$0xC050]  }
0x600: {  	v8 =	vld [tilespmem:s5+$0x4040]  }
0x601: {  	v35 =	vld [tilespmem:s13+$0x4000];
	[tilespmem:$0x1E7D0] =	vst v63  }
0x602: {  	v3 =	vsub.f32 v48, v3;
	v42 =	vld [tilespmem:s13+$0xC000];
	[tilespmem:$0x1E7E0] =	vst v20  }
0x603: {  	[tilespmem:$0x1E950] =	vst v59;
	v59 =	vsub.f32 v32, v30;
	v30 =	vsub.f32 v0, v1;
	v0 =	vld [tilespmem:$0x1E7D0]  }
0x604: {  	v1 =	vld [tilespmem:$0x1E7E0]  }
0x605: {  	[tilespmem:$0x1EA40] =	vst v3;
	v3 =	vsub.f32 v4, v6;
	v9 =	vld [tilespmem:s5+$0xC040]  }
0x606: {  	v12 =	vld [tilespmem:s5+$0x4050]  }
0x607: {  	[tilespmem:$0x1EA50] =	vst v3;
	v43 =	vld [tilespmem:s13+$0x4010]  }
0x608: {  	v45 =	vld [tilespmem:s13+$0xC010];
	[tilespmem:$0x1E7F0] =	vst v35  }
0x609: {  	v3 =	vsub.f32 v7, v5;
	[tilespmem:$0x1E800] =	vst v42;
	v40 =	vsub.f32 v0, v1;
	v0 =	vld [tilespmem:$0x1E7F0]  }
0x60a: {  	v1 =	vld [tilespmem:$0x1E800]  }
0x60b: {  	[tilespmem:$0x1EA60] =	vst v3;
	v14 =	vld [tilespmem:s5+$0x4060];
	v3 =	vsub.f32 v8, v9  }
0x60c: {  	v15 =	vld [tilespmem:s5+$0xC060]  }
0x60d: {  	[tilespmem:$0x1EA70] =	vst v3;
	v49 =	vld [tilespmem:s13+$0x4020]  }
0x60e: {  	v53 =	vld [tilespmem:s13+$0xC020];
	[tilespmem:$0x1E810] =	vst v43  }
0x60f: {  	v3 =	vsub.f32 v12, v13;
	[tilespmem:$0x1E820] =	vst v45;
	v26 =	vsub.f32 v0, v1;
	v0 =	vld [tilespmem:$0x1E810]  }
0x610: {  	v1 =	vld [tilespmem:$0x1E820]  }
0x611: {  	[tilespmem:$0x1EA80] =	vst v3;
	v3 =	vsub.f32 v14, v15;
	_ =	sdelay $0x1  }
0x612: {  	[tilespmem:$0x1EA90] =	vst v3;
	v57 =	vld [tilespmem:s13+$0x4030]  }
0x613: {  	v58 =	vld [tilespmem:s13+$0xC030];
	[tilespmem:$0x1E830] =	vst v49  }
0x614: {  	v3 =	vsub.f32 v25, v29;
	[tilespmem:$0x1E840] =	vst v53;
	v25 =	vsub.f32 v0, v1;
	v0 =	vld [tilespmem:$0x1E830]  }
0x615: {  	v1 =	vld [tilespmem:$0x1E840];
	_ =	sdelay $0x2  }
0x616: {  	v23 =	vld [tilespmem:s24+$0x4010]  }
0x617: {  	v27 =	vld [tilespmem:s24+$0xC010];
	[tilespmem:$0x1E850] =	vst v57  }
0x618: {  	[tilespmem:$0x1E860] =	vst v58;
	v29 =	vsub.f32 v0, v1;
	v0 =	vld [tilespmem:$0x1E850]  }
0x619: {  	v1 =	vld [tilespmem:$0x1E860];
	_ =	sdelay $0x3  }
0x61a: {  	v61 =	vld [tilespmem:s13+$0x4050]  }
0x61b: {  	v23 =	vsub.f32 v23, v27;
	v27 =	vsub.f32 v0, v1;
	v0 =	vld [tilespmem:$0x1E870]  }
0x61c: {  	v1 =	vld [tilespmem:$0x1E880]  }
0x61d: {  	v54 =	vld [tilespmem:s10+$0x4020]  }
0x61e: {  	v55 =	vld [tilespmem:s10+$0xC020]  }
0x61f: {  	v63 =	vld [tilespmem:s13+$0x4060]  }
0x620: {  	[tilespmem:$0x1E890] =	vst v61;
	v20 =	vld [tilespmem:s13+$0xC060]  }
0x621: {  	v24 =	vsub.f32 v0, v1;
	v0 =	vld [tilespmem:$0x1E890]  }
0x622: {  	v1 =	vld [tilespmem:$0x1E8A0];
	_ =	sdelay $0x2  }
0x623: {  	v35 =	vld [tilespmem:s13+$0x4070]  }
0x624: {  	v42 =	vld [tilespmem:s13+$0xC070];
	[tilespmem:$0x1E8B0] =	vst v63  }
0x625: {  	v55 =	vsub.f32 v54, v55;
	v54 =	vmov v33;
	[tilespmem:$0x1E8C0] =	vst v20;
	v33 =	vsub.f32 v0, v1;
	v0 =	vld [tilespmem:$0x1E8B0]  }
0x626: {  	v1 =	vld [tilespmem:$0x1E8C0];
	_ =	sdelay $0x2  }
0x627: {  	v43 =	vld [tilespmem:s17+$0x4000]  }
0x628: {  	v45 =	vld [tilespmem:s17+$0xC000];
	[tilespmem:$0x1E8D0] =	vst v35  }
0x629: {  	[tilespmem:$0x1E8E0] =	vst v42;
	v31 =	vsub.f32 v0, v1;
	v0 =	vld [tilespmem:$0x1E8D0]  }
0x62a: {  	v1 =	vld [tilespmem:$0x1E8E0]  }
0x62b: {  	v21 =	vld [tilespmem:s24+$0x4000]  }
0x62c: {  	v22 =	vld [tilespmem:s24+$0xC000]  }
0x62d: {  	v49 =	vld [tilespmem:s17+$0x4010]  }
0x62e: {  	v53 =	vld [tilespmem:s17+$0xC010];
	[tilespmem:$0x1E8F0] =	vst v43  }
0x62f: {  	[tilespmem:$0x1E900] =	vst v45;
	v32 =	vsub.f32 v0, v1;
	v0 =	vld [tilespmem:$0x1E8F0]  }
0x630: {  	v1 =	vld [tilespmem:$0x1E900]  }
0x631: {  	v22 =	vsub.f32 v21, v22;
	v50 =	vld [tilespmem:s10+$0xC000]  }
0x632: {  	v34 =	vld [tilespmem:s10+$0x4000]  }
0x633: {  	[tilespmem:$0x1E9B0] =	vst v22;
	v57 =	vld [tilespmem:s17+$0x4020]  }
0x634: {  	v58 =	vld [tilespmem:s17+$0xC020];
	[tilespmem:$0x1E910] =	vst v49  }
0x635: {  	[tilespmem:$0x1E920] =	vst v53;
	v22 =	vsub.f32 v0, v1;
	v0 =	vld [tilespmem:$0x1E910]  }
0x636: {  	v1 =	vld [tilespmem:$0x1E920];
	_ =	sdelay $0x2  }
0x637: {  	[tilespmem:$0x1E930] =	vst v57  }
0x638: {  	[tilespmem:$0x1E940] =	vst v58  }
0x639: {  	[tilespmem:$0x1EA30] =	vst v62;
	v62 =	vsub.f32 v34, v50;
	v34 =	vsub.f32 v0, v1;
	v0 =	vld [tilespmem:$0x1E930]  }
0x63a: {  	v1 =	vld [tilespmem:$0x1E940]  }
0x63b: {  	v56 =	vld [tilespmem:s10+$0x4030]  }
0x63c: {  	[tilespmem:$0x1ED50] =	vst v2;
	v2 =	vld [tilespmem:s10+$0xC030]  }
0x63d: {  	v61 =	vld [tilespmem:s17+$0x4040]  }
0x63e: {  	v63 =	vld [tilespmem:s17+$0x4050]  }
0x63f: {  	s23 =	sor.u32 $0x2, s25;
	v50 =	vsub.f32 v0, v1;
	v0 =	vld [tilespmem:$0x1E950]  }
0x640: {  	s4 =	smov.u32 s18;
	s18 =	sshll.u32 s23, $0x7;
	v1 =	vld [tilespmem:$0x1E960]  }
0x641: {  	v16 =	vld [tilespmem:s18+$0x4060]  }
0x642: {  	v15 =	vld [tilespmem:s18+$0xC060]  }
0x643: {  	[tilespmem:$0x1E970] =	vst v61;
	v57 =	vld [tilespmem:s17+$0x4070]  }
0x644: {  	s15 =	sor.u32 $0x1, s25;
	[tilespmem:$0x1E990] =	vst v63;
	v63 =	vld [tilespmem:$0x1E980]  }
0x645: {  	s19 =	sshll.u32 s15, $0x7;
	[tilespmem:$0x1EA10] =	vst v59;
	v59 =	vsub.f32 v56, v2;
	v56 =	vsub.f32 v0, v1;
	v0 =	vld [tilespmem:$0x1E970]  }
0x646: {  	v2 =	vld [tilespmem:s19+$0x4050]  }
0x647: {  	v1 =	vld [tilespmem:s19+$0xC050]  }
0x648: {  	v49 =	vld [tilespmem:s17+$0xC070]  }
0x649: {  	v61 =	vld [tilespmem:s17+$0xC050]  }
0x64a: {  	v48 =	vsub.f32 v0, v63;
	v0 =	vld [tilespmem:$0x1E990]  }
0x64b: {  	v6 =	vld [tilespmem:s19+$0x4030]  }
0x64c: {  	v5 =	vld [tilespmem:s19+$0xC030];
	v1 =	vsub.f32 v2, v1  }
0x64d: {  	v49 =	vsub.f32 v57, v49;
	v57 =	vld [tilespmem:s19+$0xC060]  }
0x64e: {  	[tilespmem:$0x1EB00] =	vst v1;
	v1 =	vld [tilespmem:$0x1E9B0]  }
0x64f: {  	v61 =	vsub.f32 v0, v61;
	v0 =	vld [tilespmem:s19+$0x4060];
	_ =	sdelay $0x2  }
0x650: {  	v43 =	vld [tilespmem:s18+$0x4010]  }
0x651: {  	[tilespmem:$0x1E9C0] =	vst v23;
	v15 =	vsub.f32 v16, v15;
	v35 =	vld [tilespmem:s18+$0xC010]  }
0x652: {  	v16 =	vsub.f32 v6, v5;
	v6 =	vmax.f32 v1, $0.0e+00;
	v1 =	vsub.f32 v0, v57;
	v0 =	vld [tilespmem:$0x1E9C0];
	_ =	sdelay $0x2  }
0x653: {  	v8 =	vld [tilespmem:s19+$0x4020]  }
0x654: {  	v7 =	vld [tilespmem:s19+$0xC020]  }
0x655: {  	v35 =	vsub.f32 v43, v35;
	v43 =	vmax.f32 v0, $0.0e+00;
	v0 =	vld [tilespmem:$0x1E9D0];
	_ =	sdelay $0x2  }
0x656: {  	v23 =	vld [tilespmem:s18+$0x4030]  }
0x657: {  	v21 =	vld [tilespmem:s18+$0xC030]  }
0x658: {  	v8 =	vsub.f32 v8, v7;
	v7 =	vmax.f32 v0, $0.0e+00;
	v0 =	vld [tilespmem:$0x1E9E0];
	_ =	sdelay $0x4  }
0x659: {  	v23 =	vsub.f32 v23, v21;
	v21 =	vmax.f32 v0, $0.0e+00;
	v0 =	vld [tilespmem:$0x1E9F0];
	_ =	sdelay $0x4  }
0x65a: {  	v0 =	vmax.f32 v0, $0.0e+00  }
0x65b: {  	[tilespmem:$0x1EB60] =	vst v0;
	v0 =	vld [tilespmem:$0x1EA00];
	_ =	sdelay $0x4  }
0x65c: {  	v0 =	vmax.f32 v0, $0.0e+00  }
0x65d: {  	[tilespmem:$0x1EBA0] =	vst v0;
	v0 =	vld [tilespmem:$0x1EA10];
	_ =	sdelay $0x4  }
0x65e: {  	v0 =	vmax.f32 v0, $0.0e+00  }
0x65f: {  	[tilespmem:$0x1EBD0] =	vst v0;
	v0 =	vld [tilespmem:$0x1EA20];
	_ =	sdelay $0x4  }
0x660: {  	v0 =	vmax.f32 v0, $0.0e+00  }
0x661: {  	[tilespmem:$0x1EBE0] =	vst v0;
	v0 =	vld [tilespmem:$0x1EA30];
	_ =	sdelay $0x4  }
0x662: {  	v2 =	vmax.f32 v0, $0.0e+00;
	v0 =	vld [tilespmem:$0x1EA40];
	_ =	sdelay $0x4  }
0x663: {  	v57 =	vmax.f32 v0, $0.0e+00;
	v0 =	vld [tilespmem:$0x1EA50];
	_ =	sdelay $0x3  }
0x664: {  	v28 =	vld [tilespmem:s18+$0xC020]  }
0x665: {  	v42 =	vld [tilespmem:s18+$0x4020];
	v0 =	vmax.f32 v0, $0.0e+00  }
0x666: {  	[tilespmem:$0x1EB20] =	vst v0;
	v0 =	vld [tilespmem:$0x1EA60];
	_ =	sdelay $0x4  }
0x667: {  	v28 =	vsub.f32 v42, v28;
	v42 =	vmax.f32 v0, $0.0e+00;
	v0 =	vld [tilespmem:$0x1EA70];
	_ =	sdelay $0x2  }
0x668: {  	v19 =	vld [tilespmem:s18+$0xC040]  }
0x669: {  	v18 =	vld [tilespmem:s18+$0x4050]  }
0x66a: {  	v17 =	vld [tilespmem:s18+$0xC050];
	v0 =	vmax.f32 v0, $0.0e+00  }
0x66b: {  	[tilespmem:$0x1EB80] =	vst v0;
	v0 =	vld [tilespmem:$0x1EA80]  }
0x66c: {  	v14 =	vld [tilespmem:s18+$0x4070]  }
0x66d: {  	v13 =	vld [tilespmem:s18+$0xC070]  }
0x66e: {  	v12 =	vld [tilespmem:s19+$0x4000]  }
0x66f: {  	v20 =	vld [tilespmem:s17+$0x4060]  }
0x670: {  	v4 =	vld [tilespmem:s19+$0x4040];
	v0 =	vmax.f32 v0, $0.0e+00  }
0x671: {  	[tilespmem:$0x1F1D0] =	vst v0;
	v0 =	vld [tilespmem:$0x1EA90]  }
0x672: {  	v58 =	vld [tilespmem:s17+$0xC060]  }
0x673: {  	v53 =	vld [tilespmem:s18+$0x4000]  }
0x674: {  	v45 =	vld [tilespmem:s18+$0xC000];
	[tilespmem:$0x1E9A0] =	vst v20  }
0x675: {  	v63 =	vld [tilespmem:$0x1E9A0]  }
0x676: {  	[tilespmem:$0x1EAA0] =	vst v3;
	v3 =	vld [tilespmem:s19+$0xC040];
	v0 =	vmax.f32 v0, $0.0e+00  }
0x677: {  	[tilespmem:$0x1F1F0] =	vst v0;
	v0 =	vld [tilespmem:$0x1EAA0]  }
0x678: {  	v10 =	vld [tilespmem:s19+$0x4010]  }
0x679: {  	v53 =	vsub.f32 v53, v45;
	v45 =	vld [tilespmem:s19+$0xC070]  }
0x67a: {  	v58 =	vsub.f32 v63, v58;
	v63 =	vld [tilespmem:s19+$0x4070]  }
0x67b: {  	v9 =	vld [tilespmem:s19+$0xC010];
	v3 =	vsub.f32 v4, v3;
	v4 =	vmax.f32 v51, $0.0e+00  }
0x67c: {  	v20 =	vld [tilespmem:s18+$0x4040];
	[tilespmem:$0x1F240] =	vst v4;
	v0 =	vmax.f32 v0, $0.0e+00  }
0x67d: {  	v11 =	vld [tilespmem:s19+$0xC000];
	[tilespmem:$0x1F210] =	vst v0;
	v0 =	vmax.f32 v59, $0.0e+00  }
0x67e: {  	v4 =	vmax.f32 v29, $0.0e+00;
	v29 =	vld [tilespmem:$0x1EAC0];
	[tilespmem:$0x1EBC0] =	vst v0;
	v0 =	vmax.f32 v46, $0.0e+00  }
0x67f: {  	v45 =	vsub.f32 v63, v45;
	v63 =	vld [tilespmem:$0x1EAB0];
	[tilespmem:$0x1F220] =	vst v0;
	v0 =	vmax.f32 v47, $0.0e+00  }
0x680: {  	v17 =	vsub.f32 v18, v17;
	[tilespmem:$0x1F230] =	vst v0;
	v0 =	vld [tilespmem:s24+$0x14000]  }
0x681: {  	v18 =	vsub.f32 v14, v13;
	v10 =	vsub.f32 v10, v9  }
0x682: {  	v14 =	vmax.f32 v62, $0.0e+00;
	v19 =	vsub.f32 v20, v19;
	v13 =	vsub.f32 v12, v11  }
0x683: {  	v11 =	vmax.f32 v36, $0.0e+00;
	v36 =	vmax.f32 v39, $0.0e+00;
	v39 =	vmax.f32 v38, $0.0e+00  }
0x684: {  	v38 =	vmax.f32 v30, $0.0e+00;
	v30 =	vmax.f32 v26, $0.0e+00;
	v9 =	vmax.f32 v25, $0.0e+00  }
0x685: {  	v20 =	vld [tilespmem:s19+$0x14000];
	v26 =	vmax.f32 v24, $0.0e+00;
	v24 =	vmul.f32 v6, v63;
	v25 =	vmul.f32 v0, v29  }
0x686: {  	v5 =	vmax.f32 v60, $0.0e+00;
	v60 =	vmax.f32 v55, $0.0e+00;
	v12 =	vmax.f32 v44, $0.0e+00  }
0x687: {  	v55 =	vmax.f32 v41, $0.0e+00;
	vm0 =	vgt.f32 v24, v25;
	v24 =	vmax.f32 v13, $0.0e+00;
	v13 =	vld [tilespmem:$0x1EAD0]  }
0x688: {  	v41 =	vmax.f32 v37, $0.0e+00;
	v37 =	vmax.f32 v40, $0.0e+00;
	v44 =	vmax.f32 v33, $0.0e+00  }
0x689: {  	v40 =	vmax.f32 v31, $0.0e+00;
	v31 =	vld [tilespmem:s18+$0x14000];
	v6 =	vsel vm0, v6, v29;
	v0 =	vsel vm0, v0, v63  }
0x68a: {  	v46 =	vmax.f32 v52, $0.0e+00;
	v47 =	vmul.f32 v24, v0;
	v52 =	vmul.f32 v20, v6  }
0x68b: {  	s9 =	sadd.s32 s1, s25;
	v33 =	vmax.f32 v53, $0.0e+00;
	v59 =	vmax.f32 v27, $0.0e+00;
	v27 =	vmax.f32 v22, $0.0e+00  }
0x68c: {  	v25 =	vmax.f32 v34, $0.0e+00;
	v29 =	vsel vm0, s9, v13;
	vm0 =	vgt.f32 v47, v52  }
0x68d: {  	v51 =	vld [tilespmem:s17+$0x14000];
	v63 =	vmax.f32 v56, $0.0e+00;
	v24 =	vsel vm0, v24, v6;
	v34 =	vsel vm0, v20, v0  }
0x68e: {  	v56 =	vmax.f32 v49, $0.0e+00;
	v52 =	vld [tilespmem:s24+$0x14010];
	v0 =	vmul.f32 v33, v34;
	v62 =	vmul.f32 v31, v24  }
0x68f: {  	s11 =	sadd.s32 s1, s15;
	v49 =	vmax.f32 v15, $0.0e+00;
	v13 =	vmax.f32 v50, $0.0e+00;
	v50 =	vmax.f32 v61, $0.0e+00;
	v61 =	vld [tilespmem:$0x1EAE0]  }
0x690: {  	v29 =	vsel vm0, s11, v29;
	vm0 =	vgt.f32 v0, v62;
	v62 =	vmax.f32 v19, $0.0e+00  }
0x691: {  	v0 =	vmax.f32 v17, $0.0e+00;
	v17 =	vsel vm0, v33, v24;
	v19 =	vsel vm0, v31, v34  }
0x692: {  	s23 =	sadd.s32 s1, s23;
	v20 =	vmax.f32 v28, $0.0e+00;
	v15 =	vmul.f32 v27, v19;
	v28 =	vmul.f32 v51, v17  }
0x693: {  	v47 =	vmax.f32 v58, $0.0e+00;
	v58 =	vsel vm0, s23, v29;
	v29 =	vld [tilespmem:s19+$0x14010];
	v31 =	vmax.f32 v10, $0.0e+00  }
0x694: {  	v24 =	vld [tilespmem:s13+$0x14000];
	v10 =	vmul.f32 v43, v54;
	v53 =	vmul.f32 v52, v61;
	vm0 =	vgt.f32 v15, v28  }
0x695: {  	s22 =	sadd.s32 s1, s22;
	v6 =	vmax.f32 v23, $0.0e+00;
	v15 =	vsel vm0, v27, v17  }
0x696: {  	v19 =	vsel vm0, v51, v19;
	v23 =	vsel vm0, s22, v58;
	vm0 =	vgt.f32 v10, v53;
	v58 =	vld [tilespmem:$0x1EAF0]  }
0x697: {  	v22 =	vmax.f32 v48, $0.0e+00;
	v27 =	vsel vm0, v43, v61;
	v28 =	vsel vm0, v52, v54  }
0x698: {  	v48 =	vmax.f32 v18, $0.0e+00;
	v18 =	vld [tilespmem:s16+$0x14000];
	v61 =	vmul.f32 v31, v28;
	v54 =	vmul.f32 v29, v27  }
0x699: {  	v34 =	vld [tilespmem:s18+$0x14010];
	v10 =	vmul.f32 v30, v19;
	v17 =	vmul.f32 v24, v15  }
0x69a: {  	v35 =	vmax.f32 v35, $0.0e+00;
	vm1 =	vgt.f32 v61, v54  }
0x69b: {  	v33 =	vsel vm0, s9, v58;
	vm0 =	vgt.f32 v10, v17;
	v17 =	vmax.f32 v16, $0.0e+00  }
0x69c: {  	v16 =	vsel vm0, v24, v19;
	v19 =	vsel vm0, v30, v15;
	v24 =	vsel vm1, v31, v27  }
0x69d: {  	v53 =	vld [tilespmem:s24+$0x14020];
	v27 =	vsel vm1, v29, v28;
	v58 =	vmul.f32 v11, v16;
	v29 =	vmul.f32 v18, v19  }
0x69e: {  	s31 =	sadd.s32 s1, s31;
	v28 =	vld [tilespmem:s17+$0x14010];
	v31 =	vmul.f32 v35, v27;
	v61 =	vmul.f32 v34, v24  }
0x69f: {  	v43 =	vld [tilespmem:s10+$0x14000];
	v10 =	vsel vm0, s31, v23  }
0x6a0: {  	v30 =	vsel vm1, s11, v33;
	vm0 =	vgt.f32 v31, v61;
	vm1 =	vgt.f32 v58, v29;
	v58 =	vld [tilespmem:$0x1EB10]  }
0x6a1: {  	v52 =	vmax.f32 v1, $0.0e+00;
	v1 =	vsel vm0, v35, v24;
	v35 =	vld [tilespmem:$0x1FFC0]  }
0x6a2: {  	v23 =	vsel vm0, v34, v27;
	v24 =	vld [tilespmem:s13+$0x14010];
	v19 =	vsel vm1, v11, v19;
	v11 =	vimm.s32 $0x0  }
0x6a3: {  	v27 =	vmul.f32 v25, v23;
	v29 =	vmul.f32 v28, v1;
	v11 =	vsel vm1, $0xFFFFFFFF, v11  }
0x6a4: {  	v16 =	vsel vm1, v18, v16;
	v31 =	vmul.f32 v43, v19;
	[tilespmem:$0x1ED00] =	vst v11;
	v11 =	vsel vm0, s23, v30  }
0x6a5: {  	v30 =	vmul.f32 v14, v16;
	vm12 =	vgt.f32 v27, v29;
	v61 =	vmul.f32 v53, v58  }
0x6a6: {  	v1 =	vsel vm12, v25, v1;
	v23 =	vsel vm12, v28, v23;
	v25 =	vld [tilespmem:s16+$0x14010];
	v54 =	vmul.f32 v7, v35  }
0x6a7: {  	v18 =	vld [tilespmem:s19+$0x14020];
	v27 =	vmul.f32 v9, v23;
	v28 =	vmul.f32 v24, v1  }
0x6a8: {  	v8 =	vmax.f32 v8, $0.0e+00;
	v51 =	vmax.f32 v45, $0.0e+00  }
0x6a9: {  	vm10 =	vgt.f32 v30, v31;
	vm13 =	vgt.f32 v54, v61;
	vm8 =	vgt.f32 v27, v28;
	v27 =	vld [tilespmem:s5+$0x14000]  }
0x6aa: {  	v7 =	vsel vm13, v7, v58;
	v1 =	vsel vm8, v9, v1;
	v9 =	vsel vm8, v24, v23  }
0x6ab: {  	v30 =	vld [tilespmem:s18+$0x14020];
	v29 =	vsel vm13, v53, v35;
	v45 =	vmul.f32 v12, v9;
	v24 =	vmul.f32 v25, v1  }
0x6ac: {  	v16 =	vsel vm10, v43, v16;
	v35 =	vmul.f32 v8, v29;
	v31 =	vmul.f32 v18, v7  }
0x6ad: {  	v14 =	vsel vm10, v14, v19;
	v28 =	vmul.f32 v2, v16;
	v23 =	vld [tilespmem:s10+$0x14010];
	vm9 =	vgt.f32 v45, v24  }
0x6ae: {  	v54 =	vld [tilespmem:s24+$0x14030];
	vm15 =	vgt.f32 v35, v31;
	v1 =	vsel vm9, v12, v1;
	v12 =	vmul.f32 v27, v14  }
0x6af: {  	v32 =	vmax.f32 v32, $0.0e+00;
	v53 =	vmovc v46;
	v46 =	vld [tilespmem:s17+$0x14020];
	v7 =	vsel vm15, v8, v7;
	v8 =	vsel vm15, v18, v29  }
0x6b0: {  	v45 =	vld [tilespmem:$0x1EB30];
	v29 =	vmul.f32 v20, v8;
	v31 =	vmul.f32 v30, v7;
	vm14 =	vgt.f32 v28, v12  }
0x6b1: {  	v15 =	vmax.f32 v3, $0.0e+00;
	v9 =	vsel vm9, v25, v9;
	v43 =	vsel vm14, v2, v14;
	v14 =	vld [tilespmem:$0x1EB40]  }
0x6b2: {  	v24 =	vmul.f32 v5, v9;
	v25 =	vmul.f32 v23, v1;
	vm0 =	vgt.f32 v29, v31  }
0x6b3: {  	v33 =	vimm.s32 $0x0;
	v61 =	vld [tilespmem:s13+$0x14020];
	v7 =	vsel vm0, v20, v7;
	v8 =	vsel vm0, v30, v8  }
0x6b4: {  	vm3 =	vgt.f32 v24, v25;
	v12 =	vmul.f32 v13, v8;
	v28 =	vmul.f32 v46, v7  }
0x6b5: {  	v58 =	vimm.s32 $0x0;
	v24 =	vld [tilespmem:s19+$0x14030];
	v35 =	vsel vm14, v27, v16;
	v5 =	vsel vm3, v5, v1  }
0x6b6: {  	v3 =	vld [tilespmem:$0x1EB00];
	v1 =	vmul.f32 v21, v45;
	vm5 =	vgt.f32 v12, v28;
	v2 =	vmul.f32 v54, v14  }
0x6b7: {  	v20 =	vsel vm0, $0xFFFFFFFF, v58;
	v12 =	vld [tilespmem:s5+$0x14010];
	v7 =	vsel vm5, v13, v7;
	v8 =	vsel vm5, v46, v8  }
0x6b8: {  	v13 =	vld [tilespmem:s16+$0x14020];
	vm7 =	vgt.f32 v1, v2;
	v1 =	vmul.f32 v4, v8;
	v2 =	vmul.f32 v61, v7  }
0x6b9: {  	v9 =	vsel vm3, v23, v9;
	v14 =	vsel vm7, v21, v14;
	v16 =	vsel vm7, v54, v45  }
0x6ba: {  	v18 =	vld [tilespmem:s18+$0x14030];
	v54 =	vmul.f32 v17, v16;
	v58 =	vmul.f32 v24, v14;
	vm4 =	vgt.f32 v1, v2  }
0x6bb: {  	v3 =	vmax.f32 v3, $0.0e+00;
	v46 =	vmul.f32 v57, v9;
	v1 =	vld [tilespmem:s24+$0x14040];
	v2 =	vsel vm4, v4, v7  }
0x6bc: {  	v4 =	vsel vm4, v61, v8;
	v7 =	vmul.f32 v12, v5;
	vm0 =	vgt.f32 v54, v58;
	v54 =	vld [tilespmem:$0x1EB50]  }
0x6bd: {  	v8 =	vmul.f32 v36, v4;
	v61 =	vmul.f32 v13, v2;
	v58 =	vld [tilespmem:$0x1EB70];
	v14 =	vsel vm0, v17, v14  }
0x6be: {  	v17 =	vsel vm0, $0xFFFFFFFF, v33;
	v16 =	vsel vm0, v24, v16;
	vm6 =	vgt.f32 v46, v7;
	v24 =	vld [tilespmem:$0x1EB60]  }
0x6bf: {  	v7 =	vmul.f32 v6, v16;
	v45 =	vmul.f32 v18, v14;
	vm0 =	vgt.f32 v8, v61;
	v8 =	vld [tilespmem:s10+$0x14020]  }
0x6c0: {  	v46 =	vimm.s32 $0x0;
	[tilespmem:$0x1F100] =	vst v17;
	v17 =	vld [tilespmem:s17+$0x14030];
	v33 =	vsel vm6, v12, v9;
	v2 =	vsel vm0, v36, v2  }
0x6c1: {  	v21 =	vsel vm0, $0xFFFFFFFF, v46;
	v4 =	vsel vm0, v13, v4;
	vm0 =	vgt.f32 v7, v45  }
0x6c2: {  	[tilespmem:$0x1F130] =	vst v21;
	v7 =	vimm.s32 $0x0;
	v21 =	vimm.s32 $0x0;
	v12 =	vmul.f32 v1, v58  }
0x6c3: {  	[tilespmem:$0x1EF00] =	vst v20;
	v20 =	vld [tilespmem:s19+$0x14040];
	v6 =	vsel vm0, v6, v14;
	v7 =	vsel vm0, $0xFFFFFFFF, v7;
	v9 =	vmul.f32 v24, v54  }
0x6c4: {  	v14 =	vmul.f32 v60, v4;
	[tilespmem:$0x1F110] =	vst v7;
	v7 =	vsel vm0, v18, v16;
	v36 =	vmul.f32 v8, v2  }
0x6c5: {  	v13 =	vld [tilespmem:s13+$0x14030];
	vm0 =	vgt.f32 v9, v12;
	v9 =	vmul.f32 v63, v7;
	v12 =	vmul.f32 v17, v6  }
0x6c6: {  	v61 =	vsel vm0, v24, v58;
	v18 =	vsel vm0, $0xFFFFFFFF, v21;
	v1 =	vsel vm0, v1, v54  }
0x6c7: {  	v54 =	vimm.s32 $0x0;
	v45 =	vmul.f32 v15, v1;
	vm0 =	vgt.f32 v9, v12  }
0x6c8: {  	[tilespmem:$0x1F140] =	vst v18;
	v18 =	vld [tilespmem:s18+$0x14040];
	v46 =	vmul.f32 v20, v61;
	v9 =	vimm.s32 $0x0;
	v6 =	vsel vm0, v63, v6  }
0x6c9: {  	v34 =	vld [tilespmem:$0x1EB20];
	v9 =	vsel vm0, $0xFFFFFFFF, v9;
	v7 =	vsel vm0, v17, v7;
	vm0 =	vgt.f32 v14, v36  }
0x6ca: {  	v25 =	vld [tilespmem:$0x1EB90];
	vm1 =	vgt.f32 v45, v46;
	v12 =	vmul.f32 v59, v7;
	v14 =	vmul.f32 v13, v6  }
0x6cb: {  	[tilespmem:$0x1F1B0] =	vst v9;
	v9 =	vld [tilespmem:s16+$0x14030];
	v45 =	vsel vm0, v60, v2;
	v4 =	vsel vm0, v8, v4;
	v15 =	vsel vm1, v15, v61  }
0x6cc: {  	v29 =	vld [tilespmem:$0x1EBA0];
	v16 =	vsel vm1, $0xFFFFFFFF, v54;
	v1 =	vsel vm1, v20, v1;
	v61 =	vimm.s32 $0x0  }
0x6cd: {  	v28 =	vld [tilespmem:$0x1EBB0];
	v2 =	vmul.f32 v62, v1;
	vm1 =	vgt.f32 v12, v14;
	v58 =	vmul.f32 v18, v15  }
0x6ce: {  	[tilespmem:$0x1F250] =	vst v16;
	v16 =	vld [tilespmem:s17+$0x14040];
	v6 =	vsel vm1, v59, v6;
	v7 =	vsel vm1, v13, v7;
	v13 =	vimm.s32 $0x0  }
0x6cf: {  	v36 =	vld [tilespmem:s10+$0x14030];
	v19 =	vsel vm1, $0xFFFFFFFF, v61;
	v13 =	vsel vm0, $0xFFFFFFFF, v13;
	vm0 =	vgt.f32 v2, v58  }
0x6d0: {  	v14 =	vld [tilespmem:s24+$0x14050];
	[tilespmem:$0x1F270] =	vst v13;
	v2 =	vmul.f32 v55, v7;
	v8 =	vmul.f32 v9, v6;
	v13 =	vsel vm0, v62, v15  }
0x6d1: {  	v12 =	vld [tilespmem:s5+$0x14020];
	v15 =	vimm.s32 $0x0;
	v1 =	vsel vm0, v18, v1;
	v62 =	vmul.f32 v34, v4  }
0x6d2: {  	v15 =	vsel vm0, $0xFFFFFFFF, v15;
	v18 =	vmul.f32 v22, v1;
	vm0 =	vgt.f32 v2, v8  }
0x6d3: {  	v30 =	vld [tilespmem:$0x1EBC0];
	v63 =	vmul.f32 v16, v13;
	v2 =	vimm.s32 $0x0;
	v54 =	vsel vm0, v55, v6  }
0x6d4: {  	[tilespmem:$0x1F280] =	vst v15;
	v15 =	vld [tilespmem:s13+$0x14040];
	v2 =	vsel vm0, $0xFFFFFFFF, v2;
	v27 =	vsel vm0, v9, v7;
	v6 =	vmul.f32 v29, v25  }
0x6d5: {  	v46 =	vld [tilespmem:s19+$0x14050];
	v7 =	vmul.f32 v14, v28;
	v9 =	vimm.s32 $0x0;
	vm0 =	vgt.f32 v18, v63  }
0x6d6: {  	[tilespmem:$0x1F290] =	vst v2;
	v2 =	vmul.f32 v12, v45;
	v58 =	vmul.f32 v36, v54;
	v8 =	vsel vm0, v22, v13  }
0x6d7: {  	v9 =	vsel vm0, $0xFFFFFFFF, v9;
	v1 =	vsel vm0, v16, v1;
	vm0 =	vgt.f32 v6, v7  }
0x6d8: {  	v7 =	vimm.s32 $0x0;
	[tilespmem:$0x1F2C0] =	vst v9;
	v9 =	vmul.f32 v30, v27;
	v6 =	vmul.f32 v26, v1  }
0x6d9: {  	v55 =	vsel vm0, v29, v28;
	v14 =	vsel vm0, v14, v25;
	v13 =	vmul.f32 v15, v8  }
0x6da: {  	v31 =	vld [tilespmem:s10+$0x14040];
	v7 =	vsel vm0, $0xFFFFFFFF, v7;
	v59 =	vmul.f32 v3, v14;
	v61 =	vmul.f32 v46, v55  }
0x6db: {  	vm0 =	vgt.f32 v62, v2;
	[tilespmem:$0x1F2D0] =	vst v7;
	v7 =	vld [tilespmem:s18+$0x14050];
	vm1 =	vgt.f32 v9, v58;
	vm2 =	vgt.f32 v6, v13  }
0x6dc: {  	v24 =	vld [tilespmem:s16+$0x14040];
	vm11 =	vgt.f32 v59, v61;
	v25 =	vsel vm2, v15, v1;
	v1 =	vimm.s32 $0x0  }
0x6dd: {  	v60 =	vld [tilespmem:$0x1EB80];
	v36 =	vsel vm1, v36, v27;
	v9 =	vsel vm11, v46, v14;
	v1 =	vsel vm2, $0xFFFFFFFF, v1  }
0x6de: {  	p1 =	sne.s32 s21, $0xF;
	v29 =	vld [tilespmem:s5+$0x14030];
	v2 =	vsel vm2, v26, v8;
	v8 =	vsel vm11, v3, v55;
	[tilespmem:$0x1F2E0] =	vst v1;
	v1 =	vimm.s32 $0x0  }
.Ltmp3:
0x6df: {  	v28 =	vld [tilespmem:$0x1EBD0];
	v62 =	vmul.f32 v0, v9;
	v3 =	vimm.s32 $0x0;
	v1 =	vsel vm11, $0xFFFFFFFF, v1;
	(pc) =	sbr.rel @p1 .LBB2_5-.Ltmp3, $4  }
0x6e0: {  	v6 =	vld [tilespmem:s17+$0x14050];
	v63 =	vmul.f32 v7, v8;
	v3 =	vsel vm0, $0xFFFFFFFF, v3;
	[tilespmem:$0x1F2F0] =	vst v1;
	v1 =	vimm.s32 $0x0  }
0x6e1: {  	v13 =	vld [tilespmem:s24+$0x14060];
	v15 =	vmul.f32 v41, v25;
	v14 =	vmul.f32 v24, v2;
	[tilespmem:$0x1F310] =	vst v3;
	v1 =	vsel vm1, $0xFFFFFFFF, v1  }
0x6e2: {  	v26 =	vld [tilespmem:$0x1EBE0];
	v3 =	vmul.f32 v42, v36;
	vm11 =	vgt.f32 v62, v63;
	[tilespmem:$0x1F300] =	vst v1;
	v1 =	vsel vm1, v30, v54  }
0x6e3: {  	s21 =	sadd.s32 $0x1, s21;
	[tilespmem:$0x1F260] =	vst v19;
	v30 =	vsel vm0, v12, v4;
	v12 =	vld [tilespmem:s24+$0x14070];
	vm0 =	vgt.f32 v15, v14;
	v4 =	vmul.f32 v29, v1  }
0x6e4: {  	v20 =	vld [tilespmem:$0x1EC70]  }
0x6e5: {  	v21 =	vld [tilespmem:$0x1EC80];
	_ =	sdelay $0x2  }
0x6e6: {  	v14 =	vld [tilespmem:s19+$0x14060]  }
0x6e7: {  	v23 =	vld [tilespmem:$0x1ECB0]  }
0x6e8: {  	v22 =	vld [tilespmem:$0x1ECA0];
	v15 =	vmul.f32 v28, v20;
	v16 =	vmul.f32 v13, v21  }
0x6e9: {  	v27 =	vimm.s32 $0x0  }
0x6ea: {  	v27 =	vsel vm0, $0xFFFFFFFF, v27;
	vm0 =	vgt.f32 v15, v16  }
0x6eb: {  	v15 =	vsel vm0, v28, v21;
	v13 =	vsel vm0, v13, v20  }
0x6ec: {  	v17 =	vld [tilespmem:s19+$0x14070];
	v20 =	vmul.f32 v52, v13;
	v21 =	vmul.f32 v14, v15  }
0x6ed: {  	v18 =	vmul.f32 v26, v23;
	v19 =	vmul.f32 v12, v22  }
0x6ee: {  	vm2 =	vgt.f32 v20, v21;
	v20 =	vld [tilespmem:$0x1EC90]  }
0x6ef: {  	v16 =	vld [tilespmem:s18+$0x14060];
	vm1 =	vgt.f32 v18, v19  }
0x6f0: {  	v18 =	vsel vm1, v26, v22;
	v12 =	vsel vm1, v12, v23;
	v21 =	vld [tilespmem:$0x1ECD0]  }
0x6f1: {  	v22 =	vmul.f32 v51, v12;
	v23 =	vmul.f32 v17, v18  }
0x6f2: {  	v13 =	vsel vm2, v14, v13  }
0x6f3: {  	v14 =	vsel vm2, v52, v15;
	v20 =	vsel vm0, s9, v20;
	vm0 =	vgt.f32 v22, v23;
	v23 =	vld [tilespmem:$0x1F2D0]  }
0x6f4: {  	v19 =	vld [tilespmem:s18+$0x14070];
	v15 =	vmul.f32 v49, v13;
	v22 =	vmul.f32 v16, v14  }
0x6f5: {  	v21 =	vsel vm1, s9, v21;
	v12 =	vsel vm0, v17, v12;
	v17 =	vld [tilespmem:$0x1ED20]  }
0x6f6: {  	v18 =	vsel vm0, v51, v18;
	v21 =	vsel vm0, s11, v21;
	vm0 =	vgt.f32 v15, v22;
	v15 =	vld [tilespmem:$0x1F2F0];
	_ =	sdelay $0x1  }
0x6f7: {  	v0 =	vsel vm11, v0, v8;
	vm1 =	vnez.u8 v23;
	v23 =	vld [tilespmem:s17+$0x14060]  }
0x6f8: {  	v7 =	vsel vm11, v7, v9;
	v28 =	vld [tilespmem:s17+$0x14070];
	v20 =	vsel vm2, s11, v20;
	v26 =	vmul.f32 v48, v12  }
0x6f9: {  	[tilespmem:$0x1E610] =	vst v27;
	v27 =	vmul.f32 v19, v18;
	v14 =	vsel vm0, v49, v14;
	v13 =	vsel vm0, v16, v13  }
0x6fa: {  	v16 =	vsel vm0, s23, v20;
	v17 =	vsel vm1, s9, v17;
	vm1 =	vnez.u8 v15  }
0x6fb: {  	v8 =	vmul.f32 v47, v13;
	v15 =	vsel vm1, s11, v17;
	vm1 =	vgt.f32 v26, v27  }
0x6fc: {  	v17 =	vsel vm1, v48, v18;
	v12 =	vsel vm1, v19, v12;
	v9 =	vmul.f32 v23, v14  }
0x6fd: {  	v18 =	vsel vm1, s23, v21;
	v19 =	vld [tilespmem:s13+$0x14060];
	v20 =	vmul.f32 v56, v12;
	v21 =	vmul.f32 v28, v17  }
0x6fe: {  	v22 =	vmul.f32 v50, v7;
	v27 =	vld [tilespmem:s13+$0x14070];
	v15 =	vsel vm11, s23, v15;
	vm11 =	vgt.f32 v8, v9  }
0x6ff: {  	v26 =	vmul.f32 v6, v0;
	vm1 =	vgt.f32 v20, v21;
	v9 =	vsel vm11, v47, v14  }
0x700: {  	v8 =	vld [tilespmem:s13+$0x14050];
	v13 =	vsel vm11, v23, v13;
	v14 =	vsel vm11, s22, v16;
	v16 =	vsel vm1, v56, v17  }
0x701: {  	vm11 =	vgt.f32 v22, v26;
	v12 =	vsel vm1, v28, v12;
	v17 =	vsel vm1, s22, v18  }
0x702: {  	v6 =	vsel vm11, v6, v7;
	v7 =	vmul.f32 v40, v13;
	v18 =	vmul.f32 v19, v9  }
0x703: {  	v28 =	vld [tilespmem:s16+$0x14070];
	v21 =	vmul.f32 v32, v12;
	v22 =	vmul.f32 v27, v16  }
0x704: {  	v20 =	vld [tilespmem:s16+$0x14060];
	v0 =	vsel vm11, v50, v0;
	v15 =	vsel vm11, s22, v15;
	v23 =	vmul.f32 v44, v6  }
0x705: {  	vm11 =	vgt.f32 v7, v18;
	vm1 =	vgt.f32 v21, v22;
	v26 =	vmul.f32 v8, v0  }
0x706: {  	v7 =	vld [tilespmem:s16+$0x14050];
	v9 =	vsel vm11, v40, v9;
	v13 =	vsel vm11, v19, v13;
	v14 =	vsel vm11, s31, v14  }
0x707: {  	v16 =	vsel vm1, v32, v16;
	v12 =	vsel vm1, v27, v12;
	v17 =	vsel vm1, s31, v17  }
0x708: {  	v27 =	vld [tilespmem:s10+$0x14070];
	v21 =	vmul.f32 v37, v12;
	v22 =	vmul.f32 v28, v16;
	vm11 =	vgt.f32 v23, v26  }
0x709: {  	v59 =	vld [tilespmem:$0x1F240];
	v18 =	vmul.f32 v20, v9;
	v0 =	vsel vm11, v44, v0;
	v6 =	vsel vm11, v8, v6  }
0x70a: {  	v19 =	vld [tilespmem:s10+$0x14060];
	v8 =	vmul.f32 v38, v13;
	v15 =	vsel vm11, s31, v15;
	vm1 =	vgt.f32 v21, v22  }
0x70b: {  	s24 =	sadd.s32 s1, s12;
	v61 =	vld [tilespmem:$0x1F230];
	v23 =	vmul.f32 v39, v6;
	v26 =	vmul.f32 v7, v0;
	v16 =	vsel vm1, v37, v16  }
0x70c: {  	v12 =	vsel vm1, v28, v12;
	v17 =	vsel vm1, s24, v17;
	vm11 =	vgt.f32 v8, v18;
	v8 =	vld [tilespmem:s10+$0x14050]  }
0x70d: {  	v21 =	vmul.f32 v53, v12;
	v22 =	vmul.f32 v27, v16;
	v9 =	vsel vm11, v38, v9  }
0x70e: {  	v62 =	vld [tilespmem:$0x1F1F0];
	v13 =	vsel vm11, v20, v13;
	v14 =	vsel vm11, s24, v14;
	vm11 =	vgt.f32 v23, v26  }
0x70f: {  	v20 =	vld [tilespmem:s5+$0x14060];
	v6 =	vsel vm11, v7, v6;
	v7 =	vmul.f32 v59, v13;
	v18 =	vmul.f32 v19, v9  }
0x710: {  	v0 =	vsel vm11, v39, v0;
	v15 =	vsel vm11, s24, v15;
	vm1 =	vgt.f32 v21, v22  }
0x711: {  	v23 =	vmul.f32 v61, v6;
	vm11 =	vgt.f32 v7, v18;
	v26 =	vmul.f32 v8, v0  }
0x712: {  	s8 =	sadd.s32 s1, s8;
	v12 =	vsel vm1, v27, v12;
	v13 =	vsel vm11, v19, v13  }
0x713: {  	v27 =	vld [tilespmem:$0x1F1D0];
	v9 =	vsel vm11, v59, v9;
	v14 =	vsel vm11, s8, v14;
	vm11 =	vgt.f32 v23, v26  }
0x714: {  	v7 =	vld [tilespmem:s5+$0x14050];
	v18 =	vmul.f32 v20, v9;
	v6 =	vsel vm11, v8, v6;
	v8 =	vmul.f32 v62, v13;
	_ =	sdelay $0x1  }
0x715: {  	vm0 =	vgt.f32 v8, v18;
	v8 =	vld [tilespmem:$0x1ED30];
	_ =	sdelay $0x1  }
0x716: {  	v63 =	vld [tilespmem:$0x1F210];
	v0 =	vsel vm11, v61, v0  }
0x717: {  	v28 =	vld [tilespmem:s5+$0x14070];
	v22 =	vmul.f32 v27, v6;
	v23 =	vmul.f32 v7, v0;
	_ =	sdelay $0x1  }
0x718: {  	v8 =	vsel vm7, s9, v8;
	vm7 =	vgt.f32 v22, v23  }
0x719: {  	v22 =	vsel vm7, v7, v6;
	v6 =	vld [tilespmem:$0x1F100]  }
0x71a: {  	v16 =	vsel vm1, v53, v16  }
0x71b: {  	v21 =	vmul.f32 v28, v16;
	v19 =	vmul.f32 v63, v12;
	_ =	sdelay $0x1  }
0x71c: {  	s25 =	sadd.s32 s1, s4;
	v15 =	vsel vm11, s8, v15;
	vm11 =	vgt.f32 v19, v21  }
0x71d: {  	v21 =	vsel vm7, v27, v0;
	v15 =	vsel vm7, s25, v15;
	v0 =	vld [tilespmem:$0x1ED50];
	vm7 =	vnez.u8 v6  }
0x71e: {  	v6 =	vsel vm7, s11, v8;
	v8 =	vld [tilespmem:$0x1F110];
	_ =	sdelay $0x4  }
0x71f: {  	v0 =	vsel vm13, s9, v0;
	vm13 =	vnez.u8 v8;
	v8 =	vld [tilespmem:$0x1F280];
	_ =	sdelay $0x4  }
0x720: {  	v0 =	vsel vm15, s11, v0;
	vm15 =	vnez.u8 v8;
	v8 =	vld [tilespmem:$0x1EF00];
	_ =	sdelay $0x1  }
0x721: {  	v19 =	vsel vm11, v28, v12;
	v12 =	vld [tilespmem:$0x1F140]  }
0x722: {  	v26 =	vsel vm0, v20, v13;
	v20 =	vsel vm0, v62, v9;
	v9 =	vld [tilespmem:$0x1ED40]  }
0x723: {  	v7 =	vld [tilespmem:$0x1F250]  }
0x724: {  	vm7 =	vnez.u8 v8;
	v8 =	vld [tilespmem:$0x1F1B0];
	_ =	sdelay $0x1  }
0x725: {  	v17 =	vsel vm1, s8, v17;
	v16 =	vsel vm11, v63, v16  }
0x726: {  	v18 =	vsel vm0, s25, v14;
	v14 =	vsel vm11, s25, v17;
	vm11 =	vnez.u8 v12  }
0x727: {  	v9 =	vsel vm11, s9, v9;
	vm11 =	vnez.u8 v7  }
0x728: {  	v7 =	vsel vm11, s11, v9;
	vm11 =	vnez.u8 v8;
	v8 =	vld [tilespmem:$0x1F2C0];
	_ =	sdelay $0x2  }
0x729: {  	v23 =	vld [tilespmem:$0x1F260];
	_ =	sdelay $0x1  }
0x72a: {  	v6 =	vsel vm13, s23, v6;
	vm13 =	vnez.u8 v8;
	v8 =	vld [tilespmem:$0x1E610];
	_ =	sdelay $0x1  }
0x72b: {  	v17 =	vld [tilespmem:$0x1F220];
	v0 =	vsel vm7, s23, v0  }
0x72c: {  	v0 =	vsel vm5, s22, v0;
	vm5 =	vnez.u8 v23;
	v23 =	vld [tilespmem:$0x1F2E0];
	_ =	sdelay $0x1  }
0x72d: {  	v7 =	vsel vm15, s23, v7;
	vm15 =	vnez.u8 v8  }
0x72e: {  	v2 =	vsel vm15, v41, v2;
	v8 =	vsel vm15, v24, v25  }
0x72f: {  	v9 =	vld [tilespmem:s5+$0x14040];
	v12 =	vmul.f32 v17, v8;
	v13 =	vmul.f32 v31, v2  }
0x730: {  	v0 =	vsel vm4, s31, v0;
	vm7 =	vnez.u8 v23;
	v23 =	vld [tilespmem:$0x1F290]  }
0x731: {  	vm4 =	vgt.f32 v3, v4;
	v7 =	vsel vm13, s22, v7;
	vm13 =	vgt.f32 v12, v13;
	v12 =	vld [tilespmem:$0x1F130]  }
0x732: {  	v13 =	vsel vm4, v42, v1;
	v1 =	vld [tilespmem:$0x1F270]  }
0x733: {  	v2 =	vsel vm13, v17, v2;
	v8 =	vsel vm13, v31, v8  }
0x734: {  	v6 =	vsel vm11, s22, v6;
	v3 =	vmul.f32 v60, v8;
	v4 =	vmul.f32 v9, v2  }
0x735: {  	v6 =	vsel vm5, s31, v6;
	v7 =	vsel vm7, s31, v7;
	vm11 =	vnez.u8 v23  }
0x736: {  	v6 =	vsel vm11, s24, v6;
	v7 =	vsel vm15, s24, v7;
	vm11 =	vgt.f32 v3, v4  }
0x737: {  	vm15 =	vnez.u8 v12;
	v12 =	vld [tilespmem:$0x1F300];
	vm7 =	vnez.u8 v1;
	v1 =	vsel vm12, s22, v11  }
0x738: {  	v11 =	vsel vm11, v60, v2;
	v2 =	vld [tilespmem:$0x1ED00];
	v1 =	vsel vm8, s31, v1  }
0x739: {  	v3 =	vsel vm9, s24, v1;
	v1 =	vld [tilespmem:$0x1F310]  }
0x73a: {  	v7 =	vsel vm13, s8, v7  }
0x73b: {  	v17 =	vsel vm4, v29, v36;
	v9 =	vsel vm11, v9, v8;
	v4 =	vsel vm11, s25, v7  }
.Ltmp4:
0x73c: {  	v7 =	vsel vm6, v57, v5;
	v0 =	vsel vm15, s24, v0;
	vm5 =	vnez.u8 v12;
	(pc) =	sbr.rel @p0 .LBB2_8-.Ltmp4, $4  }
0x73d: {  	v0 =	vsel vm7, s8, v0;
	vm13 =	vnez.u8 v2;
	v6 =	vsel vm5, s8, v6  }
0x73e: {  	v2 =	vsel vm13, s24, v10;
	v12 =	vsel vm4, s25, v6;
	vm15 =	vnez.u8 v1  }
0x73f: {  	v8 =	vsel vm15, s25, v0;
	v0 =	vsel vm10, s8, v2;
	v2 =	vsel vm3, s8, v3  }
0x740: {  	v1 =	vsel vm15, v34, v45;
	v6 =	vsel vm14, s25, v0;
	v3 =	vsel vm6, s25, v2  }
0x741: {  	[tilespmem:$0x1FFD0] =	vst v3  }
0x742: {  	[tilespmem:$0x1FF90] =	vst v17  }
0x743: {  	[tilespmem:$0x1FFA0] =	vst v13  }
0x744: {  	[tilespmem:$0x1FF60] =	vst v9  }
0x745: {  	[tilespmem:$0x1FF70] =	vst v11  }
0x746: {  	[tilespmem:$0x1FF30] =	vst v22  }
0x747: {  	[tilespmem:$0x1FF40] =	vst v21  }
0x748: {  	[tilespmem:$0x1FFC0] =	vst v30  }
0x749: {  	[tilespmem:$0x1FF00] =	vst v26  }
0x74a: {  	[tilespmem:$0x1FF10] =	vst v20  }
0x74b: {  	[tilespmem:$0x1FED0] =	vst v19  }
0x74c: {  	[tilespmem:$0x1FEC0] =	vst v16  }
0x74d: {  	[tilespmem:$0x1FF20] =	vst v15;
	s1 =	rddreg [dreg:$0xd]  }
0x74e: {  	[tilespmem:$0x1FEF0] =	vst v18;
	s1 =	sadd.s32 s20, s1  }
0x74f: {  	[tilespmem:$0x1FEE0] =	vst v14;
	s5 =	simm.s32 $0x4000;
	s4 =	sadd.s32 s0, s1  }
0x750: {  	[tilespmem:s5], [sflag:$0x2] =	stream.linear.gather [hbm4b:s4+s6], $0x4000, $0x38;
	[tilespmem:$0x19280] =	vst v63  }
.Ltmp5:
0x751: {  	[tilespmem:$0x1FFB0] =	vst v8;
	(pc) =	sbr.rel .LBB2_2-.Ltmp5, $4  }
0x752: {  	[tilespmem:$0x1FF80] =	vst v12;
	s25 =	simm.s32 $0xC000;
	s24 =	sadd.s32 s2, s1  }
0x753: {  	[tilespmem:s25], [sflag:$0x2] =	stream.linear.gather [hbm4b:s24+s6], $0x4000, $0x38;
	[tilespmem:$0x19280] =	vst v63  }
0x754: {  	[tilespmem:$0x1FF50] =	vst v4;
	s31 =	simm.s32 $0x14000;
	s30 =	sadd.s32 $0x1, s30;
	s1 =	sadd.s32 s3, s1  }
0x755: {  	v44 =	vmov v35;
	v42 =	vmov v33;
	[tilespmem:s31], [sflag:$0x2] =	stream.linear.gather [hbm4b:s1+s6], $0x4000, $0x38;
	[tilespmem:$0x19280] =	vst v63  }
.LBB2_9:
0x756: {  	_ =	sfence.sel $0x180000  }
0x757: {  	[bflag:$0x0] =	sbarrier.arrive $0xFFFF  }
0x758: {  	_ =	strace $0x90000047  }
0x759: {  	s0 =	stileid.u32;
	[bflag:$0x2] =	sbarrier.arrive $0xFFFF  }
0x75a: {  	p0 =	sne.s32 s0, $0x0;
	s0 =	rddreg [dreg:$0x6]  }
0x75b: {  	s0 =	sadd.s32 @!p0 $0x100000, s0  }
0x75c: {  	[sflag:s0] =	ssyncadd.tile.s32 @!p0 $0x1;
	_ =	shalt  }
.Lfunc_end2:
_tile_overlayer_lowered:
.L_overlay_start_2:
0x75d: {  	(tag) =	ssettag $0x2  }
0x75e: {  	s0 =	rddreg [dreg:$0x0];
	s2 =	stileid.u32  }
0x75f: {  	s1 =	rddreg [dreg:$0x1];
	p0 =	sne.s32 s2, $0x0  }
0x760: {  	s3 =	rddreg [dreg:$0x2];
	[bflag:$0x3] =	sbarrier.arrive $0xFFFF;
	s2 =	simm.s32 @!p0 $0x1C04  }
0x761: {  	[timem:s3], [sflag:s2] =	dma.local @!p0 [hbm:s0], s1  }
0x762: {  	s0 =	simm.s32 @!p0 $0x4  }
0x763: {  	_ =	swait.ge @!p0 [sflag:s0], s1  }
0x764: {  	s1 =	ssub.s32 @!p0 $0x0, s1;
	[sflag:s0] =	ssyncset.done @!p0 $0x0  }
0x765: {  	[sflag:s0] =	ssyncadd.s32 @!p0 s1  }
0x766: {  	[bflag:$0x3] =	sbarrier.arrive $0xFFFF  }
0x767: {  	_ =	shalt  }

</sc_bundles>
